<compile_context>
chip_gen: v7x
topology: tpu7x:2x2x1
jax: 0.10.2.dev20260603
libtpu: 0.0.44.dev20260713+nightly
codegen_flags: <defaults>
</compile_context>

<pallas_src>
import functools

import jax
import jax.numpy as jnp
from jax import lax
from jax.experimental import pallas as pl
from jax.experimental.pallas import tpu as pltpu
from jax.experimental.pallas import tpu_sc as plsc


def _build_sc_pool(total, batch, embed, vocab):
    nc, ns = 2, 16
    nw = nc * ns
    C = 128
    assert batch % nw == 0 and batch // nw == C
    nb_rows = (total - batch) // C
    assert (total - batch) % C == 0 and nb_rows % nw == 0
    nk = nb_rows // nw
    ng = embed // 16

    mesh = plsc.VectorSubcoreMesh(
        core_axis_name="c", subcore_axis_name="s",
        num_cores=nc, num_subcores=ns)

    @functools.partial(
        pl.kernel,
        mesh=mesh,
        out_type=[
            jax.ShapeDtypeStruct((batch, embed), jnp.float32),
            jax.ShapeDtypeStruct((nw, embed), jnp.float32),
        ],
        compiler_params=pltpu.CompilerParams(use_tc_tiling_on_sc=False),
        scratch_types=[
            pltpu.VMEM((nk * C,), jnp.int32),
            pltpu.VMEM((C,), jnp.int32),
            pltpu.VMEM((C, embed), jnp.float32),
            pltpu.VMEM((C, embed), jnp.float32),
            pltpu.VMEM((C, embed), jnp.float32),
            pltpu.VMEM((C, embed), jnp.float32),
            pltpu.VMEM((C, embed), jnp.float32),
            pltpu.VMEM((C, embed), jnp.float32),
            pltpu.VMEM((C, embed), jnp.float32),
            pltpu.VMEM((C, embed), jnp.float32),
            pltpu.VMEM((1, embed), jnp.float32),
            pltpu.SemaphoreType.DMA,
            pltpu.SemaphoreType.DMA,
            pltpu.SemaphoreType.DMA,
            pltpu.SemaphoreType.DMA,
            pltpu.SemaphoreType.DMA,
            pltpu.SemaphoreType.DMA,
            pltpu.SemaphoreType.DMA,
            pltpu.SemaphoreType.DMA,
        ],
    )
    def sc_pool(text_hbm, table_hbm, pooled_hbm, partials_hbm,
                idxb_v, idxa_v, rows0_v, rows1_v, rows2_v, rows3_v,
                rows4_v, rows5_v, rows6_v, rows7_v, acc_v,
                sem0, sem1, sem2, sem3, sem4, sem5, sem6, sem7):
        wid = lax.axis_index("s") * nc + lax.axis_index("c")
        bufs = (rows0_v, rows1_v, rows2_v, rows3_v,
                rows4_v, rows5_v, rows6_v, rows7_v)
        sems = (sem0, sem1, sem2, sem3, sem4, sem5, sem6, sem7)
        nbuf = 8

        b0 = pl.multiple_of(batch + wid * (nk * C), 8)
        pltpu.sync_copy(text_hbm.at[pl.ds(b0, nk * C)], idxb_v)

        base = pl.multiple_of(wid * C, 8)
        pltpu.sync_copy(text_hbm.at[pl.ds(base, C)], idxa_v)
        pltpu.async_copy(table_hbm.at[idxa_v], rows0_v, sem0).wait()

        m = jnp.where(wid == nw - 1, 1.0, 0.0).astype(jnp.float32)
        accs = tuple(rows0_v[C - 1, pl.ds(g * 16, 16)] * m for g in range(ng))

        def start(k, buf, sem):
            koff = pl.multiple_of(k * C, 8)
            return pltpu.make_async_copy(
                table_hbm.at[idxb_v.at[pl.ds(koff, C)]], buf, sem)

        pltpu.sync_copy(rows0_v, pooled_hbm.at[pl.ds(base, C)])
        for b in range(nbuf):
            start(b, bufs[b], sems[b]).start()

        def acc_rows(buf, accs):
            def row_body(r8, accs):
                r = r8 * 8
                for dr in range(8):
                    accs = tuple(
                        accs[g] + buf[r + dr, pl.ds(g * 16, 16)]
                        for g in range(ng))
                return accs
            return lax.fori_loop(0, C // 8, row_body, accs)

        n_quads = (nk - (nbuf - 1)) // nbuf
        def quad_body(i, accs):
            k = nbuf * i
            for b in range(nbuf):
                start(k + b, bufs[b], sems[b]).wait()
                accs = acc_rows(bufs[b], accs)

                @pl.when(k + b + nbuf <= nk - 1)
                def _():
                    start(k + b + nbuf, bufs[b], sems[b]).start()
            return accs

        accs = lax.fori_loop(0, n_quads, quad_body, accs)
        for k in range(nbuf * n_quads, nk):
            b = k % nbuf
            start(k, bufs[b], sems[b]).wait()
            accs = acc_rows(bufs[b], accs)

        for g in range(ng):
            acc_v[0, pl.ds(g * 16, 16)] = accs[g]
        pltpu.sync_copy(acc_v, partials_hbm.at[pl.ds(wid, 1)])

    return sc_pool, nw


def _mlp_body(pooled_ref, partials_ref, w1_ref, b1_ref, w2_ref, b2_ref,
              w3_ref, b3_ref, out_ref, *, inv_count, last_row):
    mean_row = jnp.sum(partials_ref[...], axis=0, keepdims=True) * inv_count
    pooled = pooled_ref[...]
    rid = lax.broadcasted_iota(jnp.int32, pooled.shape, 0)
    pooled = jnp.where(rid == last_row, mean_row, pooled)
    h = jnp.dot(pooled, w1_ref[...], preferred_element_type=jnp.float32)
    h = jnp.maximum(h + b1_ref[...], 0.0)
    h = jnp.dot(h, w2_ref[...], preferred_element_type=jnp.float32)
    h = jnp.maximum(h + b2_ref[...], 0.0)
    out = jnp.dot(h, w3_ref[...], preferred_element_type=jnp.float32)
    out_ref[...] = out + b3_ref[...]


def kernel(text, offsets, table, W1, b1, W2, b2, W3, b3):
    total = text.shape[0]
    batch = offsets.shape[0]
    vocab, embed = table.shape
    num_class = W3.shape[1]

    sc_pool, nw = _build_sc_pool(total, batch, embed, vocab)
    pooled, partials = sc_pool(text, table)

    out = pl.pallas_call(
        functools.partial(
            _mlp_body,
            inv_count=1.0 / float(total - batch + 1),
            last_row=batch - 1,
        ),
        out_shape=jax.ShapeDtypeStruct((batch, num_class), jnp.float32),
    )(pooled, partials, W1, b1.reshape(1, -1), W2, b2.reshape(1, -1),
      W3, b3.reshape(1, -1))
    return out

# --- scband reference (transcript-rebuilt; emitter-appended) ---
"""Pipeline reference for scband-deep-averaging-network-34170759807531 (READ-ONLY COPY).

The authoritative reference and input builder live on the scoring server;
editing this copy changes nothing except your own understanding.
"""

import jax, jax.numpy as jnp
import numpy as np

VOCAB = 1000000
EMBED = 64
BATCH = 4096
TOTAL = 819200
H1 = 128
H2 = 128
NUM_CLASS = 100


def setup_inputs(seed: int = 0) -> dict:
    key = jax.random.key(seed)
    ks = jax.random.split(key, 8)
    text = jax.random.randint(ks[0], (TOTAL,), 0, VOCAB, dtype=jnp.int32)
    offsets = jnp.arange(BATCH, dtype=jnp.int32)
    table = jax.random.normal(ks[1], (VOCAB, EMBED), dtype=jnp.float32) * 0.02
    W1 = jax.random.normal(ks[2], (EMBED, H1), dtype=jnp.float32) * 0.05
    b1 = jnp.zeros((H1,), dtype=jnp.float32)
    W2 = jax.random.normal(ks[3], (H1, H2), dtype=jnp.float32) * 0.05
    b2 = jnp.zeros((H2,), dtype=jnp.float32)
    W3 = jax.random.normal(ks[4], (H2, NUM_CLASS), dtype=jnp.float32) * 0.05
    b3 = jnp.zeros((NUM_CLASS,), dtype=jnp.float32)
    return {"text": text, "offsets": offsets, "table": table,
            "W1": W1, "b1": b1, "W2": W2, "b2": b2, "W3": W3, "b3": b3}


def reference(text, offsets, table, W1, b1, W2, b2, W3, b3):
    # EmbeddingBag(mode='mean'): bag i = text[offsets[i]:offsets[i+1]] (last bag to end)
    n_tok = text.shape[0]
    n_bags = offsets.shape[0]
    # segment id for each token position: which bag it falls into
    seg = jnp.searchsorted(offsets, jnp.arange(n_tok, dtype=offsets.dtype), side='right') - 1
    emb = jnp.take(table, text, axis=0)  # [TOTAL, EMBED] gather
    sums = jax.ops.segment_sum(emb, seg, num_segments=n_bags)
    cnt = jax.ops.segment_sum(jnp.ones((n_tok, 1), dtype=emb.dtype), seg, num_segments=n_bags)
    pooled = sums / jnp.maximum(cnt, 1.0)  # mean; empty bags -> 0 like torch
    # dropout p=0.0 -> identity
    h = jax.nn.relu(pooled @ W1 + b1)
    h = jax.nn.relu(h @ W2 + b2)
    out = h @ W3 + b3
    return out

if __name__ == "__main__":
    import jax
    _d = setup_inputs()
    print(jax.jit(kernel)(*tuple(_d.values())))

</pallas_src>

<mosaic_0001>
#map = affine_map<(d0, d1) -> (0)>
#map1 = affine_map<(d0, d1) -> (0, 0)>
module attributes {stable_mosaic.version = 14 : i64} {
  func.func @sc_pool(%arg0: i32, %arg1: i32, %arg2: memref<819200xi32, #tpu.memory_space<hbm>>, %arg3: memref<1000000x64xf32, #tpu.memory_space<hbm>>, %arg4: memref<4096x64xf32, #tpu.memory_space<hbm>>, %arg5: memref<32x64xf32, #tpu.memory_space<hbm>>, %arg6: memref<25472xi32, #tpu.memory_space<vmem>>, %arg7: memref<128xi32, #tpu.memory_space<vmem>>, %arg8: memref<128x64xf32, #tpu.memory_space<vmem>>, %arg9: memref<128x64xf32, #tpu.memory_space<vmem>>, %arg10: memref<128x64xf32, #tpu.memory_space<vmem>>, %arg11: memref<128x64xf32, #tpu.memory_space<vmem>>, %arg12: memref<128x64xf32, #tpu.memory_space<vmem>>, %arg13: memref<128x64xf32, #tpu.memory_space<vmem>>, %arg14: memref<128x64xf32, #tpu.memory_space<vmem>>, %arg15: memref<128x64xf32, #tpu.memory_space<vmem>>, %arg16: memref<1x64xf32, #tpu.memory_space<vmem>>, %arg17: memref<!tpu.dma_semaphore, #tpu.memory_space<semaphore_mem>>, %arg18: memref<!tpu.dma_semaphore, #tpu.memory_space<semaphore_mem>>, %arg19: memref<!tpu.dma_semaphore, #tpu.memory_space<semaphore_mem>>, %arg20: memref<!tpu.dma_semaphore, #tpu.memory_space<semaphore_mem>>, %arg21: memref<!tpu.dma_semaphore, #tpu.memory_space<semaphore_mem>>, %arg22: memref<!tpu.dma_semaphore, #tpu.memory_space<semaphore_mem>>, %arg23: memref<!tpu.dma_semaphore, #tpu.memory_space<semaphore_mem>>, %arg24: memref<!tpu.dma_semaphore, #tpu.memory_space<semaphore_mem>>) attributes {dimension_semantics = [#tpu.dimension_semantics<core_parallel>, #tpu.dimension_semantics<subcore_parallel>], iteration_bounds = array<i64: 2, 16>, scalar_prefetch = 0 : i64, scratch_operands = 19 : i64, tpu.core_type = #tpu.core_type<sc_vector_subcore>, window_params = [{transform_indices = #map}, {transform_indices = #map1}, {transform_indices = #map1}, {transform_indices = #map1}]} {
    %mul3A = arith.constant 2 : i32
    %mul3A_0 = arith.muli %arg1, %mul3A : i32
    %add3A = arith.addi %mul3A_0, %arg0 : i32
    %mul3A_1 = arith.constant 25472 : i32
    %mul3A_2 = arith.muli %add3A, %mul3A_1 : i32
    %add3A_3 = arith.constant 4096 : i32
    %add3A_4 = arith.addi %add3A_3, %mul3A_2 : i32
    %multiple_of3A = tpu.assume_multiple %add3A_4, 8 : i32
    "tpu.region"() ({
      %run_scoped3A = tpu.sem_alloc : memref<!tpu.dma_semaphore, #tpu.memory_space<semaphore_mem>>
      %dma_start3A_201 = tpu.memref_slice %arg2[%multiple_of3A] : memref<819200xi32, #tpu.memory_space<hbm>> -> memref<25472xi32, #tpu.memory_space<hbm>>
      %dma_start3A_202 = tpu.memref_slice %arg2[%multiple_of3A] : memref<819200xi32, #tpu.memory_space<hbm>> -> memref<25472xi32, #tpu.memory_space<hbm>>
      tpu.enqueue_dma source(%dma_start3A_202 : memref<25472xi32, #tpu.memory_space<hbm>>) target(%arg6 : memref<25472xi32, #tpu.memory_space<vmem>>) target_semaphore(%run_scoped3A : memref<!tpu.dma_semaphore, #tpu.memory_space<semaphore_mem>>)
      %dma_wait3A_203 = tpu.memref_slice %arg2[%multiple_of3A] : memref<819200xi32, #tpu.memory_space<hbm>> -> memref<25472xi32, #tpu.memory_space<hbm>>
      %dma_wait3A_204 = tpu.memref_slice %arg2[%multiple_of3A] : memref<819200xi32, #tpu.memory_space<hbm>> -> memref<25472xi32, #tpu.memory_space<hbm>>
      tpu.wait_dma2 semaphore(%run_scoped3A : memref<!tpu.dma_semaphore, #tpu.memory_space<semaphore_mem>>) src(%dma_wait3A_204 : memref<25472xi32, #tpu.memory_space<hbm>>) dst(%arg6 : memref<25472xi32, #tpu.memory_space<vmem>>)
      tpu.yield
    }) : () -> ()
    %mul3A_5 = arith.constant 128 : i32
    %mul3A_6 = arith.muli %add3A, %mul3A_5 : i32
    %multiple_of3A_7 = tpu.assume_multiple %mul3A_6, 8 : i32
    "tpu.region"() ({
      %run_scoped3A = tpu.sem_alloc : memref<!tpu.dma_semaphore, #tpu.memory_space<semaphore_mem>>
      %dma_start3A_201 = tpu.memref_slice %arg2[%multiple_of3A_7] : memref<819200xi32, #tpu.memory_space<hbm>> -> memref<128xi32, #tpu.memory_space<hbm>>
      %dma_start3A_202 = tpu.memref_slice %arg2[%multiple_of3A_7] : memref<819200xi32, #tpu.memory_space<hbm>> -> memref<128xi32, #tpu.memory_space<hbm>>
      tpu.enqueue_dma source(%dma_start3A_202 : memref<128xi32, #tpu.memory_space<hbm>>) target(%arg7 : memref<128xi32, #tpu.memory_space<vmem>>) target_semaphore(%run_scoped3A : memref<!tpu.dma_semaphore, #tpu.memory_space<semaphore_mem>>)
      %dma_wait3A_203 = tpu.memref_slice %arg2[%multiple_of3A_7] : memref<819200xi32, #tpu.memory_space<hbm>> -> memref<128xi32, #tpu.memory_space<hbm>>
      %dma_wait3A_204 = tpu.memref_slice %arg2[%multiple_of3A_7] : memref<819200xi32, #tpu.memory_space<hbm>> -> memref<128xi32, #tpu.memory_space<hbm>>
      tpu.wait_dma2 semaphore(%run_scoped3A : memref<!tpu.dma_semaphore, #tpu.memory_space<semaphore_mem>>) src(%dma_wait3A_204 : memref<128xi32, #tpu.memory_space<hbm>>) dst(%arg7 : memref<128xi32, #tpu.memory_space<vmem>>)
      tpu.yield
    }) : () -> ()
    %dma_start3A = arith.constant 0 : i32
    %dma_start3A_8 = arith.constant 0 : i32
    %dma_start3A_9 = tpu.memref_slice %arg3[%dma_start3A, %dma_start3A_8] : memref<1000000x64xf32, #tpu.memory_space<hbm>> -> memref<1000000x64xf32, #tpu.memory_space<hbm>>
    tpu.enqueue_indirect_dma source(%dma_start3A_9 : memref<1000000x64xf32, #tpu.memory_space<hbm>>) target(%arg8 : memref<128x64xf32, #tpu.memory_space<vmem>>) offsets(%arg7 : memref<128xi32, #tpu.memory_space<vmem>>) semaphore(%arg17 : memref<!tpu.dma_semaphore, #tpu.memory_space<semaphore_mem>>)
    %dma_wait3A = arith.constant 0 : i32
    %dma_wait3A_10 = arith.constant 0 : i32
    %dma_wait3A_11 = tpu.memref_slice %arg3[%dma_wait3A, %dma_wait3A_10] : memref<1000000x64xf32, #tpu.memory_space<hbm>> -> memref<1000000x64xf32, #tpu.memory_space<hbm>>
    tpu.wait_indirect_dma semaphore(%arg17 : memref<!tpu.dma_semaphore, #tpu.memory_space<semaphore_mem>>) src(%dma_wait3A_11 : memref<1000000x64xf32, #tpu.memory_space<hbm>>) dst(%arg8 : memref<128x64xf32, #tpu.memory_space<vmem>>)
    %eq3A = arith.constant 31 : i32
    %eq3A_12 = arith.cmpi eq, %add3A, %eq3A : i32
    %jit3A = arith.constant 1.000000e+00 : f32
    %jit3A_13 = arith.constant 0.000000e+00 : f32
    %select_n3A = arith.select %eq3A_12, %jit3A, %jit3A_13 : f32
    %get3A = arith.constant 127 : i32
    %get3A_14 = arith.index_cast %get3A : i32 to index
    %get3A_15 = arith.constant 0 : index
    %get3A_16 = tpu.vector_load %arg8[%get3A_14, %get3A_15] {strides = array<i32>} : memref<128x64xf32, #tpu.memory_space<vmem>>, vector<1x16xf32>,
    %get3A_17 = vector.shape_cast %get3A_16 : vector<1x16xf32> to vector<16xf32>
    %mul3A_18 = vector.broadcast %select_n3A : f32 to vector<16xf32>
    %mul3A_19 = arith.mulf %get3A_17, %mul3A_18 : vector<16xf32>
    %get3A_20 = arith.constant 127 : i32
    %get3A_21 = arith.index_cast %get3A_20 : i32 to index
    %get3A_22 = arith.constant 16 : index
    %get3A_23 = tpu.vector_load %arg8[%get3A_21, %get3A_22] {strides = array<i32>} : memref<128x64xf32, #tpu.memory_space<vmem>>, vector<1x16xf32>,
    %get3A_24 = vector.shape_cast %get3A_23 : vector<1x16xf32> to vector<16xf32>
    %mul3A_25 = vector.broadcast %select_n3A : f32 to vector<16xf32>
    %mul3A_26 = arith.mulf %get3A_24, %mul3A_25 : vector<16xf32>
    %get3A_27 = arith.constant 127 : i32
    %get3A_28 = arith.index_cast %get3A_27 : i32 to index
    %get3A_29 = arith.constant 32 : index
    %get3A_30 = tpu.vector_load %arg8[%get3A_28, %get3A_29] {strides = array<i32>} : memref<128x64xf32, #tpu.memory_space<vmem>>, vector<1x16xf32>,
    %get3A_31 = vector.shape_cast %get3A_30 : vector<1x16xf32> to vector<16xf32>
    %mul3A_32 = vector.broadcast %select_n3A : f32 to vector<16xf32>
    %mul3A_33 = arith.mulf %get3A_31, %mul3A_32 : vector<16xf32>
    %get3A_34 = arith.constant 127 : i32
    %get3A_35 = arith.index_cast %get3A_34 : i32 to index
    %get3A_36 = arith.constant 48 : index
    %get3A_37 = tpu.vector_load %arg8[%get3A_35, %get3A_36] {strides = array<i32>} : memref<128x64xf32, #tpu.memory_space<vmem>>, vector<1x16xf32>,
    %get3A_38 = vector.shape_cast %get3A_37 : vector<1x16xf32> to vector<16xf32>
    %mul3A_39 = vector.broadcast %select_n3A : f32 to vector<16xf32>
    %mul3A_40 = arith.mulf %get3A_38, %mul3A_39 : vector<16xf32>
    "tpu.region"() ({
      %run_scoped3A = tpu.sem_alloc : memref<!tpu.dma_semaphore, #tpu.memory_space<semaphore_mem>>
      %dma_start3A_201 = arith.constant 0 : i32
      %dma_start3A_202 = tpu.memref_slice %arg4[%multiple_of3A_7, %dma_start3A_201] : memref<4096x64xf32, #tpu.memory_space<hbm>> -> memref<128x64xf32, #tpu.memory_space<hbm>>
      %dma_start3A_203 = arith.constant 0 : i32
      %dma_start3A_204 = tpu.memref_slice %arg4[%multiple_of3A_7, %dma_start3A_203] : memref<4096x64xf32, #tpu.memory_space<hbm>> -> memref<128x64xf32, #tpu.memory_space<hbm>>
      tpu.enqueue_dma source(%arg8 : memref<128x64xf32, #tpu.memory_space<vmem>>) target(%dma_start3A_204 : memref<128x64xf32, #tpu.memory_space<hbm>>) target_semaphore(%run_scoped3A : memref<!tpu.dma_semaphore, #tpu.memory_space<semaphore_mem>>)
      %dma_wait3A_205 = arith.constant 0 : i32
      %dma_wait3A_206 = tpu.memref_slice %arg4[%multiple_of3A_7, %dma_wait3A_205] : memref<4096x64xf32, #tpu.memory_space<hbm>> -> memref<128x64xf32, #tpu.memory_space<hbm>>
      %dma_wait3A_207 = arith.constant 0 : i32
      %dma_wait3A_208 = tpu.memref_slice %arg4[%multiple_of3A_7, %dma_wait3A_207] : memref<4096x64xf32, #tpu.memory_space<hbm>> -> memref<128x64xf32, #tpu.memory_space<hbm>>
      tpu.wait_dma2 semaphore(%run_scoped3A : memref<!tpu.dma_semaphore, #tpu.memory_space<semaphore_mem>>) src(%arg8 : memref<128x64xf32, #tpu.memory_space<vmem>>) dst(%dma_wait3A_208 : memref<128x64xf32, #tpu.memory_space<hbm>>)
      tpu.yield
    }) : () -> ()
    %multiple_of3A_41 = arith.constant 0 : i32
    %multiple_of3A_42 = tpu.assume_multiple %multiple_of3A_41, 8 : i32
    %dma_start3A_43 = tpu.memref_slice %arg6[%multiple_of3A_42] : memref<25472xi32, #tpu.memory_space<vmem>> -> memref<128xi32, #tpu.memory_space<vmem>>
    %dma_start3A_44 = arith.constant 0 : i32
    %dma_start3A_45 = arith.constant 0 : i32
    %dma_start3A_46 = tpu.memref_slice %arg3[%dma_start3A_44, %dma_start3A_45] : memref<1000000x64xf32, #tpu.memory_space<hbm>> -> memref<1000000x64xf32, #tpu.memory_space<hbm>>
    tpu.enqueue_indirect_dma source(%dma_start3A_46 : memref<1000000x64xf32, #tpu.memory_space<hbm>>) target(%arg8 : memref<128x64xf32, #tpu.memory_space<vmem>>) offsets(%dma_start3A_43 : memref<128xi32, #tpu.memory_space<vmem>>) semaphore(%arg17 : memref<!tpu.dma_semaphore, #tpu.memory_space<semaphore_mem>>)
    %multiple_of3A_47 = arith.constant 128 : i32
    %multiple_of3A_48 = tpu.assume_multiple %multiple_of3A_47, 8 : i32
    %dma_start3A_49 = tpu.memref_slice %arg6[%multiple_of3A_48] : memref<25472xi32, #tpu.memory_space<vmem>> -> memref<128xi32, #tpu.memory_space<vmem>>
    %dma_start3A_50 = arith.constant 0 : i32
    %dma_start3A_51 = arith.constant 0 : i32
    %dma_start3A_52 = tpu.memref_slice %arg3[%dma_start3A_50, %dma_start3A_51] : memref<1000000x64xf32, #tpu.memory_space<hbm>> -> memref<1000000x64xf32, #tpu.memory_space<hbm>>
    tpu.enqueue_indirect_dma source(%dma_start3A_52 : memref<1000000x64xf32, #tpu.memory_space<hbm>>) target(%arg9 : memref<128x64xf32, #tpu.memory_space<vmem>>) offsets(%dma_start3A_49 : memref<128xi32, #tpu.memory_space<vmem>>) semaphore(%arg18 : memref<!tpu.dma_semaphore, #tpu.memory_space<semaphore_mem>>)
    %multiple_of3A_53 = arith.constant 256 : i32
    %multiple_of3A_54 = tpu.assume_multiple %multiple_of3A_53, 8 : i32
    %dma_start3A_55 = tpu.memref_slice %arg6[%multiple_of3A_54] : memref<25472xi32, #tpu.memory_space<vmem>> -> memref<128xi32, #tpu.memory_space<vmem>>
    %dma_start3A_56 = arith.constant 0 : i32
    %dma_start3A_57 = arith.constant 0 : i32
    %dma_start3A_58 = tpu.memref_slice %arg3[%dma_start3A_56, %dma_start3A_57] : memref<1000000x64xf32, #tpu.memory_space<hbm>> -> memref<1000000x64xf32, #tpu.memory_space<hbm>>
    tpu.enqueue_indirect_dma source(%dma_start3A_58 : memref<1000000x64xf32, #tpu.memory_space<hbm>>) target(%arg10 : memref<128x64xf32, #tpu.memory_space<vmem>>) offsets(%dma_start3A_55 : memref<128xi32, #tpu.memory_space<vmem>>) semaphore(%arg19 : memref<!tpu.dma_semaphore, #tpu.memory_space<semaphore_mem>>)
    %multiple_of3A_59 = arith.constant 384 : i32
    %multiple_of3A_60 = tpu.assume_multiple %multiple_of3A_59, 8 : i32
    %dma_start3A_61 = tpu.memref_slice %arg6[%multiple_of3A_60] : memref<25472xi32, #tpu.memory_space<vmem>> -> memref<128xi32, #tpu.memory_space<vmem>>
    %dma_start3A_62 = arith.constant 0 : i32
    %dma_start3A_63 = arith.constant 0 : i32
    %dma_start3A_64 = tpu.memref_slice %arg3[%dma_start3A_62, %dma_start3A_63] : memref<1000000x64xf32, #tpu.memory_space<hbm>> -> memref<1000000x64xf32, #tpu.memory_space<hbm>>
    tpu.enqueue_indirect_dma source(%dma_start3A_64 : memref<1000000x64xf32, #tpu.memory_space<hbm>>) target(%arg11 : memref<128x64xf32, #tpu.memory_space<vmem>>) offsets(%dma_start3A_61 : memref<128xi32, #tpu.memory_space<vmem>>) semaphore(%arg20 : memref<!tpu.dma_semaphore, #tpu.memory_space<semaphore_mem>>)
    %multiple_of3A_65 = arith.constant 512 : i32
    %multiple_of3A_66 = tpu.assume_multiple %multiple_of3A_65, 8 : i32
    %dma_start3A_67 = tpu.memref_slice %arg6[%multiple_of3A_66] : memref<25472xi32, #tpu.memory_space<vmem>> -> memref<128xi32, #tpu.memory_space<vmem>>
    %dma_start3A_68 = arith.constant 0 : i32
    %dma_start3A_69 = arith.constant 0 : i32
    %dma_start3A_70 = tpu.memref_slice %arg3[%dma_start3A_68, %dma_start3A_69] : memref<1000000x64xf32, #tpu.memory_space<hbm>> -> memref<1000000x64xf32, #tpu.memory_space<hbm>>
    tpu.enqueue_indirect_dma source(%dma_start3A_70 : memref<1000000x64xf32, #tpu.memory_space<hbm>>) target(%arg12 : memref<128x64xf32, #tpu.memory_space<vmem>>) offsets(%dma_start3A_67 : memref<128xi32, #tpu.memory_space<vmem>>) semaphore(%arg21 : memref<!tpu.dma_semaphore, #tpu.memory_space<semaphore_mem>>)
    %multiple_of3A_71 = arith.constant 640 : i32
    %multiple_of3A_72 = tpu.assume_multiple %multiple_of3A_71, 8 : i32
    %dma_start3A_73 = tpu.memref_slice %arg6[%multiple_of3A_72] : memref<25472xi32, #tpu.memory_space<vmem>> -> memref<128xi32, #tpu.memory_space<vmem>>
    %dma_start3A_74 = arith.constant 0 : i32
    %dma_start3A_75 = arith.constant 0 : i32
    %dma_start3A_76 = tpu.memref_slice %arg3[%dma_start3A_74, %dma_start3A_75] : memref<1000000x64xf32, #tpu.memory_space<hbm>> -> memref<1000000x64xf32, #tpu.memory_space<hbm>>
    tpu.enqueue_indirect_dma source(%dma_start3A_76 : memref<1000000x64xf32, #tpu.memory_space<hbm>>) target(%arg13 : memref<128x64xf32, #tpu.memory_space<vmem>>) offsets(%dma_start3A_73 : memref<128xi32, #tpu.memory_space<vmem>>) semaphore(%arg22 : memref<!tpu.dma_semaphore, #tpu.memory_space<semaphore_mem>>)
    %multiple_of3A_77 = arith.constant 768 : i32
    %multiple_of3A_78 = tpu.assume_multiple %multiple_of3A_77, 8 : i32
    %dma_start3A_79 = tpu.memref_slice %arg6[%multiple_of3A_78] : memref<25472xi32, #tpu.memory_space<vmem>> -> memref<128xi32, #tpu.memory_space<vmem>>
    %dma_start3A_80 = arith.constant 0 : i32
    %dma_start3A_81 = arith.constant 0 : i32
    %dma_start3A_82 = tpu.memref_slice %arg3[%dma_start3A_80, %dma_start3A_81] : memref<1000000x64xf32, #tpu.memory_space<hbm>> -> memref<1000000x64xf32, #tpu.memory_space<hbm>>
    tpu.enqueue_indirect_dma source(%dma_start3A_82 : memref<1000000x64xf32, #tpu.memory_space<hbm>>) target(%arg14 : memref<128x64xf32, #tpu.memory_space<vmem>>) offsets(%dma_start3A_79 : memref<128xi32, #tpu.memory_space<vmem>>) semaphore(%arg23 : memref<!tpu.dma_semaphore, #tpu.memory_space<semaphore_mem>>)
    %multiple_of3A_83 = arith.constant 896 : i32
    %multiple_of3A_84 = tpu.assume_multiple %multiple_of3A_83, 8 : i32
    %dma_start3A_85 = tpu.memref_slice %arg6[%multiple_of3A_84] : memref<25472xi32, #tpu.memory_space<vmem>> -> memref<128xi32, #tpu.memory_space<vmem>>
    %dma_start3A_86 = arith.constant 0 : i32
    %dma_start3A_87 = arith.constant 0 : i32
    %dma_start3A_88 = tpu.memref_slice %arg3[%dma_start3A_86, %dma_start3A_87] : memref<1000000x64xf32, #tpu.memory_space<hbm>> -> memref<1000000x64xf32, #tpu.memory_space<hbm>>
    tpu.enqueue_indirect_dma source(%dma_start3A_88 : memref<1000000x64xf32, #tpu.memory_space<hbm>>) target(%arg15 : memref<128x64xf32, #tpu.memory_space<vmem>>) offsets(%dma_start3A_85 : memref<128xi32, #tpu.memory_space<vmem>>) semaphore(%arg24 : memref<!tpu.dma_semaphore, #tpu.memory_space<semaphore_mem>>)
    %scan3A = arith.constant 0 : i32
    %scan3A_89 = arith.constant 24 : i32
    %scan3A_90 = arith.addi %scan3A, %scan3A_89 : i32
    %scan3A_91 = arith.constant 1 : i32
    %scan3A_92:4 = scf.for %scan3A_201 = %scan3A to %scan3A_90 step %scan3A_91 iter_args(%scan3A_202 = %mul3A_19, %scan3A_203 = %mul3A_26, %scan3A_204 = %mul3A_33, %scan3A_205 = %mul3A_40) -> (vector<16xf32>, vector<16xf32>, vector<16xf32>, vector<16xf32>)  : i32 {
      %mul3A_206 = arith.constant 8 : i32
      %mul3A_207 = arith.muli %mul3A_206, %scan3A_201 : i32
      %add3A_208 = arith.constant 0 : i32
      %add3A_209 = arith.addi %mul3A_207, %add3A_208 : i32
      %mul3A_210 = arith.constant 128 : i32
      %mul3A_211 = arith.muli %add3A_209, %mul3A_210 : i32
      %multiple_of3A_212 = tpu.assume_multiple %mul3A_211, 8 : i32
      %dma_wait3A_213 = tpu.memref_slice %arg6[%multiple_of3A_212] : memref<25472xi32, #tpu.memory_space<vmem>> -> memref<128xi32, #tpu.memory_space<vmem>>
      %dma_wait3A_214 = arith.constant 0 : i32
      %dma_wait3A_215 = arith.constant 0 : i32
      %dma_wait3A_216 = tpu.memref_slice %arg3[%dma_wait3A_214, %dma_wait3A_215] : memref<1000000x64xf32, #tpu.memory_space<hbm>> -> memref<1000000x64xf32, #tpu.memory_space<hbm>>
      tpu.wait_indirect_dma semaphore(%arg17 : memref<!tpu.dma_semaphore, #tpu.memory_space<semaphore_mem>>) src(%dma_wait3A_216 : memref<1000000x64xf32, #tpu.memory_space<hbm>>) dst(%arg8 : memref<128x64xf32, #tpu.memory_space<vmem>>)
      %scan3A_217 = arith.constant 0 : i32
      %scan3A_218 = arith.constant 16 : i32
      %scan3A_219 = arith.addi %scan3A_217, %scan3A_218 : i32
      %scan3A_220 = arith.constant 1 : i32
      %scan3A_221:4 = scf.for %scan3A_397 = %scan3A_217 to %scan3A_219 step %scan3A_220 iter_args(%scan3A_398 = %scan3A_202, %scan3A_399 = %scan3A_203, %scan3A_400 = %scan3A_204, %scan3A_401 = %scan3A_205) -> (vector<16xf32>, vector<16xf32>, vector<16xf32>, vector<16xf32>)  : i32 {
        %mul3A_402 = arith.constant 8 : i32
        %mul3A_403 = arith.muli %scan3A_397, %mul3A_402 : i32
        %add3A_404 = arith.constant 0 : i32
        %add3A_405 = arith.addi %mul3A_403, %add3A_404 : i32
        %get3A_406 = arith.index_cast %add3A_405 : i32 to index
        %get3A_407 = arith.constant 0 : index
        %get3A_408 = tpu.vector_load %arg8[%get3A_406, %get3A_407] {strides = array<i32>} : memref<128x64xf32, #tpu.memory_space<vmem>>, vector<1x16xf32>,
        %get3A_409 = vector.shape_cast %get3A_408 : vector<1x16xf32> to vector<16xf32>
        %add3A_410 = arith.addf %scan3A_398, %get3A_409 : vector<16xf32>
        %add3A_411 = arith.constant 0 : i32
        %add3A_412 = arith.addi %mul3A_403, %add3A_411 : i32
        %get3A_413 = arith.index_cast %add3A_412 : i32 to index
        %get3A_414 = arith.constant 16 : index
        %get3A_415 = tpu.vector_load %arg8[%get3A_413, %get3A_414] {strides = array<i32>} : memref<128x64xf32, #tpu.memory_space<vmem>>, vector<1x16xf32>,
        %get3A_416 = vector.shape_cast %get3A_415 : vector<1x16xf32> to vector<16xf32>
        %add3A_417 = arith.addf %scan3A_399, %get3A_416 : vector<16xf32>
        %add3A_418 = arith.constant 0 : i32
        %add3A_419 = arith.addi %mul3A_403, %add3A_418 : i32
        %get3A_420 = arith.index_cast %add3A_419 : i32 to index
        %get3A_421 = arith.constant 32 : index
        %get3A_422 = tpu.vector_load %arg8[%get3A_420, %get3A_421] {strides = array<i32>} : memref<128x64xf32, #tpu.memory_space<vmem>>, vector<1x16xf32>,
        %get3A_423 = vector.shape_cast %get3A_422 : vector<1x16xf32> to vector<16xf32>
        %add3A_424 = arith.addf %scan3A_400, %get3A_423 : vector<16xf32>
        %add3A_425 = arith.constant 0 : i32
        %add3A_426 = arith.addi %mul3A_403, %add3A_425 : i32
        %get3A_427 = arith.index_cast %add3A_426 : i32 to index
        %get3A_428 = arith.constant 48 : index
        %get3A_429 = tpu.vector_load %arg8[%get3A_427, %get3A_428] {strides = array<i32>} : memref<128x64xf32, #tpu.memory_space<vmem>>, vector<1x16xf32>,
        %get3A_430 = vector.shape_cast %get3A_429 : vector<1x16xf32> to vector<16xf32>
        %add3A_431 = arith.addf %scan3A_401, %get3A_430 : vector<16xf32>
        %add3A_432 = arith.constant 1 : i32
        %add3A_433 = arith.addi %mul3A_403, %add3A_432 : i32
        %get3A_434 = arith.index_cast %add3A_433 : i32 to index
        %get3A_435 = arith.constant 0 : index
        %get3A_436 = tpu.vector_load %arg8[%get3A_434, %get3A_435] {strides = array<i32>} : memref<128x64xf32, #tpu.memory_space<vmem>>, vector<1x16xf32>,
        %get3A_437 = vector.shape_cast %get3A_436 : vector<1x16xf32> to vector<16xf32>
        %add3A_438 = arith.addf %add3A_410, %get3A_437 : vector<16xf32>
        %add3A_439 = arith.constant 1 : i32
        %add3A_440 = arith.addi %mul3A_403, %add3A_439 : i32
        %get3A_441 = arith.index_cast %add3A_440 : i32 to index
        %get3A_442 = arith.constant 16 : index
        %get3A_443 = tpu.vector_load %arg8[%get3A_441, %get3A_442] {strides = array<i32>} : memref<128x64xf32, #tpu.memory_space<vmem>>, vector<1x16xf32>,
        %get3A_444 = vector.shape_cast %get3A_443 : vector<1x16xf32> to vector<16xf32>
        %add3A_445 = arith.addf %add3A_417, %get3A_444 : vector<16xf32>
        %add3A_446 = arith.constant 1 : i32
        %add3A_447 = arith.addi %mul3A_403, %add3A_446 : i32
        %get3A_448 = arith.index_cast %add3A_447 : i32 to index
        %get3A_449 = arith.constant 32 : index
        %get3A_450 = tpu.vector_load %arg8[%get3A_448, %get3A_449] {strides = array<i32>} : memref<128x64xf32, #tpu.memory_space<vmem>>, vector<1x16xf32>,
        %get3A_451 = vector.shape_cast %get3A_450 : vector<1x16xf32> to vector<16xf32>
        %add3A_452 = arith.addf %add3A_424, %get3A_451 : vector<16xf32>
        %add3A_453 = arith.constant 1 : i32
        %add3A_454 = arith.addi %mul3A_403, %add3A_453 : i32
        %get3A_455 = arith.index_cast %add3A_454 : i32 to index
        %get3A_456 = arith.constant 48 : index
        %get3A_457 = tpu.vector_load %arg8[%get3A_455, %get3A_456] {strides = array<i32>} : memref<128x64xf32, #tpu.memory_space<vmem>>, vector<1x16xf32>,
        %get3A_458 = vector.shape_cast %get3A_457 : vector<1x16xf32> to vector<16xf32>
        %add3A_459 = arith.addf %add3A_431, %get3A_458 : vector<16xf32>
        %add3A_460 = arith.constant 2 : i32
        %add3A_461 = arith.addi %mul3A_403, %add3A_460 : i32
        %get3A_462 = arith.index_cast %add3A_461 : i32 to index
        %get3A_463 = arith.constant 0 : index
        %get3A_464 = tpu.vector_load %arg8[%get3A_462, %get3A_463] {strides = array<i32>} : memref<128x64xf32, #tpu.memory_space<vmem>>, vector<1x16xf32>,
        %get3A_465 = vector.shape_cast %get3A_464 : vector<1x16xf32> to vector<16xf32>
        %add3A_466 = arith.addf %add3A_438, %get3A_465 : vector<16xf32>
        %add3A_467 = arith.constant 2 : i32
        %add3A_468 = arith.addi %mul3A_403, %add3A_467 : i32
        %get3A_469 = arith.index_cast %add3A_468 : i32 to index
        %get3A_470 = arith.constant 16 : index
        %get3A_471 = tpu.vector_load %arg8[%get3A_469, %get3A_470] {strides = array<i32>} : memref<128x64xf32, #tpu.memory_space<vmem>>, vector<1x16xf32>,
        %get3A_472 = vector.shape_cast %get3A_471 : vector<1x16xf32> to vector<16xf32>
        %add3A_473 = arith.addf %add3A_445, %get3A_472 : vector<16xf32>
        %add3A_474 = arith.constant 2 : i32
        %add3A_475 = arith.addi %mul3A_403, %add3A_474 : i32
        %get3A_476 = arith.index_cast %add3A_475 : i32 to index
        %get3A_477 = arith.constant 32 : index
        %get3A_478 = tpu.vector_load %arg8[%get3A_476, %get3A_477] {strides = array<i32>} : memref<128x64xf32, #tpu.memory_space<vmem>>, vector<1x16xf32>,
        %get3A_479 = vector.shape_cast %get3A_478 : vector<1x16xf32> to vector<16xf32>
        %add3A_480 = arith.addf %add3A_452, %get3A_479 : vector<16xf32>
        %add3A_481 = arith.constant 2 : i32
        %add3A_482 = arith.addi %mul3A_403, %add3A_481 : i32
        %get3A_483 = arith.index_cast %add3A_482 : i32 to index
        %get3A_484 = arith.constant 48 : index
        %get3A_485 = tpu.vector_load %arg8[%get3A_483, %get3A_484] {strides = array<i32>} : memref<128x64xf32, #tpu.memory_space<vmem>>, vector<1x16xf32>,
        %get3A_486 = vector.shape_cast %get3A_485 : vector<1x16xf32> to vector<16xf32>
        %add3A_487 = arith.addf %add3A_459, %get3A_486 : vector<16xf32>
        %add3A_488 = arith.constant 3 : i32
        %add3A_489 = arith.addi %mul3A_403, %add3A_488 : i32
        %get3A_490 = arith.index_cast %add3A_489 : i32 to index
        %get3A_491 = arith.constant 0 : index
        %get3A_492 = tpu.vector_load %arg8[%get3A_490, %get3A_491] {strides = array<i32>} : memref<128x64xf32, #tpu.memory_space<vmem>>, vector<1x16xf32>,
        %get3A_493 = vector.shape_cast %get3A_492 : vector<1x16xf32> to vector<16xf32>
        %add3A_494 = arith.addf %add3A_466, %get3A_493 : vector<16xf32>
        %add3A_495 = arith.constant 3 : i32
        %add3A_496 = arith.addi %mul3A_403, %add3A_495 : i32
        %get3A_497 = arith.index_cast %add3A_496 : i32 to index
        %get3A_498 = arith.constant 16 : index
        %get3A_499 = tpu.vector_load %arg8[%get3A_497, %get3A_498] {strides = array<i32>} : memref<128x64xf32, #tpu.memory_space<vmem>>, vector<1x16xf32>,
        %get3A_500 = vector.shape_cast %get3A_499 : vector<1x16xf32> to vector<16xf32>
        %add3A_501 = arith.addf %add3A_473, %get3A_500 : vector<16xf32>
        %add3A_502 = arith.constant 3 : i32
        %add3A_503 = arith.addi %mul3A_403, %add3A_502 : i32
        %get3A_504 = arith.index_cast %add3A_503 : i32 to index
        %get3A_505 = arith.constant 32 : index
        %get3A_506 = tpu.vector_load %arg8[%get3A_504, %get3A_505] {strides = array<i32>} : memref<128x64xf32, #tpu.memory_space<vmem>>, vector<1x16xf32>,
        %get3A_507 = vector.shape_cast %get3A_506 : vector<1x16xf32> to vector<16xf32>
        %add3A_508 = arith.addf %add3A_480, %get3A_507 : vector<16xf32>
        %add3A_509 = arith.constant 3 : i32
        %add3A_510 = arith.addi %mul3A_403, %add3A_509 : i32
        %get3A_511 = arith.index_cast %add3A_510 : i32 to index
        %get3A_512 = arith.constant 48 : index
        %get3A_513 = tpu.vector_load %arg8[%get3A_511, %get3A_512] {strides = array<i32>} : memref<128x64xf32, #tpu.memory_space<vmem>>, vector<1x16xf32>,
        %get3A_514 = vector.shape_cast %get3A_513 : vector<1x16xf32> to vector<16xf32>
        %add3A_515 = arith.addf %add3A_487, %get3A_514 : vector<16xf32>
        %add3A_516 = arith.constant 4 : i32
        %add3A_517 = arith.addi %mul3A_403, %add3A_516 : i32
        %get3A_518 = arith.index_cast %add3A_517 : i32 to index
        %get3A_519 = arith.constant 0 : index
        %get3A_520 = tpu.vector_load %arg8[%get3A_518, %get3A_519] {strides = array<i32>} : memref<128x64xf32, #tpu.memory_space<vmem>>, vector<1x16xf32>,
        %get3A_521 = vector.shape_cast %get3A_520 : vector<1x16xf32> to vector<16xf32>
        %add3A_522 = arith.addf %add3A_494, %get3A_521 : vector<16xf32>
        %add3A_523 = arith.constant 4 : i32
        %add3A_524 = arith.addi %mul3A_403, %add3A_523 : i32
        %get3A_525 = arith.index_cast %add3A_524 : i32 to index
        %get3A_526 = arith.constant 16 : index
        %get3A_527 = tpu.vector_load %arg8[%get3A_525, %get3A_526] {strides = array<i32>} : memref<128x64xf32, #tpu.memory_space<vmem>>, vector<1x16xf32>,
        %get3A_528 = vector.shape_cast %get3A_527 : vector<1x16xf32> to vector<16xf32>
        %add3A_529 = arith.addf %add3A_501, %get3A_528 : vector<16xf32>
        %add3A_530 = arith.constant 4 : i32
        %add3A_531 = arith.addi %mul3A_403, %add3A_530 : i32
        %get3A_532 = arith.index_cast %add3A_531 : i32 to index
        %get3A_533 = arith.constant 32 : index
        %get3A_534 = tpu.vector_load %arg8[%get3A_532, %get3A_533] {strides = array<i32>} : memref<128x64xf32, #tpu.memory_space<vmem>>, vector<1x16xf32>,
        %get3A_535 = vector.shape_cast %get3A_534 : vector<1x16xf32> to vector<16xf32>
        %add3A_536 = arith.addf %add3A_508, %get3A_535 : vector<16xf32>
        %add3A_537 = arith.constant 4 : i32
        %add3A_538 = arith.addi %mul3A_403, %add3A_537 : i32
        %get3A_539 = arith.index_cast %add3A_538 : i32 to index
        %get3A_540 = arith.constant 48 : index
        %get3A_541 = tpu.vector_load %arg8[%get3A_539, %get3A_540] {strides = array<i32>} : memref<128x64xf32, #tpu.memory_space<vmem>>, vector<1x16xf32>,
        %get3A_542 = vector.shape_cast %get3A_541 : vector<1x16xf32> to vector<16xf32>
        %add3A_543 = arith.addf %add3A_515, %get3A_542 : vector<16xf32>
        %add3A_544 = arith.constant 5 : i32
        %add3A_545 = arith.addi %mul3A_403, %add3A_544 : i32
        %get3A_546 = arith.index_cast %add3A_545 : i32 to index
        %get3A_547 = arith.constant 0 : index
        %get3A_548 = tpu.vector_load %arg8[%get3A_546, %get3A_547] {strides = array<i32>} : memref<128x64xf32, #tpu.memory_space<vmem>>, vector<1x16xf32>,
        %get3A_549 = vector.shape_cast %get3A_548 : vector<1x16xf32> to vector<16xf32>
        %add3A_550 = arith.addf %add3A_522, %get3A_549 : vector<16xf32>
        %add3A_551 = arith.constant 5 : i32
        %add3A_552 = arith.addi %mul3A_403, %add3A_551 : i32
        %get3A_553 = arith.index_cast %add3A_552 : i32 to index
        %get3A_554 = arith.constant 16 : index
        %get3A_555 = tpu.vector_load %arg8[%get3A_553, %get3A_554] {strides = array<i32>} : memref<128x64xf32, #tpu.memory_space<vmem>>, vector<1x16xf32>,
        %get3A_556 = vector.shape_cast %get3A_555 : vector<1x16xf32> to vector<16xf32>
        %add3A_557 = arith.addf %add3A_529, %get3A_556 : vector<16xf32>
        %add3A_558 = arith.constant 5 : i32
        %add3A_559 = arith.addi %mul3A_403, %add3A_558 : i32
        %get3A_560 = arith.index_cast %add3A_559 : i32 to index
        %get3A_561 = arith.constant 32 : index
        %get3A_562 = tpu.vector_load %arg8[%get3A_560, %get3A_561] {strides = array<i32>} : memref<128x64xf32, #tpu.memory_space<vmem>>, vector<1x16xf32>,
        %get3A_563 = vector.shape_cast %get3A_562 : vector<1x16xf32> to vector<16xf32>
        %add3A_564 = arith.addf %add3A_536, %get3A_563 : vector<16xf32>
        %add3A_565 = arith.constant 5 : i32
        %add3A_566 = arith.addi %mul3A_403, %add3A_565 : i32
        %get3A_567 = arith.index_cast %add3A_566 : i32 to index
        %get3A_568 = arith.constant 48 : index
        %get3A_569 = tpu.vector_load %arg8[%get3A_567, %get3A_568] {strides = array<i32>} : memref<128x64xf32, #tpu.memory_space<vmem>>, vector<1x16xf32>,
        %get3A_570 = vector.shape_cast %get3A_569 : vector<1x16xf32> to vector<16xf32>
        %add3A_571 = arith.addf %add3A_543, %get3A_570 : vector<16xf32>
        %add3A_572 = arith.constant 6 : i32
        %add3A_573 = arith.addi %mul3A_403, %add3A_572 : i32
        %get3A_574 = arith.index_cast %add3A_573 : i32 to index
        %get3A_575 = arith.constant 0 : index
        %get3A_576 = tpu.vector_load %arg8[%get3A_574, %get3A_575] {strides = array<i32>} : memref<128x64xf32, #tpu.memory_space<vmem>>, vector<1x16xf32>,
        %get3A_577 = vector.shape_cast %get3A_576 : vector<1x16xf32> to vector<16xf32>
        %add3A_578 = arith.addf %add3A_550, %get3A_577 : vector<16xf32>
        %add3A_579 = arith.constant 6 : i32
        %add3A_580 = arith.addi %mul3A_403, %add3A_579 : i32
        %get3A_581 = arith.index_cast %add3A_580 : i32 to index
        %get3A_582 = arith.constant 16 : index
        %get3A_583 = tpu.vector_load %arg8[%get3A_581, %get3A_582] {strides = array<i32>} : memref<128x64xf32, #tpu.memory_space<vmem>>, vector<1x16xf32>,
        %get3A_584 = vector.shape_cast %get3A_583 : vector<1x16xf32> to vector<16xf32>
        %add3A_585 = arith.addf %add3A_557, %get3A_584 : vector<16xf32>
        %add3A_586 = arith.constant 6 : i32
        %add3A_587 = arith.addi %mul3A_403, %add3A_586 : i32
        %get3A_588 = arith.index_cast %add3A_587 : i32 to index
        %get3A_589 = arith.constant 32 : index
        %get3A_590 = tpu.vector_load %arg8[%get3A_588, %get3A_589] {strides = array<i32>} : memref<128x64xf32, #tpu.memory_space<vmem>>, vector<1x16xf32>,
        %get3A_591 = vector.shape_cast %get3A_590 : vector<1x16xf32> to vector<16xf32>
        %add3A_592 = arith.addf %add3A_564, %get3A_591 : vector<16xf32>
        %add3A_593 = arith.constant 6 : i32
        %add3A_594 = arith.addi %mul3A_403, %add3A_593 : i32
        %get3A_595 = arith.index_cast %add3A_594 : i32 to index
        %get3A_596 = arith.constant 48 : index
        %get3A_597 = tpu.vector_load %arg8[%get3A_595, %get3A_596] {strides = array<i32>} : memref<128x64xf32, #tpu.memory_space<vmem>>, vector<1x16xf32>,
        %get3A_598 = vector.shape_cast %get3A_597 : vector<1x16xf32> to vector<16xf32>
        %add3A_599 = arith.addf %add3A_571, %get3A_598 : vector<16xf32>
        %add3A_600 = arith.constant 7 : i32
        %add3A_601 = arith.addi %mul3A_403, %add3A_600 : i32
        %get3A_602 = arith.index_cast %add3A_601 : i32 to index
        %get3A_603 = arith.constant 0 : index
        %get3A_604 = tpu.vector_load %arg8[%get3A_602, %get3A_603] {strides = array<i32>} : memref<128x64xf32, #tpu.memory_space<vmem>>, vector<1x16xf32>,
        %get3A_605 = vector.shape_cast %get3A_604 : vector<1x16xf32> to vector<16xf32>
        %add3A_606 = arith.addf %add3A_578, %get3A_605 : vector<16xf32>
        %add3A_607 = arith.constant 7 : i32
        %add3A_608 = arith.addi %mul3A_403, %add3A_607 : i32
        %get3A_609 = arith.index_cast %add3A_608 : i32 to index
        %get3A_610 = arith.constant 16 : index
        %get3A_611 = tpu.vector_load %arg8[%get3A_609, %get3A_610] {strides = array<i32>} : memref<128x64xf32, #tpu.memory_space<vmem>>, vector<1x16xf32>,
        %get3A_612 = vector.shape_cast %get3A_611 : vector<1x16xf32> to vector<16xf32>
        %add3A_613 = arith.addf %add3A_585, %get3A_612 : vector<16xf32>
        %add3A_614 = arith.constant 7 : i32
        %add3A_615 = arith.addi %mul3A_403, %add3A_614 : i32
        %get3A_616 = arith.index_cast %add3A_615 : i32 to index
        %get3A_617 = arith.constant 32 : index
        %get3A_618 = tpu.vector_load %arg8[%get3A_616, %get3A_617] {strides = array<i32>} : memref<128x64xf32, #tpu.memory_space<vmem>>, vector<1x16xf32>,
        %get3A_619 = vector.shape_cast %get3A_618 : vector<1x16xf32> to vector<16xf32>
        %add3A_620 = arith.addf %add3A_592, %get3A_619 : vector<16xf32>
        %add3A_621 = arith.constant 7 : i32
        %add3A_622 = arith.addi %mul3A_403, %add3A_621 : i32
        %get3A_623 = arith.index_cast %add3A_622 : i32 to index
        %get3A_624 = arith.constant 48 : index
        %get3A_625 = tpu.vector_load %arg8[%get3A_623, %get3A_624] {strides = array<i32>} : memref<128x64xf32, #tpu.memory_space<vmem>>, vector<1x16xf32>,
        %get3A_626 = vector.shape_cast %get3A_625 : vector<1x16xf32> to vector<16xf32>
        %add3A_627 = arith.addf %add3A_599, %get3A_626 : vector<16xf32>
        scf.yield %add3A_606, %add3A_613, %add3A_620, %add3A_627 : vector<16xf32>, vector<16xf32>, vector<16xf32>, vector<16xf32>
      }
      %scan3A_222 = arith.constant 16 : i32
      %add3A_223 = arith.constant 0 : i32
      %add3A_224 = arith.addi %mul3A_207, %add3A_223 : i32
      %add3A_225 = arith.constant 8 : i32
      %add3A_226 = arith.addi %add3A_224, %add3A_225 : i32
      %le3A = arith.constant 198 : i32
      %le3A_227 = arith.cmpi sle, %add3A_226, %le3A : i32
      %convert_element_type3A = arith.extui %le3A_227 : i1 to i32
      %cond3A = arith.constant 0 : i32
      %cond3A_228 = arith.cmpi ne, %convert_element_type3A, %cond3A : i32
      scf.if %cond3A_228 {
        %add3A_397 = arith.constant 0 : i32
        %add3A_398 = arith.addi %mul3A_207, %add3A_397 : i32
        %add3A_399 = arith.constant 8 : i32
        %add3A_400 = arith.addi %add3A_398, %add3A_399 : i32
        %mul3A_401 = arith.constant 128 : i32
        %mul3A_402 = arith.muli %add3A_400, %mul3A_401 : i32
        %multiple_of3A_403 = tpu.assume_multiple %mul3A_402, 8 : i32
        %dma_start3A_404 = tpu.memref_slice %arg6[%multiple_of3A_403] : memref<25472xi32, #tpu.memory_space<vmem>> -> memref<128xi32, #tpu.memory_space<vmem>>
        %dma_start3A_405 = arith.constant 0 : i32
        %dma_start3A_406 = arith.constant 0 : i32
        %dma_start3A_407 = tpu.memref_slice %arg3[%dma_start3A_405, %dma_start3A_406] : memref<1000000x64xf32, #tpu.memory_space<hbm>> -> memref<1000000x64xf32, #tpu.memory_space<hbm>>
        tpu.enqueue_indirect_dma source(%dma_start3A_407 : memref<1000000x64xf32, #tpu.memory_space<hbm>>) target(%arg8 : memref<128x64xf32, #tpu.memory_space<vmem>>) offsets(%dma_start3A_404 : memref<128xi32, #tpu.memory_space<vmem>>) semaphore(%arg17 : memref<!tpu.dma_semaphore, #tpu.memory_space<semaphore_mem>>)
      } else {
      }
      %add3A_229 = arith.constant 1 : i32
      %add3A_230 = arith.addi %mul3A_207, %add3A_229 : i32
      %mul3A_231 = arith.constant 128 : i32
      %mul3A_232 = arith.muli %add3A_230, %mul3A_231 : i32
      %multiple_of3A_233 = tpu.assume_multiple %mul3A_232, 8 : i32
      %dma_wait3A_234 = tpu.memref_slice %arg6[%multiple_of3A_233] : memref<25472xi32, #tpu.memory_space<vmem>> -> memref<128xi32, #tpu.memory_space<vmem>>
      %dma_wait3A_235 = arith.constant 0 : i32
      %dma_wait3A_236 = arith.constant 0 : i32
      %dma_wait3A_237 = tpu.memref_slice %arg3[%dma_wait3A_235, %dma_wait3A_236] : memref<1000000x64xf32, #tpu.memory_space<hbm>> -> memref<1000000x64xf32, #tpu.memory_space<hbm>>
      tpu.wait_indirect_dma semaphore(%arg18 : memref<!tpu.dma_semaphore, #tpu.memory_space<semaphore_mem>>) src(%dma_wait3A_237 : memref<1000000x64xf32, #tpu.memory_space<hbm>>) dst(%arg9 : memref<128x64xf32, #tpu.memory_space<vmem>>)
      %scan3A_238 = arith.constant 0 : i32
      %scan3A_239 = arith.constant 16 : i32
      %scan3A_240 = arith.addi %scan3A_238, %scan3A_239 : i32
      %scan3A_241 = arith.constant 1 : i32
      %scan3A_242:4 = scf.for %scan3A_397 = %scan3A_238 to %scan3A_240 step %scan3A_241 iter_args(%scan3A_398 = %scan3A_221#0, %scan3A_399 = %scan3A_221#1, %scan3A_400 = %scan3A_221#2, %scan3A_401 = %scan3A_221#3) -> (vector<16xf32>, vector<16xf32>, vector<16xf32>, vector<16xf32>)  : i32 {
        %mul3A_402 = arith.constant 8 : i32
        %mul3A_403 = arith.muli %scan3A_397, %mul3A_402 : i32
        %add3A_404 = arith.constant 0 : i32
        %add3A_405 = arith.addi %mul3A_403, %add3A_404 : i32
        %get3A_406 = arith.index_cast %add3A_405 : i32 to index
        %get3A_407 = arith.constant 0 : index
        %get3A_408 = tpu.vector_load %arg9[%get3A_406, %get3A_407] {strides = array<i32>} : memref<128x64xf32, #tpu.memory_space<vmem>>, vector<1x16xf32>,
        %get3A_409 = vector.shape_cast %get3A_408 : vector<1x16xf32> to vector<16xf32>
        %add3A_410 = arith.addf %scan3A_398, %get3A_409 : vector<16xf32>
        %add3A_411 = arith.constant 0 : i32
        %add3A_412 = arith.addi %mul3A_403, %add3A_411 : i32
        %get3A_413 = arith.index_cast %add3A_412 : i32 to index
        %get3A_414 = arith.constant 16 : index
        %get3A_415 = tpu.vector_load %arg9[%get3A_413, %get3A_414] {strides = array<i32>} : memref<128x64xf32, #tpu.memory_space<vmem>>, vector<1x16xf32>,
        %get3A_416 = vector.shape_cast %get3A_415 : vector<1x16xf32> to vector<16xf32>
        %add3A_417 = arith.addf %scan3A_399, %get3A_416 : vector<16xf32>
        %add3A_418 = arith.constant 0 : i32
        %add3A_419 = arith.addi %mul3A_403, %add3A_418 : i32
        %get3A_420 = arith.index_cast %add3A_419 : i32 to index
        %get3A_421 = arith.constant 32 : index
        %get3A_422 = tpu.vector_load %arg9[%get3A_420, %get3A_421] {strides = array<i32>} : memref<128x64xf32, #tpu.memory_space<vmem>>, vector<1x16xf32>,
        %get3A_423 = vector.shape_cast %get3A_422 : vector<1x16xf32> to vector<16xf32>
        %add3A_424 = arith.addf %scan3A_400, %get3A_423 : vector<16xf32>
        %add3A_425 = arith.constant 0 : i32
        %add3A_426 = arith.addi %mul3A_403, %add3A_425 : i32
        %get3A_427 = arith.index_cast %add3A_426 : i32 to index
        %get3A_428 = arith.constant 48 : index
        %get3A_429 = tpu.vector_load %arg9[%get3A_427, %get3A_428] {strides = array<i32>} : memref<128x64xf32, #tpu.memory_space<vmem>>, vector<1x16xf32>,
        %get3A_430 = vector.shape_cast %get3A_429 : vector<1x16xf32> to vector<16xf32>
        %add3A_431 = arith.addf %scan3A_401, %get3A_430 : vector<16xf32>
        %add3A_432 = arith.constant 1 : i32
        %add3A_433 = arith.addi %mul3A_403, %add3A_432 : i32
        %get3A_434 = arith.index_cast %add3A_433 : i32 to index
        %get3A_435 = arith.constant 0 : index
        %get3A_436 = tpu.vector_load %arg9[%get3A_434, %get3A_435] {strides = array<i32>} : memref<128x64xf32, #tpu.memory_space<vmem>>, vector<1x16xf32>,
        %get3A_437 = vector.shape_cast %get3A_436 : vector<1x16xf32> to vector<16xf32>
        %add3A_438 = arith.addf %add3A_410, %get3A_437 : vector<16xf32>
        %add3A_439 = arith.constant 1 : i32
        %add3A_440 = arith.addi %mul3A_403, %add3A_439 : i32
        %get3A_441 = arith.index_cast %add3A_440 : i32 to index
        %get3A_442 = arith.constant 16 : index
        %get3A_443 = tpu.vector_load %arg9[%get3A_441, %get3A_442] {strides = array<i32>} : memref<128x64xf32, #tpu.memory_space<vmem>>, vector<1x16xf32>,
        %get3A_444 = vector.shape_cast %get3A_443 : vector<1x16xf32> to vector<16xf32>
        %add3A_445 = arith.addf %add3A_417, %get3A_444 : vector<16xf32>
        %add3A_446 = arith.constant 1 : i32
        %add3A_447 = arith.addi %mul3A_403, %add3A_446 : i32
        %get3A_448 = arith.index_cast %add3A_447 : i32 to index
        %get3A_449 = arith.constant 32 : index
        %get3A_450 = tpu.vector_load %arg9[%get3A_448, %get3A_449] {strides = array<i32>} : memref<128x64xf32, #tpu.memory_space<vmem>>, vector<1x16xf32>,
        %get3A_451 = vector.shape_cast %get3A_450 : vector<1x16xf32> to vector<16xf32>
        %add3A_452 = arith.addf %add3A_424, %get3A_451 : vector<16xf32>
        %add3A_453 = arith.constant 1 : i32
        %add3A_454 = arith.addi %mul3A_403, %add3A_453 : i32
        %get3A_455 = arith.index_cast %add3A_454 : i32 to index
        %get3A_456 = arith.constant 48 : index
        %get3A_457 = tpu.vector_load %arg9[%get3A_455, %get3A_456] {strides = array<i32>} : memref<128x64xf32, #tpu.memory_space<vmem>>, vector<1x16xf32>,
        %get3A_458 = vector.shape_cast %get3A_457 : vector<1x16xf32> to vector<16xf32>
        %add3A_459 = arith.addf %add3A_431, %get3A_458 : vector<16xf32>
        %add3A_460 = arith.constant 2 : i32
        %add3A_461 = arith.addi %mul3A_403, %add3A_460 : i32
        %get3A_462 = arith.index_cast %add3A_461 : i32 to index
        %get3A_463 = arith.constant 0 : index
        %get3A_464 = tpu.vector_load %arg9[%get3A_462, %get3A_463] {strides = array<i32>} : memref<128x64xf32, #tpu.memory_space<vmem>>, vector<1x16xf32>,
        %get3A_465 = vector.shape_cast %get3A_464 : vector<1x16xf32> to vector<16xf32>
        %add3A_466 = arith.addf %add3A_438, %get3A_465 : vector<16xf32>
        %add3A_467 = arith.constant 2 : i32
        %add3A_468 = arith.addi %mul3A_403, %add3A_467 : i32
        %get3A_469 = arith.index_cast %add3A_468 : i32 to index
        %get3A_470 = arith.constant 16 : index
        %get3A_471 = tpu.vector_load %arg9[%get3A_469, %get3A_470] {strides = array<i32>} : memref<128x64xf32, #tpu.memory_space<vmem>>, vector<1x16xf32>,
        %get3A_472 = vector.shape_cast %get3A_471 : vector<1x16xf32> to vector<16xf32>
        %add3A_473 = arith.addf %add3A_445, %get3A_472 : vector<16xf32>
        %add3A_474 = arith.constant 2 : i32
        %add3A_475 = arith.addi %mul3A_403, %add3A_474 : i32
        %get3A_476 = arith.index_cast %add3A_475 : i32 to index
        %get3A_477 = arith.constant 32 : index
        %get3A_478 = tpu.vector_load %arg9[%get3A_476, %get3A_477] {strides = array<i32>} : memref<128x64xf32, #tpu.memory_space<vmem>>, vector<1x16xf32>,
        %get3A_479 = vector.shape_cast %get3A_478 : vector<1x16xf32> to vector<16xf32>
        %add3A_480 = arith.addf %add3A_452, %get3A_479 : vector<16xf32>
        %add3A_481 = arith.constant 2 : i32
        %add3A_482 = arith.addi %mul3A_403, %add3A_481 : i32
        %get3A_483 = arith.index_cast %add3A_482 : i32 to index
        %get3A_484 = arith.constant 48 : index
        %get3A_485 = tpu.vector_load %arg9[%get3A_483, %get3A_484] {strides = array<i32>} : memref<128x64xf32, #tpu.memory_space<vmem>>, vector<1x16xf32>,
        %get3A_486 = vector.shape_cast %get3A_485 : vector<1x16xf32> to vector<16xf32>
        %add3A_487 = arith.addf %add3A_459, %get3A_486 : vector<16xf32>
        %add3A_488 = arith.constant 3 : i32
        %add3A_489 = arith.addi %mul3A_403, %add3A_488 : i32
        %get3A_490 = arith.index_cast %add3A_489 : i32 to index
        %get3A_491 = arith.constant 0 : index
        %get3A_492 = tpu.vector_load %arg9[%get3A_490, %get3A_491] {strides = array<i32>} : memref<128x64xf32, #tpu.memory_space<vmem>>, vector<1x16xf32>,
        %get3A_493 = vector.shape_cast %get3A_492 : vector<1x16xf32> to vector<16xf32>
        %add3A_494 = arith.addf %add3A_466, %get3A_493 : vector<16xf32>
        %add3A_495 = arith.constant 3 : i32
        %add3A_496 = arith.addi %mul3A_403, %add3A_495 : i32
        %get3A_497 = arith.index_cast %add3A_496 : i32 to index
        %get3A_498 = arith.constant 16 : index
        %get3A_499 = tpu.vector_load %arg9[%get3A_497, %get3A_498] {strides = array<i32>} : memref<128x64xf32, #tpu.memory_space<vmem>>, vector<1x16xf32>,
        %get3A_500 = vector.shape_cast %get3A_499 : vector<1x16xf32> to vector<16xf32>
        %add3A_501 = arith.addf %add3A_473, %get3A_500 : vector<16xf32>
        %add3A_502 = arith.constant 3 : i32
        %add3A_503 = arith.addi %mul3A_403, %add3A_502 : i32
        %get3A_504 = arith.index_cast %add3A_503 : i32 to index
        %get3A_505 = arith.constant 32 : index
        %get3A_506 = tpu.vector_load %arg9[%get3A_504, %get3A_505] {strides = array<i32>} : memref<128x64xf32, #tpu.memory_space<vmem>>, vector<1x16xf32>,
        %get3A_507 = vector.shape_cast %get3A_506 : vector<1x16xf32> to vector<16xf32>
        %add3A_508 = arith.addf %add3A_480, %get3A_507 : vector<16xf32>
        %add3A_509 = arith.constant 3 : i32
        %add3A_510 = arith.addi %mul3A_403, %add3A_509 : i32
        %get3A_511 = arith.index_cast %add3A_510 : i32 to index
        %get3A_512 = arith.constant 48 : index
        %get3A_513 = tpu.vector_load %arg9[%get3A_511, %get3A_512] {strides = array<i32>} : memref<128x64xf32, #tpu.memory_space<vmem>>, vector<1x16xf32>,
        %get3A_514 = vector.shape_cast %get3A_513 : vector<1x16xf32> to vector<16xf32>
        %add3A_515 = arith.addf %add3A_487, %get3A_514 : vector<16xf32>
        %add3A_516 = arith.constant 4 : i32
        %add3A_517 = arith.addi %mul3A_403, %add3A_516 : i32
        %get3A_518 = arith.index_cast %add3A_517 : i32 to index
        %get3A_519 = arith.constant 0 : index
        %get3A_520 = tpu.vector_load %arg9[%get3A_518, %get3A_519] {strides = array<i32>} : memref<128x64xf32, #tpu.memory_space<vmem>>, vector<1x16xf32>,
        %get3A_521 = vector.shape_cast %get3A_520 : vector<1x16xf32> to vector<16xf32>
        %add3A_522 = arith.addf %add3A_494, %get3A_521 : vector<16xf32>
        %add3A_523 = arith.constant 4 : i32
        %add3A_524 = arith.addi %mul3A_403, %add3A_523 : i32
        %get3A_525 = arith.index_cast %add3A_524 : i32 to index
        %get3A_526 = arith.constant 16 : index
        %get3A_527 = tpu.vector_load %arg9[%get3A_525, %get3A_526] {strides = array<i32>} : memref<128x64xf32, #tpu.memory_space<vmem>>, vector<1x16xf32>,
        %get3A_528 = vector.shape_cast %get3A_527 : vector<1x16xf32> to vector<16xf32>
        %add3A_529 = arith.addf %add3A_501, %get3A_528 : vector<16xf32>
        %add3A_530 = arith.constant 4 : i32
        %add3A_531 = arith.addi %mul3A_403, %add3A_530 : i32
        %get3A_532 = arith.index_cast %add3A_531 : i32 to index
        %get3A_533 = arith.constant 32 : index
        %get3A_534 = tpu.vector_load %arg9[%get3A_532, %get3A_533] {strides = array<i32>} : memref<128x64xf32, #tpu.memory_space<vmem>>, vector<1x16xf32>,
        %get3A_535 = vector.shape_cast %get3A_534 : vector<1x16xf32> to vector<16xf32>
        %add3A_536 = arith.addf %add3A_508, %get3A_535 : vector<16xf32>
        %add3A_537 = arith.constant 4 : i32
        %add3A_538 = arith.addi %mul3A_403, %add3A_537 : i32
        %get3A_539 = arith.index_cast %add3A_538 : i32 to index
        %get3A_540 = arith.constant 48 : index
        %get3A_541 = tpu.vector_load %arg9[%get3A_539, %get3A_540] {strides = array<i32>} : memref<128x64xf32, #tpu.memory_space<vmem>>, vector<1x16xf32>,
        %get3A_542 = vector.shape_cast %get3A_541 : vector<1x16xf32> to vector<16xf32>
        %add3A_543 = arith.addf %add3A_515, %get3A_542 : vector<16xf32>
        %add3A_544 = arith.constant 5 : i32
        %add3A_545 = arith.addi %mul3A_403, %add3A_544 : i32
        %get3A_546 = arith.index_cast %add3A_545 : i32 to index
        %get3A_547 = arith.constant 0 : index
        %get3A_548 = tpu.vector_load %arg9[%get3A_546, %get3A_547] {strides = array<i32>} : memref<128x64xf32, #tpu.memory_space<vmem>>, vector<1x16xf32>,
        %get3A_549 = vector.shape_cast %get3A_548 : vector<1x16xf32> to vector<16xf32>
        %add3A_550 = arith.addf %add3A_522, %get3A_549 : vector<16xf32>
        %add3A_551 = arith.constant 5 : i32
        %add3A_552 = arith.addi %mul3A_403, %add3A_551 : i32
        %get3A_553 = arith.index_cast %add3A_552 : i32 to index
        %get3A_554 = arith.constant 16 : index
        %get3A_555 = tpu.vector_load %arg9[%get3A_553, %get3A_554] {strides = array<i32>} : memref<128x64xf32, #tpu.memory_space<vmem>>, vector<1x16xf32>,
        %get3A_556 = vector.shape_cast %get3A_555 : vector<1x16xf32> to vector<16xf32>
        %add3A_557 = arith.addf %add3A_529, %get3A_556 : vector<16xf32>
        %add3A_558 = arith.constant 5 : i32
        %add3A_559 = arith.addi %mul3A_403, %add3A_558 : i32
        %get3A_560 = arith.index_cast %add3A_559 : i32 to index
        %get3A_561 = arith.constant 32 : index
        %get3A_562 = tpu.vector_load %arg9[%get3A_560, %get3A_561] {strides = array<i32>} : memref<128x64xf32, #tpu.memory_space<vmem>>, vector<1x16xf32>,
        %get3A_563 = vector.shape_cast %get3A_562 : vector<1x16xf32> to vector<16xf32>
        %add3A_564 = arith.addf %add3A_536, %get3A_563 : vector<16xf32>
        %add3A_565 = arith.constant 5 : i32
        %add3A_566 = arith.addi %mul3A_403, %add3A_565 : i32
        %get3A_567 = arith.index_cast %add3A_566 : i32 to index
        %get3A_568 = arith.constant 48 : index
        %get3A_569 = tpu.vector_load %arg9[%get3A_567, %get3A_568] {strides = array<i32>} : memref<128x64xf32, #tpu.memory_space<vmem>>, vector<1x16xf32>,
        %get3A_570 = vector.shape_cast %get3A_569 : vector<1x16xf32> to vector<16xf32>
        %add3A_571 = arith.addf %add3A_543, %get3A_570 : vector<16xf32>
        %add3A_572 = arith.constant 6 : i32
        %add3A_573 = arith.addi %mul3A_403, %add3A_572 : i32
        %get3A_574 = arith.index_cast %add3A_573 : i32 to index
        %get3A_575 = arith.constant 0 : index
        %get3A_576 = tpu.vector_load %arg9[%get3A_574, %get3A_575] {strides = array<i32>} : memref<128x64xf32, #tpu.memory_space<vmem>>, vector<1x16xf32>,
        %get3A_577 = vector.shape_cast %get3A_576 : vector<1x16xf32> to vector<16xf32>
        %add3A_578 = arith.addf %add3A_550, %get3A_577 : vector<16xf32>
        %add3A_579 = arith.constant 6 : i32
        %add3A_580 = arith.addi %mul3A_403, %add3A_579 : i32
        %get3A_581 = arith.index_cast %add3A_580 : i32 to index
        %get3A_582 = arith.constant 16 : index
        %get3A_583 = tpu.vector_load %arg9[%get3A_581, %get3A_582] {strides = array<i32>} : memref<128x64xf32, #tpu.memory_space<vmem>>, vector<1x16xf32>,
        %get3A_584 = vector.shape_cast %get3A_583 : vector<1x16xf32> to vector<16xf32>
        %add3A_585 = arith.addf %add3A_557, %get3A_584 : vector<16xf32>
        %add3A_586 = arith.constant 6 : i32
        %add3A_587 = arith.addi %mul3A_403, %add3A_586 : i32
        %get3A_588 = arith.index_cast %add3A_587 : i32 to index
        %get3A_589 = arith.constant 32 : index
        %get3A_590 = tpu.vector_load %arg9[%get3A_588, %get3A_589] {strides = array<i32>} : memref<128x64xf32, #tpu.memory_space<vmem>>, vector<1x16xf32>,
        %get3A_591 = vector.shape_cast %get3A_590 : vector<1x16xf32> to vector<16xf32>
        %add3A_592 = arith.addf %add3A_564, %get3A_591 : vector<16xf32>
        %add3A_593 = arith.constant 6 : i32
        %add3A_594 = arith.addi %mul3A_403, %add3A_593 : i32
        %get3A_595 = arith.index_cast %add3A_594 : i32 to index
        %get3A_596 = arith.constant 48 : index
        %get3A_597 = tpu.vector_load %arg9[%get3A_595, %get3A_596] {strides = array<i32>} : memref<128x64xf32, #tpu.memory_space<vmem>>, vector<1x16xf32>,
        %get3A_598 = vector.shape_cast %get3A_597 : vector<1x16xf32> to vector<16xf32>
        %add3A_599 = arith.addf %add3A_571, %get3A_598 : vector<16xf32>
        %add3A_600 = arith.constant 7 : i32
        %add3A_601 = arith.addi %mul3A_403, %add3A_600 : i32
        %get3A_602 = arith.index_cast %add3A_601 : i32 to index
        %get3A_603 = arith.constant 0 : index
        %get3A_604 = tpu.vector_load %arg9[%get3A_602, %get3A_603] {strides = array<i32>} : memref<128x64xf32, #tpu.memory_space<vmem>>, vector<1x16xf32>,
        %get3A_605 = vector.shape_cast %get3A_604 : vector<1x16xf32> to vector<16xf32>
        %add3A_606 = arith.addf %add3A_578, %get3A_605 : vector<16xf32>
        %add3A_607 = arith.constant 7 : i32
        %add3A_608 = arith.addi %mul3A_403, %add3A_607 : i32
        %get3A_609 = arith.index_cast %add3A_608 : i32 to index
        %get3A_610 = arith.constant 16 : index
        %get3A_611 = tpu.vector_load %arg9[%get3A_609, %get3A_610] {strides = array<i32>} : memref<128x64xf32, #tpu.memory_space<vmem>>, vector<1x16xf32>,
        %get3A_612 = vector.shape_cast %get3A_611 : vector<1x16xf32> to vector<16xf32>
        %add3A_613 = arith.addf %add3A_585, %get3A_612 : vector<16xf32>
        %add3A_614 = arith.constant 7 : i32
        %add3A_615 = arith.addi %mul3A_403, %add3A_614 : i32
        %get3A_616 = arith.index_cast %add3A_615 : i32 to index
        %get3A_617 = arith.constant 32 : index
        %get3A_618 = tpu.vector_load %arg9[%get3A_616, %get3A_617] {strides = array<i32>} : memref<128x64xf32, #tpu.memory_space<vmem>>, vector<1x16xf32>,
        %get3A_619 = vector.shape_cast %get3A_618 : vector<1x16xf32> to vector<16xf32>
        %add3A_620 = arith.addf %add3A_592, %get3A_619 : vector<16xf32>
        %add3A_621 = arith.constant 7 : i32
        %add3A_622 = arith.addi %mul3A_403, %add3A_621 : i32
        %get3A_623 = arith.index_cast %add3A_622 : i32 to index
        %get3A_624 = arith.constant 48 : index
        %get3A_625 = tpu.vector_load %arg9[%get3A_623, %get3A_624] {strides = array<i32>} : memref<128x64xf32, #tpu.memory_space<vmem>>, vector<1x16xf32>,
        %get3A_626 = vector.shape_cast %get3A_625 : vector<1x16xf32> to vector<16xf32>
        %add3A_627 = arith.addf %add3A_599, %get3A_626 : vector<16xf32>
        scf.yield %add3A_606, %add3A_613, %add3A_620, %add3A_627 : vector<16xf32>, vector<16xf32>, vector<16xf32>, vector<16xf32>
      }
      %scan3A_243 = arith.constant 16 : i32
      %add3A_244 = arith.constant 1 : i32
      %add3A_245 = arith.addi %mul3A_207, %add3A_244 : i32
      %add3A_246 = arith.constant 8 : i32
      %add3A_247 = arith.addi %add3A_245, %add3A_246 : i32
      %le3A_248 = arith.constant 198 : i32
      %le3A_249 = arith.cmpi sle, %add3A_247, %le3A_248 : i32
      %convert_element_type3A_250 = arith.extui %le3A_249 : i1 to i32
      %cond3A_251 = arith.constant 0 : i32
      %cond3A_252 = arith.cmpi ne, %convert_element_type3A_250, %cond3A_251 : i32
      scf.if %cond3A_252 {
        %add3A_397 = arith.constant 1 : i32
        %add3A_398 = arith.addi %mul3A_207, %add3A_397 : i32
        %add3A_399 = arith.constant 8 : i32
        %add3A_400 = arith.addi %add3A_398, %add3A_399 : i32
        %mul3A_401 = arith.constant 128 : i32
        %mul3A_402 = arith.muli %add3A_400, %mul3A_401 : i32
        %multiple_of3A_403 = tpu.assume_multiple %mul3A_402, 8 : i32
        %dma_start3A_404 = tpu.memref_slice %arg6[%multiple_of3A_403] : memref<25472xi32, #tpu.memory_space<vmem>> -> memref<128xi32, #tpu.memory_space<vmem>>
        %dma_start3A_405 = arith.constant 0 : i32
        %dma_start3A_406 = arith.constant 0 : i32
        %dma_start3A_407 = tpu.memref_slice %arg3[%dma_start3A_405, %dma_start3A_406] : memref<1000000x64xf32, #tpu.memory_space<hbm>> -> memref<1000000x64xf32, #tpu.memory_space<hbm>>
        tpu.enqueue_indirect_dma source(%dma_start3A_407 : memref<1000000x64xf32, #tpu.memory_space<hbm>>) target(%arg9 : memref<128x64xf32, #tpu.memory_space<vmem>>) offsets(%dma_start3A_404 : memref<128xi32, #tpu.memory_space<vmem>>) semaphore(%arg18 : memref<!tpu.dma_semaphore, #tpu.memory_space<semaphore_mem>>)
      } else {
      }
      %add3A_253 = arith.constant 2 : i32
      %add3A_254 = arith.addi %mul3A_207, %add3A_253 : i32
      %mul3A_255 = arith.constant 128 : i32
      %mul3A_256 = arith.muli %add3A_254, %mul3A_255 : i32
      %multiple_of3A_257 = tpu.assume_multiple %mul3A_256, 8 : i32
      %dma_wait3A_258 = tpu.memref_slice %arg6[%multiple_of3A_257] : memref<25472xi32, #tpu.memory_space<vmem>> -> memref<128xi32, #tpu.memory_space<vmem>>
      %dma_wait3A_259 = arith.constant 0 : i32
      %dma_wait3A_260 = arith.constant 0 : i32
      %dma_wait3A_261 = tpu.memref_slice %arg3[%dma_wait3A_259, %dma_wait3A_260] : memref<1000000x64xf32, #tpu.memory_space<hbm>> -> memref<1000000x64xf32, #tpu.memory_space<hbm>>
      tpu.wait_indirect_dma semaphore(%arg19 : memref<!tpu.dma_semaphore, #tpu.memory_space<semaphore_mem>>) src(%dma_wait3A_261 : memref<1000000x64xf32, #tpu.memory_space<hbm>>) dst(%arg10 : memref<128x64xf32, #tpu.memory_space<vmem>>)
      %scan3A_262 = arith.constant 0 : i32
      %scan3A_263 = arith.constant 16 : i32
      %scan3A_264 = arith.addi %scan3A_262, %scan3A_263 : i32
      %scan3A_265 = arith.constant 1 : i32
      %scan3A_266:4 = scf.for %scan3A_397 = %scan3A_262 to %scan3A_264 step %scan3A_265 iter_args(%scan3A_398 = %scan3A_242#0, %scan3A_399 = %scan3A_242#1, %scan3A_400 = %scan3A_242#2, %scan3A_401 = %scan3A_242#3) -> (vector<16xf32>, vector<16xf32>, vector<16xf32>, vector<16xf32>)  : i32 {
        %mul3A_402 = arith.constant 8 : i32
        %mul3A_403 = arith.muli %scan3A_397, %mul3A_402 : i32
        %add3A_404 = arith.constant 0 : i32
        %add3A_405 = arith.addi %mul3A_403, %add3A_404 : i32
        %get3A_406 = arith.index_cast %add3A_405 : i32 to index
        %get3A_407 = arith.constant 0 : index
        %get3A_408 = tpu.vector_load %arg10[%get3A_406, %get3A_407] {strides = array<i32>} : memref<128x64xf32, #tpu.memory_space<vmem>>, vector<1x16xf32>,
        %get3A_409 = vector.shape_cast %get3A_408 : vector<1x16xf32> to vector<16xf32>
        %add3A_410 = arith.addf %scan3A_398, %get3A_409 : vector<16xf32>
        %add3A_411 = arith.constant 0 : i32
        %add3A_412 = arith.addi %mul3A_403, %add3A_411 : i32
        %get3A_413 = arith.index_cast %add3A_412 : i32 to index
        %get3A_414 = arith.constant 16 : index
        %get3A_415 = tpu.vector_load %arg10[%get3A_413, %get3A_414] {strides = array<i32>} : memref<128x64xf32, #tpu.memory_space<vmem>>, vector<1x16xf32>,
        %get3A_416 = vector.shape_cast %get3A_415 : vector<1x16xf32> to vector<16xf32>
        %add3A_417 = arith.addf %scan3A_399, %get3A_416 : vector<16xf32>
        %add3A_418 = arith.constant 0 : i32
        %add3A_419 = arith.addi %mul3A_403, %add3A_418 : i32
        %get3A_420 = arith.index_cast %add3A_419 : i32 to index
        %get3A_421 = arith.constant 32 : index
        %get3A_422 = tpu.vector_load %arg10[%get3A_420, %get3A_421] {strides = array<i32>} : memref<128x64xf32, #tpu.memory_space<vmem>>, vector<1x16xf32>,
        %get3A_423 = vector.shape_cast %get3A_422 : vector<1x16xf32> to vector<16xf32>
        %add3A_424 = arith.addf %scan3A_400, %get3A_423 : vector<16xf32>
        %add3A_425 = arith.constant 0 : i32
        %add3A_426 = arith.addi %mul3A_403, %add3A_425 : i32
        %get3A_427 = arith.index_cast %add3A_426 : i32 to index
        %get3A_428 = arith.constant 48 : index
        %get3A_429 = tpu.vector_load %arg10[%get3A_427, %get3A_428] {strides = array<i32>} : memref<128x64xf32, #tpu.memory_space<vmem>>, vector<1x16xf32>,
        %get3A_430 = vector.shape_cast %get3A_429 : vector<1x16xf32> to vector<16xf32>
        %add3A_431 = arith.addf %scan3A_401, %get3A_430 : vector<16xf32>
        %add3A_432 = arith.constant 1 : i32
        %add3A_433 = arith.addi %mul3A_403, %add3A_432 : i32
        %get3A_434 = arith.index_cast %add3A_433 : i32 to index
        %get3A_435 = arith.constant 0 : index
        %get3A_436 = tpu.vector_load %arg10[%get3A_434, %get3A_435] {strides = array<i32>} : memref<128x64xf32, #tpu.memory_space<vmem>>, vector<1x16xf32>,
        %get3A_437 = vector.shape_cast %get3A_436 : vector<1x16xf32> to vector<16xf32>
        %add3A_438 = arith.addf %add3A_410, %get3A_437 : vector<16xf32>
        %add3A_439 = arith.constant 1 : i32
        %add3A_440 = arith.addi %mul3A_403, %add3A_439 : i32
        %get3A_441 = arith.index_cast %add3A_440 : i32 to index
        %get3A_442 = arith.constant 16 : index
        %get3A_443 = tpu.vector_load %arg10[%get3A_441, %get3A_442] {strides = array<i32>} : memref<128x64xf32, #tpu.memory_space<vmem>>, vector<1x16xf32>,
        %get3A_444 = vector.shape_cast %get3A_443 : vector<1x16xf32> to vector<16xf32>
        %add3A_445 = arith.addf %add3A_417, %get3A_444 : vector<16xf32>
        %add3A_446 = arith.constant 1 : i32
        %add3A_447 = arith.addi %mul3A_403, %add3A_446 : i32
        %get3A_448 = arith.index_cast %add3A_447 : i32 to index
        %get3A_449 = arith.constant 32 : index
        %get3A_450 = tpu.vector_load %arg10[%get3A_448, %get3A_449] {strides = array<i32>} : memref<128x64xf32, #tpu.memory_space<vmem>>, vector<1x16xf32>,
        %get3A_451 = vector.shape_cast %get3A_450 : vector<1x16xf32> to vector<16xf32>
        %add3A_452 = arith.addf %add3A_424, %get3A_451 : vector<16xf32>
        %add3A_453 = arith.constant 1 : i32
        %add3A_454 = arith.addi %mul3A_403, %add3A_453 : i32
        %get3A_455 = arith.index_cast %add3A_454 : i32 to index
        %get3A_456 = arith.constant 48 : index
        %get3A_457 = tpu.vector_load %arg10[%get3A_455, %get3A_456] {strides = array<i32>} : memref<128x64xf32, #tpu.memory_space<vmem>>, vector<1x16xf32>,
        %get3A_458 = vector.shape_cast %get3A_457 : vector<1x16xf32> to vector<16xf32>
        %add3A_459 = arith.addf %add3A_431, %get3A_458 : vector<16xf32>
        %add3A_460 = arith.constant 2 : i32
        %add3A_461 = arith.addi %mul3A_403, %add3A_460 : i32
        %get3A_462 = arith.index_cast %add3A_461 : i32 to index
        %get3A_463 = arith.constant 0 : index
        %get3A_464 = tpu.vector_load %arg10[%get3A_462, %get3A_463] {strides = array<i32>} : memref<128x64xf32, #tpu.memory_space<vmem>>, vector<1x16xf32>,
        %get3A_465 = vector.shape_cast %get3A_464 : vector<1x16xf32> to vector<16xf32>
        %add3A_466 = arith.addf %add3A_438, %get3A_465 : vector<16xf32>
        %add3A_467 = arith.constant 2 : i32
        %add3A_468 = arith.addi %mul3A_403, %add3A_467 : i32
        %get3A_469 = arith.index_cast %add3A_468 : i32 to index
        %get3A_470 = arith.constant 16 : index
        %get3A_471 = tpu.vector_load %arg10[%get3A_469, %get3A_470] {strides = array<i32>} : memref<128x64xf32, #tpu.memory_space<vmem>>, vector<1x16xf32>,
        %get3A_472 = vector.shape_cast %get3A_471 : vector<1x16xf32> to vector<16xf32>
        %add3A_473 = arith.addf %add3A_445, %get3A_472 : vector<16xf32>
        %add3A_474 = arith.constant 2 : i32
        %add3A_475 = arith.addi %mul3A_403, %add3A_474 : i32
        %get3A_476 = arith.index_cast %add3A_475 : i32 to index
        %get3A_477 = arith.constant 32 : index
        %get3A_478 = tpu.vector_load %arg10[%get3A_476, %get3A_477] {strides = array<i32>} : memref<128x64xf32, #tpu.memory_space<vmem>>, vector<1x16xf32>,
        %get3A_479 = vector.shape_cast %get3A_478 : vector<1x16xf32> to vector<16xf32>
        %add3A_480 = arith.addf %add3A_452, %get3A_479 : vector<16xf32>
        %add3A_481 = arith.constant 2 : i32
        %add3A_482 = arith.addi %mul3A_403, %add3A_481 : i32
        %get3A_483 = arith.index_cast %add3A_482 : i32 to index
        %get3A_484 = arith.constant 48 : index
        %get3A_485 = tpu.vector_load %arg10[%get3A_483, %get3A_484] {strides = array<i32>} : memref<128x64xf32, #tpu.memory_space<vmem>>, vector<1x16xf32>,
        %get3A_486 = vector.shape_cast %get3A_485 : vector<1x16xf32> to vector<16xf32>
        %add3A_487 = arith.addf %add3A_459, %get3A_486 : vector<16xf32>
        %add3A_488 = arith.constant 3 : i32
        %add3A_489 = arith.addi %mul3A_403, %add3A_488 : i32
        %get3A_490 = arith.index_cast %add3A_489 : i32 to index
        %get3A_491 = arith.constant 0 : index
        %get3A_492 = tpu.vector_load %arg10[%get3A_490, %get3A_491] {strides = array<i32>} : memref<128x64xf32, #tpu.memory_space<vmem>>, vector<1x16xf32>,
        %get3A_493 = vector.shape_cast %get3A_492 : vector<1x16xf32> to vector<16xf32>
        %add3A_494 = arith.addf %add3A_466, %get3A_493 : vector<16xf32>
        %add3A_495 = arith.constant 3 : i32
        %add3A_496 = arith.addi %mul3A_403, %add3A_495 : i32
        %get3A_497 = arith.index_cast %add3A_496 : i32 to index
        %get3A_498 = arith.constant 16 : index
        %get3A_499 = tpu.vector_load %arg10[%get3A_497, %get3A_498] {strides = array<i32>} : memref<128x64xf32, #tpu.memory_space<vmem>>, vector<1x16xf32>,
        %get3A_500 = vector.shape_cast %get3A_499 : vector<1x16xf32> to vector<16xf32>
        %add3A_501 = arith.addf %add3A_473, %get3A_500 : vector<16xf32>
        %add3A_502 = arith.constant 3 : i32
        %add3A_503 = arith.addi %mul3A_403, %add3A_502 : i32
        %get3A_504 = arith.index_cast %add3A_503 : i32 to index
        %get3A_505 = arith.constant 32 : index
        %get3A_506 = tpu.vector_load %arg10[%get3A_504, %get3A_505] {strides = array<i32>} : memref<128x64xf32, #tpu.memory_space<vmem>>, vector<1x16xf32>,
        %get3A_507 = vector.shape_cast %get3A_506 : vector<1x16xf32> to vector<16xf32>
        %add3A_508 = arith.addf %add3A_480, %get3A_507 : vector<16xf32>
        %add3A_509 = arith.constant 3 : i32
        %add3A_510 = arith.addi %mul3A_403, %add3A_509 : i32
        %get3A_511 = arith.index_cast %add3A_510 : i32 to index
        %get3A_512 = arith.constant 48 : index
        %get3A_513 = tpu.vector_load %arg10[%get3A_511, %get3A_512] {strides = array<i32>} : memref<128x64xf32, #tpu.memory_space<vmem>>, vector<1x16xf32>,
        %get3A_514 = vector.shape_cast %get3A_513 : vector<1x16xf32> to vector<16xf32>
        %add3A_515 = arith.addf %add3A_487, %get3A_514 : vector<16xf32>
        %add3A_516 = arith.constant 4 : i32
        %add3A_517 = arith.addi %mul3A_403, %add3A_516 : i32
        %get3A_518 = arith.index_cast %add3A_517 : i32 to index
        %get3A_519 = arith.constant 0 : index
        %get3A_520 = tpu.vector_load %arg10[%get3A_518, %get3A_519] {strides = array<i32>} : memref<128x64xf32, #tpu.memory_space<vmem>>, vector<1x16xf32>,
        %get3A_521 = vector.shape_cast %get3A_520 : vector<1x16xf32> to vector<16xf32>
        %add3A_522 = arith.addf %add3A_494, %get3A_521 : vector<16xf32>
        %add3A_523 = arith.constant 4 : i32
        %add3A_524 = arith.addi %mul3A_403, %add3A_523 : i32
        %get3A_525 = arith.index_cast %add3A_524 : i32 to index
        %get3A_526 = arith.constant 16 : index
        %get3A_527 = tpu.vector_load %arg10[%get3A_525, %get3A_526] {strides = array<i32>} : memref<128x64xf32, #tpu.memory_space<vmem>>, vector<1x16xf32>,
        %get3A_528 = vector.shape_cast %get3A_527 : vector<1x16xf32> to vector<16xf32>
        %add3A_529 = arith.addf %add3A_501, %get3A_528 : vector<16xf32>
        %add3A_530 = arith.constant 4 : i32
        %add3A_531 = arith.addi %mul3A_403, %add3A_530 : i32
        %get3A_532 = arith.index_cast %add3A_531 : i32 to index
        %get3A_533 = arith.constant 32 : index
        %get3A_534 = tpu.vector_load %arg10[%get3A_532, %get3A_533] {strides = array<i32>} : memref<128x64xf32, #tpu.memory_space<vmem>>, vector<1x16xf32>,
        %get3A_535 = vector.shape_cast %get3A_534 : vector<1x16xf32> to vector<16xf32>
        %add3A_536 = arith.addf %add3A_508, %get3A_535 : vector<16xf32>
        %add3A_537 = arith.constant 4 : i32
        %add3A_538 = arith.addi %mul3A_403, %add3A_537 : i32
        %get3A_539 = arith.index_cast %add3A_538 : i32 to index
        %get3A_540 = arith.constant 48 : index
        %get3A_541 = tpu.vector_load %arg10[%get3A_539, %get3A_540] {strides = array<i32>} : memref<128x64xf32, #tpu.memory_space<vmem>>, vector<1x16xf32>,
        %get3A_542 = vector.shape_cast %get3A_541 : vector<1x16xf32> to vector<16xf32>
        %add3A_543 = arith.addf %add3A_515, %get3A_542 : vector<16xf32>
        %add3A_544 = arith.constant 5 : i32
        %add3A_545 = arith.addi %mul3A_403, %add3A_544 : i32
        %get3A_546 = arith.index_cast %add3A_545 : i32 to index
        %get3A_547 = arith.constant 0 : index
        %get3A_548 = tpu.vector_load %arg10[%get3A_546, %get3A_547] {strides = array<i32>} : memref<128x64xf32, #tpu.memory_space<vmem>>, vector<1x16xf32>,
        %get3A_549 = vector.shape_cast %get3A_548 : vector<1x16xf32> to vector<16xf32>
        %add3A_550 = arith.addf %add3A_522, %get3A_549 : vector<16xf32>
        %add3A_551 = arith.constant 5 : i32
        %add3A_552 = arith.addi %mul3A_403, %add3A_551 : i32
        %get3A_553 = arith.index_cast %add3A_552 : i32 to index
        %get3A_554 = arith.constant 16 : index
        %get3A_555 = tpu.vector_load %arg10[%get3A_553, %get3A_554] {strides = array<i32>} : memref<128x64xf32, #tpu.memory_space<vmem>>, vector<1x16xf32>,
        %get3A_556 = vector.shape_cast %get3A_555 : vector<1x16xf32> to vector<16xf32>
        %add3A_557 = arith.addf %add3A_529, %get3A_556 : vector<16xf32>
        %add3A_558 = arith.constant 5 : i32
        %add3A_559 = arith.addi %mul3A_403, %add3A_558 : i32
        %get3A_560 = arith.index_cast %add3A_559 : i32 to index
        %get3A_561 = arith.constant 32 : index
        %get3A_562 = tpu.vector_load %arg10[%get3A_560, %get3A_561] {strides = array<i32>} : memref<128x64xf32, #tpu.memory_space<vmem>>, vector<1x16xf32>,
        %get3A_563 = vector.shape_cast %get3A_562 : vector<1x16xf32> to vector<16xf32>
        %add3A_564 = arith.addf %add3A_536, %get3A_563 : vector<16xf32>
        %add3A_565 = arith.constant 5 : i32
        %add3A_566 = arith.addi %mul3A_403, %add3A_565 : i32
        %get3A_567 = arith.index_cast %add3A_566 : i32 to index
        %get3A_568 = arith.constant 48 : index
        %get3A_569 = tpu.vector_load %arg10[%get3A_567, %get3A_568] {strides = array<i32>} : memref<128x64xf32, #tpu.memory_space<vmem>>, vector<1x16xf32>,
        %get3A_570 = vector.shape_cast %get3A_569 : vector<1x16xf32> to vector<16xf32>
        %add3A_571 = arith.addf %add3A_543, %get3A_570 : vector<16xf32>
        %add3A_572 = arith.constant 6 : i32
        %add3A_573 = arith.addi %mul3A_403, %add3A_572 : i32
        %get3A_574 = arith.index_cast %add3A_573 : i32 to index
        %get3A_575 = arith.constant 0 : index
        %get3A_576 = tpu.vector_load %arg10[%get3A_574, %get3A_575] {strides = array<i32>} : memref<128x64xf32, #tpu.memory_space<vmem>>, vector<1x16xf32>,
        %get3A_577 = vector.shape_cast %get3A_576 : vector<1x16xf32> to vector<16xf32>
        %add3A_578 = arith.addf %add3A_550, %get3A_577 : vector<16xf32>
        %add3A_579 = arith.constant 6 : i32
        %add3A_580 = arith.addi %mul3A_403, %add3A_579 : i32
        %get3A_581 = arith.index_cast %add3A_580 : i32 to index
        %get3A_582 = arith.constant 16 : index
        %get3A_583 = tpu.vector_load %arg10[%get3A_581, %get3A_582] {strides = array<i32>} : memref<128x64xf32, #tpu.memory_space<vmem>>, vector<1x16xf32>,
        %get3A_584 = vector.shape_cast %get3A_583 : vector<1x16xf32> to vector<16xf32>
        %add3A_585 = arith.addf %add3A_557, %get3A_584 : vector<16xf32>
        %add3A_586 = arith.constant 6 : i32
        %add3A_587 = arith.addi %mul3A_403, %add3A_586 : i32
        %get3A_588 = arith.index_cast %add3A_587 : i32 to index
        %get3A_589 = arith.constant 32 : index
        %get3A_590 = tpu.vector_load %arg10[%get3A_588, %get3A_589] {strides = array<i32>} : memref<128x64xf32, #tpu.memory_space<vmem>>, vector<1x16xf32>,
        %get3A_591 = vector.shape_cast %get3A_590 : vector<1x16xf32> to vector<16xf32>
        %add3A_592 = arith.addf %add3A_564, %get3A_591 : vector<16xf32>
        %add3A_593 = arith.constant 6 : i32
        %add3A_594 = arith.addi %mul3A_403, %add3A_593 : i32
        %get3A_595 = arith.index_cast %add3A_594 : i32 to index
        %get3A_596 = arith.constant 48 : index
        %get3A_597 = tpu.vector_load %arg10[%get3A_595, %get3A_596] {strides = array<i32>} : memref<128x64xf32, #tpu.memory_space<vmem>>, vector<1x16xf32>,
        %get3A_598 = vector.shape_cast %get3A_597 : vector<1x16xf32> to vector<16xf32>
        %add3A_599 = arith.addf %add3A_571, %get3A_598 : vector<16xf32>
        %add3A_600 = arith.constant 7 : i32
        %add3A_601 = arith.addi %mul3A_403, %add3A_600 : i32
        %get3A_602 = arith.index_cast %add3A_601 : i32 to index
        %get3A_603 = arith.constant 0 : index
        %get3A_604 = tpu.vector_load %arg10[%get3A_602, %get3A_603] {strides = array<i32>} : memref<128x64xf32, #tpu.memory_space<vmem>>, vector<1x16xf32>,
        %get3A_605 = vector.shape_cast %get3A_604 : vector<1x16xf32> to vector<16xf32>
        %add3A_606 = arith.addf %add3A_578, %get3A_605 : vector<16xf32>
        %add3A_607 = arith.constant 7 : i32
        %add3A_608 = arith.addi %mul3A_403, %add3A_607 : i32
        %get3A_609 = arith.index_cast %add3A_608 : i32 to index
        %get3A_610 = arith.constant 16 : index
        %get3A_611 = tpu.vector_load %arg10[%get3A_609, %get3A_610] {strides = array<i32>} : memref<128x64xf32, #tpu.memory_space<vmem>>, vector<1x16xf32>,
        %get3A_612 = vector.shape_cast %get3A_611 : vector<1x16xf32> to vector<16xf32>
        %add3A_613 = arith.addf %add3A_585, %get3A_612 : vector<16xf32>
        %add3A_614 = arith.constant 7 : i32
        %add3A_615 = arith.addi %mul3A_403, %add3A_614 : i32
        %get3A_616 = arith.index_cast %add3A_615 : i32 to index
        %get3A_617 = arith.constant 32 : index
        %get3A_618 = tpu.vector_load %arg10[%get3A_616, %get3A_617] {strides = array<i32>} : memref<128x64xf32, #tpu.memory_space<vmem>>, vector<1x16xf32>,
        %get3A_619 = vector.shape_cast %get3A_618 : vector<1x16xf32> to vector<16xf32>
        %add3A_620 = arith.addf %add3A_592, %get3A_619 : vector<16xf32>
        %add3A_621 = arith.constant 7 : i32
        %add3A_622 = arith.addi %mul3A_403, %add3A_621 : i32
        %get3A_623 = arith.index_cast %add3A_622 : i32 to index
        %get3A_624 = arith.constant 48 : index
        %get3A_625 = tpu.vector_load %arg10[%get3A_623, %get3A_624] {strides = array<i32>} : memref<128x64xf32, #tpu.memory_space<vmem>>, vector<1x16xf32>,
        %get3A_626 = vector.shape_cast %get3A_625 : vector<1x16xf32> to vector<16xf32>
        %add3A_627 = arith.addf %add3A_599, %get3A_626 : vector<16xf32>
        scf.yield %add3A_606, %add3A_613, %add3A_620, %add3A_627 : vector<16xf32>, vector<16xf32>, vector<16xf32>, vector<16xf32>
      }
      %scan3A_267 = arith.constant 16 : i32
      %add3A_268 = arith.constant 2 : i32
      %add3A_269 = arith.addi %mul3A_207, %add3A_268 : i32
      %add3A_270 = arith.constant 8 : i32
      %add3A_271 = arith.addi %add3A_269, %add3A_270 : i32
      %le3A_272 = arith.constant 198 : i32
      %le3A_273 = arith.cmpi sle, %add3A_271, %le3A_272 : i32
      %convert_element_type3A_274 = arith.extui %le3A_273 : i1 to i32
      %cond3A_275 = arith.constant 0 : i32
      %cond3A_276 = arith.cmpi ne, %convert_element_type3A_274, %cond3A_275 : i32
      scf.if %cond3A_276 {
        %add3A_397 = arith.constant 2 : i32
        %add3A_398 = arith.addi %mul3A_207, %add3A_397 : i32
        %add3A_399 = arith.constant 8 : i32
        %add3A_400 = arith.addi %add3A_398, %add3A_399 : i32
        %mul3A_401 = arith.constant 128 : i32
        %mul3A_402 = arith.muli %add3A_400, %mul3A_401 : i32
        %multiple_of3A_403 = tpu.assume_multiple %mul3A_402, 8 : i32
        %dma_start3A_404 = tpu.memref_slice %arg6[%multiple_of3A_403] : memref<25472xi32, #tpu.memory_space<vmem>> -> memref<128xi32, #tpu.memory_space<vmem>>
        %dma_start3A_405 = arith.constant 0 : i32
        %dma_start3A_406 = arith.constant 0 : i32
        %dma_start3A_407 = tpu.memref_slice %arg3[%dma_start3A_405, %dma_start3A_406] : memref<1000000x64xf32, #tpu.memory_space<hbm>> -> memref<1000000x64xf32, #tpu.memory_space<hbm>>
        tpu.enqueue_indirect_dma source(%dma_start3A_407 : memref<1000000x64xf32, #tpu.memory_space<hbm>>) target(%arg10 : memref<128x64xf32, #tpu.memory_space<vmem>>) offsets(%dma_start3A_404 : memref<128xi32, #tpu.memory_space<vmem>>) semaphore(%arg19 : memref<!tpu.dma_semaphore, #tpu.memory_space<semaphore_mem>>)
      } else {
      }
      %add3A_277 = arith.constant 3 : i32
      %add3A_278 = arith.addi %mul3A_207, %add3A_277 : i32
      %mul3A_279 = arith.constant 128 : i32
      %mul3A_280 = arith.muli %add3A_278, %mul3A_279 : i32
      %multiple_of3A_281 = tpu.assume_multiple %mul3A_280, 8 : i32
      %dma_wait3A_282 = tpu.memref_slice %arg6[%multiple_of3A_281] : memref<25472xi32, #tpu.memory_space<vmem>> -> memref<128xi32, #tpu.memory_space<vmem>>
      %dma_wait3A_283 = arith.constant 0 : i32
      %dma_wait3A_284 = arith.constant 0 : i32
      %dma_wait3A_285 = tpu.memref_slice %arg3[%dma_wait3A_283, %dma_wait3A_284] : memref<1000000x64xf32, #tpu.memory_space<hbm>> -> memref<1000000x64xf32, #tpu.memory_space<hbm>>
      tpu.wait_indirect_dma semaphore(%arg20 : memref<!tpu.dma_semaphore, #tpu.memory_space<semaphore_mem>>) src(%dma_wait3A_285 : memref<1000000x64xf32, #tpu.memory_space<hbm>>) dst(%arg11 : memref<128x64xf32, #tpu.memory_space<vmem>>)
      %scan3A_286 = arith.constant 0 : i32
      %scan3A_287 = arith.constant 16 : i32
      %scan3A_288 = arith.addi %scan3A_286, %scan3A_287 : i32
      %scan3A_289 = arith.constant 1 : i32
      %scan3A_290:4 = scf.for %scan3A_397 = %scan3A_286 to %scan3A_288 step %scan3A_289 iter_args(%scan3A_398 = %scan3A_266#0, %scan3A_399 = %scan3A_266#1, %scan3A_400 = %scan3A_266#2, %scan3A_401 = %scan3A_266#3) -> (vector<16xf32>, vector<16xf32>, vector<16xf32>, vector<16xf32>)  : i32 {
        %mul3A_402 = arith.constant 8 : i32
        %mul3A_403 = arith.muli %scan3A_397, %mul3A_402 : i32
        %add3A_404 = arith.constant 0 : i32
        %add3A_405 = arith.addi %mul3A_403, %add3A_404 : i32
        %get3A_406 = arith.index_cast %add3A_405 : i32 to index
        %get3A_407 = arith.constant 0 : index
        %get3A_408 = tpu.vector_load %arg11[%get3A_406, %get3A_407] {strides = array<i32>} : memref<128x64xf32, #tpu.memory_space<vmem>>, vector<1x16xf32>,
        %get3A_409 = vector.shape_cast %get3A_408 : vector<1x16xf32> to vector<16xf32>
        %add3A_410 = arith.addf %scan3A_398, %get3A_409 : vector<16xf32>
        %add3A_411 = arith.constant 0 : i32
        %add3A_412 = arith.addi %mul3A_403, %add3A_411 : i32
        %get3A_413 = arith.index_cast %add3A_412 : i32 to index
        %get3A_414 = arith.constant 16 : index
        %get3A_415 = tpu.vector_load %arg11[%get3A_413, %get3A_414] {strides = array<i32>} : memref<128x64xf32, #tpu.memory_space<vmem>>, vector<1x16xf32>,
        %get3A_416 = vector.shape_cast %get3A_415 : vector<1x16xf32> to vector<16xf32>
        %add3A_417 = arith.addf %scan3A_399, %get3A_416 : vector<16xf32>
        %add3A_418 = arith.constant 0 : i32
        %add3A_419 = arith.addi %mul3A_403, %add3A_418 : i32
        %get3A_420 = arith.index_cast %add3A_419 : i32 to index
        %get3A_421 = arith.constant 32 : index
        %get3A_422 = tpu.vector_load %arg11[%get3A_420, %get3A_421] {strides = array<i32>} : memref<128x64xf32, #tpu.memory_space<vmem>>, vector<1x16xf32>,
        %get3A_423 = vector.shape_cast %get3A_422 : vector<1x16xf32> to vector<16xf32>
        %add3A_424 = arith.addf %scan3A_400, %get3A_423 : vector<16xf32>
        %add3A_425 = arith.constant 0 : i32
        %add3A_426 = arith.addi %mul3A_403, %add3A_425 : i32
        %get3A_427 = arith.index_cast %add3A_426 : i32 to index
        %get3A_428 = arith.constant 48 : index
        %get3A_429 = tpu.vector_load %arg11[%get3A_427, %get3A_428] {strides = array<i32>} : memref<128x64xf32, #tpu.memory_space<vmem>>, vector<1x16xf32>,
        %get3A_430 = vector.shape_cast %get3A_429 : vector<1x16xf32> to vector<16xf32>
        %add3A_431 = arith.addf %scan3A_401, %get3A_430 : vector<16xf32>
        %add3A_432 = arith.constant 1 : i32
        %add3A_433 = arith.addi %mul3A_403, %add3A_432 : i32
        %get3A_434 = arith.index_cast %add3A_433 : i32 to index
        %get3A_435 = arith.constant 0 : index
        %get3A_436 = tpu.vector_load %arg11[%get3A_434, %get3A_435] {strides = array<i32>} : memref<128x64xf32, #tpu.memory_space<vmem>>, vector<1x16xf32>,
        %get3A_437 = vector.shape_cast %get3A_436 : vector<1x16xf32> to vector<16xf32>
        %add3A_438 = arith.addf %add3A_410, %get3A_437 : vector<16xf32>
        %add3A_439 = arith.constant 1 : i32
        %add3A_440 = arith.addi %mul3A_403, %add3A_439 : i32
        %get3A_441 = arith.index_cast %add3A_440 : i32 to index
        %get3A_442 = arith.constant 16 : index
        %get3A_443 = tpu.vector_load %arg11[%get3A_441, %get3A_442] {strides = array<i32>} : memref<128x64xf32, #tpu.memory_space<vmem>>, vector<1x16xf32>,
        %get3A_444 = vector.shape_cast %get3A_443 : vector<1x16xf32> to vector<16xf32>
        %add3A_445 = arith.addf %add3A_417, %get3A_444 : vector<16xf32>
        %add3A_446 = arith.constant 1 : i32
        %add3A_447 = arith.addi %mul3A_403, %add3A_446 : i32
        %get3A_448 = arith.index_cast %add3A_447 : i32 to index
        %get3A_449 = arith.constant 32 : index
        %get3A_450 = tpu.vector_load %arg11[%get3A_448, %get3A_449] {strides = array<i32>} : memref<128x64xf32, #tpu.memory_space<vmem>>, vector<1x16xf32>,
        %get3A_451 = vector.shape_cast %get3A_450 : vector<1x16xf32> to vector<16xf32>
        %add3A_452 = arith.addf %add3A_424, %get3A_451 : vector<16xf32>
        %add3A_453 = arith.constant 1 : i32
        %add3A_454 = arith.addi %mul3A_403, %add3A_453 : i32
        %get3A_455 = arith.index_cast %add3A_454 : i32 to index
        %get3A_456 = arith.constant 48 : index
        %get3A_457 = tpu.vector_load %arg11[%get3A_455, %get3A_456] {strides = array<i32>} : memref<128x64xf32, #tpu.memory_space<vmem>>, vector<1x16xf32>,
        %get3A_458 = vector.shape_cast %get3A_457 : vector<1x16xf32> to vector<16xf32>
        %add3A_459 = arith.addf %add3A_431, %get3A_458 : vector<16xf32>
        %add3A_460 = arith.constant 2 : i32
        %add3A_461 = arith.addi %mul3A_403, %add3A_460 : i32
        %get3A_462 = arith.index_cast %add3A_461 : i32 to index
        %get3A_463 = arith.constant 0 : index
        %get3A_464 = tpu.vector_load %arg11[%get3A_462, %get3A_463] {strides = array<i32>} : memref<128x64xf32, #tpu.memory_space<vmem>>, vector<1x16xf32>,
        %get3A_465 = vector.shape_cast %get3A_464 : vector<1x16xf32> to vector<16xf32>
        %add3A_466 = arith.addf %add3A_438, %get3A_465 : vector<16xf32>
        %add3A_467 = arith.constant 2 : i32
        %add3A_468 = arith.addi %mul3A_403, %add3A_467 : i32
        %get3A_469 = arith.index_cast %add3A_468 : i32 to index
        %get3A_470 = arith.constant 16 : index
        %get3A_471 = tpu.vector_load %arg11[%get3A_469, %get3A_470] {strides = array<i32>} : memref<128x64xf32, #tpu.memory_space<vmem>>, vector<1x16xf32>,
        %get3A_472 = vector.shape_cast %get3A_471 : vector<1x16xf32> to vector<16xf32>
        %add3A_473 = arith.addf %add3A_445, %get3A_472 : vector<16xf32>
        %add3A_474 = arith.constant 2 : i32
        %add3A_475 = arith.addi %mul3A_403, %add3A_474 : i32
        %get3A_476 = arith.index_cast %add3A_475 : i32 to index
        %get3A_477 = arith.constant 32 : index
        %get3A_478 = tpu.vector_load %arg11[%get3A_476, %get3A_477] {strides = array<i32>} : memref<128x64xf32, #tpu.memory_space<vmem>>, vector<1x16xf32>,
        %get3A_479 = vector.shape_cast %get3A_478 : vector<1x16xf32> to vector<16xf32>
        %add3A_480 = arith.addf %add3A_452, %get3A_479 : vector<16xf32>
        %add3A_481 = arith.constant 2 : i32
        %add3A_482 = arith.addi %mul3A_403, %add3A_481 : i32
        %get3A_483 = arith.index_cast %add3A_482 : i32 to index
        %get3A_484 = arith.constant 48 : index
        %get3A_485 = tpu.vector_load %arg11[%get3A_483, %get3A_484] {strides = array<i32>} : memref<128x64xf32, #tpu.memory_space<vmem>>, vector<1x16xf32>,
        %get3A_486 = vector.shape_cast %get3A_485 : vector<1x16xf32> to vector<16xf32>
        %add3A_487 = arith.addf %add3A_459, %get3A_486 : vector<16xf32>
        %add3A_488 = arith.constant 3 : i32
        %add3A_489 = arith.addi %mul3A_403, %add3A_488 : i32
        %get3A_490 = arith.index_cast %add3A_489 : i32 to index
        %get3A_491 = arith.constant 0 : index
        %get3A_492 = tpu.vector_load %arg11[%get3A_490, %get3A_491] {strides = array<i32>} : memref<128x64xf32, #tpu.memory_space<vmem>>, vector<1x16xf32>,
        %get3A_493 = vector.shape_cast %get3A_492 : vector<1x16xf32> to vector<16xf32>
        %add3A_494 = arith.addf %add3A_466, %get3A_493 : vector<16xf32>
        %add3A_495 = arith.constant 3 : i32
        %add3A_496 = arith.addi %mul3A_403, %add3A_495 : i32
        %get3A_497 = arith.index_cast %add3A_496 : i32 to index
        %get3A_498 = arith.constant 16 : index
        %get3A_499 = tpu.vector_load %arg11[%get3A_497, %get3A_498] {strides = array<i32>} : memref<128x64xf32, #tpu.memory_space<vmem>>, vector<1x16xf32>,
        %get3A_500 = vector.shape_cast %get3A_499 : vector<1x16xf32> to vector<16xf32>
        %add3A_501 = arith.addf %add3A_473, %get3A_500 : vector<16xf32>
        %add3A_502 = arith.constant 3 : i32
        %add3A_503 = arith.addi %mul3A_403, %add3A_502 : i32
        %get3A_504 = arith.index_cast %add3A_503 : i32 to index
        %get3A_505 = arith.constant 32 : index
        %get3A_506 = tpu.vector_load %arg11[%get3A_504, %get3A_505] {strides = array<i32>} : memref<128x64xf32, #tpu.memory_space<vmem>>, vector<1x16xf32>,
        %get3A_507 = vector.shape_cast %get3A_506 : vector<1x16xf32> to vector<16xf32>
        %add3A_508 = arith.addf %add3A_480, %get3A_507 : vector<16xf32>
        %add3A_509 = arith.constant 3 : i32
        %add3A_510 = arith.addi %mul3A_403, %add3A_509 : i32
        %get3A_511 = arith.index_cast %add3A_510 : i32 to index
        %get3A_512 = arith.constant 48 : index
        %get3A_513 = tpu.vector_load %arg11[%get3A_511, %get3A_512] {strides = array<i32>} : memref<128x64xf32, #tpu.memory_space<vmem>>, vector<1x16xf32>,
        %get3A_514 = vector.shape_cast %get3A_513 : vector<1x16xf32> to vector<16xf32>
        %add3A_515 = arith.addf %add3A_487, %get3A_514 : vector<16xf32>
        %add3A_516 = arith.constant 4 : i32
        %add3A_517 = arith.addi %mul3A_403, %add3A_516 : i32
        %get3A_518 = arith.index_cast %add3A_517 : i32 to index
        %get3A_519 = arith.constant 0 : index
        %get3A_520 = tpu.vector_load %arg11[%get3A_518, %get3A_519] {strides = array<i32>} : memref<128x64xf32, #tpu.memory_space<vmem>>, vector<1x16xf32>,
        %get3A_521 = vector.shape_cast %get3A_520 : vector<1x16xf32> to vector<16xf32>
        %add3A_522 = arith.addf %add3A_494, %get3A_521 : vector<16xf32>
        %add3A_523 = arith.constant 4 : i32
        %add3A_524 = arith.addi %mul3A_403, %add3A_523 : i32
        %get3A_525 = arith.index_cast %add3A_524 : i32 to index
        %get3A_526 = arith.constant 16 : index
        %get3A_527 = tpu.vector_load %arg11[%get3A_525, %get3A_526] {strides = array<i32>} : memref<128x64xf32, #tpu.memory_space<vmem>>, vector<1x16xf32>,
        %get3A_528 = vector.shape_cast %get3A_527 : vector<1x16xf32> to vector<16xf32>
        %add3A_529 = arith.addf %add3A_501, %get3A_528 : vector<16xf32>
        %add3A_530 = arith.constant 4 : i32
        %add3A_531 = arith.addi %mul3A_403, %add3A_530 : i32
        %get3A_532 = arith.index_cast %add3A_531 : i32 to index
        %get3A_533 = arith.constant 32 : index
        %get3A_534 = tpu.vector_load %arg11[%get3A_532, %get3A_533] {strides = array<i32>} : memref<128x64xf32, #tpu.memory_space<vmem>>, vector<1x16xf32>,
        %get3A_535 = vector.shape_cast %get3A_534 : vector<1x16xf32> to vector<16xf32>
        %add3A_536 = arith.addf %add3A_508, %get3A_535 : vector<16xf32>
        %add3A_537 = arith.constant 4 : i32
        %add3A_538 = arith.addi %mul3A_403, %add3A_537 : i32
        %get3A_539 = arith.index_cast %add3A_538 : i32 to index
        %get3A_540 = arith.constant 48 : index
        %get3A_541 = tpu.vector_load %arg11[%get3A_539, %get3A_540] {strides = array<i32>} : memref<128x64xf32, #tpu.memory_space<vmem>>, vector<1x16xf32>,
        %get3A_542 = vector.shape_cast %get3A_541 : vector<1x16xf32> to vector<16xf32>
        %add3A_543 = arith.addf %add3A_515, %get3A_542 : vector<16xf32>
        %add3A_544 = arith.constant 5 : i32
        %add3A_545 = arith.addi %mul3A_403, %add3A_544 : i32
        %get3A_546 = arith.index_cast %add3A_545 : i32 to index
        %get3A_547 = arith.constant 0 : index
        %get3A_548 = tpu.vector_load %arg11[%get3A_546, %get3A_547] {strides = array<i32>} : memref<128x64xf32, #tpu.memory_space<vmem>>, vector<1x16xf32>,
        %get3A_549 = vector.shape_cast %get3A_548 : vector<1x16xf32> to vector<16xf32>
        %add3A_550 = arith.addf %add3A_522, %get3A_549 : vector<16xf32>
        %add3A_551 = arith.constant 5 : i32
        %add3A_552 = arith.addi %mul3A_403, %add3A_551 : i32
        %get3A_553 = arith.index_cast %add3A_552 : i32 to index
        %get3A_554 = arith.constant 16 : index
        %get3A_555 = tpu.vector_load %arg11[%get3A_553, %get3A_554] {strides = array<i32>} : memref<128x64xf32, #tpu.memory_space<vmem>>, vector<1x16xf32>,
        %get3A_556 = vector.shape_cast %get3A_555 : vector<1x16xf32> to vector<16xf32>
        %add3A_557 = arith.addf %add3A_529, %get3A_556 : vector<16xf32>
        %add3A_558 = arith.constant 5 : i32
        %add3A_559 = arith.addi %mul3A_403, %add3A_558 : i32
        %get3A_560 = arith.index_cast %add3A_559 : i32 to index
        %get3A_561 = arith.constant 32 : index
        %get3A_562 = tpu.vector_load %arg11[%get3A_560, %get3A_561] {strides = array<i32>} : memref<128x64xf32, #tpu.memory_space<vmem>>, vector<1x16xf32>,
        %get3A_563 = vector.shape_cast %get3A_562 : vector<1x16xf32> to vector<16xf32>
        %add3A_564 = arith.addf %add3A_536, %get3A_563 : vector<16xf32>
        %add3A_565 = arith.constant 5 : i32
        %add3A_566 = arith.addi %mul3A_403, %add3A_565 : i32
        %get3A_567 = arith.index_cast %add3A_566 : i32 to index
        %get3A_568 = arith.constant 48 : index
        %get3A_569 = tpu.vector_load %arg11[%get3A_567, %get3A_568] {strides = array<i32>} : memref<128x64xf32, #tpu.memory_space<vmem>>, vector<1x16xf32>,
        %get3A_570 = vector.shape_cast %get3A_569 : vector<1x16xf32> to vector<16xf32>
        %add3A_571 = arith.addf %add3A_543, %get3A_570 : vector<16xf32>
        %add3A_572 = arith.constant 6 : i32
        %add3A_573 = arith.addi %mul3A_403, %add3A_572 : i32
        %get3A_574 = arith.index_cast %add3A_573 : i32 to index
        %get3A_575 = arith.constant 0 : index
        %get3A_576 = tpu.vector_load %arg11[%get3A_574, %get3A_575] {strides = array<i32>} : memref<128x64xf32, #tpu.memory_space<vmem>>, vector<1x16xf32>,
        %get3A_577 = vector.shape_cast %get3A_576 : vector<1x16xf32> to vector<16xf32>
        %add3A_578 = arith.addf %add3A_550, %get3A_577 : vector<16xf32>
        %add3A_579 = arith.constant 6 : i32
        %add3A_580 = arith.addi %mul3A_403, %add3A_579 : i32
        %get3A_581 = arith.index_cast %add3A_580 : i32 to index
        %get3A_582 = arith.constant 16 : index
        %get3A_583 = tpu.vector_load %arg11[%get3A_581, %get3A_582] {strides = array<i32>} : memref<128x64xf32, #tpu.memory_space<vmem>>, vector<1x16xf32>,
        %get3A_584 = vector.shape_cast %get3A_583 : vector<1x16xf32> to vector<16xf32>
        %add3A_585 = arith.addf %add3A_557, %get3A_584 : vector<16xf32>
        %add3A_586 = arith.constant 6 : i32
        %add3A_587 = arith.addi %mul3A_403, %add3A_586 : i32
        %get3A_588 = arith.index_cast %add3A_587 : i32 to index
        %get3A_589 = arith.constant 32 : index
        %get3A_590 = tpu.vector_load %arg11[%get3A_588, %get3A_589] {strides = array<i32>} : memref<128x64xf32, #tpu.memory_space<vmem>>, vector<1x16xf32>,
        %get3A_591 = vector.shape_cast %get3A_590 : vector<1x16xf32> to vector<16xf32>
        %add3A_592 = arith.addf %add3A_564, %get3A_591 : vector<16xf32>
        %add3A_593 = arith.constant 6 : i32
        %add3A_594 = arith.addi %mul3A_403, %add3A_593 : i32
        %get3A_595 = arith.index_cast %add3A_594 : i32 to index
        %get3A_596 = arith.constant 48 : index
        %get3A_597 = tpu.vector_load %arg11[%get3A_595, %get3A_596] {strides = array<i32>} : memref<128x64xf32, #tpu.memory_space<vmem>>, vector<1x16xf32>,
        %get3A_598 = vector.shape_cast %get3A_597 : vector<1x16xf32> to vector<16xf32>
        %add3A_599 = arith.addf %add3A_571, %get3A_598 : vector<16xf32>
        %add3A_600 = arith.constant 7 : i32
        %add3A_601 = arith.addi %mul3A_403, %add3A_600 : i32
        %get3A_602 = arith.index_cast %add3A_601 : i32 to index
        %get3A_603 = arith.constant 0 : index
        %get3A_604 = tpu.vector_load %arg11[%get3A_602, %get3A_603] {strides = array<i32>} : memref<128x64xf32, #tpu.memory_space<vmem>>, vector<1x16xf32>,
        %get3A_605 = vector.shape_cast %get3A_604 : vector<1x16xf32> to vector<16xf32>
        %add3A_606 = arith.addf %add3A_578, %get3A_605 : vector<16xf32>
        %add3A_607 = arith.constant 7 : i32
        %add3A_608 = arith.addi %mul3A_403, %add3A_607 : i32
        %get3A_609 = arith.index_cast %add3A_608 : i32 to index
        %get3A_610 = arith.constant 16 : index
        %get3A_611 = tpu.vector_load %arg11[%get3A_609, %get3A_610] {strides = array<i32>} : memref<128x64xf32, #tpu.memory_space<vmem>>, vector<1x16xf32>,
        %get3A_612 = vector.shape_cast %get3A_611 : vector<1x16xf32> to vector<16xf32>
        %add3A_613 = arith.addf %add3A_585, %get3A_612 : vector<16xf32>
        %add3A_614 = arith.constant 7 : i32
        %add3A_615 = arith.addi %mul3A_403, %add3A_614 : i32
        %get3A_616 = arith.index_cast %add3A_615 : i32 to index
        %get3A_617 = arith.constant 32 : index
        %get3A_618 = tpu.vector_load %arg11[%get3A_616, %get3A_617] {strides = array<i32>} : memref<128x64xf32, #tpu.memory_space<vmem>>, vector<1x16xf32>,
        %get3A_619 = vector.shape_cast %get3A_618 : vector<1x16xf32> to vector<16xf32>
        %add3A_620 = arith.addf %add3A_592, %get3A_619 : vector<16xf32>
        %add3A_621 = arith.constant 7 : i32
        %add3A_622 = arith.addi %mul3A_403, %add3A_621 : i32
        %get3A_623 = arith.index_cast %add3A_622 : i32 to index
        %get3A_624 = arith.constant 48 : index
        %get3A_625 = tpu.vector_load %arg11[%get3A_623, %get3A_624] {strides = array<i32>} : memref<128x64xf32, #tpu.memory_space<vmem>>, vector<1x16xf32>,
        %get3A_626 = vector.shape_cast %get3A_625 : vector<1x16xf32> to vector<16xf32>
        %add3A_627 = arith.addf %add3A_599, %get3A_626 : vector<16xf32>
        scf.yield %add3A_606, %add3A_613, %add3A_620, %add3A_627 : vector<16xf32>, vector<16xf32>, vector<16xf32>, vector<16xf32>
      }
      %scan3A_291 = arith.constant 16 : i32
      %add3A_292 = arith.constant 3 : i32
      %add3A_293 = arith.addi %mul3A_207, %add3A_292 : i32
      %add3A_294 = arith.constant 8 : i32
      %add3A_295 = arith.addi %add3A_293, %add3A_294 : i32
      %le3A_296 = arith.constant 198 : i32
      %le3A_297 = arith.cmpi sle, %add3A_295, %le3A_296 : i32
      %convert_element_type3A_298 = arith.extui %le3A_297 : i1 to i32
      %cond3A_299 = arith.constant 0 : i32
      %cond3A_300 = arith.cmpi ne, %convert_element_type3A_298, %cond3A_299 : i32
      scf.if %cond3A_300 {
        %add3A_397 = arith.constant 3 : i32
        %add3A_398 = arith.addi %mul3A_207, %add3A_397 : i32
        %add3A_399 = arith.constant 8 : i32
        %add3A_400 = arith.addi %add3A_398, %add3A_399 : i32
        %mul3A_401 = arith.constant 128 : i32
        %mul3A_402 = arith.muli %add3A_400, %mul3A_401 : i32
        %multiple_of3A_403 = tpu.assume_multiple %mul3A_402, 8 : i32
        %dma_start3A_404 = tpu.memref_slice %arg6[%multiple_of3A_403] : memref<25472xi32, #tpu.memory_space<vmem>> -> memref<128xi32, #tpu.memory_space<vmem>>
        %dma_start3A_405 = arith.constant 0 : i32
        %dma_start3A_406 = arith.constant 0 : i32
        %dma_start3A_407 = tpu.memref_slice %arg3[%dma_start3A_405, %dma_start3A_406] : memref<1000000x64xf32, #tpu.memory_space<hbm>> -> memref<1000000x64xf32, #tpu.memory_space<hbm>>
        tpu.enqueue_indirect_dma source(%dma_start3A_407 : memref<1000000x64xf32, #tpu.memory_space<hbm>>) target(%arg11 : memref<128x64xf32, #tpu.memory_space<vmem>>) offsets(%dma_start3A_404 : memref<128xi32, #tpu.memory_space<vmem>>) semaphore(%arg20 : memref<!tpu.dma_semaphore, #tpu.memory_space<semaphore_mem>>)
      } else {
      }
      %add3A_301 = arith.constant 4 : i32
      %add3A_302 = arith.addi %mul3A_207, %add3A_301 : i32
      %mul3A_303 = arith.constant 128 : i32
      %mul3A_304 = arith.muli %add3A_302, %mul3A_303 : i32
      %multiple_of3A_305 = tpu.assume_multiple %mul3A_304, 8 : i32
      %dma_wait3A_306 = tpu.memref_slice %arg6[%multiple_of3A_305] : memref<25472xi32, #tpu.memory_space<vmem>> -> memref<128xi32, #tpu.memory_space<vmem>>
      %dma_wait3A_307 = arith.constant 0 : i32
      %dma_wait3A_308 = arith.constant 0 : i32
      %dma_wait3A_309 = tpu.memref_slice %arg3[%dma_wait3A_307, %dma_wait3A_308] : memref<1000000x64xf32, #tpu.memory_space<hbm>> -> memref<1000000x64xf32, #tpu.memory_space<hbm>>
      tpu.wait_indirect_dma semaphore(%arg21 : memref<!tpu.dma_semaphore, #tpu.memory_space<semaphore_mem>>) src(%dma_wait3A_309 : memref<1000000x64xf32, #tpu.memory_space<hbm>>) dst(%arg12 : memref<128x64xf32, #tpu.memory_space<vmem>>)
      %scan3A_310 = arith.constant 0 : i32
      %scan3A_311 = arith.constant 16 : i32
      %scan3A_312 = arith.addi %scan3A_310, %scan3A_311 : i32
      %scan3A_313 = arith.constant 1 : i32
      %scan3A_314:4 = scf.for %scan3A_397 = %scan3A_310 to %scan3A_312 step %scan3A_313 iter_args(%scan3A_398 = %scan3A_290#0, %scan3A_399 = %scan3A_290#1, %scan3A_400 = %scan3A_290#2, %scan3A_401 = %scan3A_290#3) -> (vector<16xf32>, vector<16xf32>, vector<16xf32>, vector<16xf32>)  : i32 {
        %mul3A_402 = arith.constant 8 : i32
        %mul3A_403 = arith.muli %scan3A_397, %mul3A_402 : i32
        %add3A_404 = arith.constant 0 : i32
        %add3A_405 = arith.addi %mul3A_403, %add3A_404 : i32
        %get3A_406 = arith.index_cast %add3A_405 : i32 to index
        %get3A_407 = arith.constant 0 : index
        %get3A_408 = tpu.vector_load %arg12[%get3A_406, %get3A_407] {strides = array<i32>} : memref<128x64xf32, #tpu.memory_space<vmem>>, vector<1x16xf32>,
        %get3A_409 = vector.shape_cast %get3A_408 : vector<1x16xf32> to vector<16xf32>
        %add3A_410 = arith.addf %scan3A_398, %get3A_409 : vector<16xf32>
        %add3A_411 = arith.constant 0 : i32
        %add3A_412 = arith.addi %mul3A_403, %add3A_411 : i32
        %get3A_413 = arith.index_cast %add3A_412 : i32 to index
        %get3A_414 = arith.constant 16 : index
        %get3A_415 = tpu.vector_load %arg12[%get3A_413, %get3A_414] {strides = array<i32>} : memref<128x64xf32, #tpu.memory_space<vmem>>, vector<1x16xf32>,
        %get3A_416 = vector.shape_cast %get3A_415 : vector<1x16xf32> to vector<16xf32>
        %add3A_417 = arith.addf %scan3A_399, %get3A_416 : vector<16xf32>
        %add3A_418 = arith.constant 0 : i32
        %add3A_419 = arith.addi %mul3A_403, %add3A_418 : i32
        %get3A_420 = arith.index_cast %add3A_419 : i32 to index
        %get3A_421 = arith.constant 32 : index
        %get3A_422 = tpu.vector_load %arg12[%get3A_420, %get3A_421] {strides = array<i32>} : memref<128x64xf32, #tpu.memory_space<vmem>>, vector<1x16xf32>,
        %get3A_423 = vector.shape_cast %get3A_422 : vector<1x16xf32> to vector<16xf32>
        %add3A_424 = arith.addf %scan3A_400, %get3A_423 : vector<16xf32>
        %add3A_425 = arith.constant 0 : i32
        %add3A_426 = arith.addi %mul3A_403, %add3A_425 : i32
        %get3A_427 = arith.index_cast %add3A_426 : i32 to index
        %get3A_428 = arith.constant 48 : index
        %get3A_429 = tpu.vector_load %arg12[%get3A_427, %get3A_428] {strides = array<i32>} : memref<128x64xf32, #tpu.memory_space<vmem>>, vector<1x16xf32>,
        %get3A_430 = vector.shape_cast %get3A_429 : vector<1x16xf32> to vector<16xf32>
        %add3A_431 = arith.addf %scan3A_401, %get3A_430 : vector<16xf32>
        %add3A_432 = arith.constant 1 : i32
        %add3A_433 = arith.addi %mul3A_403, %add3A_432 : i32
        %get3A_434 = arith.index_cast %add3A_433 : i32 to index
        %get3A_435 = arith.constant 0 : index
        %get3A_436 = tpu.vector_load %arg12[%get3A_434, %get3A_435] {strides = array<i32>} : memref<128x64xf32, #tpu.memory_space<vmem>>, vector<1x16xf32>,
        %get3A_437 = vector.shape_cast %get3A_436 : vector<1x16xf32> to vector<16xf32>
        %add3A_438 = arith.addf %add3A_410, %get3A_437 : vector<16xf32>
        %add3A_439 = arith.constant 1 : i32
        %add3A_440 = arith.addi %mul3A_403, %add3A_439 : i32
        %get3A_441 = arith.index_cast %add3A_440 : i32 to index
        %get3A_442 = arith.constant 16 : index
        %get3A_443 = tpu.vector_load %arg12[%get3A_441, %get3A_442] {strides = array<i32>} : memref<128x64xf32, #tpu.memory_space<vmem>>, vector<1x16xf32>,
        %get3A_444 = vector.shape_cast %get3A_443 : vector<1x16xf32> to vector<16xf32>
        %add3A_445 = arith.addf %add3A_417, %get3A_444 : vector<16xf32>
        %add3A_446 = arith.constant 1 : i32
        %add3A_447 = arith.addi %mul3A_403, %add3A_446 : i32
        %get3A_448 = arith.index_cast %add3A_447 : i32 to index
        %get3A_449 = arith.constant 32 : index
        %get3A_450 = tpu.vector_load %arg12[%get3A_448, %get3A_449] {strides = array<i32>} : memref<128x64xf32, #tpu.memory_space<vmem>>, vector<1x16xf32>,
        %get3A_451 = vector.shape_cast %get3A_450 : vector<1x16xf32> to vector<16xf32>
        %add3A_452 = arith.addf %add3A_424, %get3A_451 : vector<16xf32>
        %add3A_453 = arith.constant 1 : i32
        %add3A_454 = arith.addi %mul3A_403, %add3A_453 : i32
        %get3A_455 = arith.index_cast %add3A_454 : i32 to index
        %get3A_456 = arith.constant 48 : index
        %get3A_457 = tpu.vector_load %arg12[%get3A_455, %get3A_456] {strides = array<i32>} : memref<128x64xf32, #tpu.memory_space<vmem>>, vector<1x16xf32>,
        %get3A_458 = vector.shape_cast %get3A_457 : vector<1x16xf32> to vector<16xf32>
        %add3A_459 = arith.addf %add3A_431, %get3A_458 : vector<16xf32>
        %add3A_460 = arith.constant 2 : i32
        %add3A_461 = arith.addi %mul3A_403, %add3A_460 : i32
        %get3A_462 = arith.index_cast %add3A_461 : i32 to index
        %get3A_463 = arith.constant 0 : index
        %get3A_464 = tpu.vector_load %arg12[%get3A_462, %get3A_463] {strides = array<i32>} : memref<128x64xf32, #tpu.memory_space<vmem>>, vector<1x16xf32>,
        %get3A_465 = vector.shape_cast %get3A_464 : vector<1x16xf32> to vector<16xf32>
        %add3A_466 = arith.addf %add3A_438, %get3A_465 : vector<16xf32>
        %add3A_467 = arith.constant 2 : i32
        %add3A_468 = arith.addi %mul3A_403, %add3A_467 : i32
        %get3A_469 = arith.index_cast %add3A_468 : i32 to index
        %get3A_470 = arith.constant 16 : index
        %get3A_471 = tpu.vector_load %arg12[%get3A_469, %get3A_470] {strides = array<i32>} : memref<128x64xf32, #tpu.memory_space<vmem>>, vector<1x16xf32>,
        %get3A_472 = vector.shape_cast %get3A_471 : vector<1x16xf32> to vector<16xf32>
        %add3A_473 = arith.addf %add3A_445, %get3A_472 : vector<16xf32>
        %add3A_474 = arith.constant 2 : i32
        %add3A_475 = arith.addi %mul3A_403, %add3A_474 : i32
        %get3A_476 = arith.index_cast %add3A_475 : i32 to index
        %get3A_477 = arith.constant 32 : index
        %get3A_478 = tpu.vector_load %arg12[%get3A_476, %get3A_477] {strides = array<i32>} : memref<128x64xf32, #tpu.memory_space<vmem>>, vector<1x16xf32>,
        %get3A_479 = vector.shape_cast %get3A_478 : vector<1x16xf32> to vector<16xf32>
        %add3A_480 = arith.addf %add3A_452, %get3A_479 : vector<16xf32>
        %add3A_481 = arith.constant 2 : i32
        %add3A_482 = arith.addi %mul3A_403, %add3A_481 : i32
        %get3A_483 = arith.index_cast %add3A_482 : i32 to index
        %get3A_484 = arith.constant 48 : index
        %get3A_485 = tpu.vector_load %arg12[%get3A_483, %get3A_484] {strides = array<i32>} : memref<128x64xf32, #tpu.memory_space<vmem>>, vector<1x16xf32>,
        %get3A_486 = vector.shape_cast %get3A_485 : vector<1x16xf32> to vector<16xf32>
        %add3A_487 = arith.addf %add3A_459, %get3A_486 : vector<16xf32>
        %add3A_488 = arith.constant 3 : i32
        %add3A_489 = arith.addi %mul3A_403, %add3A_488 : i32
        %get3A_490 = arith.index_cast %add3A_489 : i32 to index
        %get3A_491 = arith.constant 0 : index
        %get3A_492 = tpu.vector_load %arg12[%get3A_490, %get3A_491] {strides = array<i32>} : memref<128x64xf32, #tpu.memory_space<vmem>>, vector<1x16xf32>,
        %get3A_493 = vector.shape_cast %get3A_492 : vector<1x16xf32> to vector<16xf32>
        %add3A_494 = arith.addf %add3A_466, %get3A_493 : vector<16xf32>
        %add3A_495 = arith.constant 3 : i32
        %add3A_496 = arith.addi %mul3A_403, %add3A_495 : i32
        %get3A_497 = arith.index_cast %add3A_496 : i32 to index
        %get3A_498 = arith.constant 16 : index
        %get3A_499 = tpu.vector_load %arg12[%get3A_497, %get3A_498] {strides = array<i32>} : memref<128x64xf32, #tpu.memory_space<vmem>>, vector<1x16xf32>,
        %get3A_500 = vector.shape_cast %get3A_499 : vector<1x16xf32> to vector<16xf32>
        %add3A_501 = arith.addf %add3A_473, %get3A_500 : vector<16xf32>
        %add3A_502 = arith.constant 3 : i32
        %add3A_503 = arith.addi %mul3A_403, %add3A_502 : i32
        %get3A_504 = arith.index_cast %add3A_503 : i32 to index
        %get3A_505 = arith.constant 32 : index
        %get3A_506 = tpu.vector_load %arg12[%get3A_504, %get3A_505] {strides = array<i32>} : memref<128x64xf32, #tpu.memory_space<vmem>>, vector<1x16xf32>,
        %get3A_507 = vector.shape_cast %get3A_506 : vector<1x16xf32> to vector<16xf32>
        %add3A_508 = arith.addf %add3A_480, %get3A_507 : vector<16xf32>
        %add3A_509 = arith.constant 3 : i32
        %add3A_510 = arith.addi %mul3A_403, %add3A_509 : i32
        %get3A_511 = arith.index_cast %add3A_510 : i32 to index
        %get3A_512 = arith.constant 48 : index
        %get3A_513 = tpu.vector_load %arg12[%get3A_511, %get3A_512] {strides = array<i32>} : memref<128x64xf32, #tpu.memory_space<vmem>>, vector<1x16xf32>,
        %get3A_514 = vector.shape_cast %get3A_513 : vector<1x16xf32> to vector<16xf32>
        %add3A_515 = arith.addf %add3A_487, %get3A_514 : vector<16xf32>
        %add3A_516 = arith.constant 4 : i32
        %add3A_517 = arith.addi %mul3A_403, %add3A_516 : i32
        %get3A_518 = arith.index_cast %add3A_517 : i32 to index
        %get3A_519 = arith.constant 0 : index
        %get3A_520 = tpu.vector_load %arg12[%get3A_518, %get3A_519] {strides = array<i32>} : memref<128x64xf32, #tpu.memory_space<vmem>>, vector<1x16xf32>,
        %get3A_521 = vector.shape_cast %get3A_520 : vector<1x16xf32> to vector<16xf32>
        %add3A_522 = arith.addf %add3A_494, %get3A_521 : vector<16xf32>
        %add3A_523 = arith.constant 4 : i32
        %add3A_524 = arith.addi %mul3A_403, %add3A_523 : i32
        %get3A_525 = arith.index_cast %add3A_524 : i32 to index
        %get3A_526 = arith.constant 16 : index
        %get3A_527 = tpu.vector_load %arg12[%get3A_525, %get3A_526] {strides = array<i32>} : memref<128x64xf32, #tpu.memory_space<vmem>>, vector<1x16xf32>,
        %get3A_528 = vector.shape_cast %get3A_527 : vector<1x16xf32> to vector<16xf32>
        %add3A_529 = arith.addf %add3A_501, %get3A_528 : vector<16xf32>
        %add3A_530 = arith.constant 4 : i32
        %add3A_531 = arith.addi %mul3A_403, %add3A_530 : i32
        %get3A_532 = arith.index_cast %add3A_531 : i32 to index
        %get3A_533 = arith.constant 32 : index
        %get3A_534 = tpu.vector_load %arg12[%get3A_532, %get3A_533] {strides = array<i32>} : memref<128x64xf32, #tpu.memory_space<vmem>>, vector<1x16xf32>,
        %get3A_535 = vector.shape_cast %get3A_534 : vector<1x16xf32> to vector<16xf32>
        %add3A_536 = arith.addf %add3A_508, %get3A_535 : vector<16xf32>
        %add3A_537 = arith.constant 4 : i32
        %add3A_538 = arith.addi %mul3A_403, %add3A_537 : i32
        %get3A_539 = arith.index_cast %add3A_538 : i32 to index
        %get3A_540 = arith.constant 48 : index
        %get3A_541 = tpu.vector_load %arg12[%get3A_539, %get3A_540] {strides = array<i32>} : memref<128x64xf32, #tpu.memory_space<vmem>>, vector<1x16xf32>,
        %get3A_542 = vector.shape_cast %get3A_541 : vector<1x16xf32> to vector<16xf32>
        %add3A_543 = arith.addf %add3A_515, %get3A_542 : vector<16xf32>
        %add3A_544 = arith.constant 5 : i32
        %add3A_545 = arith.addi %mul3A_403, %add3A_544 : i32
        %get3A_546 = arith.index_cast %add3A_545 : i32 to index
        %get3A_547 = arith.constant 0 : index
        %get3A_548 = tpu.vector_load %arg12[%get3A_546, %get3A_547] {strides = array<i32>} : memref<128x64xf32, #tpu.memory_space<vmem>>, vector<1x16xf32>,
        %get3A_549 = vector.shape_cast %get3A_548 : vector<1x16xf32> to vector<16xf32>
        %add3A_550 = arith.addf %add3A_522, %get3A_549 : vector<16xf32>
        %add3A_551 = arith.constant 5 : i32
        %add3A_552 = arith.addi %mul3A_403, %add3A_551 : i32
        %get3A_553 = arith.index_cast %add3A_552 : i32 to index
        %get3A_554 = arith.constant 16 : index
        %get3A_555 = tpu.vector_load %arg12[%get3A_553, %get3A_554] {strides = array<i32>} : memref<128x64xf32, #tpu.memory_space<vmem>>, vector<1x16xf32>,
        %get3A_556 = vector.shape_cast %get3A_555 : vector<1x16xf32> to vector<16xf32>
        %add3A_557 = arith.addf %add3A_529, %get3A_556 : vector<16xf32>
        %add3A_558 = arith.constant 5 : i32
        %add3A_559 = arith.addi %mul3A_403, %add3A_558 : i32
        %get3A_560 = arith.index_cast %add3A_559 : i32 to index
        %get3A_561 = arith.constant 32 : index
        %get3A_562 = tpu.vector_load %arg12[%get3A_560, %get3A_561] {strides = array<i32>} : memref<128x64xf32, #tpu.memory_space<vmem>>, vector<1x16xf32>,
        %get3A_563 = vector.shape_cast %get3A_562 : vector<1x16xf32> to vector<16xf32>
        %add3A_564 = arith.addf %add3A_536, %get3A_563 : vector<16xf32>
        %add3A_565 = arith.constant 5 : i32
        %add3A_566 = arith.addi %mul3A_403, %add3A_565 : i32
        %get3A_567 = arith.index_cast %add3A_566 : i32 to index
        %get3A_568 = arith.constant 48 : index
        %get3A_569 = tpu.vector_load %arg12[%get3A_567, %get3A_568] {strides = array<i32>} : memref<128x64xf32, #tpu.memory_space<vmem>>, vector<1x16xf32>,
        %get3A_570 = vector.shape_cast %get3A_569 : vector<1x16xf32> to vector<16xf32>
        %add3A_571 = arith.addf %add3A_543, %get3A_570 : vector<16xf32>
        %add3A_572 = arith.constant 6 : i32
        %add3A_573 = arith.addi %mul3A_403, %add3A_572 : i32
        %get3A_574 = arith.index_cast %add3A_573 : i32 to index
        %get3A_575 = arith.constant 0 : index
        %get3A_576 = tpu.vector_load %arg12[%get3A_574, %get3A_575] {strides = array<i32>} : memref<128x64xf32, #tpu.memory_space<vmem>>, vector<1x16xf32>,
        %get3A_577 = vector.shape_cast %get3A_576 : vector<1x16xf32> to vector<16xf32>
        %add3A_578 = arith.addf %add3A_550, %get3A_577 : vector<16xf32>
        %add3A_579 = arith.constant 6 : i32
        %add3A_580 = arith.addi %mul3A_403, %add3A_579 : i32
        %get3A_581 = arith.index_cast %add3A_580 : i32 to index
        %get3A_582 = arith.constant 16 : index
        %get3A_583 = tpu.vector_load %arg12[%get3A_581, %get3A_582] {strides = array<i32>} : memref<128x64xf32, #tpu.memory_space<vmem>>, vector<1x16xf32>,
        %get3A_584 = vector.shape_cast %get3A_583 : vector<1x16xf32> to vector<16xf32>
        %add3A_585 = arith.addf %add3A_557, %get3A_584 : vector<16xf32>
        %add3A_586 = arith.constant 6 : i32
        %add3A_587 = arith.addi %mul3A_403, %add3A_586 : i32
        %get3A_588 = arith.index_cast %add3A_587 : i32 to index
        %get3A_589 = arith.constant 32 : index
        %get3A_590 = tpu.vector_load %arg12[%get3A_588, %get3A_589] {strides = array<i32>} : memref<128x64xf32, #tpu.memory_space<vmem>>, vector<1x16xf32>,
        %get3A_591 = vector.shape_cast %get3A_590 : vector<1x16xf32> to vector<16xf32>
        %add3A_592 = arith.addf %add3A_564, %get3A_591 : vector<16xf32>
        %add3A_593 = arith.constant 6 : i32
        %add3A_594 = arith.addi %mul3A_403, %add3A_593 : i32
        %get3A_595 = arith.index_cast %add3A_594 : i32 to index
        %get3A_596 = arith.constant 48 : index
        %get3A_597 = tpu.vector_load %arg12[%get3A_595, %get3A_596] {strides = array<i32>} : memref<128x64xf32, #tpu.memory_space<vmem>>, vector<1x16xf32>,
        %get3A_598 = vector.shape_cast %get3A_597 : vector<1x16xf32> to vector<16xf32>
        %add3A_599 = arith.addf %add3A_571, %get3A_598 : vector<16xf32>
        %add3A_600 = arith.constant 7 : i32
        %add3A_601 = arith.addi %mul3A_403, %add3A_600 : i32
        %get3A_602 = arith.index_cast %add3A_601 : i32 to index
        %get3A_603 = arith.constant 0 : index
        %get3A_604 = tpu.vector_load %arg12[%get3A_602, %get3A_603] {strides = array<i32>} : memref<128x64xf32, #tpu.memory_space<vmem>>, vector<1x16xf32>,
        %get3A_605 = vector.shape_cast %get3A_604 : vector<1x16xf32> to vector<16xf32>
        %add3A_606 = arith.addf %add3A_578, %get3A_605 : vector<16xf32>
        %add3A_607 = arith.constant 7 : i32
        %add3A_608 = arith.addi %mul3A_403, %add3A_607 : i32
        %get3A_609 = arith.index_cast %add3A_608 : i32 to index
        %get3A_610 = arith.constant 16 : index
        %get3A_611 = tpu.vector_load %arg12[%get3A_609, %get3A_610] {strides = array<i32>} : memref<128x64xf32, #tpu.memory_space<vmem>>, vector<1x16xf32>,
        %get3A_612 = vector.shape_cast %get3A_611 : vector<1x16xf32> to vector<16xf32>
        %add3A_613 = arith.addf %add3A_585, %get3A_612 : vector<16xf32>
        %add3A_614 = arith.constant 7 : i32
        %add3A_615 = arith.addi %mul3A_403, %add3A_614 : i32
        %get3A_616 = arith.index_cast %add3A_615 : i32 to index
        %get3A_617 = arith.constant 32 : index
        %get3A_618 = tpu.vector_load %arg12[%get3A_616, %get3A_617] {strides = array<i32>} : memref<128x64xf32, #tpu.memory_space<vmem>>, vector<1x16xf32>,
        %get3A_619 = vector.shape_cast %get3A_618 : vector<1x16xf32> to vector<16xf32>
        %add3A_620 = arith.addf %add3A_592, %get3A_619 : vector<16xf32>
        %add3A_621 = arith.constant 7 : i32
        %add3A_622 = arith.addi %mul3A_403, %add3A_621 : i32
        %get3A_623 = arith.index_cast %add3A_622 : i32 to index
        %get3A_624 = arith.constant 48 : index
        %get3A_625 = tpu.vector_load %arg12[%get3A_623, %get3A_624] {strides = array<i32>} : memref<128x64xf32, #tpu.memory_space<vmem>>, vector<1x16xf32>,
        %get3A_626 = vector.shape_cast %get3A_625 : vector<1x16xf32> to vector<16xf32>
        %add3A_627 = arith.addf %add3A_599, %get3A_626 : vector<16xf32>
        scf.yield %add3A_606, %add3A_613, %add3A_620, %add3A_627 : vector<16xf32>, vector<16xf32>, vector<16xf32>, vector<16xf32>
      }
      %scan3A_315 = arith.constant 16 : i32
      %add3A_316 = arith.constant 4 : i32
      %add3A_317 = arith.addi %mul3A_207, %add3A_316 : i32
      %add3A_318 = arith.constant 8 : i32
      %add3A_319 = arith.addi %add3A_317, %add3A_318 : i32
      %le3A_320 = arith.constant 198 : i32
      %le3A_321 = arith.cmpi sle, %add3A_319, %le3A_320 : i32
      %convert_element_type3A_322 = arith.extui %le3A_321 : i1 to i32
      %cond3A_323 = arith.constant 0 : i32
      %cond3A_324 = arith.cmpi ne, %convert_element_type3A_322, %cond3A_323 : i32
      scf.if %cond3A_324 {
        %add3A_397 = arith.constant 4 : i32
        %add3A_398 = arith.addi %mul3A_207, %add3A_397 : i32
        %add3A_399 = arith.constant 8 : i32
        %add3A_400 = arith.addi %add3A_398, %add3A_399 : i32
        %mul3A_401 = arith.constant 128 : i32
        %mul3A_402 = arith.muli %add3A_400, %mul3A_401 : i32
        %multiple_of3A_403 = tpu.assume_multiple %mul3A_402, 8 : i32
        %dma_start3A_404 = tpu.memref_slice %arg6[%multiple_of3A_403] : memref<25472xi32, #tpu.memory_space<vmem>> -> memref<128xi32, #tpu.memory_space<vmem>>
        %dma_start3A_405 = arith.constant 0 : i32
        %dma_start3A_406 = arith.constant 0 : i32
        %dma_start3A_407 = tpu.memref_slice %arg3[%dma_start3A_405, %dma_start3A_406] : memref<1000000x64xf32, #tpu.memory_space<hbm>> -> memref<1000000x64xf32, #tpu.memory_space<hbm>>
        tpu.enqueue_indirect_dma source(%dma_start3A_407 : memref<1000000x64xf32, #tpu.memory_space<hbm>>) target(%arg12 : memref<128x64xf32, #tpu.memory_space<vmem>>) offsets(%dma_start3A_404 : memref<128xi32, #tpu.memory_space<vmem>>) semaphore(%arg21 : memref<!tpu.dma_semaphore, #tpu.memory_space<semaphore_mem>>)
      } else {
      }
      %add3A_325 = arith.constant 5 : i32
      %add3A_326 = arith.addi %mul3A_207, %add3A_325 : i32
      %mul3A_327 = arith.constant 128 : i32
      %mul3A_328 = arith.muli %add3A_326, %mul3A_327 : i32
      %multiple_of3A_329 = tpu.assume_multiple %mul3A_328, 8 : i32
      %dma_wait3A_330 = tpu.memref_slice %arg6[%multiple_of3A_329] : memref<25472xi32, #tpu.memory_space<vmem>> -> memref<128xi32, #tpu.memory_space<vmem>>
      %dma_wait3A_331 = arith.constant 0 : i32
      %dma_wait3A_332 = arith.constant 0 : i32
      %dma_wait3A_333 = tpu.memref_slice %arg3[%dma_wait3A_331, %dma_wait3A_332] : memref<1000000x64xf32, #tpu.memory_space<hbm>> -> memref<1000000x64xf32, #tpu.memory_space<hbm>>
      tpu.wait_indirect_dma semaphore(%arg22 : memref<!tpu.dma_semaphore, #tpu.memory_space<semaphore_mem>>) src(%dma_wait3A_333 : memref<1000000x64xf32, #tpu.memory_space<hbm>>) dst(%arg13 : memref<128x64xf32, #tpu.memory_space<vmem>>)
      %scan3A_334 = arith.constant 0 : i32
      %scan3A_335 = arith.constant 16 : i32
      %scan3A_336 = arith.addi %scan3A_334, %scan3A_335 : i32
      %scan3A_337 = arith.constant 1 : i32
      %scan3A_338:4 = scf.for %scan3A_397 = %scan3A_334 to %scan3A_336 step %scan3A_337 iter_args(%scan3A_398 = %scan3A_314#0, %scan3A_399 = %scan3A_314#1, %scan3A_400 = %scan3A_314#2, %scan3A_401 = %scan3A_314#3) -> (vector<16xf32>, vector<16xf32>, vector<16xf32>, vector<16xf32>)  : i32 {
        %mul3A_402 = arith.constant 8 : i32
        %mul3A_403 = arith.muli %scan3A_397, %mul3A_402 : i32
        %add3A_404 = arith.constant 0 : i32
        %add3A_405 = arith.addi %mul3A_403, %add3A_404 : i32
        %get3A_406 = arith.index_cast %add3A_405 : i32 to index
        %get3A_407 = arith.constant 0 : index
        %get3A_408 = tpu.vector_load %arg13[%get3A_406, %get3A_407] {strides = array<i32>} : memref<128x64xf32, #tpu.memory_space<vmem>>, vector<1x16xf32>,
        %get3A_409 = vector.shape_cast %get3A_408 : vector<1x16xf32> to vector<16xf32>
        %add3A_410 = arith.addf %scan3A_398, %get3A_409 : vector<16xf32>
        %add3A_411 = arith.constant 0 : i32
        %add3A_412 = arith.addi %mul3A_403, %add3A_411 : i32
        %get3A_413 = arith.index_cast %add3A_412 : i32 to index
        %get3A_414 = arith.constant 16 : index
        %get3A_415 = tpu.vector_load %arg13[%get3A_413, %get3A_414] {strides = array<i32>} : memref<128x64xf32, #tpu.memory_space<vmem>>, vector<1x16xf32>,
        %get3A_416 = vector.shape_cast %get3A_415 : vector<1x16xf32> to vector<16xf32>
        %add3A_417 = arith.addf %scan3A_399, %get3A_416 : vector<16xf32>
        %add3A_418 = arith.constant 0 : i32
        %add3A_419 = arith.addi %mul3A_403, %add3A_418 : i32
        %get3A_420 = arith.index_cast %add3A_419 : i32 to index
        %get3A_421 = arith.constant 32 : index
        %get3A_422 = tpu.vector_load %arg13[%get3A_420, %get3A_421] {strides = array<i32>} : memref<128x64xf32, #tpu.memory_space<vmem>>, vector<1x16xf32>,
        %get3A_423 = vector.shape_cast %get3A_422 : vector<1x16xf32> to vector<16xf32>
        %add3A_424 = arith.addf %scan3A_400, %get3A_423 : vector<16xf32>
        %add3A_425 = arith.constant 0 : i32
        %add3A_426 = arith.addi %mul3A_403, %add3A_425 : i32
        %get3A_427 = arith.index_cast %add3A_426 : i32 to index
        %get3A_428 = arith.constant 48 : index
        %get3A_429 = tpu.vector_load %arg13[%get3A_427, %get3A_428] {strides = array<i32>} : memref<128x64xf32, #tpu.memory_space<vmem>>, vector<1x16xf32>,
        %get3A_430 = vector.shape_cast %get3A_429 : vector<1x16xf32> to vector<16xf32>
        %add3A_431 = arith.addf %scan3A_401, %get3A_430 : vector<16xf32>
        %add3A_432 = arith.constant 1 : i32
        %add3A_433 = arith.addi %mul3A_403, %add3A_432 : i32
        %get3A_434 = arith.index_cast %add3A_433 : i32 to index
        %get3A_435 = arith.constant 0 : index
        %get3A_436 = tpu.vector_load %arg13[%get3A_434, %get3A_435] {strides = array<i32>} : memref<128x64xf32, #tpu.memory_space<vmem>>, vector<1x16xf32>,
        %get3A_437 = vector.shape_cast %get3A_436 : vector<1x16xf32> to vector<16xf32>
        %add3A_438 = arith.addf %add3A_410, %get3A_437 : vector<16xf32>
        %add3A_439 = arith.constant 1 : i32
        %add3A_440 = arith.addi %mul3A_403, %add3A_439 : i32
        %get3A_441 = arith.index_cast %add3A_440 : i32 to index
        %get3A_442 = arith.constant 16 : index
        %get3A_443 = tpu.vector_load %arg13[%get3A_441, %get3A_442] {strides = array<i32>} : memref<128x64xf32, #tpu.memory_space<vmem>>, vector<1x16xf32>,
        %get3A_444 = vector.shape_cast %get3A_443 : vector<1x16xf32> to vector<16xf32>
        %add3A_445 = arith.addf %add3A_417, %get3A_444 : vector<16xf32>
        %add3A_446 = arith.constant 1 : i32
        %add3A_447 = arith.addi %mul3A_403, %add3A_446 : i32
        %get3A_448 = arith.index_cast %add3A_447 : i32 to index
        %get3A_449 = arith.constant 32 : index
        %get3A_450 = tpu.vector_load %arg13[%get3A_448, %get3A_449] {strides = array<i32>} : memref<128x64xf32, #tpu.memory_space<vmem>>, vector<1x16xf32>,
        %get3A_451 = vector.shape_cast %get3A_450 : vector<1x16xf32> to vector<16xf32>
        %add3A_452 = arith.addf %add3A_424, %get3A_451 : vector<16xf32>
        %add3A_453 = arith.constant 1 : i32
        %add3A_454 = arith.addi %mul3A_403, %add3A_453 : i32
        %get3A_455 = arith.index_cast %add3A_454 : i32 to index
        %get3A_456 = arith.constant 48 : index
        %get3A_457 = tpu.vector_load %arg13[%get3A_455, %get3A_456] {strides = array<i32>} : memref<128x64xf32, #tpu.memory_space<vmem>>, vector<1x16xf32>,
        %get3A_458 = vector.shape_cast %get3A_457 : vector<1x16xf32> to vector<16xf32>
        %add3A_459 = arith.addf %add3A_431, %get3A_458 : vector<16xf32>
        %add3A_460 = arith.constant 2 : i32
        %add3A_461 = arith.addi %mul3A_403, %add3A_460 : i32
        %get3A_462 = arith.index_cast %add3A_461 : i32 to index
        %get3A_463 = arith.constant 0 : index
        %get3A_464 = tpu.vector_load %arg13[%get3A_462, %get3A_463] {strides = array<i32>} : memref<128x64xf32, #tpu.memory_space<vmem>>, vector<1x16xf32>,
        %get3A_465 = vector.shape_cast %get3A_464 : vector<1x16xf32> to vector<16xf32>
        %add3A_466 = arith.addf %add3A_438, %get3A_465 : vector<16xf32>
        %add3A_467 = arith.constant 2 : i32
        %add3A_468 = arith.addi %mul3A_403, %add3A_467 : i32
        %get3A_469 = arith.index_cast %add3A_468 : i32 to index
        %get3A_470 = arith.constant 16 : index
        %get3A_471 = tpu.vector_load %arg13[%get3A_469, %get3A_470] {strides = array<i32>} : memref<128x64xf32, #tpu.memory_space<vmem>>, vector<1x16xf32>,
        %get3A_472 = vector.shape_cast %get3A_471 : vector<1x16xf32> to vector<16xf32>
        %add3A_473 = arith.addf %add3A_445, %get3A_472 : vector<16xf32>
        %add3A_474 = arith.constant 2 : i32
        %add3A_475 = arith.addi %mul3A_403, %add3A_474 : i32
        %get3A_476 = arith.index_cast %add3A_475 : i32 to index
        %get3A_477 = arith.constant 32 : index
        %get3A_478 = tpu.vector_load %arg13[%get3A_476, %get3A_477] {strides = array<i32>} : memref<128x64xf32, #tpu.memory_space<vmem>>, vector<1x16xf32>,
        %get3A_479 = vector.shape_cast %get3A_478 : vector<1x16xf32> to vector<16xf32>
        %add3A_480 = arith.addf %add3A_452, %get3A_479 : vector<16xf32>
        %add3A_481 = arith.constant 2 : i32
        %add3A_482 = arith.addi %mul3A_403, %add3A_481 : i32
        %get3A_483 = arith.index_cast %add3A_482 : i32 to index
        %get3A_484 = arith.constant 48 : index
        %get3A_485 = tpu.vector_load %arg13[%get3A_483, %get3A_484] {strides = array<i32>} : memref<128x64xf32, #tpu.memory_space<vmem>>, vector<1x16xf32>,
        %get3A_486 = vector.shape_cast %get3A_485 : vector<1x16xf32> to vector<16xf32>
        %add3A_487 = arith.addf %add3A_459, %get3A_486 : vector<16xf32>
        %add3A_488 = arith.constant 3 : i32
        %add3A_489 = arith.addi %mul3A_403, %add3A_488 : i32
        %get3A_490 = arith.index_cast %add3A_489 : i32 to index
        %get3A_491 = arith.constant 0 : index
        %get3A_492 = tpu.vector_load %arg13[%get3A_490, %get3A_491] {strides = array<i32>} : memref<128x64xf32, #tpu.memory_space<vmem>>, vector<1x16xf32>,
        %get3A_493 = vector.shape_cast %get3A_492 : vector<1x16xf32> to vector<16xf32>
        %add3A_494 = arith.addf %add3A_466, %get3A_493 : vector<16xf32>
        %add3A_495 = arith.constant 3 : i32
        %add3A_496 = arith.addi %mul3A_403, %add3A_495 : i32
        %get3A_497 = arith.index_cast %add3A_496 : i32 to index
        %get3A_498 = arith.constant 16 : index
        %get3A_499 = tpu.vector_load %arg13[%get3A_497, %get3A_498] {strides = array<i32>} : memref<128x64xf32, #tpu.memory_space<vmem>>, vector<1x16xf32>,
        %get3A_500 = vector.shape_cast %get3A_499 : vector<1x16xf32> to vector<16xf32>
        %add3A_501 = arith.addf %add3A_473, %get3A_500 : vector<16xf32>
        %add3A_502 = arith.constant 3 : i32
        %add3A_503 = arith.addi %mul3A_403, %add3A_502 : i32
        %get3A_504 = arith.index_cast %add3A_503 : i32 to index
        %get3A_505 = arith.constant 32 : index
        %get3A_506 = tpu.vector_load %arg13[%get3A_504, %get3A_505] {strides = array<i32>} : memref<128x64xf32, #tpu.memory_space<vmem>>, vector<1x16xf32>,
        %get3A_507 = vector.shape_cast %get3A_506 : vector<1x16xf32> to vector<16xf32>
        %add3A_508 = arith.addf %add3A_480, %get3A_507 : vector<16xf32>
        %add3A_509 = arith.constant 3 : i32
        %add3A_510 = arith.addi %mul3A_403, %add3A_509 : i32
        %get3A_511 = arith.index_cast %add3A_510 : i32 to index
        %get3A_512 = arith.constant 48 : index
        %get3A_513 = tpu.vector_load %arg13[%get3A_511, %get3A_512] {strides = array<i32>} : memref<128x64xf32, #tpu.memory_space<vmem>>, vector<1x16xf32>,
        %get3A_514 = vector.shape_cast %get3A_513 : vector<1x16xf32> to vector<16xf32>
        %add3A_515 = arith.addf %add3A_487, %get3A_514 : vector<16xf32>
        %add3A_516 = arith.constant 4 : i32
        %add3A_517 = arith.addi %mul3A_403, %add3A_516 : i32
        %get3A_518 = arith.index_cast %add3A_517 : i32 to index
        %get3A_519 = arith.constant 0 : index
        %get3A_520 = tpu.vector_load %arg13[%get3A_518, %get3A_519] {strides = array<i32>} : memref<128x64xf32, #tpu.memory_space<vmem>>, vector<1x16xf32>,
        %get3A_521 = vector.shape_cast %get3A_520 : vector<1x16xf32> to vector<16xf32>
        %add3A_522 = arith.addf %add3A_494, %get3A_521 : vector<16xf32>
        %add3A_523 = arith.constant 4 : i32
        %add3A_524 = arith.addi %mul3A_403, %add3A_523 : i32
        %get3A_525 = arith.index_cast %add3A_524 : i32 to index
        %get3A_526 = arith.constant 16 : index
        %get3A_527 = tpu.vector_load %arg13[%get3A_525, %get3A_526] {strides = array<i32>} : memref<128x64xf32, #tpu.memory_space<vmem>>, vector<1x16xf32>,
        %get3A_528 = vector.shape_cast %get3A_527 : vector<1x16xf32> to vector<16xf32>
        %add3A_529 = arith.addf %add3A_501, %get3A_528 : vector<16xf32>
        %add3A_530 = arith.constant 4 : i32
        %add3A_531 = arith.addi %mul3A_403, %add3A_530 : i32
        %get3A_532 = arith.index_cast %add3A_531 : i32 to index
        %get3A_533 = arith.constant 32 : index
        %get3A_534 = tpu.vector_load %arg13[%get3A_532, %get3A_533] {strides = array<i32>} : memref<128x64xf32, #tpu.memory_space<vmem>>, vector<1x16xf32>,
        %get3A_535 = vector.shape_cast %get3A_534 : vector<1x16xf32> to vector<16xf32>
        %add3A_536 = arith.addf %add3A_508, %get3A_535 : vector<16xf32>
        %add3A_537 = arith.constant 4 : i32
        %add3A_538 = arith.addi %mul3A_403, %add3A_537 : i32
        %get3A_539 = arith.index_cast %add3A_538 : i32 to index
        %get3A_540 = arith.constant 48 : index
        %get3A_541 = tpu.vector_load %arg13[%get3A_539, %get3A_540] {strides = array<i32>} : memref<128x64xf32, #tpu.memory_space<vmem>>, vector<1x16xf32>,
        %get3A_542 = vector.shape_cast %get3A_541 : vector<1x16xf32> to vector<16xf32>
        %add3A_543 = arith.addf %add3A_515, %get3A_542 : vector<16xf32>
        %add3A_544 = arith.constant 5 : i32
        %add3A_545 = arith.addi %mul3A_403, %add3A_544 : i32
        %get3A_546 = arith.index_cast %add3A_545 : i32 to index
        %get3A_547 = arith.constant 0 : index
        %get3A_548 = tpu.vector_load %arg13[%get3A_546, %get3A_547] {strides = array<i32>} : memref<128x64xf32, #tpu.memory_space<vmem>>, vector<1x16xf32>,
        %get3A_549 = vector.shape_cast %get3A_548 : vector<1x16xf32> to vector<16xf32>
        %add3A_550 = arith.addf %add3A_522, %get3A_549 : vector<16xf32>
        %add3A_551 = arith.constant 5 : i32
        %add3A_552 = arith.addi %mul3A_403, %add3A_551 : i32
        %get3A_553 = arith.index_cast %add3A_552 : i32 to index
        %get3A_554 = arith.constant 16 : index
        %get3A_555 = tpu.vector_load %arg13[%get3A_553, %get3A_554] {strides = array<i32>} : memref<128x64xf32, #tpu.memory_space<vmem>>, vector<1x16xf32>,
        %get3A_556 = vector.shape_cast %get3A_555 : vector<1x16xf32> to vector<16xf32>
        %add3A_557 = arith.addf %add3A_529, %get3A_556 : vector<16xf32>
        %add3A_558 = arith.constant 5 : i32
        %add3A_559 = arith.addi %mul3A_403, %add3A_558 : i32
        %get3A_560 = arith.index_cast %add3A_559 : i32 to index
        %get3A_561 = arith.constant 32 : index
        %get3A_562 = tpu.vector_load %arg13[%get3A_560, %get3A_561] {strides = array<i32>} : memref<128x64xf32, #tpu.memory_space<vmem>>, vector<1x16xf32>,
        %get3A_563 = vector.shape_cast %get3A_562 : vector<1x16xf32> to vector<16xf32>
        %add3A_564 = arith.addf %add3A_536, %get3A_563 : vector<16xf32>
        %add3A_565 = arith.constant 5 : i32
        %add3A_566 = arith.addi %mul3A_403, %add3A_565 : i32
        %get3A_567 = arith.index_cast %add3A_566 : i32 to index
        %get3A_568 = arith.constant 48 : index
        %get3A_569 = tpu.vector_load %arg13[%get3A_567, %get3A_568] {strides = array<i32>} : memref<128x64xf32, #tpu.memory_space<vmem>>, vector<1x16xf32>,
        %get3A_570 = vector.shape_cast %get3A_569 : vector<1x16xf32> to vector<16xf32>
        %add3A_571 = arith.addf %add3A_543, %get3A_570 : vector<16xf32>
        %add3A_572 = arith.constant 6 : i32
        %add3A_573 = arith.addi %mul3A_403, %add3A_572 : i32
        %get3A_574 = arith.index_cast %add3A_573 : i32 to index
        %get3A_575 = arith.constant 0 : index
        %get3A_576 = tpu.vector_load %arg13[%get3A_574, %get3A_575] {strides = array<i32>} : memref<128x64xf32, #tpu.memory_space<vmem>>, vector<1x16xf32>,
        %get3A_577 = vector.shape_cast %get3A_576 : vector<1x16xf32> to vector<16xf32>
        %add3A_578 = arith.addf %add3A_550, %get3A_577 : vector<16xf32>
        %add3A_579 = arith.constant 6 : i32
        %add3A_580 = arith.addi %mul3A_403, %add3A_579 : i32
        %get3A_581 = arith.index_cast %add3A_580 : i32 to index
        %get3A_582 = arith.constant 16 : index
        %get3A_583 = tpu.vector_load %arg13[%get3A_581, %get3A_582] {strides = array<i32>} : memref<128x64xf32, #tpu.memory_space<vmem>>, vector<1x16xf32>,
        %get3A_584 = vector.shape_cast %get3A_583 : vector<1x16xf32> to vector<16xf32>
        %add3A_585 = arith.addf %add3A_557, %get3A_584 : vector<16xf32>
        %add3A_586 = arith.constant 6 : i32
        %add3A_587 = arith.addi %mul3A_403, %add3A_586 : i32
        %get3A_588 = arith.index_cast %add3A_587 : i32 to index
        %get3A_589 = arith.constant 32 : index
        %get3A_590 = tpu.vector_load %arg13[%get3A_588, %get3A_589] {strides = array<i32>} : memref<128x64xf32, #tpu.memory_space<vmem>>, vector<1x16xf32>,
        %get3A_591 = vector.shape_cast %get3A_590 : vector<1x16xf32> to vector<16xf32>
        %add3A_592 = arith.addf %add3A_564, %get3A_591 : vector<16xf32>
        %add3A_593 = arith.constant 6 : i32
        %add3A_594 = arith.addi %mul3A_403, %add3A_593 : i32
        %get3A_595 = arith.index_cast %add3A_594 : i32 to index
        %get3A_596 = arith.constant 48 : index
        %get3A_597 = tpu.vector_load %arg13[%get3A_595, %get3A_596] {strides = array<i32>} : memref<128x64xf32, #tpu.memory_space<vmem>>, vector<1x16xf32>,
        %get3A_598 = vector.shape_cast %get3A_597 : vector<1x16xf32> to vector<16xf32>
        %add3A_599 = arith.addf %add3A_571, %get3A_598 : vector<16xf32>
        %add3A_600 = arith.constant 7 : i32
        %add3A_601 = arith.addi %mul3A_403, %add3A_600 : i32
        %get3A_602 = arith.index_cast %add3A_601 : i32 to index
        %get3A_603 = arith.constant 0 : index
        %get3A_604 = tpu.vector_load %arg13[%get3A_602, %get3A_603] {strides = array<i32>} : memref<128x64xf32, #tpu.memory_space<vmem>>, vector<1x16xf32>,
        %get3A_605 = vector.shape_cast %get3A_604 : vector<1x16xf32> to vector<16xf32>
        %add3A_606 = arith.addf %add3A_578, %get3A_605 : vector<16xf32>
        %add3A_607 = arith.constant 7 : i32
        %add3A_608 = arith.addi %mul3A_403, %add3A_607 : i32
        %get3A_609 = arith.index_cast %add3A_608 : i32 to index
        %get3A_610 = arith.constant 16 : index
        %get3A_611 = tpu.vector_load %arg13[%get3A_609, %get3A_610] {strides = array<i32>} : memref<128x64xf32, #tpu.memory_space<vmem>>, vector<1x16xf32>,
        %get3A_612 = vector.shape_cast %get3A_611 : vector<1x16xf32> to vector<16xf32>
        %add3A_613 = arith.addf %add3A_585, %get3A_612 : vector<16xf32>
        %add3A_614 = arith.constant 7 : i32
        %add3A_615 = arith.addi %mul3A_403, %add3A_614 : i32
        %get3A_616 = arith.index_cast %add3A_615 : i32 to index
        %get3A_617 = arith.constant 32 : index
        %get3A_618 = tpu.vector_load %arg13[%get3A_616, %get3A_617] {strides = array<i32>} : memref<128x64xf32, #tpu.memory_space<vmem>>, vector<1x16xf32>,
        %get3A_619 = vector.shape_cast %get3A_618 : vector<1x16xf32> to vector<16xf32>
        %add3A_620 = arith.addf %add3A_592, %get3A_619 : vector<16xf32>
        %add3A_621 = arith.constant 7 : i32
        %add3A_622 = arith.addi %mul3A_403, %add3A_621 : i32
        %get3A_623 = arith.index_cast %add3A_622 : i32 to index
        %get3A_624 = arith.constant 48 : index
        %get3A_625 = tpu.vector_load %arg13[%get3A_623, %get3A_624] {strides = array<i32>} : memref<128x64xf32, #tpu.memory_space<vmem>>, vector<1x16xf32>,
        %get3A_626 = vector.shape_cast %get3A_625 : vector<1x16xf32> to vector<16xf32>
        %add3A_627 = arith.addf %add3A_599, %get3A_626 : vector<16xf32>
        scf.yield %add3A_606, %add3A_613, %add3A_620, %add3A_627 : vector<16xf32>, vector<16xf32>, vector<16xf32>, vector<16xf32>
      }
      %scan3A_339 = arith.constant 16 : i32
      %add3A_340 = arith.constant 5 : i32
      %add3A_341 = arith.addi %mul3A_207, %add3A_340 : i32
      %add3A_342 = arith.constant 8 : i32
      %add3A_343 = arith.addi %add3A_341, %add3A_342 : i32
      %le3A_344 = arith.constant 198 : i32
      %le3A_345 = arith.cmpi sle, %add3A_343, %le3A_344 : i32
      %convert_element_type3A_346 = arith.extui %le3A_345 : i1 to i32
      %cond3A_347 = arith.constant 0 : i32
      %cond3A_348 = arith.cmpi ne, %convert_element_type3A_346, %cond3A_347 : i32
      scf.if %cond3A_348 {
        %add3A_397 = arith.constant 5 : i32
        %add3A_398 = arith.addi %mul3A_207, %add3A_397 : i32
        %add3A_399 = arith.constant 8 : i32
        %add3A_400 = arith.addi %add3A_398, %add3A_399 : i32
        %mul3A_401 = arith.constant 128 : i32
        %mul3A_402 = arith.muli %add3A_400, %mul3A_401 : i32
        %multiple_of3A_403 = tpu.assume_multiple %mul3A_402, 8 : i32
        %dma_start3A_404 = tpu.memref_slice %arg6[%multiple_of3A_403] : memref<25472xi32, #tpu.memory_space<vmem>> -> memref<128xi32, #tpu.memory_space<vmem>>
        %dma_start3A_405 = arith.constant 0 : i32
        %dma_start3A_406 = arith.constant 0 : i32
        %dma_start3A_407 = tpu.memref_slice %arg3[%dma_start3A_405, %dma_start3A_406] : memref<1000000x64xf32, #tpu.memory_space<hbm>> -> memref<1000000x64xf32, #tpu.memory_space<hbm>>
        tpu.enqueue_indirect_dma source(%dma_start3A_407 : memref<1000000x64xf32, #tpu.memory_space<hbm>>) target(%arg13 : memref<128x64xf32, #tpu.memory_space<vmem>>) offsets(%dma_start3A_404 : memref<128xi32, #tpu.memory_space<vmem>>) semaphore(%arg22 : memref<!tpu.dma_semaphore, #tpu.memory_space<semaphore_mem>>)
      } else {
      }
      %add3A_349 = arith.constant 6 : i32
      %add3A_350 = arith.addi %mul3A_207, %add3A_349 : i32
      %mul3A_351 = arith.constant 128 : i32
      %mul3A_352 = arith.muli %add3A_350, %mul3A_351 : i32
      %multiple_of3A_353 = tpu.assume_multiple %mul3A_352, 8 : i32
      %dma_wait3A_354 = tpu.memref_slice %arg6[%multiple_of3A_353] : memref<25472xi32, #tpu.memory_space<vmem>> -> memref<128xi32, #tpu.memory_space<vmem>>
      %dma_wait3A_355 = arith.constant 0 : i32
      %dma_wait3A_356 = arith.constant 0 : i32
      %dma_wait3A_357 = tpu.memref_slice %arg3[%dma_wait3A_355, %dma_wait3A_356] : memref<1000000x64xf32, #tpu.memory_space<hbm>> -> memref<1000000x64xf32, #tpu.memory_space<hbm>>
      tpu.wait_indirect_dma semaphore(%arg23 : memref<!tpu.dma_semaphore, #tpu.memory_space<semaphore_mem>>) src(%dma_wait3A_357 : memref<1000000x64xf32, #tpu.memory_space<hbm>>) dst(%arg14 : memref<128x64xf32, #tpu.memory_space<vmem>>)
      %scan3A_358 = arith.constant 0 : i32
      %scan3A_359 = arith.constant 16 : i32
      %scan3A_360 = arith.addi %scan3A_358, %scan3A_359 : i32
      %scan3A_361 = arith.constant 1 : i32
      %scan3A_362:4 = scf.for %scan3A_397 = %scan3A_358 to %scan3A_360 step %scan3A_361 iter_args(%scan3A_398 = %scan3A_338#0, %scan3A_399 = %scan3A_338#1, %scan3A_400 = %scan3A_338#2, %scan3A_401 = %scan3A_338#3) -> (vector<16xf32>, vector<16xf32>, vector<16xf32>, vector<16xf32>)  : i32 {
        %mul3A_402 = arith.constant 8 : i32
        %mul3A_403 = arith.muli %scan3A_397, %mul3A_402 : i32
        %add3A_404 = arith.constant 0 : i32
        %add3A_405 = arith.addi %mul3A_403, %add3A_404 : i32
        %get3A_406 = arith.index_cast %add3A_405 : i32 to index
        %get3A_407 = arith.constant 0 : index
        %get3A_408 = tpu.vector_load %arg14[%get3A_406, %get3A_407] {strides = array<i32>} : memref<128x64xf32, #tpu.memory_space<vmem>>, vector<1x16xf32>,
        %get3A_409 = vector.shape_cast %get3A_408 : vector<1x16xf32> to vector<16xf32>
        %add3A_410 = arith.addf %scan3A_398, %get3A_409 : vector<16xf32>
        %add3A_411 = arith.constant 0 : i32
        %add3A_412 = arith.addi %mul3A_403, %add3A_411 : i32
        %get3A_413 = arith.index_cast %add3A_412 : i32 to index
        %get3A_414 = arith.constant 16 : index
        %get3A_415 = tpu.vector_load %arg14[%get3A_413, %get3A_414] {strides = array<i32>} : memref<128x64xf32, #tpu.memory_space<vmem>>, vector<1x16xf32>,
        %get3A_416 = vector.shape_cast %get3A_415 : vector<1x16xf32> to vector<16xf32>
        %add3A_417 = arith.addf %scan3A_399, %get3A_416 : vector<16xf32>
        %add3A_418 = arith.constant 0 : i32
        %add3A_419 = arith.addi %mul3A_403, %add3A_418 : i32
        %get3A_420 = arith.index_cast %add3A_419 : i32 to index
        %get3A_421 = arith.constant 32 : index
        %get3A_422 = tpu.vector_load %arg14[%get3A_420, %get3A_421] {strides = array<i32>} : memref<128x64xf32, #tpu.memory_space<vmem>>, vector<1x16xf32>,
        %get3A_423 = vector.shape_cast %get3A_422 : vector<1x16xf32> to vector<16xf32>
        %add3A_424 = arith.addf %scan3A_400, %get3A_423 : vector<16xf32>
        %add3A_425 = arith.constant 0 : i32
        %add3A_426 = arith.addi %mul3A_403, %add3A_425 : i32
        %get3A_427 = arith.index_cast %add3A_426 : i32 to index
        %get3A_428 = arith.constant 48 : index
        %get3A_429 = tpu.vector_load %arg14[%get3A_427, %get3A_428] {strides = array<i32>} : memref<128x64xf32, #tpu.memory_space<vmem>>, vector<1x16xf32>,
        %get3A_430 = vector.shape_cast %get3A_429 : vector<1x16xf32> to vector<16xf32>
        %add3A_431 = arith.addf %scan3A_401, %get3A_430 : vector<16xf32>
        %add3A_432 = arith.constant 1 : i32
        %add3A_433 = arith.addi %mul3A_403, %add3A_432 : i32
        %get3A_434 = arith.index_cast %add3A_433 : i32 to index
        %get3A_435 = arith.constant 0 : index
        %get3A_436 = tpu.vector_load %arg14[%get3A_434, %get3A_435] {strides = array<i32>} : memref<128x64xf32, #tpu.memory_space<vmem>>, vector<1x16xf32>,
        %get3A_437 = vector.shape_cast %get3A_436 : vector<1x16xf32> to vector<16xf32>
        %add3A_438 = arith.addf %add3A_410, %get3A_437 : vector<16xf32>
        %add3A_439 = arith.constant 1 : i32
        %add3A_440 = arith.addi %mul3A_403, %add3A_439 : i32
        %get3A_441 = arith.index_cast %add3A_440 : i32 to index
        %get3A_442 = arith.constant 16 : index
        %get3A_443 = tpu.vector_load %arg14[%get3A_441, %get3A_442] {strides = array<i32>} : memref<128x64xf32, #tpu.memory_space<vmem>>, vector<1x16xf32>,
        %get3A_444 = vector.shape_cast %get3A_443 : vector<1x16xf32> to vector<16xf32>
        %add3A_445 = arith.addf %add3A_417, %get3A_444 : vector<16xf32>
        %add3A_446 = arith.constant 1 : i32
        %add3A_447 = arith.addi %mul3A_403, %add3A_446 : i32
        %get3A_448 = arith.index_cast %add3A_447 : i32 to index
        %get3A_449 = arith.constant 32 : index
        %get3A_450 = tpu.vector_load %arg14[%get3A_448, %get3A_449] {strides = array<i32>} : memref<128x64xf32, #tpu.memory_space<vmem>>, vector<1x16xf32>,
        %get3A_451 = vector.shape_cast %get3A_450 : vector<1x16xf32> to vector<16xf32>
        %add3A_452 = arith.addf %add3A_424, %get3A_451 : vector<16xf32>
        %add3A_453 = arith.constant 1 : i32
        %add3A_454 = arith.addi %mul3A_403, %add3A_453 : i32
        %get3A_455 = arith.index_cast %add3A_454 : i32 to index
        %get3A_456 = arith.constant 48 : index
        %get3A_457 = tpu.vector_load %arg14[%get3A_455, %get3A_456] {strides = array<i32>} : memref<128x64xf32, #tpu.memory_space<vmem>>, vector<1x16xf32>,
        %get3A_458 = vector.shape_cast %get3A_457 : vector<1x16xf32> to vector<16xf32>
        %add3A_459 = arith.addf %add3A_431, %get3A_458 : vector<16xf32>
        %add3A_460 = arith.constant 2 : i32
        %add3A_461 = arith.addi %mul3A_403, %add3A_460 : i32
        %get3A_462 = arith.index_cast %add3A_461 : i32 to index
        %get3A_463 = arith.constant 0 : index
        %get3A_464 = tpu.vector_load %arg14[%get3A_462, %get3A_463] {strides = array<i32>} : memref<128x64xf32, #tpu.memory_space<vmem>>, vector<1x16xf32>,
        %get3A_465 = vector.shape_cast %get3A_464 : vector<1x16xf32> to vector<16xf32>
        %add3A_466 = arith.addf %add3A_438, %get3A_465 : vector<16xf32>
        %add3A_467 = arith.constant 2 : i32
        %add3A_468 = arith.addi %mul3A_403, %add3A_467 : i32
        %get3A_469 = arith.index_cast %add3A_468 : i32 to index
        %get3A_470 = arith.constant 16 : index
        %get3A_471 = tpu.vector_load %arg14[%get3A_469, %get3A_470] {strides = array<i32>} : memref<128x64xf32, #tpu.memory_space<vmem>>, vector<1x16xf32>,
        %get3A_472 = vector.shape_cast %get3A_471 : vector<1x16xf32> to vector<16xf32>
        %add3A_473 = arith.addf %add3A_445, %get3A_472 : vector<16xf32>
        %add3A_474 = arith.constant 2 : i32
        %add3A_475 = arith.addi %mul3A_403, %add3A_474 : i32
        %get3A_476 = arith.index_cast %add3A_475 : i32 to index
        %get3A_477 = arith.constant 32 : index
        %get3A_478 = tpu.vector_load %arg14[%get3A_476, %get3A_477] {strides = array<i32>} : memref<128x64xf32, #tpu.memory_space<vmem>>, vector<1x16xf32>,
        %get3A_479 = vector.shape_cast %get3A_478 : vector<1x16xf32> to vector<16xf32>
        %add3A_480 = arith.addf %add3A_452, %get3A_479 : vector<16xf32>
        %add3A_481 = arith.constant 2 : i32
        %add3A_482 = arith.addi %mul3A_403, %add3A_481 : i32
        %get3A_483 = arith.index_cast %add3A_482 : i32 to index
        %get3A_484 = arith.constant 48 : index
        %get3A_485 = tpu.vector_load %arg14[%get3A_483, %get3A_484] {strides = array<i32>} : memref<128x64xf32, #tpu.memory_space<vmem>>, vector<1x16xf32>,
        %get3A_486 = vector.shape_cast %get3A_485 : vector<1x16xf32> to vector<16xf32>
        %add3A_487 = arith.addf %add3A_459, %get3A_486 : vector<16xf32>
        %add3A_488 = arith.constant 3 : i32
        %add3A_489 = arith.addi %mul3A_403, %add3A_488 : i32
        %get3A_490 = arith.index_cast %add3A_489 : i32 to index
        %get3A_491 = arith.constant 0 : index
        %get3A_492 = tpu.vector_load %arg14[%get3A_490, %get3A_491] {strides = array<i32>} : memref<128x64xf32, #tpu.memory_space<vmem>>, vector<1x16xf32>,
        %get3A_493 = vector.shape_cast %get3A_492 : vector<1x16xf32> to vector<16xf32>
        %add3A_494 = arith.addf %add3A_466, %get3A_493 : vector<16xf32>
        %add3A_495 = arith.constant 3 : i32
        %add3A_496 = arith.addi %mul3A_403, %add3A_495 : i32
        %get3A_497 = arith.index_cast %add3A_496 : i32 to index
        %get3A_498 = arith.constant 16 : index
        %get3A_499 = tpu.vector_load %arg14[%get3A_497, %get3A_498] {strides = array<i32>} : memref<128x64xf32, #tpu.memory_space<vmem>>, vector<1x16xf32>,
        %get3A_500 = vector.shape_cast %get3A_499 : vector<1x16xf32> to vector<16xf32>
        %add3A_501 = arith.addf %add3A_473, %get3A_500 : vector<16xf32>
        %add3A_502 = arith.constant 3 : i32
        %add3A_503 = arith.addi %mul3A_403, %add3A_502 : i32
        %get3A_504 = arith.index_cast %add3A_503 : i32 to index
        %get3A_505 = arith.constant 32 : index
        %get3A_506 = tpu.vector_load %arg14[%get3A_504, %get3A_505] {strides = array<i32>} : memref<128x64xf32, #tpu.memory_space<vmem>>, vector<1x16xf32>,
        %get3A_507 = vector.shape_cast %get3A_506 : vector<1x16xf32> to vector<16xf32>
        %add3A_508 = arith.addf %add3A_480, %get3A_507 : vector<16xf32>
        %add3A_509 = arith.constant 3 : i32
        %add3A_510 = arith.addi %mul3A_403, %add3A_509 : i32
        %get3A_511 = arith.index_cast %add3A_510 : i32 to index
        %get3A_512 = arith.constant 48 : index
        %get3A_513 = tpu.vector_load %arg14[%get3A_511, %get3A_512] {strides = array<i32>} : memref<128x64xf32, #tpu.memory_space<vmem>>, vector<1x16xf32>,
        %get3A_514 = vector.shape_cast %get3A_513 : vector<1x16xf32> to vector<16xf32>
        %add3A_515 = arith.addf %add3A_487, %get3A_514 : vector<16xf32>
        %add3A_516 = arith.constant 4 : i32
        %add3A_517 = arith.addi %mul3A_403, %add3A_516 : i32
        %get3A_518 = arith.index_cast %add3A_517 : i32 to index
        %get3A_519 = arith.constant 0 : index
        %get3A_520 = tpu.vector_load %arg14[%get3A_518, %get3A_519] {strides = array<i32>} : memref<128x64xf32, #tpu.memory_space<vmem>>, vector<1x16xf32>,
        %get3A_521 = vector.shape_cast %get3A_520 : vector<1x16xf32> to vector<16xf32>
        %add3A_522 = arith.addf %add3A_494, %get3A_521 : vector<16xf32>
        %add3A_523 = arith.constant 4 : i32
        %add3A_524 = arith.addi %mul3A_403, %add3A_523 : i32
        %get3A_525 = arith.index_cast %add3A_524 : i32 to index
        %get3A_526 = arith.constant 16 : index
        %get3A_527 = tpu.vector_load %arg14[%get3A_525, %get3A_526] {strides = array<i32>} : memref<128x64xf32, #tpu.memory_space<vmem>>, vector<1x16xf32>,
        %get3A_528 = vector.shape_cast %get3A_527 : vector<1x16xf32> to vector<16xf32>
        %add3A_529 = arith.addf %add3A_501, %get3A_528 : vector<16xf32>
        %add3A_530 = arith.constant 4 : i32
        %add3A_531 = arith.addi %mul3A_403, %add3A_530 : i32
        %get3A_532 = arith.index_cast %add3A_531 : i32 to index
        %get3A_533 = arith.constant 32 : index
        %get3A_534 = tpu.vector_load %arg14[%get3A_532, %get3A_533] {strides = array<i32>} : memref<128x64xf32, #tpu.memory_space<vmem>>, vector<1x16xf32>,
        %get3A_535 = vector.shape_cast %get3A_534 : vector<1x16xf32> to vector<16xf32>
        %add3A_536 = arith.addf %add3A_508, %get3A_535 : vector<16xf32>
        %add3A_537 = arith.constant 4 : i32
        %add3A_538 = arith.addi %mul3A_403, %add3A_537 : i32
        %get3A_539 = arith.index_cast %add3A_538 : i32 to index
        %get3A_540 = arith.constant 48 : index
        %get3A_541 = tpu.vector_load %arg14[%get3A_539, %get3A_540] {strides = array<i32>} : memref<128x64xf32, #tpu.memory_space<vmem>>, vector<1x16xf32>,
        %get3A_542 = vector.shape_cast %get3A_541 : vector<1x16xf32> to vector<16xf32>
        %add3A_543 = arith.addf %add3A_515, %get3A_542 : vector<16xf32>
        %add3A_544 = arith.constant 5 : i32
        %add3A_545 = arith.addi %mul3A_403, %add3A_544 : i32
        %get3A_546 = arith.index_cast %add3A_545 : i32 to index
        %get3A_547 = arith.constant 0 : index
        %get3A_548 = tpu.vector_load %arg14[%get3A_546, %get3A_547] {strides = array<i32>} : memref<128x64xf32, #tpu.memory_space<vmem>>, vector<1x16xf32>,
        %get3A_549 = vector.shape_cast %get3A_548 : vector<1x16xf32> to vector<16xf32>
        %add3A_550 = arith.addf %add3A_522, %get3A_549 : vector<16xf32>
        %add3A_551 = arith.constant 5 : i32
        %add3A_552 = arith.addi %mul3A_403, %add3A_551 : i32
        %get3A_553 = arith.index_cast %add3A_552 : i32 to index
        %get3A_554 = arith.constant 16 : index
        %get3A_555 = tpu.vector_load %arg14[%get3A_553, %get3A_554] {strides = array<i32>} : memref<128x64xf32, #tpu.memory_space<vmem>>, vector<1x16xf32>,
        %get3A_556 = vector.shape_cast %get3A_555 : vector<1x16xf32> to vector<16xf32>
        %add3A_557 = arith.addf %add3A_529, %get3A_556 : vector<16xf32>
        %add3A_558 = arith.constant 5 : i32
        %add3A_559 = arith.addi %mul3A_403, %add3A_558 : i32
        %get3A_560 = arith.index_cast %add3A_559 : i32 to index
        %get3A_561 = arith.constant 32 : index
        %get3A_562 = tpu.vector_load %arg14[%get3A_560, %get3A_561] {strides = array<i32>} : memref<128x64xf32, #tpu.memory_space<vmem>>, vector<1x16xf32>,
        %get3A_563 = vector.shape_cast %get3A_562 : vector<1x16xf32> to vector<16xf32>
        %add3A_564 = arith.addf %add3A_536, %get3A_563 : vector<16xf32>
        %add3A_565 = arith.constant 5 : i32
        %add3A_566 = arith.addi %mul3A_403, %add3A_565 : i32
        %get3A_567 = arith.index_cast %add3A_566 : i32 to index
        %get3A_568 = arith.constant 48 : index
        %get3A_569 = tpu.vector_load %arg14[%get3A_567, %get3A_568] {strides = array<i32>} : memref<128x64xf32, #tpu.memory_space<vmem>>, vector<1x16xf32>,
        %get3A_570 = vector.shape_cast %get3A_569 : vector<1x16xf32> to vector<16xf32>
        %add3A_571 = arith.addf %add3A_543, %get3A_570 : vector<16xf32>
        %add3A_572 = arith.constant 6 : i32
        %add3A_573 = arith.addi %mul3A_403, %add3A_572 : i32
        %get3A_574 = arith.index_cast %add3A_573 : i32 to index
        %get3A_575 = arith.constant 0 : index
        %get3A_576 = tpu.vector_load %arg14[%get3A_574, %get3A_575] {strides = array<i32>} : memref<128x64xf32, #tpu.memory_space<vmem>>, vector<1x16xf32>,
        %get3A_577 = vector.shape_cast %get3A_576 : vector<1x16xf32> to vector<16xf32>
        %add3A_578 = arith.addf %add3A_550, %get3A_577 : vector<16xf32>
        %add3A_579 = arith.constant 6 : i32
        %add3A_580 = arith.addi %mul3A_403, %add3A_579 : i32
        %get3A_581 = arith.index_cast %add3A_580 : i32 to index
        %get3A_582 = arith.constant 16 : index
        %get3A_583 = tpu.vector_load %arg14[%get3A_581, %get3A_582] {strides = array<i32>} : memref<128x64xf32, #tpu.memory_space<vmem>>, vector<1x16xf32>,
        %get3A_584 = vector.shape_cast %get3A_583 : vector<1x16xf32> to vector<16xf32>
        %add3A_585 = arith.addf %add3A_557, %get3A_584 : vector<16xf32>
        %add3A_586 = arith.constant 6 : i32
        %add3A_587 = arith.addi %mul3A_403, %add3A_586 : i32
        %get3A_588 = arith.index_cast %add3A_587 : i32 to index
        %get3A_589 = arith.constant 32 : index
        %get3A_590 = tpu.vector_load %arg14[%get3A_588, %get3A_589] {strides = array<i32>} : memref<128x64xf32, #tpu.memory_space<vmem>>, vector<1x16xf32>,
        %get3A_591 = vector.shape_cast %get3A_590 : vector<1x16xf32> to vector<16xf32>
        %add3A_592 = arith.addf %add3A_564, %get3A_591 : vector<16xf32>
        %add3A_593 = arith.constant 6 : i32
        %add3A_594 = arith.addi %mul3A_403, %add3A_593 : i32
        %get3A_595 = arith.index_cast %add3A_594 : i32 to index
        %get3A_596 = arith.constant 48 : index
        %get3A_597 = tpu.vector_load %arg14[%get3A_595, %get3A_596] {strides = array<i32>} : memref<128x64xf32, #tpu.memory_space<vmem>>, vector<1x16xf32>,
        %get3A_598 = vector.shape_cast %get3A_597 : vector<1x16xf32> to vector<16xf32>
        %add3A_599 = arith.addf %add3A_571, %get3A_598 : vector<16xf32>
        %add3A_600 = arith.constant 7 : i32
        %add3A_601 = arith.addi %mul3A_403, %add3A_600 : i32
        %get3A_602 = arith.index_cast %add3A_601 : i32 to index
        %get3A_603 = arith.constant 0 : index
        %get3A_604 = tpu.vector_load %arg14[%get3A_602, %get3A_603] {strides = array<i32>} : memref<128x64xf32, #tpu.memory_space<vmem>>, vector<1x16xf32>,
        %get3A_605 = vector.shape_cast %get3A_604 : vector<1x16xf32> to vector<16xf32>
        %add3A_606 = arith.addf %add3A_578, %get3A_605 : vector<16xf32>
        %add3A_607 = arith.constant 7 : i32
        %add3A_608 = arith.addi %mul3A_403, %add3A_607 : i32
        %get3A_609 = arith.index_cast %add3A_608 : i32 to index
        %get3A_610 = arith.constant 16 : index
        %get3A_611 = tpu.vector_load %arg14[%get3A_609, %get3A_610] {strides = array<i32>} : memref<128x64xf32, #tpu.memory_space<vmem>>, vector<1x16xf32>,
        %get3A_612 = vector.shape_cast %get3A_611 : vector<1x16xf32> to vector<16xf32>
        %add3A_613 = arith.addf %add3A_585, %get3A_612 : vector<16xf32>
        %add3A_614 = arith.constant 7 : i32
        %add3A_615 = arith.addi %mul3A_403, %add3A_614 : i32
        %get3A_616 = arith.index_cast %add3A_615 : i32 to index
        %get3A_617 = arith.constant 32 : index
        %get3A_618 = tpu.vector_load %arg14[%get3A_616, %get3A_617] {strides = array<i32>} : memref<128x64xf32, #tpu.memory_space<vmem>>, vector<1x16xf32>,
        %get3A_619 = vector.shape_cast %get3A_618 : vector<1x16xf32> to vector<16xf32>
        %add3A_620 = arith.addf %add3A_592, %get3A_619 : vector<16xf32>
        %add3A_621 = arith.constant 7 : i32
        %add3A_622 = arith.addi %mul3A_403, %add3A_621 : i32
        %get3A_623 = arith.index_cast %add3A_622 : i32 to index
        %get3A_624 = arith.constant 48 : index
        %get3A_625 = tpu.vector_load %arg14[%get3A_623, %get3A_624] {strides = array<i32>} : memref<128x64xf32, #tpu.memory_space<vmem>>, vector<1x16xf32>,
        %get3A_626 = vector.shape_cast %get3A_625 : vector<1x16xf32> to vector<16xf32>
        %add3A_627 = arith.addf %add3A_599, %get3A_626 : vector<16xf32>
        scf.yield %add3A_606, %add3A_613, %add3A_620, %add3A_627 : vector<16xf32>, vector<16xf32>, vector<16xf32>, vector<16xf32>
      }
      %scan3A_363 = arith.constant 16 : i32
      %add3A_364 = arith.constant 6 : i32
      %add3A_365 = arith.addi %mul3A_207, %add3A_364 : i32
      %add3A_366 = arith.constant 8 : i32
      %add3A_367 = arith.addi %add3A_365, %add3A_366 : i32
      %le3A_368 = arith.constant 198 : i32
      %le3A_369 = arith.cmpi sle, %add3A_367, %le3A_368 : i32
      %convert_element_type3A_370 = arith.extui %le3A_369 : i1 to i32
      %cond3A_371 = arith.constant 0 : i32
      %cond3A_372 = arith.cmpi ne, %convert_element_type3A_370, %cond3A_371 : i32
      scf.if %cond3A_372 {
        %add3A_397 = arith.constant 6 : i32
        %add3A_398 = arith.addi %mul3A_207, %add3A_397 : i32
        %add3A_399 = arith.constant 8 : i32
        %add3A_400 = arith.addi %add3A_398, %add3A_399 : i32
        %mul3A_401 = arith.constant 128 : i32
        %mul3A_402 = arith.muli %add3A_400, %mul3A_401 : i32
        %multiple_of3A_403 = tpu.assume_multiple %mul3A_402, 8 : i32
        %dma_start3A_404 = tpu.memref_slice %arg6[%multiple_of3A_403] : memref<25472xi32, #tpu.memory_space<vmem>> -> memref<128xi32, #tpu.memory_space<vmem>>
        %dma_start3A_405 = arith.constant 0 : i32
        %dma_start3A_406 = arith.constant 0 : i32
        %dma_start3A_407 = tpu.memref_slice %arg3[%dma_start3A_405, %dma_start3A_406] : memref<1000000x64xf32, #tpu.memory_space<hbm>> -> memref<1000000x64xf32, #tpu.memory_space<hbm>>
        tpu.enqueue_indirect_dma source(%dma_start3A_407 : memref<1000000x64xf32, #tpu.memory_space<hbm>>) target(%arg14 : memref<128x64xf32, #tpu.memory_space<vmem>>) offsets(%dma_start3A_404 : memref<128xi32, #tpu.memory_space<vmem>>) semaphore(%arg23 : memref<!tpu.dma_semaphore, #tpu.memory_space<semaphore_mem>>)
      } else {
      }
      %add3A_373 = arith.constant 7 : i32
      %add3A_374 = arith.addi %mul3A_207, %add3A_373 : i32
      %mul3A_375 = arith.constant 128 : i32
      %mul3A_376 = arith.muli %add3A_374, %mul3A_375 : i32
      %multiple_of3A_377 = tpu.assume_multiple %mul3A_376, 8 : i32
      %dma_wait3A_378 = tpu.memref_slice %arg6[%multiple_of3A_377] : memref<25472xi32, #tpu.memory_space<vmem>> -> memref<128xi32, #tpu.memory_space<vmem>>
      %dma_wait3A_379 = arith.constant 0 : i32
      %dma_wait3A_380 = arith.constant 0 : i32
      %dma_wait3A_381 = tpu.memref_slice %arg3[%dma_wait3A_379, %dma_wait3A_380] : memref<1000000x64xf32, #tpu.memory_space<hbm>> -> memref<1000000x64xf32, #tpu.memory_space<hbm>>
      tpu.wait_indirect_dma semaphore(%arg24 : memref<!tpu.dma_semaphore, #tpu.memory_space<semaphore_mem>>) src(%dma_wait3A_381 : memref<1000000x64xf32, #tpu.memory_space<hbm>>) dst(%arg15 : memref<128x64xf32, #tpu.memory_space<vmem>>)
      %scan3A_382 = arith.constant 0 : i32
      %scan3A_383 = arith.constant 16 : i32
      %scan3A_384 = arith.addi %scan3A_382, %scan3A_383 : i32
      %scan3A_385 = arith.constant 1 : i32
      %scan3A_386:4 = scf.for %scan3A_397 = %scan3A_382 to %scan3A_384 step %scan3A_385 iter_args(%scan3A_398 = %scan3A_362#0, %scan3A_399 = %scan3A_362#1, %scan3A_400 = %scan3A_362#2, %scan3A_401 = %scan3A_362#3) -> (vector<16xf32>, vector<16xf32>, vector<16xf32>, vector<16xf32>)  : i32 {
        %mul3A_402 = arith.constant 8 : i32
        %mul3A_403 = arith.muli %scan3A_397, %mul3A_402 : i32
        %add3A_404 = arith.constant 0 : i32
        %add3A_405 = arith.addi %mul3A_403, %add3A_404 : i32
        %get3A_406 = arith.index_cast %add3A_405 : i32 to index
        %get3A_407 = arith.constant 0 : index
        %get3A_408 = tpu.vector_load %arg15[%get3A_406, %get3A_407] {strides = array<i32>} : memref<128x64xf32, #tpu.memory_space<vmem>>, vector<1x16xf32>,
        %get3A_409 = vector.shape_cast %get3A_408 : vector<1x16xf32> to vector<16xf32>
        %add3A_410 = arith.addf %scan3A_398, %get3A_409 : vector<16xf32>
        %add3A_411 = arith.constant 0 : i32
        %add3A_412 = arith.addi %mul3A_403, %add3A_411 : i32
        %get3A_413 = arith.index_cast %add3A_412 : i32 to index
        %get3A_414 = arith.constant 16 : index
        %get3A_415 = tpu.vector_load %arg15[%get3A_413, %get3A_414] {strides = array<i32>} : memref<128x64xf32, #tpu.memory_space<vmem>>, vector<1x16xf32>,
        %get3A_416 = vector.shape_cast %get3A_415 : vector<1x16xf32> to vector<16xf32>
        %add3A_417 = arith.addf %scan3A_399, %get3A_416 : vector<16xf32>
        %add3A_418 = arith.constant 0 : i32
        %add3A_419 = arith.addi %mul3A_403, %add3A_418 : i32
        %get3A_420 = arith.index_cast %add3A_419 : i32 to index
        %get3A_421 = arith.constant 32 : index
        %get3A_422 = tpu.vector_load %arg15[%get3A_420, %get3A_421] {strides = array<i32>} : memref<128x64xf32, #tpu.memory_space<vmem>>, vector<1x16xf32>,
        %get3A_423 = vector.shape_cast %get3A_422 : vector<1x16xf32> to vector<16xf32>
        %add3A_424 = arith.addf %scan3A_400, %get3A_423 : vector<16xf32>
        %add3A_425 = arith.constant 0 : i32
        %add3A_426 = arith.addi %mul3A_403, %add3A_425 : i32
        %get3A_427 = arith.index_cast %add3A_426 : i32 to index
        %get3A_428 = arith.constant 48 : index
        %get3A_429 = tpu.vector_load %arg15[%get3A_427, %get3A_428] {strides = array<i32>} : memref<128x64xf32, #tpu.memory_space<vmem>>, vector<1x16xf32>,
        %get3A_430 = vector.shape_cast %get3A_429 : vector<1x16xf32> to vector<16xf32>
        %add3A_431 = arith.addf %scan3A_401, %get3A_430 : vector<16xf32>
        %add3A_432 = arith.constant 1 : i32
        %add3A_433 = arith.addi %mul3A_403, %add3A_432 : i32
        %get3A_434 = arith.index_cast %add3A_433 : i32 to index
        %get3A_435 = arith.constant 0 : index
        %get3A_436 = tpu.vector_load %arg15[%get3A_434, %get3A_435] {strides = array<i32>} : memref<128x64xf32, #tpu.memory_space<vmem>>, vector<1x16xf32>,
        %get3A_437 = vector.shape_cast %get3A_436 : vector<1x16xf32> to vector<16xf32>
        %add3A_438 = arith.addf %add3A_410, %get3A_437 : vector<16xf32>
        %add3A_439 = arith.constant 1 : i32
        %add3A_440 = arith.addi %mul3A_403, %add3A_439 : i32
        %get3A_441 = arith.index_cast %add3A_440 : i32 to index
        %get3A_442 = arith.constant 16 : index
        %get3A_443 = tpu.vector_load %arg15[%get3A_441, %get3A_442] {strides = array<i32>} : memref<128x64xf32, #tpu.memory_space<vmem>>, vector<1x16xf32>,
        %get3A_444 = vector.shape_cast %get3A_443 : vector<1x16xf32> to vector<16xf32>
        %add3A_445 = arith.addf %add3A_417, %get3A_444 : vector<16xf32>
        %add3A_446 = arith.constant 1 : i32
        %add3A_447 = arith.addi %mul3A_403, %add3A_446 : i32
        %get3A_448 = arith.index_cast %add3A_447 : i32 to index
        %get3A_449 = arith.constant 32 : index
        %get3A_450 = tpu.vector_load %arg15[%get3A_448, %get3A_449] {strides = array<i32>} : memref<128x64xf32, #tpu.memory_space<vmem>>, vector<1x16xf32>,
        %get3A_451 = vector.shape_cast %get3A_450 : vector<1x16xf32> to vector<16xf32>
        %add3A_452 = arith.addf %add3A_424, %get3A_451 : vector<16xf32>
        %add3A_453 = arith.constant 1 : i32
        %add3A_454 = arith.addi %mul3A_403, %add3A_453 : i32
        %get3A_455 = arith.index_cast %add3A_454 : i32 to index
        %get3A_456 = arith.constant 48 : index
        %get3A_457 = tpu.vector_load %arg15[%get3A_455, %get3A_456] {strides = array<i32>} : memref<128x64xf32, #tpu.memory_space<vmem>>, vector<1x16xf32>,
        %get3A_458 = vector.shape_cast %get3A_457 : vector<1x16xf32> to vector<16xf32>
        %add3A_459 = arith.addf %add3A_431, %get3A_458 : vector<16xf32>
        %add3A_460 = arith.constant 2 : i32
        %add3A_461 = arith.addi %mul3A_403, %add3A_460 : i32
        %get3A_462 = arith.index_cast %add3A_461 : i32 to index
        %get3A_463 = arith.constant 0 : index
        %get3A_464 = tpu.vector_load %arg15[%get3A_462, %get3A_463] {strides = array<i32>} : memref<128x64xf32, #tpu.memory_space<vmem>>, vector<1x16xf32>,
        %get3A_465 = vector.shape_cast %get3A_464 : vector<1x16xf32> to vector<16xf32>
        %add3A_466 = arith.addf %add3A_438, %get3A_465 : vector<16xf32>
        %add3A_467 = arith.constant 2 : i32
        %add3A_468 = arith.addi %mul3A_403, %add3A_467 : i32
        %get3A_469 = arith.index_cast %add3A_468 : i32 to index
        %get3A_470 = arith.constant 16 : index
        %get3A_471 = tpu.vector_load %arg15[%get3A_469, %get3A_470] {strides = array<i32>} : memref<128x64xf32, #tpu.memory_space<vmem>>, vector<1x16xf32>,
        %get3A_472 = vector.shape_cast %get3A_471 : vector<1x16xf32> to vector<16xf32>
        %add3A_473 = arith.addf %add3A_445, %get3A_472 : vector<16xf32>
        %add3A_474 = arith.constant 2 : i32
        %add3A_475 = arith.addi %mul3A_403, %add3A_474 : i32
        %get3A_476 = arith.index_cast %add3A_475 : i32 to index
        %get3A_477 = arith.constant 32 : index
        %get3A_478 = tpu.vector_load %arg15[%get3A_476, %get3A_477] {strides = array<i32>} : memref<128x64xf32, #tpu.memory_space<vmem>>, vector<1x16xf32>,
        %get3A_479 = vector.shape_cast %get3A_478 : vector<1x16xf32> to vector<16xf32>
        %add3A_480 = arith.addf %add3A_452, %get3A_479 : vector<16xf32>
        %add3A_481 = arith.constant 2 : i32
        %add3A_482 = arith.addi %mul3A_403, %add3A_481 : i32
        %get3A_483 = arith.index_cast %add3A_482 : i32 to index
        %get3A_484 = arith.constant 48 : index
        %get3A_485 = tpu.vector_load %arg15[%get3A_483, %get3A_484] {strides = array<i32>} : memref<128x64xf32, #tpu.memory_space<vmem>>, vector<1x16xf32>,
        %get3A_486 = vector.shape_cast %get3A_485 : vector<1x16xf32> to vector<16xf32>
        %add3A_487 = arith.addf %add3A_459, %get3A_486 : vector<16xf32>
        %add3A_488 = arith.constant 3 : i32
        %add3A_489 = arith.addi %mul3A_403, %add3A_488 : i32
        %get3A_490 = arith.index_cast %add3A_489 : i32 to index
        %get3A_491 = arith.constant 0 : index
        %get3A_492 = tpu.vector_load %arg15[%get3A_490, %get3A_491] {strides = array<i32>} : memref<128x64xf32, #tpu.memory_space<vmem>>, vector<1x16xf32>,
        %get3A_493 = vector.shape_cast %get3A_492 : vector<1x16xf32> to vector<16xf32>
        %add3A_494 = arith.addf %add3A_466, %get3A_493 : vector<16xf32>
        %add3A_495 = arith.constant 3 : i32
        %add3A_496 = arith.addi %mul3A_403, %add3A_495 : i32
        %get3A_497 = arith.index_cast %add3A_496 : i32 to index
        %get3A_498 = arith.constant 16 : index
        %get3A_499 = tpu.vector_load %arg15[%get3A_497, %get3A_498] {strides = array<i32>} : memref<128x64xf32, #tpu.memory_space<vmem>>, vector<1x16xf32>,
        %get3A_500 = vector.shape_cast %get3A_499 : vector<1x16xf32> to vector<16xf32>
        %add3A_501 = arith.addf %add3A_473, %get3A_500 : vector<16xf32>
        %add3A_502 = arith.constant 3 : i32
        %add3A_503 = arith.addi %mul3A_403, %add3A_502 : i32
        %get3A_504 = arith.index_cast %add3A_503 : i32 to index
        %get3A_505 = arith.constant 32 : index
        %get3A_506 = tpu.vector_load %arg15[%get3A_504, %get3A_505] {strides = array<i32>} : memref<128x64xf32, #tpu.memory_space<vmem>>, vector<1x16xf32>,
        %get3A_507 = vector.shape_cast %get3A_506 : vector<1x16xf32> to vector<16xf32>
        %add3A_508 = arith.addf %add3A_480, %get3A_507 : vector<16xf32>
        %add3A_509 = arith.constant 3 : i32
        %add3A_510 = arith.addi %mul3A_403, %add3A_509 : i32
        %get3A_511 = arith.index_cast %add3A_510 : i32 to index
        %get3A_512 = arith.constant 48 : index
        %get3A_513 = tpu.vector_load %arg15[%get3A_511, %get3A_512] {strides = array<i32>} : memref<128x64xf32, #tpu.memory_space<vmem>>, vector<1x16xf32>,
        %get3A_514 = vector.shape_cast %get3A_513 : vector<1x16xf32> to vector<16xf32>
        %add3A_515 = arith.addf %add3A_487, %get3A_514 : vector<16xf32>
        %add3A_516 = arith.constant 4 : i32
        %add3A_517 = arith.addi %mul3A_403, %add3A_516 : i32
        %get3A_518 = arith.index_cast %add3A_517 : i32 to index
        %get3A_519 = arith.constant 0 : index
        %get3A_520 = tpu.vector_load %arg15[%get3A_518, %get3A_519] {strides = array<i32>} : memref<128x64xf32, #tpu.memory_space<vmem>>, vector<1x16xf32>,
        %get3A_521 = vector.shape_cast %get3A_520 : vector<1x16xf32> to vector<16xf32>
        %add3A_522 = arith.addf %add3A_494, %get3A_521 : vector<16xf32>
        %add3A_523 = arith.constant 4 : i32
        %add3A_524 = arith.addi %mul3A_403, %add3A_523 : i32
        %get3A_525 = arith.index_cast %add3A_524 : i32 to index
        %get3A_526 = arith.constant 16 : index
        %get3A_527 = tpu.vector_load %arg15[%get3A_525, %get3A_526] {strides = array<i32>} : memref<128x64xf32, #tpu.memory_space<vmem>>, vector<1x16xf32>,
        %get3A_528 = vector.shape_cast %get3A_527 : vector<1x16xf32> to vector<16xf32>
        %add3A_529 = arith.addf %add3A_501, %get3A_528 : vector<16xf32>
        %add3A_530 = arith.constant 4 : i32
        %add3A_531 = arith.addi %mul3A_403, %add3A_530 : i32
        %get3A_532 = arith.index_cast %add3A_531 : i32 to index
        %get3A_533 = arith.constant 32 : index
        %get3A_534 = tpu.vector_load %arg15[%get3A_532, %get3A_533] {strides = array<i32>} : memref<128x64xf32, #tpu.memory_space<vmem>>, vector<1x16xf32>,
        %get3A_535 = vector.shape_cast %get3A_534 : vector<1x16xf32> to vector<16xf32>
        %add3A_536 = arith.addf %add3A_508, %get3A_535 : vector<16xf32>
        %add3A_537 = arith.constant 4 : i32
        %add3A_538 = arith.addi %mul3A_403, %add3A_537 : i32
        %get3A_539 = arith.index_cast %add3A_538 : i32 to index
        %get3A_540 = arith.constant 48 : index
        %get3A_541 = tpu.vector_load %arg15[%get3A_539, %get3A_540] {strides = array<i32>} : memref<128x64xf32, #tpu.memory_space<vmem>>, vector<1x16xf32>,
        %get3A_542 = vector.shape_cast %get3A_541 : vector<1x16xf32> to vector<16xf32>
        %add3A_543 = arith.addf %add3A_515, %get3A_542 : vector<16xf32>
        %add3A_544 = arith.constant 5 : i32
        %add3A_545 = arith.addi %mul3A_403, %add3A_544 : i32
        %get3A_546 = arith.index_cast %add3A_545 : i32 to index
        %get3A_547 = arith.constant 0 : index
        %get3A_548 = tpu.vector_load %arg15[%get3A_546, %get3A_547] {strides = array<i32>} : memref<128x64xf32, #tpu.memory_space<vmem>>, vector<1x16xf32>,
        %get3A_549 = vector.shape_cast %get3A_548 : vector<1x16xf32> to vector<16xf32>
        %add3A_550 = arith.addf %add3A_522, %get3A_549 : vector<16xf32>
        %add3A_551 = arith.constant 5 : i32
        %add3A_552 = arith.addi %mul3A_403, %add3A_551 : i32
        %get3A_553 = arith.index_cast %add3A_552 : i32 to index
        %get3A_554 = arith.constant 16 : index
        %get3A_555 = tpu.vector_load %arg15[%get3A_553, %get3A_554] {strides = array<i32>} : memref<128x64xf32, #tpu.memory_space<vmem>>, vector<1x16xf32>,
        %get3A_556 = vector.shape_cast %get3A_555 : vector<1x16xf32> to vector<16xf32>
        %add3A_557 = arith.addf %add3A_529, %get3A_556 : vector<16xf32>
        %add3A_558 = arith.constant 5 : i32
        %add3A_559 = arith.addi %mul3A_403, %add3A_558 : i32
        %get3A_560 = arith.index_cast %add3A_559 : i32 to index
        %get3A_561 = arith.constant 32 : index
        %get3A_562 = tpu.vector_load %arg15[%get3A_560, %get3A_561] {strides = array<i32>} : memref<128x64xf32, #tpu.memory_space<vmem>>, vector<1x16xf32>,
        %get3A_563 = vector.shape_cast %get3A_562 : vector<1x16xf32> to vector<16xf32>
        %add3A_564 = arith.addf %add3A_536, %get3A_563 : vector<16xf32>
        %add3A_565 = arith.constant 5 : i32
        %add3A_566 = arith.addi %mul3A_403, %add3A_565 : i32
        %get3A_567 = arith.index_cast %add3A_566 : i32 to index
        %get3A_568 = arith.constant 48 : index
        %get3A_569 = tpu.vector_load %arg15[%get3A_567, %get3A_568] {strides = array<i32>} : memref<128x64xf32, #tpu.memory_space<vmem>>, vector<1x16xf32>,
        %get3A_570 = vector.shape_cast %get3A_569 : vector<1x16xf32> to vector<16xf32>
        %add3A_571 = arith.addf %add3A_543, %get3A_570 : vector<16xf32>
        %add3A_572 = arith.constant 6 : i32
        %add3A_573 = arith.addi %mul3A_403, %add3A_572 : i32
        %get3A_574 = arith.index_cast %add3A_573 : i32 to index
        %get3A_575 = arith.constant 0 : index
        %get3A_576 = tpu.vector_load %arg15[%get3A_574, %get3A_575] {strides = array<i32>} : memref<128x64xf32, #tpu.memory_space<vmem>>, vector<1x16xf32>,
        %get3A_577 = vector.shape_cast %get3A_576 : vector<1x16xf32> to vector<16xf32>
        %add3A_578 = arith.addf %add3A_550, %get3A_577 : vector<16xf32>
        %add3A_579 = arith.constant 6 : i32
        %add3A_580 = arith.addi %mul3A_403, %add3A_579 : i32
        %get3A_581 = arith.index_cast %add3A_580 : i32 to index
        %get3A_582 = arith.constant 16 : index
        %get3A_583 = tpu.vector_load %arg15[%get3A_581, %get3A_582] {strides = array<i32>} : memref<128x64xf32, #tpu.memory_space<vmem>>, vector<1x16xf32>,
        %get3A_584 = vector.shape_cast %get3A_583 : vector<1x16xf32> to vector<16xf32>
        %add3A_585 = arith.addf %add3A_557, %get3A_584 : vector<16xf32>
        %add3A_586 = arith.constant 6 : i32
        %add3A_587 = arith.addi %mul3A_403, %add3A_586 : i32
        %get3A_588 = arith.index_cast %add3A_587 : i32 to index
        %get3A_589 = arith.constant 32 : index
        %get3A_590 = tpu.vector_load %arg15[%get3A_588, %get3A_589] {strides = array<i32>} : memref<128x64xf32, #tpu.memory_space<vmem>>, vector<1x16xf32>,
        %get3A_591 = vector.shape_cast %get3A_590 : vector<1x16xf32> to vector<16xf32>
        %add3A_592 = arith.addf %add3A_564, %get3A_591 : vector<16xf32>
        %add3A_593 = arith.constant 6 : i32
        %add3A_594 = arith.addi %mul3A_403, %add3A_593 : i32
        %get3A_595 = arith.index_cast %add3A_594 : i32 to index
        %get3A_596 = arith.constant 48 : index
        %get3A_597 = tpu.vector_load %arg15[%get3A_595, %get3A_596] {strides = array<i32>} : memref<128x64xf32, #tpu.memory_space<vmem>>, vector<1x16xf32>,
        %get3A_598 = vector.shape_cast %get3A_597 : vector<1x16xf32> to vector<16xf32>
        %add3A_599 = arith.addf %add3A_571, %get3A_598 : vector<16xf32>
        %add3A_600 = arith.constant 7 : i32
        %add3A_601 = arith.addi %mul3A_403, %add3A_600 : i32
        %get3A_602 = arith.index_cast %add3A_601 : i32 to index
        %get3A_603 = arith.constant 0 : index
        %get3A_604 = tpu.vector_load %arg15[%get3A_602, %get3A_603] {strides = array<i32>} : memref<128x64xf32, #tpu.memory_space<vmem>>, vector<1x16xf32>,
        %get3A_605 = vector.shape_cast %get3A_604 : vector<1x16xf32> to vector<16xf32>
        %add3A_606 = arith.addf %add3A_578, %get3A_605 : vector<16xf32>
        %add3A_607 = arith.constant 7 : i32
        %add3A_608 = arith.addi %mul3A_403, %add3A_607 : i32
        %get3A_609 = arith.index_cast %add3A_608 : i32 to index
        %get3A_610 = arith.constant 16 : index
        %get3A_611 = tpu.vector_load %arg15[%get3A_609, %get3A_610] {strides = array<i32>} : memref<128x64xf32, #tpu.memory_space<vmem>>, vector<1x16xf32>,
        %get3A_612 = vector.shape_cast %get3A_611 : vector<1x16xf32> to vector<16xf32>
        %add3A_613 = arith.addf %add3A_585, %get3A_612 : vector<16xf32>
        %add3A_614 = arith.constant 7 : i32
        %add3A_615 = arith.addi %mul3A_403, %add3A_614 : i32
        %get3A_616 = arith.index_cast %add3A_615 : i32 to index
        %get3A_617 = arith.constant 32 : index
        %get3A_618 = tpu.vector_load %arg15[%get3A_616, %get3A_617] {strides = array<i32>} : memref<128x64xf32, #tpu.memory_space<vmem>>, vector<1x16xf32>,
        %get3A_619 = vector.shape_cast %get3A_618 : vector<1x16xf32> to vector<16xf32>
        %add3A_620 = arith.addf %add3A_592, %get3A_619 : vector<16xf32>
        %add3A_621 = arith.constant 7 : i32
        %add3A_622 = arith.addi %mul3A_403, %add3A_621 : i32
        %get3A_623 = arith.index_cast %add3A_622 : i32 to index
        %get3A_624 = arith.constant 48 : index
        %get3A_625 = tpu.vector_load %arg15[%get3A_623, %get3A_624] {strides = array<i32>} : memref<128x64xf32, #tpu.memory_space<vmem>>, vector<1x16xf32>,
        %get3A_626 = vector.shape_cast %get3A_625 : vector<1x16xf32> to vector<16xf32>
        %add3A_627 = arith.addf %add3A_599, %get3A_626 : vector<16xf32>
        scf.yield %add3A_606, %add3A_613, %add3A_620, %add3A_627 : vector<16xf32>, vector<16xf32>, vector<16xf32>, vector<16xf32>
      }
      %scan3A_387 = arith.constant 16 : i32
      %add3A_388 = arith.constant 7 : i32
      %add3A_389 = arith.addi %mul3A_207, %add3A_388 : i32
      %add3A_390 = arith.constant 8 : i32
      %add3A_391 = arith.addi %add3A_389, %add3A_390 : i32
      %le3A_392 = arith.constant 198 : i32
      %le3A_393 = arith.cmpi sle, %add3A_391, %le3A_392 : i32
      %convert_element_type3A_394 = arith.extui %le3A_393 : i1 to i32
      %cond3A_395 = arith.constant 0 : i32
      %cond3A_396 = arith.cmpi ne, %convert_element_type3A_394, %cond3A_395 : i32
      scf.if %cond3A_396 {
        %add3A_397 = arith.constant 7 : i32
        %add3A_398 = arith.addi %mul3A_207, %add3A_397 : i32
        %add3A_399 = arith.constant 8 : i32
        %add3A_400 = arith.addi %add3A_398, %add3A_399 : i32
        %mul3A_401 = arith.constant 128 : i32
        %mul3A_402 = arith.muli %add3A_400, %mul3A_401 : i32
        %multiple_of3A_403 = tpu.assume_multiple %mul3A_402, 8 : i32
        %dma_start3A_404 = tpu.memref_slice %arg6[%multiple_of3A_403] : memref<25472xi32, #tpu.memory_space<vmem>> -> memref<128xi32, #tpu.memory_space<vmem>>
        %dma_start3A_405 = arith.constant 0 : i32
        %dma_start3A_406 = arith.constant 0 : i32
        %dma_start3A_407 = tpu.memref_slice %arg3[%dma_start3A_405, %dma_start3A_406] : memref<1000000x64xf32, #tpu.memory_space<hbm>> -> memref<1000000x64xf32, #tpu.memory_space<hbm>>
        tpu.enqueue_indirect_dma source(%dma_start3A_407 : memref<1000000x64xf32, #tpu.memory_space<hbm>>) target(%arg15 : memref<128x64xf32, #tpu.memory_space<vmem>>) offsets(%dma_start3A_404 : memref<128xi32, #tpu.memory_space<vmem>>) semaphore(%arg24 : memref<!tpu.dma_semaphore, #tpu.memory_space<semaphore_mem>>)
      } else {
      }
      scf.yield %scan3A_386#0, %scan3A_386#1, %scan3A_386#2, %scan3A_386#3 : vector<16xf32>, vector<16xf32>, vector<16xf32>, vector<16xf32>
    }
    %scan3A_93 = arith.constant 24 : i32
    %multiple_of3A_94 = arith.constant 24576 : i32
    %multiple_of3A_95 = tpu.assume_multiple %multiple_of3A_94, 8 : i32
    %dma_wait3A_96 = tpu.memref_slice %arg6[%multiple_of3A_95] : memref<25472xi32, #tpu.memory_space<vmem>> -> memref<128xi32, #tpu.memory_space<vmem>>
    %dma_wait3A_97 = arith.constant 0 : i32
    %dma_wait3A_98 = arith.constant 0 : i32
    %dma_wait3A_99 = tpu.memref_slice %arg3[%dma_wait3A_97, %dma_wait3A_98] : memref<1000000x64xf32, #tpu.memory_space<hbm>> -> memref<1000000x64xf32, #tpu.memory_space<hbm>>
    tpu.wait_indirect_dma semaphore(%arg17 : memref<!tpu.dma_semaphore, #tpu.memory_space<semaphore_mem>>) src(%dma_wait3A_99 : memref<1000000x64xf32, #tpu.memory_space<hbm>>) dst(%arg8 : memref<128x64xf32, #tpu.memory_space<vmem>>)
    %scan3A_100 = arith.constant 0 : i32
    %scan3A_101 = arith.constant 16 : i32
    %scan3A_102 = arith.addi %scan3A_100, %scan3A_101 : i32
    %scan3A_103 = arith.constant 1 : i32
    %scan3A_104:4 = scf.for %scan3A_201 = %scan3A_100 to %scan3A_102 step %scan3A_103 iter_args(%scan3A_202 = %scan3A_92#0, %scan3A_203 = %scan3A_92#1, %scan3A_204 = %scan3A_92#2, %scan3A_205 = %scan3A_92#3) -> (vector<16xf32>, vector<16xf32>, vector<16xf32>, vector<16xf32>)  : i32 {
      %mul3A_206 = arith.constant 8 : i32
      %mul3A_207 = arith.muli %scan3A_201, %mul3A_206 : i32
      %add3A_208 = arith.constant 0 : i32
      %add3A_209 = arith.addi %mul3A_207, %add3A_208 : i32
      %get3A_210 = arith.index_cast %add3A_209 : i32 to index
      %get3A_211 = arith.constant 0 : index
      %get3A_212 = tpu.vector_load %arg8[%get3A_210, %get3A_211] {strides = array<i32>} : memref<128x64xf32, #tpu.memory_space<vmem>>, vector<1x16xf32>,
      %get3A_213 = vector.shape_cast %get3A_212 : vector<1x16xf32> to vector<16xf32>
      %add3A_214 = arith.addf %scan3A_202, %get3A_213 : vector<16xf32>
      %add3A_215 = arith.constant 0 : i32
      %add3A_216 = arith.addi %mul3A_207, %add3A_215 : i32
      %get3A_217 = arith.index_cast %add3A_216 : i32 to index
      %get3A_218 = arith.constant 16 : index
      %get3A_219 = tpu.vector_load %arg8[%get3A_217, %get3A_218] {strides = array<i32>} : memref<128x64xf32, #tpu.memory_space<vmem>>, vector<1x16xf32>,
      %get3A_220 = vector.shape_cast %get3A_219 : vector<1x16xf32> to vector<16xf32>
      %add3A_221 = arith.addf %scan3A_203, %get3A_220 : vector<16xf32>
      %add3A_222 = arith.constant 0 : i32
      %add3A_223 = arith.addi %mul3A_207, %add3A_222 : i32
      %get3A_224 = arith.index_cast %add3A_223 : i32 to index
      %get3A_225 = arith.constant 32 : index
      %get3A_226 = tpu.vector_load %arg8[%get3A_224, %get3A_225] {strides = array<i32>} : memref<128x64xf32, #tpu.memory_space<vmem>>, vector<1x16xf32>,
      %get3A_227 = vector.shape_cast %get3A_226 : vector<1x16xf32> to vector<16xf32>
      %add3A_228 = arith.addf %scan3A_204, %get3A_227 : vector<16xf32>
      %add3A_229 = arith.constant 0 : i32
      %add3A_230 = arith.addi %mul3A_207, %add3A_229 : i32
      %get3A_231 = arith.index_cast %add3A_230 : i32 to index
      %get3A_232 = arith.constant 48 : index
      %get3A_233 = tpu.vector_load %arg8[%get3A_231, %get3A_232] {strides = array<i32>} : memref<128x64xf32, #tpu.memory_space<vmem>>, vector<1x16xf32>,
      %get3A_234 = vector.shape_cast %get3A_233 : vector<1x16xf32> to vector<16xf32>
      %add3A_235 = arith.addf %scan3A_205, %get3A_234 : vector<16xf32>
      %add3A_236 = arith.constant 1 : i32
      %add3A_237 = arith.addi %mul3A_207, %add3A_236 : i32
      %get3A_238 = arith.index_cast %add3A_237 : i32 to index
      %get3A_239 = arith.constant 0 : index
      %get3A_240 = tpu.vector_load %arg8[%get3A_238, %get3A_239] {strides = array<i32>} : memref<128x64xf32, #tpu.memory_space<vmem>>, vector<1x16xf32>,
      %get3A_241 = vector.shape_cast %get3A_240 : vector<1x16xf32> to vector<16xf32>
      %add3A_242 = arith.addf %add3A_214, %get3A_241 : vector<16xf32>
      %add3A_243 = arith.constant 1 : i32
      %add3A_244 = arith.addi %mul3A_207, %add3A_243 : i32
      %get3A_245 = arith.index_cast %add3A_244 : i32 to index
      %get3A_246 = arith.constant 16 : index
      %get3A_247 = tpu.vector_load %arg8[%get3A_245, %get3A_246] {strides = array<i32>} : memref<128x64xf32, #tpu.memory_space<vmem>>, vector<1x16xf32>,
      %get3A_248 = vector.shape_cast %get3A_247 : vector<1x16xf32> to vector<16xf32>
      %add3A_249 = arith.addf %add3A_221, %get3A_248 : vector<16xf32>
      %add3A_250 = arith.constant 1 : i32
      %add3A_251 = arith.addi %mul3A_207, %add3A_250 : i32
      %get3A_252 = arith.index_cast %add3A_251 : i32 to index
      %get3A_253 = arith.constant 32 : index
      %get3A_254 = tpu.vector_load %arg8[%get3A_252, %get3A_253] {strides = array<i32>} : memref<128x64xf32, #tpu.memory_space<vmem>>, vector<1x16xf32>,
      %get3A_255 = vector.shape_cast %get3A_254 : vector<1x16xf32> to vector<16xf32>
      %add3A_256 = arith.addf %add3A_228, %get3A_255 : vector<16xf32>
      %add3A_257 = arith.constant 1 : i32
      %add3A_258 = arith.addi %mul3A_207, %add3A_257 : i32
      %get3A_259 = arith.index_cast %add3A_258 : i32 to index
      %get3A_260 = arith.constant 48 : index
      %get3A_261 = tpu.vector_load %arg8[%get3A_259, %get3A_260] {strides = array<i32>} : memref<128x64xf32, #tpu.memory_space<vmem>>, vector<1x16xf32>,
      %get3A_262 = vector.shape_cast %get3A_261 : vector<1x16xf32> to vector<16xf32>
      %add3A_263 = arith.addf %add3A_235, %get3A_262 : vector<16xf32>
      %add3A_264 = arith.constant 2 : i32
      %add3A_265 = arith.addi %mul3A_207, %add3A_264 : i32
      %get3A_266 = arith.index_cast %add3A_265 : i32 to index
      %get3A_267 = arith.constant 0 : index
      %get3A_268 = tpu.vector_load %arg8[%get3A_266, %get3A_267] {strides = array<i32>} : memref<128x64xf32, #tpu.memory_space<vmem>>, vector<1x16xf32>,
      %get3A_269 = vector.shape_cast %get3A_268 : vector<1x16xf32> to vector<16xf32>
      %add3A_270 = arith.addf %add3A_242, %get3A_269 : vector<16xf32>
      %add3A_271 = arith.constant 2 : i32
      %add3A_272 = arith.addi %mul3A_207, %add3A_271 : i32
      %get3A_273 = arith.index_cast %add3A_272 : i32 to index
      %get3A_274 = arith.constant 16 : index
      %get3A_275 = tpu.vector_load %arg8[%get3A_273, %get3A_274] {strides = array<i32>} : memref<128x64xf32, #tpu.memory_space<vmem>>, vector<1x16xf32>,
      %get3A_276 = vector.shape_cast %get3A_275 : vector<1x16xf32> to vector<16xf32>
      %add3A_277 = arith.addf %add3A_249, %get3A_276 : vector<16xf32>
      %add3A_278 = arith.constant 2 : i32
      %add3A_279 = arith.addi %mul3A_207, %add3A_278 : i32
      %get3A_280 = arith.index_cast %add3A_279 : i32 to index
      %get3A_281 = arith.constant 32 : index
      %get3A_282 = tpu.vector_load %arg8[%get3A_280, %get3A_281] {strides = array<i32>} : memref<128x64xf32, #tpu.memory_space<vmem>>, vector<1x16xf32>,
      %get3A_283 = vector.shape_cast %get3A_282 : vector<1x16xf32> to vector<16xf32>
      %add3A_284 = arith.addf %add3A_256, %get3A_283 : vector<16xf32>
      %add3A_285 = arith.constant 2 : i32
      %add3A_286 = arith.addi %mul3A_207, %add3A_285 : i32
      %get3A_287 = arith.index_cast %add3A_286 : i32 to index
      %get3A_288 = arith.constant 48 : index
      %get3A_289 = tpu.vector_load %arg8[%get3A_287, %get3A_288] {strides = array<i32>} : memref<128x64xf32, #tpu.memory_space<vmem>>, vector<1x16xf32>,
      %get3A_290 = vector.shape_cast %get3A_289 : vector<1x16xf32> to vector<16xf32>
      %add3A_291 = arith.addf %add3A_263, %get3A_290 : vector<16xf32>
      %add3A_292 = arith.constant 3 : i32
      %add3A_293 = arith.addi %mul3A_207, %add3A_292 : i32
      %get3A_294 = arith.index_cast %add3A_293 : i32 to index
      %get3A_295 = arith.constant 0 : index
      %get3A_296 = tpu.vector_load %arg8[%get3A_294, %get3A_295] {strides = array<i32>} : memref<128x64xf32, #tpu.memory_space<vmem>>, vector<1x16xf32>,
      %get3A_297 = vector.shape_cast %get3A_296 : vector<1x16xf32> to vector<16xf32>
      %add3A_298 = arith.addf %add3A_270, %get3A_297 : vector<16xf32>
      %add3A_299 = arith.constant 3 : i32
      %add3A_300 = arith.addi %mul3A_207, %add3A_299 : i32
      %get3A_301 = arith.index_cast %add3A_300 : i32 to index
      %get3A_302 = arith.constant 16 : index
      %get3A_303 = tpu.vector_load %arg8[%get3A_301, %get3A_302] {strides = array<i32>} : memref<128x64xf32, #tpu.memory_space<vmem>>, vector<1x16xf32>,
      %get3A_304 = vector.shape_cast %get3A_303 : vector<1x16xf32> to vector<16xf32>
      %add3A_305 = arith.addf %add3A_277, %get3A_304 : vector<16xf32>
      %add3A_306 = arith.constant 3 : i32
      %add3A_307 = arith.addi %mul3A_207, %add3A_306 : i32
      %get3A_308 = arith.index_cast %add3A_307 : i32 to index
      %get3A_309 = arith.constant 32 : index
      %get3A_310 = tpu.vector_load %arg8[%get3A_308, %get3A_309] {strides = array<i32>} : memref<128x64xf32, #tpu.memory_space<vmem>>, vector<1x16xf32>,
      %get3A_311 = vector.shape_cast %get3A_310 : vector<1x16xf32> to vector<16xf32>
      %add3A_312 = arith.addf %add3A_284, %get3A_311 : vector<16xf32>
      %add3A_313 = arith.constant 3 : i32
      %add3A_314 = arith.addi %mul3A_207, %add3A_313 : i32
      %get3A_315 = arith.index_cast %add3A_314 : i32 to index
      %get3A_316 = arith.constant 48 : index
      %get3A_317 = tpu.vector_load %arg8[%get3A_315, %get3A_316] {strides = array<i32>} : memref<128x64xf32, #tpu.memory_space<vmem>>, vector<1x16xf32>,
      %get3A_318 = vector.shape_cast %get3A_317 : vector<1x16xf32> to vector<16xf32>
      %add3A_319 = arith.addf %add3A_291, %get3A_318 : vector<16xf32>
      %add3A_320 = arith.constant 4 : i32
      %add3A_321 = arith.addi %mul3A_207, %add3A_320 : i32
      %get3A_322 = arith.index_cast %add3A_321 : i32 to index
      %get3A_323 = arith.constant 0 : index
      %get3A_324 = tpu.vector_load %arg8[%get3A_322, %get3A_323] {strides = array<i32>} : memref<128x64xf32, #tpu.memory_space<vmem>>, vector<1x16xf32>,
      %get3A_325 = vector.shape_cast %get3A_324 : vector<1x16xf32> to vector<16xf32>
      %add3A_326 = arith.addf %add3A_298, %get3A_325 : vector<16xf32>
      %add3A_327 = arith.constant 4 : i32
      %add3A_328 = arith.addi %mul3A_207, %add3A_327 : i32
      %get3A_329 = arith.index_cast %add3A_328 : i32 to index
      %get3A_330 = arith.constant 16 : index
      %get3A_331 = tpu.vector_load %arg8[%get3A_329, %get3A_330] {strides = array<i32>} : memref<128x64xf32, #tpu.memory_space<vmem>>, vector<1x16xf32>,
      %get3A_332 = vector.shape_cast %get3A_331 : vector<1x16xf32> to vector<16xf32>
      %add3A_333 = arith.addf %add3A_305, %get3A_332 : vector<16xf32>
      %add3A_334 = arith.constant 4 : i32
      %add3A_335 = arith.addi %mul3A_207, %add3A_334 : i32
      %get3A_336 = arith.index_cast %add3A_335 : i32 to index
      %get3A_337 = arith.constant 32 : index
      %get3A_338 = tpu.vector_load %arg8[%get3A_336, %get3A_337] {strides = array<i32>} : memref<128x64xf32, #tpu.memory_space<vmem>>, vector<1x16xf32>,
      %get3A_339 = vector.shape_cast %get3A_338 : vector<1x16xf32> to vector<16xf32>
      %add3A_340 = arith.addf %add3A_312, %get3A_339 : vector<16xf32>
      %add3A_341 = arith.constant 4 : i32
      %add3A_342 = arith.addi %mul3A_207, %add3A_341 : i32
      %get3A_343 = arith.index_cast %add3A_342 : i32 to index
      %get3A_344 = arith.constant 48 : index
      %get3A_345 = tpu.vector_load %arg8[%get3A_343, %get3A_344] {strides = array<i32>} : memref<128x64xf32, #tpu.memory_space<vmem>>, vector<1x16xf32>,
      %get3A_346 = vector.shape_cast %get3A_345 : vector<1x16xf32> to vector<16xf32>
      %add3A_347 = arith.addf %add3A_319, %get3A_346 : vector<16xf32>
      %add3A_348 = arith.constant 5 : i32
      %add3A_349 = arith.addi %mul3A_207, %add3A_348 : i32
      %get3A_350 = arith.index_cast %add3A_349 : i32 to index
      %get3A_351 = arith.constant 0 : index
      %get3A_352 = tpu.vector_load %arg8[%get3A_350, %get3A_351] {strides = array<i32>} : memref<128x64xf32, #tpu.memory_space<vmem>>, vector<1x16xf32>,
      %get3A_353 = vector.shape_cast %get3A_352 : vector<1x16xf32> to vector<16xf32>
      %add3A_354 = arith.addf %add3A_326, %get3A_353 : vector<16xf32>
      %add3A_355 = arith.constant 5 : i32
      %add3A_356 = arith.addi %mul3A_207, %add3A_355 : i32
      %get3A_357 = arith.index_cast %add3A_356 : i32 to index
      %get3A_358 = arith.constant 16 : index
      %get3A_359 = tpu.vector_load %arg8[%get3A_357, %get3A_358] {strides = array<i32>} : memref<128x64xf32, #tpu.memory_space<vmem>>, vector<1x16xf32>,
      %get3A_360 = vector.shape_cast %get3A_359 : vector<1x16xf32> to vector<16xf32>
      %add3A_361 = arith.addf %add3A_333, %get3A_360 : vector<16xf32>
      %add3A_362 = arith.constant 5 : i32
      %add3A_363 = arith.addi %mul3A_207, %add3A_362 : i32
      %get3A_364 = arith.index_cast %add3A_363 : i32 to index
      %get3A_365 = arith.constant 32 : index
      %get3A_366 = tpu.vector_load %arg8[%get3A_364, %get3A_365] {strides = array<i32>} : memref<128x64xf32, #tpu.memory_space<vmem>>, vector<1x16xf32>,
      %get3A_367 = vector.shape_cast %get3A_366 : vector<1x16xf32> to vector<16xf32>
      %add3A_368 = arith.addf %add3A_340, %get3A_367 : vector<16xf32>
      %add3A_369 = arith.constant 5 : i32
      %add3A_370 = arith.addi %mul3A_207, %add3A_369 : i32
      %get3A_371 = arith.index_cast %add3A_370 : i32 to index
      %get3A_372 = arith.constant 48 : index
      %get3A_373 = tpu.vector_load %arg8[%get3A_371, %get3A_372] {strides = array<i32>} : memref<128x64xf32, #tpu.memory_space<vmem>>, vector<1x16xf32>,
      %get3A_374 = vector.shape_cast %get3A_373 : vector<1x16xf32> to vector<16xf32>
      %add3A_375 = arith.addf %add3A_347, %get3A_374 : vector<16xf32>
      %add3A_376 = arith.constant 6 : i32
      %add3A_377 = arith.addi %mul3A_207, %add3A_376 : i32
      %get3A_378 = arith.index_cast %add3A_377 : i32 to index
      %get3A_379 = arith.constant 0 : index
      %get3A_380 = tpu.vector_load %arg8[%get3A_378, %get3A_379] {strides = array<i32>} : memref<128x64xf32, #tpu.memory_space<vmem>>, vector<1x16xf32>,
      %get3A_381 = vector.shape_cast %get3A_380 : vector<1x16xf32> to vector<16xf32>
      %add3A_382 = arith.addf %add3A_354, %get3A_381 : vector<16xf32>
      %add3A_383 = arith.constant 6 : i32
      %add3A_384 = arith.addi %mul3A_207, %add3A_383 : i32
      %get3A_385 = arith.index_cast %add3A_384 : i32 to index
      %get3A_386 = arith.constant 16 : index
      %get3A_387 = tpu.vector_load %arg8[%get3A_385, %get3A_386] {strides = array<i32>} : memref<128x64xf32, #tpu.memory_space<vmem>>, vector<1x16xf32>,
      %get3A_388 = vector.shape_cast %get3A_387 : vector<1x16xf32> to vector<16xf32>
      %add3A_389 = arith.addf %add3A_361, %get3A_388 : vector<16xf32>
      %add3A_390 = arith.constant 6 : i32
      %add3A_391 = arith.addi %mul3A_207, %add3A_390 : i32
      %get3A_392 = arith.index_cast %add3A_391 : i32 to index
      %get3A_393 = arith.constant 32 : index
      %get3A_394 = tpu.vector_load %arg8[%get3A_392, %get3A_393] {strides = array<i32>} : memref<128x64xf32, #tpu.memory_space<vmem>>, vector<1x16xf32>,
      %get3A_395 = vector.shape_cast %get3A_394 : vector<1x16xf32> to vector<16xf32>
      %add3A_396 = arith.addf %add3A_368, %get3A_395 : vector<16xf32>
      %add3A_397 = arith.constant 6 : i32
      %add3A_398 = arith.addi %mul3A_207, %add3A_397 : i32
      %get3A_399 = arith.index_cast %add3A_398 : i32 to index
      %get3A_400 = arith.constant 48 : index
      %get3A_401 = tpu.vector_load %arg8[%get3A_399, %get3A_400] {strides = array<i32>} : memref<128x64xf32, #tpu.memory_space<vmem>>, vector<1x16xf32>,
      %get3A_402 = vector.shape_cast %get3A_401 : vector<1x16xf32> to vector<16xf32>
      %add3A_403 = arith.addf %add3A_375, %get3A_402 : vector<16xf32>
      %add3A_404 = arith.constant 7 : i32
      %add3A_405 = arith.addi %mul3A_207, %add3A_404 : i32
      %get3A_406 = arith.index_cast %add3A_405 : i32 to index
      %get3A_407 = arith.constant 0 : index
      %get3A_408 = tpu.vector_load %arg8[%get3A_406, %get3A_407] {strides = array<i32>} : memref<128x64xf32, #tpu.memory_space<vmem>>, vector<1x16xf32>,
      %get3A_409 = vector.shape_cast %get3A_408 : vector<1x16xf32> to vector<16xf32>
      %add3A_410 = arith.addf %add3A_382, %get3A_409 : vector<16xf32>
      %add3A_411 = arith.constant 7 : i32
      %add3A_412 = arith.addi %mul3A_207, %add3A_411 : i32
      %get3A_413 = arith.index_cast %add3A_412 : i32 to index
      %get3A_414 = arith.constant 16 : index
      %get3A_415 = tpu.vector_load %arg8[%get3A_413, %get3A_414] {strides = array<i32>} : memref<128x64xf32, #tpu.memory_space<vmem>>, vector<1x16xf32>,
      %get3A_416 = vector.shape_cast %get3A_415 : vector<1x16xf32> to vector<16xf32>
      %add3A_417 = arith.addf %add3A_389, %get3A_416 : vector<16xf32>
      %add3A_418 = arith.constant 7 : i32
      %add3A_419 = arith.addi %mul3A_207, %add3A_418 : i32
      %get3A_420 = arith.index_cast %add3A_419 : i32 to index
      %get3A_421 = arith.constant 32 : index
      %get3A_422 = tpu.vector_load %arg8[%get3A_420, %get3A_421] {strides = array<i32>} : memref<128x64xf32, #tpu.memory_space<vmem>>, vector<1x16xf32>,
      %get3A_423 = vector.shape_cast %get3A_422 : vector<1x16xf32> to vector<16xf32>
      %add3A_424 = arith.addf %add3A_396, %get3A_423 : vector<16xf32>
      %add3A_425 = arith.constant 7 : i32
      %add3A_426 = arith.addi %mul3A_207, %add3A_425 : i32
      %get3A_427 = arith.index_cast %add3A_426 : i32 to index
      %get3A_428 = arith.constant 48 : index
      %get3A_429 = tpu.vector_load %arg8[%get3A_427, %get3A_428] {strides = array<i32>} : memref<128x64xf32, #tpu.memory_space<vmem>>, vector<1x16xf32>,
      %get3A_430 = vector.shape_cast %get3A_429 : vector<1x16xf32> to vector<16xf32>
      %add3A_431 = arith.addf %add3A_403, %get3A_430 : vector<16xf32>
      scf.yield %add3A_410, %add3A_417, %add3A_424, %add3A_431 : vector<16xf32>, vector<16xf32>, vector<16xf32>, vector<16xf32>
    }
    %scan3A_105 = arith.constant 16 : i32
    %multiple_of3A_106 = arith.constant 24704 : i32
    %multiple_of3A_107 = tpu.assume_multiple %multiple_of3A_106, 8 : i32
    %dma_wait3A_108 = tpu.memref_slice %arg6[%multiple_of3A_107] : memref<25472xi32, #tpu.memory_space<vmem>> -> memref<128xi32, #tpu.memory_space<vmem>>
    %dma_wait3A_109 = arith.constant 0 : i32
    %dma_wait3A_110 = arith.constant 0 : i32
    %dma_wait3A_111 = tpu.memref_slice %arg3[%dma_wait3A_109, %dma_wait3A_110] : memref<1000000x64xf32, #tpu.memory_space<hbm>> -> memref<1000000x64xf32, #tpu.memory_space<hbm>>
    tpu.wait_indirect_dma semaphore(%arg18 : memref<!tpu.dma_semaphore, #tpu.memory_space<semaphore_mem>>) src(%dma_wait3A_111 : memref<1000000x64xf32, #tpu.memory_space<hbm>>) dst(%arg9 : memref<128x64xf32, #tpu.memory_space<vmem>>)
    %scan3A_112 = arith.constant 0 : i32
    %scan3A_113 = arith.constant 16 : i32
    %scan3A_114 = arith.addi %scan3A_112, %scan3A_113 : i32
    %scan3A_115 = arith.constant 1 : i32
    %scan3A_116:4 = scf.for %scan3A_201 = %scan3A_112 to %scan3A_114 step %scan3A_115 iter_args(%scan3A_202 = %scan3A_104#0, %scan3A_203 = %scan3A_104#1, %scan3A_204 = %scan3A_104#2, %scan3A_205 = %scan3A_104#3) -> (vector<16xf32>, vector<16xf32>, vector<16xf32>, vector<16xf32>)  : i32 {
      %mul3A_206 = arith.constant 8 : i32
      %mul3A_207 = arith.muli %scan3A_201, %mul3A_206 : i32
      %add3A_208 = arith.constant 0 : i32
      %add3A_209 = arith.addi %mul3A_207, %add3A_208 : i32
      %get3A_210 = arith.index_cast %add3A_209 : i32 to index
      %get3A_211 = arith.constant 0 : index
      %get3A_212 = tpu.vector_load %arg9[%get3A_210, %get3A_211] {strides = array<i32>} : memref<128x64xf32, #tpu.memory_space<vmem>>, vector<1x16xf32>,
      %get3A_213 = vector.shape_cast %get3A_212 : vector<1x16xf32> to vector<16xf32>
      %add3A_214 = arith.addf %scan3A_202, %get3A_213 : vector<16xf32>
      %add3A_215 = arith.constant 0 : i32
      %add3A_216 = arith.addi %mul3A_207, %add3A_215 : i32
      %get3A_217 = arith.index_cast %add3A_216 : i32 to index
      %get3A_218 = arith.constant 16 : index
      %get3A_219 = tpu.vector_load %arg9[%get3A_217, %get3A_218] {strides = array<i32>} : memref<128x64xf32, #tpu.memory_space<vmem>>, vector<1x16xf32>,
      %get3A_220 = vector.shape_cast %get3A_219 : vector<1x16xf32> to vector<16xf32>
      %add3A_221 = arith.addf %scan3A_203, %get3A_220 : vector<16xf32>
      %add3A_222 = arith.constant 0 : i32
      %add3A_223 = arith.addi %mul3A_207, %add3A_222 : i32
      %get3A_224 = arith.index_cast %add3A_223 : i32 to index
      %get3A_225 = arith.constant 32 : index
      %get3A_226 = tpu.vector_load %arg9[%get3A_224, %get3A_225] {strides = array<i32>} : memref<128x64xf32, #tpu.memory_space<vmem>>, vector<1x16xf32>,
      %get3A_227 = vector.shape_cast %get3A_226 : vector<1x16xf32> to vector<16xf32>
      %add3A_228 = arith.addf %scan3A_204, %get3A_227 : vector<16xf32>
      %add3A_229 = arith.constant 0 : i32
      %add3A_230 = arith.addi %mul3A_207, %add3A_229 : i32
      %get3A_231 = arith.index_cast %add3A_230 : i32 to index
      %get3A_232 = arith.constant 48 : index
      %get3A_233 = tpu.vector_load %arg9[%get3A_231, %get3A_232] {strides = array<i32>} : memref<128x64xf32, #tpu.memory_space<vmem>>, vector<1x16xf32>,
      %get3A_234 = vector.shape_cast %get3A_233 : vector<1x16xf32> to vector<16xf32>
      %add3A_235 = arith.addf %scan3A_205, %get3A_234 : vector<16xf32>
      %add3A_236 = arith.constant 1 : i32
      %add3A_237 = arith.addi %mul3A_207, %add3A_236 : i32
      %get3A_238 = arith.index_cast %add3A_237 : i32 to index
      %get3A_239 = arith.constant 0 : index
      %get3A_240 = tpu.vector_load %arg9[%get3A_238, %get3A_239] {strides = array<i32>} : memref<128x64xf32, #tpu.memory_space<vmem>>, vector<1x16xf32>,
      %get3A_241 = vector.shape_cast %get3A_240 : vector<1x16xf32> to vector<16xf32>
      %add3A_242 = arith.addf %add3A_214, %get3A_241 : vector<16xf32>
      %add3A_243 = arith.constant 1 : i32
      %add3A_244 = arith.addi %mul3A_207, %add3A_243 : i32
      %get3A_245 = arith.index_cast %add3A_244 : i32 to index
      %get3A_246 = arith.constant 16 : index
      %get3A_247 = tpu.vector_load %arg9[%get3A_245, %get3A_246] {strides = array<i32>} : memref<128x64xf32, #tpu.memory_space<vmem>>, vector<1x16xf32>,
      %get3A_248 = vector.shape_cast %get3A_247 : vector<1x16xf32> to vector<16xf32>
      %add3A_249 = arith.addf %add3A_221, %get3A_248 : vector<16xf32>
      %add3A_250 = arith.constant 1 : i32
      %add3A_251 = arith.addi %mul3A_207, %add3A_250 : i32
      %get3A_252 = arith.index_cast %add3A_251 : i32 to index
      %get3A_253 = arith.constant 32 : index
      %get3A_254 = tpu.vector_load %arg9[%get3A_252, %get3A_253] {strides = array<i32>} : memref<128x64xf32, #tpu.memory_space<vmem>>, vector<1x16xf32>,
      %get3A_255 = vector.shape_cast %get3A_254 : vector<1x16xf32> to vector<16xf32>
      %add3A_256 = arith.addf %add3A_228, %get3A_255 : vector<16xf32>
      %add3A_257 = arith.constant 1 : i32
      %add3A_258 = arith.addi %mul3A_207, %add3A_257 : i32
      %get3A_259 = arith.index_cast %add3A_258 : i32 to index
      %get3A_260 = arith.constant 48 : index
      %get3A_261 = tpu.vector_load %arg9[%get3A_259, %get3A_260] {strides = array<i32>} : memref<128x64xf32, #tpu.memory_space<vmem>>, vector<1x16xf32>,
      %get3A_262 = vector.shape_cast %get3A_261 : vector<1x16xf32> to vector<16xf32>
      %add3A_263 = arith.addf %add3A_235, %get3A_262 : vector<16xf32>
      %add3A_264 = arith.constant 2 : i32
      %add3A_265 = arith.addi %mul3A_207, %add3A_264 : i32
      %get3A_266 = arith.index_cast %add3A_265 : i32 to index
      %get3A_267 = arith.constant 0 : index
      %get3A_268 = tpu.vector_load %arg9[%get3A_266, %get3A_267] {strides = array<i32>} : memref<128x64xf32, #tpu.memory_space<vmem>>, vector<1x16xf32>,
      %get3A_269 = vector.shape_cast %get3A_268 : vector<1x16xf32> to vector<16xf32>
      %add3A_270 = arith.addf %add3A_242, %get3A_269 : vector<16xf32>
      %add3A_271 = arith.constant 2 : i32
      %add3A_272 = arith.addi %mul3A_207, %add3A_271 : i32
      %get3A_273 = arith.index_cast %add3A_272 : i32 to index
      %get3A_274 = arith.constant 16 : index
      %get3A_275 = tpu.vector_load %arg9[%get3A_273, %get3A_274] {strides = array<i32>} : memref<128x64xf32, #tpu.memory_space<vmem>>, vector<1x16xf32>,
      %get3A_276 = vector.shape_cast %get3A_275 : vector<1x16xf32> to vector<16xf32>
      %add3A_277 = arith.addf %add3A_249, %get3A_276 : vector<16xf32>
      %add3A_278 = arith.constant 2 : i32
      %add3A_279 = arith.addi %mul3A_207, %add3A_278 : i32
      %get3A_280 = arith.index_cast %add3A_279 : i32 to index
      %get3A_281 = arith.constant 32 : index
      %get3A_282 = tpu.vector_load %arg9[%get3A_280, %get3A_281] {strides = array<i32>} : memref<128x64xf32, #tpu.memory_space<vmem>>, vector<1x16xf32>,
      %get3A_283 = vector.shape_cast %get3A_282 : vector<1x16xf32> to vector<16xf32>
      %add3A_284 = arith.addf %add3A_256, %get3A_283 : vector<16xf32>
      %add3A_285 = arith.constant 2 : i32
      %add3A_286 = arith.addi %mul3A_207, %add3A_285 : i32
      %get3A_287 = arith.index_cast %add3A_286 : i32 to index
      %get3A_288 = arith.constant 48 : index
      %get3A_289 = tpu.vector_load %arg9[%get3A_287, %get3A_288] {strides = array<i32>} : memref<128x64xf32, #tpu.memory_space<vmem>>, vector<1x16xf32>,
      %get3A_290 = vector.shape_cast %get3A_289 : vector<1x16xf32> to vector<16xf32>
      %add3A_291 = arith.addf %add3A_263, %get3A_290 : vector<16xf32>
      %add3A_292 = arith.constant 3 : i32
      %add3A_293 = arith.addi %mul3A_207, %add3A_292 : i32
      %get3A_294 = arith.index_cast %add3A_293 : i32 to index
      %get3A_295 = arith.constant 0 : index
      %get3A_296 = tpu.vector_load %arg9[%get3A_294, %get3A_295] {strides = array<i32>} : memref<128x64xf32, #tpu.memory_space<vmem>>, vector<1x16xf32>,
      %get3A_297 = vector.shape_cast %get3A_296 : vector<1x16xf32> to vector<16xf32>
      %add3A_298 = arith.addf %add3A_270, %get3A_297 : vector<16xf32>
      %add3A_299 = arith.constant 3 : i32
      %add3A_300 = arith.addi %mul3A_207, %add3A_299 : i32
      %get3A_301 = arith.index_cast %add3A_300 : i32 to index
      %get3A_302 = arith.constant 16 : index
      %get3A_303 = tpu.vector_load %arg9[%get3A_301, %get3A_302] {strides = array<i32>} : memref<128x64xf32, #tpu.memory_space<vmem>>, vector<1x16xf32>,
      %get3A_304 = vector.shape_cast %get3A_303 : vector<1x16xf32> to vector<16xf32>
      %add3A_305 = arith.addf %add3A_277, %get3A_304 : vector<16xf32>
      %add3A_306 = arith.constant 3 : i32
      %add3A_307 = arith.addi %mul3A_207, %add3A_306 : i32
      %get3A_308 = arith.index_cast %add3A_307 : i32 to index
      %get3A_309 = arith.constant 32 : index
      %get3A_310 = tpu.vector_load %arg9[%get3A_308, %get3A_309] {strides = array<i32>} : memref<128x64xf32, #tpu.memory_space<vmem>>, vector<1x16xf32>,
      %get3A_311 = vector.shape_cast %get3A_310 : vector<1x16xf32> to vector<16xf32>
      %add3A_312 = arith.addf %add3A_284, %get3A_311 : vector<16xf32>
      %add3A_313 = arith.constant 3 : i32
      %add3A_314 = arith.addi %mul3A_207, %add3A_313 : i32
      %get3A_315 = arith.index_cast %add3A_314 : i32 to index
      %get3A_316 = arith.constant 48 : index
      %get3A_317 = tpu.vector_load %arg9[%get3A_315, %get3A_316] {strides = array<i32>} : memref<128x64xf32, #tpu.memory_space<vmem>>, vector<1x16xf32>,
      %get3A_318 = vector.shape_cast %get3A_317 : vector<1x16xf32> to vector<16xf32>
      %add3A_319 = arith.addf %add3A_291, %get3A_318 : vector<16xf32>
      %add3A_320 = arith.constant 4 : i32
      %add3A_321 = arith.addi %mul3A_207, %add3A_320 : i32
      %get3A_322 = arith.index_cast %add3A_321 : i32 to index
      %get3A_323 = arith.constant 0 : index
      %get3A_324 = tpu.vector_load %arg9[%get3A_322, %get3A_323] {strides = array<i32>} : memref<128x64xf32, #tpu.memory_space<vmem>>, vector<1x16xf32>,
      %get3A_325 = vector.shape_cast %get3A_324 : vector<1x16xf32> to vector<16xf32>
      %add3A_326 = arith.addf %add3A_298, %get3A_325 : vector<16xf32>
      %add3A_327 = arith.constant 4 : i32
      %add3A_328 = arith.addi %mul3A_207, %add3A_327 : i32
      %get3A_329 = arith.index_cast %add3A_328 : i32 to index
      %get3A_330 = arith.constant 16 : index
      %get3A_331 = tpu.vector_load %arg9[%get3A_329, %get3A_330] {strides = array<i32>} : memref<128x64xf32, #tpu.memory_space<vmem>>, vector<1x16xf32>,
      %get3A_332 = vector.shape_cast %get3A_331 : vector<1x16xf32> to vector<16xf32>
      %add3A_333 = arith.addf %add3A_305, %get3A_332 : vector<16xf32>
      %add3A_334 = arith.constant 4 : i32
      %add3A_335 = arith.addi %mul3A_207, %add3A_334 : i32
      %get3A_336 = arith.index_cast %add3A_335 : i32 to index
      %get3A_337 = arith.constant 32 : index
      %get3A_338 = tpu.vector_load %arg9[%get3A_336, %get3A_337] {strides = array<i32>} : memref<128x64xf32, #tpu.memory_space<vmem>>, vector<1x16xf32>,
      %get3A_339 = vector.shape_cast %get3A_338 : vector<1x16xf32> to vector<16xf32>
      %add3A_340 = arith.addf %add3A_312, %get3A_339 : vector<16xf32>
      %add3A_341 = arith.constant 4 : i32
      %add3A_342 = arith.addi %mul3A_207, %add3A_341 : i32
      %get3A_343 = arith.index_cast %add3A_342 : i32 to index
      %get3A_344 = arith.constant 48 : index
      %get3A_345 = tpu.vector_load %arg9[%get3A_343, %get3A_344] {strides = array<i32>} : memref<128x64xf32, #tpu.memory_space<vmem>>, vector<1x16xf32>,
      %get3A_346 = vector.shape_cast %get3A_345 : vector<1x16xf32> to vector<16xf32>
      %add3A_347 = arith.addf %add3A_319, %get3A_346 : vector<16xf32>
      %add3A_348 = arith.constant 5 : i32
      %add3A_349 = arith.addi %mul3A_207, %add3A_348 : i32
      %get3A_350 = arith.index_cast %add3A_349 : i32 to index
      %get3A_351 = arith.constant 0 : index
      %get3A_352 = tpu.vector_load %arg9[%get3A_350, %get3A_351] {strides = array<i32>} : memref<128x64xf32, #tpu.memory_space<vmem>>, vector<1x16xf32>,
      %get3A_353 = vector.shape_cast %get3A_352 : vector<1x16xf32> to vector<16xf32>
      %add3A_354 = arith.addf %add3A_326, %get3A_353 : vector<16xf32>
      %add3A_355 = arith.constant 5 : i32
      %add3A_356 = arith.addi %mul3A_207, %add3A_355 : i32
      %get3A_357 = arith.index_cast %add3A_356 : i32 to index
      %get3A_358 = arith.constant 16 : index
      %get3A_359 = tpu.vector_load %arg9[%get3A_357, %get3A_358] {strides = array<i32>} : memref<128x64xf32, #tpu.memory_space<vmem>>, vector<1x16xf32>,
      %get3A_360 = vector.shape_cast %get3A_359 : vector<1x16xf32> to vector<16xf32>
      %add3A_361 = arith.addf %add3A_333, %get3A_360 : vector<16xf32>
      %add3A_362 = arith.constant 5 : i32
      %add3A_363 = arith.addi %mul3A_207, %add3A_362 : i32
      %get3A_364 = arith.index_cast %add3A_363 : i32 to index
      %get3A_365 = arith.constant 32 : index
      %get3A_366 = tpu.vector_load %arg9[%get3A_364, %get3A_365] {strides = array<i32>} : memref<128x64xf32, #tpu.memory_space<vmem>>, vector<1x16xf32>,
      %get3A_367 = vector.shape_cast %get3A_366 : vector<1x16xf32> to vector<16xf32>
      %add3A_368 = arith.addf %add3A_340, %get3A_367 : vector<16xf32>
      %add3A_369 = arith.constant 5 : i32
      %add3A_370 = arith.addi %mul3A_207, %add3A_369 : i32
      %get3A_371 = arith.index_cast %add3A_370 : i32 to index
      %get3A_372 = arith.constant 48 : index
      %get3A_373 = tpu.vector_load %arg9[%get3A_371, %get3A_372] {strides = array<i32>} : memref<128x64xf32, #tpu.memory_space<vmem>>, vector<1x16xf32>,
      %get3A_374 = vector.shape_cast %get3A_373 : vector<1x16xf32> to vector<16xf32>
      %add3A_375 = arith.addf %add3A_347, %get3A_374 : vector<16xf32>
      %add3A_376 = arith.constant 6 : i32
      %add3A_377 = arith.addi %mul3A_207, %add3A_376 : i32
      %get3A_378 = arith.index_cast %add3A_377 : i32 to index
      %get3A_379 = arith.constant 0 : index
      %get3A_380 = tpu.vector_load %arg9[%get3A_378, %get3A_379] {strides = array<i32>} : memref<128x64xf32, #tpu.memory_space<vmem>>, vector<1x16xf32>,
      %get3A_381 = vector.shape_cast %get3A_380 : vector<1x16xf32> to vector<16xf32>
      %add3A_382 = arith.addf %add3A_354, %get3A_381 : vector<16xf32>
      %add3A_383 = arith.constant 6 : i32
      %add3A_384 = arith.addi %mul3A_207, %add3A_383 : i32
      %get3A_385 = arith.index_cast %add3A_384 : i32 to index
      %get3A_386 = arith.constant 16 : index
      %get3A_387 = tpu.vector_load %arg9[%get3A_385, %get3A_386] {strides = array<i32>} : memref<128x64xf32, #tpu.memory_space<vmem>>, vector<1x16xf32>,
      %get3A_388 = vector.shape_cast %get3A_387 : vector<1x16xf32> to vector<16xf32>
      %add3A_389 = arith.addf %add3A_361, %get3A_388 : vector<16xf32>
      %add3A_390 = arith.constant 6 : i32
      %add3A_391 = arith.addi %mul3A_207, %add3A_390 : i32
      %get3A_392 = arith.index_cast %add3A_391 : i32 to index
      %get3A_393 = arith.constant 32 : index
      %get3A_394 = tpu.vector_load %arg9[%get3A_392, %get3A_393] {strides = array<i32>} : memref<128x64xf32, #tpu.memory_space<vmem>>, vector<1x16xf32>,
      %get3A_395 = vector.shape_cast %get3A_394 : vector<1x16xf32> to vector<16xf32>
      %add3A_396 = arith.addf %add3A_368, %get3A_395 : vector<16xf32>
      %add3A_397 = arith.constant 6 : i32
      %add3A_398 = arith.addi %mul3A_207, %add3A_397 : i32
      %get3A_399 = arith.index_cast %add3A_398 : i32 to index
      %get3A_400 = arith.constant 48 : index
      %get3A_401 = tpu.vector_load %arg9[%get3A_399, %get3A_400] {strides = array<i32>} : memref<128x64xf32, #tpu.memory_space<vmem>>, vector<1x16xf32>,
      %get3A_402 = vector.shape_cast %get3A_401 : vector<1x16xf32> to vector<16xf32>
      %add3A_403 = arith.addf %add3A_375, %get3A_402 : vector<16xf32>
      %add3A_404 = arith.constant 7 : i32
      %add3A_405 = arith.addi %mul3A_207, %add3A_404 : i32
      %get3A_406 = arith.index_cast %add3A_405 : i32 to index
      %get3A_407 = arith.constant 0 : index
      %get3A_408 = tpu.vector_load %arg9[%get3A_406, %get3A_407] {strides = array<i32>} : memref<128x64xf32, #tpu.memory_space<vmem>>, vector<1x16xf32>,
      %get3A_409 = vector.shape_cast %get3A_408 : vector<1x16xf32> to vector<16xf32>
      %add3A_410 = arith.addf %add3A_382, %get3A_409 : vector<16xf32>
      %add3A_411 = arith.constant 7 : i32
      %add3A_412 = arith.addi %mul3A_207, %add3A_411 : i32
      %get3A_413 = arith.index_cast %add3A_412 : i32 to index
      %get3A_414 = arith.constant 16 : index
      %get3A_415 = tpu.vector_load %arg9[%get3A_413, %get3A_414] {strides = array<i32>} : memref<128x64xf32, #tpu.memory_space<vmem>>, vector<1x16xf32>,
      %get3A_416 = vector.shape_cast %get3A_415 : vector<1x16xf32> to vector<16xf32>
      %add3A_417 = arith.addf %add3A_389, %get3A_416 : vector<16xf32>
      %add3A_418 = arith.constant 7 : i32
      %add3A_419 = arith.addi %mul3A_207, %add3A_418 : i32
      %get3A_420 = arith.index_cast %add3A_419 : i32 to index
      %get3A_421 = arith.constant 32 : index
      %get3A_422 = tpu.vector_load %arg9[%get3A_420, %get3A_421] {strides = array<i32>} : memref<128x64xf32, #tpu.memory_space<vmem>>, vector<1x16xf32>,
      %get3A_423 = vector.shape_cast %get3A_422 : vector<1x16xf32> to vector<16xf32>
      %add3A_424 = arith.addf %add3A_396, %get3A_423 : vector<16xf32>
      %add3A_425 = arith.constant 7 : i32
      %add3A_426 = arith.addi %mul3A_207, %add3A_425 : i32
      %get3A_427 = arith.index_cast %add3A_426 : i32 to index
      %get3A_428 = arith.constant 48 : index
      %get3A_429 = tpu.vector_load %arg9[%get3A_427, %get3A_428] {strides = array<i32>} : memref<128x64xf32, #tpu.memory_space<vmem>>, vector<1x16xf32>,
      %get3A_430 = vector.shape_cast %get3A_429 : vector<1x16xf32> to vector<16xf32>
      %add3A_431 = arith.addf %add3A_403, %get3A_430 : vector<16xf32>
      scf.yield %add3A_410, %add3A_417, %add3A_424, %add3A_431 : vector<16xf32>, vector<16xf32>, vector<16xf32>, vector<16xf32>
    }
    %scan3A_117 = arith.constant 16 : i32
    %multiple_of3A_118 = arith.constant 24832 : i32
    %multiple_of3A_119 = tpu.assume_multiple %multiple_of3A_118, 8 : i32
    %dma_wait3A_120 = tpu.memref_slice %arg6[%multiple_of3A_119] : memref<25472xi32, #tpu.memory_space<vmem>> -> memref<128xi32, #tpu.memory_space<vmem>>
    %dma_wait3A_121 = arith.constant 0 : i32
    %dma_wait3A_122 = arith.constant 0 : i32
    %dma_wait3A_123 = tpu.memref_slice %arg3[%dma_wait3A_121, %dma_wait3A_122] : memref<1000000x64xf32, #tpu.memory_space<hbm>> -> memref<1000000x64xf32, #tpu.memory_space<hbm>>
    tpu.wait_indirect_dma semaphore(%arg19 : memref<!tpu.dma_semaphore, #tpu.memory_space<semaphore_mem>>) src(%dma_wait3A_123 : memref<1000000x64xf32, #tpu.memory_space<hbm>>) dst(%arg10 : memref<128x64xf32, #tpu.memory_space<vmem>>)
    %scan3A_124 = arith.constant 0 : i32
    %scan3A_125 = arith.constant 16 : i32
    %scan3A_126 = arith.addi %scan3A_124, %scan3A_125 : i32
    %scan3A_127 = arith.constant 1 : i32
    %scan3A_128:4 = scf.for %scan3A_201 = %scan3A_124 to %scan3A_126 step %scan3A_127 iter_args(%scan3A_202 = %scan3A_116#0, %scan3A_203 = %scan3A_116#1, %scan3A_204 = %scan3A_116#2, %scan3A_205 = %scan3A_116#3) -> (vector<16xf32>, vector<16xf32>, vector<16xf32>, vector<16xf32>)  : i32 {
      %mul3A_206 = arith.constant 8 : i32
      %mul3A_207 = arith.muli %scan3A_201, %mul3A_206 : i32
      %add3A_208 = arith.constant 0 : i32
      %add3A_209 = arith.addi %mul3A_207, %add3A_208 : i32
      %get3A_210 = arith.index_cast %add3A_209 : i32 to index
      %get3A_211 = arith.constant 0 : index
      %get3A_212 = tpu.vector_load %arg10[%get3A_210, %get3A_211] {strides = array<i32>} : memref<128x64xf32, #tpu.memory_space<vmem>>, vector<1x16xf32>,
      %get3A_213 = vector.shape_cast %get3A_212 : vector<1x16xf32> to vector<16xf32>
      %add3A_214 = arith.addf %scan3A_202, %get3A_213 : vector<16xf32>
      %add3A_215 = arith.constant 0 : i32
      %add3A_216 = arith.addi %mul3A_207, %add3A_215 : i32
      %get3A_217 = arith.index_cast %add3A_216 : i32 to index
      %get3A_218 = arith.constant 16 : index
      %get3A_219 = tpu.vector_load %arg10[%get3A_217, %get3A_218] {strides = array<i32>} : memref<128x64xf32, #tpu.memory_space<vmem>>, vector<1x16xf32>,
      %get3A_220 = vector.shape_cast %get3A_219 : vector<1x16xf32> to vector<16xf32>
      %add3A_221 = arith.addf %scan3A_203, %get3A_220 : vector<16xf32>
      %add3A_222 = arith.constant 0 : i32
      %add3A_223 = arith.addi %mul3A_207, %add3A_222 : i32
      %get3A_224 = arith.index_cast %add3A_223 : i32 to index
      %get3A_225 = arith.constant 32 : index
      %get3A_226 = tpu.vector_load %arg10[%get3A_224, %get3A_225] {strides = array<i32>} : memref<128x64xf32, #tpu.memory_space<vmem>>, vector<1x16xf32>,
      %get3A_227 = vector.shape_cast %get3A_226 : vector<1x16xf32> to vector<16xf32>
      %add3A_228 = arith.addf %scan3A_204, %get3A_227 : vector<16xf32>
      %add3A_229 = arith.constant 0 : i32
      %add3A_230 = arith.addi %mul3A_207, %add3A_229 : i32
      %get3A_231 = arith.index_cast %add3A_230 : i32 to index
      %get3A_232 = arith.constant 48 : index
      %get3A_233 = tpu.vector_load %arg10[%get3A_231, %get3A_232] {strides = array<i32>} : memref<128x64xf32, #tpu.memory_space<vmem>>, vector<1x16xf32>,
      %get3A_234 = vector.shape_cast %get3A_233 : vector<1x16xf32> to vector<16xf32>
      %add3A_235 = arith.addf %scan3A_205, %get3A_234 : vector<16xf32>
      %add3A_236 = arith.constant 1 : i32
      %add3A_237 = arith.addi %mul3A_207, %add3A_236 : i32
      %get3A_238 = arith.index_cast %add3A_237 : i32 to index
      %get3A_239 = arith.constant 0 : index
      %get3A_240 = tpu.vector_load %arg10[%get3A_238, %get3A_239] {strides = array<i32>} : memref<128x64xf32, #tpu.memory_space<vmem>>, vector<1x16xf32>,
      %get3A_241 = vector.shape_cast %get3A_240 : vector<1x16xf32> to vector<16xf32>
      %add3A_242 = arith.addf %add3A_214, %get3A_241 : vector<16xf32>
      %add3A_243 = arith.constant 1 : i32
      %add3A_244 = arith.addi %mul3A_207, %add3A_243 : i32
      %get3A_245 = arith.index_cast %add3A_244 : i32 to index
      %get3A_246 = arith.constant 16 : index
      %get3A_247 = tpu.vector_load %arg10[%get3A_245, %get3A_246] {strides = array<i32>} : memref<128x64xf32, #tpu.memory_space<vmem>>, vector<1x16xf32>,
      %get3A_248 = vector.shape_cast %get3A_247 : vector<1x16xf32> to vector<16xf32>
      %add3A_249 = arith.addf %add3A_221, %get3A_248 : vector<16xf32>
      %add3A_250 = arith.constant 1 : i32
      %add3A_251 = arith.addi %mul3A_207, %add3A_250 : i32
      %get3A_252 = arith.index_cast %add3A_251 : i32 to index
      %get3A_253 = arith.constant 32 : index
      %get3A_254 = tpu.vector_load %arg10[%get3A_252, %get3A_253] {strides = array<i32>} : memref<128x64xf32, #tpu.memory_space<vmem>>, vector<1x16xf32>,
      %get3A_255 = vector.shape_cast %get3A_254 : vector<1x16xf32> to vector<16xf32>
      %add3A_256 = arith.addf %add3A_228, %get3A_255 : vector<16xf32>
      %add3A_257 = arith.constant 1 : i32
      %add3A_258 = arith.addi %mul3A_207, %add3A_257 : i32
      %get3A_259 = arith.index_cast %add3A_258 : i32 to index
      %get3A_260 = arith.constant 48 : index
      %get3A_261 = tpu.vector_load %arg10[%get3A_259, %get3A_260] {strides = array<i32>} : memref<128x64xf32, #tpu.memory_space<vmem>>, vector<1x16xf32>,
      %get3A_262 = vector.shape_cast %get3A_261 : vector<1x16xf32> to vector<16xf32>
      %add3A_263 = arith.addf %add3A_235, %get3A_262 : vector<16xf32>
      %add3A_264 = arith.constant 2 : i32
      %add3A_265 = arith.addi %mul3A_207, %add3A_264 : i32
      %get3A_266 = arith.index_cast %add3A_265 : i32 to index
      %get3A_267 = arith.constant 0 : index
      %get3A_268 = tpu.vector_load %arg10[%get3A_266, %get3A_267] {strides = array<i32>} : memref<128x64xf32, #tpu.memory_space<vmem>>, vector<1x16xf32>,
      %get3A_269 = vector.shape_cast %get3A_268 : vector<1x16xf32> to vector<16xf32>
      %add3A_270 = arith.addf %add3A_242, %get3A_269 : vector<16xf32>
      %add3A_271 = arith.constant 2 : i32
      %add3A_272 = arith.addi %mul3A_207, %add3A_271 : i32
      %get3A_273 = arith.index_cast %add3A_272 : i32 to index
      %get3A_274 = arith.constant 16 : index
      %get3A_275 = tpu.vector_load %arg10[%get3A_273, %get3A_274] {strides = array<i32>} : memref<128x64xf32, #tpu.memory_space<vmem>>, vector<1x16xf32>,
      %get3A_276 = vector.shape_cast %get3A_275 : vector<1x16xf32> to vector<16xf32>
      %add3A_277 = arith.addf %add3A_249, %get3A_276 : vector<16xf32>
      %add3A_278 = arith.constant 2 : i32
      %add3A_279 = arith.addi %mul3A_207, %add3A_278 : i32
      %get3A_280 = arith.index_cast %add3A_279 : i32 to index
      %get3A_281 = arith.constant 32 : index
      %get3A_282 = tpu.vector_load %arg10[%get3A_280, %get3A_281] {strides = array<i32>} : memref<128x64xf32, #tpu.memory_space<vmem>>, vector<1x16xf32>,
      %get3A_283 = vector.shape_cast %get3A_282 : vector<1x16xf32> to vector<16xf32>
      %add3A_284 = arith.addf %add3A_256, %get3A_283 : vector<16xf32>
      %add3A_285 = arith.constant 2 : i32
      %add3A_286 = arith.addi %mul3A_207, %add3A_285 : i32
      %get3A_287 = arith.index_cast %add3A_286 : i32 to index
      %get3A_288 = arith.constant 48 : index
      %get3A_289 = tpu.vector_load %arg10[%get3A_287, %get3A_288] {strides = array<i32>} : memref<128x64xf32, #tpu.memory_space<vmem>>, vector<1x16xf32>,
      %get3A_290 = vector.shape_cast %get3A_289 : vector<1x16xf32> to vector<16xf32>
      %add3A_291 = arith.addf %add3A_263, %get3A_290 : vector<16xf32>
      %add3A_292 = arith.constant 3 : i32
      %add3A_293 = arith.addi %mul3A_207, %add3A_292 : i32
      %get3A_294 = arith.index_cast %add3A_293 : i32 to index
      %get3A_295 = arith.constant 0 : index
      %get3A_296 = tpu.vector_load %arg10[%get3A_294, %get3A_295] {strides = array<i32>} : memref<128x64xf32, #tpu.memory_space<vmem>>, vector<1x16xf32>,
      %get3A_297 = vector.shape_cast %get3A_296 : vector<1x16xf32> to vector<16xf32>
      %add3A_298 = arith.addf %add3A_270, %get3A_297 : vector<16xf32>
      %add3A_299 = arith.constant 3 : i32
      %add3A_300 = arith.addi %mul3A_207, %add3A_299 : i32
      %get3A_301 = arith.index_cast %add3A_300 : i32 to index
      %get3A_302 = arith.constant 16 : index
      %get3A_303 = tpu.vector_load %arg10[%get3A_301, %get3A_302] {strides = array<i32>} : memref<128x64xf32, #tpu.memory_space<vmem>>, vector<1x16xf32>,
      %get3A_304 = vector.shape_cast %get3A_303 : vector<1x16xf32> to vector<16xf32>
      %add3A_305 = arith.addf %add3A_277, %get3A_304 : vector<16xf32>
      %add3A_306 = arith.constant 3 : i32
      %add3A_307 = arith.addi %mul3A_207, %add3A_306 : i32
      %get3A_308 = arith.index_cast %add3A_307 : i32 to index
      %get3A_309 = arith.constant 32 : index
      %get3A_310 = tpu.vector_load %arg10[%get3A_308, %get3A_309] {strides = array<i32>} : memref<128x64xf32, #tpu.memory_space<vmem>>, vector<1x16xf32>,
      %get3A_311 = vector.shape_cast %get3A_310 : vector<1x16xf32> to vector<16xf32>
      %add3A_312 = arith.addf %add3A_284, %get3A_311 : vector<16xf32>
      %add3A_313 = arith.constant 3 : i32
      %add3A_314 = arith.addi %mul3A_207, %add3A_313 : i32
      %get3A_315 = arith.index_cast %add3A_314 : i32 to index
      %get3A_316 = arith.constant 48 : index
      %get3A_317 = tpu.vector_load %arg10[%get3A_315, %get3A_316] {strides = array<i32>} : memref<128x64xf32, #tpu.memory_space<vmem>>, vector<1x16xf32>,
      %get3A_318 = vector.shape_cast %get3A_317 : vector<1x16xf32> to vector<16xf32>
      %add3A_319 = arith.addf %add3A_291, %get3A_318 : vector<16xf32>
      %add3A_320 = arith.constant 4 : i32
      %add3A_321 = arith.addi %mul3A_207, %add3A_320 : i32
      %get3A_322 = arith.index_cast %add3A_321 : i32 to index
      %get3A_323 = arith.constant 0 : index
      %get3A_324 = tpu.vector_load %arg10[%get3A_322, %get3A_323] {strides = array<i32>} : memref<128x64xf32, #tpu.memory_space<vmem>>, vector<1x16xf32>,
      %get3A_325 = vector.shape_cast %get3A_324 : vector<1x16xf32> to vector<16xf32>
      %add3A_326 = arith.addf %add3A_298, %get3A_325 : vector<16xf32>
      %add3A_327 = arith.constant 4 : i32
      %add3A_328 = arith.addi %mul3A_207, %add3A_327 : i32
      %get3A_329 = arith.index_cast %add3A_328 : i32 to index
      %get3A_330 = arith.constant 16 : index
      %get3A_331 = tpu.vector_load %arg10[%get3A_329, %get3A_330] {strides = array<i32>} : memref<128x64xf32, #tpu.memory_space<vmem>>, vector<1x16xf32>,
      %get3A_332 = vector.shape_cast %get3A_331 : vector<1x16xf32> to vector<16xf32>
      %add3A_333 = arith.addf %add3A_305, %get3A_332 : vector<16xf32>
      %add3A_334 = arith.constant 4 : i32
      %add3A_335 = arith.addi %mul3A_207, %add3A_334 : i32
      %get3A_336 = arith.index_cast %add3A_335 : i32 to index
      %get3A_337 = arith.constant 32 : index
      %get3A_338 = tpu.vector_load %arg10[%get3A_336, %get3A_337] {strides = array<i32>} : memref<128x64xf32, #tpu.memory_space<vmem>>, vector<1x16xf32>,
      %get3A_339 = vector.shape_cast %get3A_338 : vector<1x16xf32> to vector<16xf32>
      %add3A_340 = arith.addf %add3A_312, %get3A_339 : vector<16xf32>
      %add3A_341 = arith.constant 4 : i32
      %add3A_342 = arith.addi %mul3A_207, %add3A_341 : i32
      %get3A_343 = arith.index_cast %add3A_342 : i32 to index
      %get3A_344 = arith.constant 48 : index
      %get3A_345 = tpu.vector_load %arg10[%get3A_343, %get3A_344] {strides = array<i32>} : memref<128x64xf32, #tpu.memory_space<vmem>>, vector<1x16xf32>,
      %get3A_346 = vector.shape_cast %get3A_345 : vector<1x16xf32> to vector<16xf32>
      %add3A_347 = arith.addf %add3A_319, %get3A_346 : vector<16xf32>
      %add3A_348 = arith.constant 5 : i32
      %add3A_349 = arith.addi %mul3A_207, %add3A_348 : i32
      %get3A_350 = arith.index_cast %add3A_349 : i32 to index
      %get3A_351 = arith.constant 0 : index
      %get3A_352 = tpu.vector_load %arg10[%get3A_350, %get3A_351] {strides = array<i32>} : memref<128x64xf32, #tpu.memory_space<vmem>>, vector<1x16xf32>,
      %get3A_353 = vector.shape_cast %get3A_352 : vector<1x16xf32> to vector<16xf32>
      %add3A_354 = arith.addf %add3A_326, %get3A_353 : vector<16xf32>
      %add3A_355 = arith.constant 5 : i32
      %add3A_356 = arith.addi %mul3A_207, %add3A_355 : i32
      %get3A_357 = arith.index_cast %add3A_356 : i32 to index
      %get3A_358 = arith.constant 16 : index
      %get3A_359 = tpu.vector_load %arg10[%get3A_357, %get3A_358] {strides = array<i32>} : memref<128x64xf32, #tpu.memory_space<vmem>>, vector<1x16xf32>,
      %get3A_360 = vector.shape_cast %get3A_359 : vector<1x16xf32> to vector<16xf32>
      %add3A_361 = arith.addf %add3A_333, %get3A_360 : vector<16xf32>
      %add3A_362 = arith.constant 5 : i32
      %add3A_363 = arith.addi %mul3A_207, %add3A_362 : i32
      %get3A_364 = arith.index_cast %add3A_363 : i32 to index
      %get3A_365 = arith.constant 32 : index
      %get3A_366 = tpu.vector_load %arg10[%get3A_364, %get3A_365] {strides = array<i32>} : memref<128x64xf32, #tpu.memory_space<vmem>>, vector<1x16xf32>,
      %get3A_367 = vector.shape_cast %get3A_366 : vector<1x16xf32> to vector<16xf32>
      %add3A_368 = arith.addf %add3A_340, %get3A_367 : vector<16xf32>
      %add3A_369 = arith.constant 5 : i32
      %add3A_370 = arith.addi %mul3A_207, %add3A_369 : i32
      %get3A_371 = arith.index_cast %add3A_370 : i32 to index
      %get3A_372 = arith.constant 48 : index
      %get3A_373 = tpu.vector_load %arg10[%get3A_371, %get3A_372] {strides = array<i32>} : memref<128x64xf32, #tpu.memory_space<vmem>>, vector<1x16xf32>,
      %get3A_374 = vector.shape_cast %get3A_373 : vector<1x16xf32> to vector<16xf32>
      %add3A_375 = arith.addf %add3A_347, %get3A_374 : vector<16xf32>
      %add3A_376 = arith.constant 6 : i32
      %add3A_377 = arith.addi %mul3A_207, %add3A_376 : i32
      %get3A_378 = arith.index_cast %add3A_377 : i32 to index
      %get3A_379 = arith.constant 0 : index
      %get3A_380 = tpu.vector_load %arg10[%get3A_378, %get3A_379] {strides = array<i32>} : memref<128x64xf32, #tpu.memory_space<vmem>>, vector<1x16xf32>,
      %get3A_381 = vector.shape_cast %get3A_380 : vector<1x16xf32> to vector<16xf32>
      %add3A_382 = arith.addf %add3A_354, %get3A_381 : vector<16xf32>
      %add3A_383 = arith.constant 6 : i32
      %add3A_384 = arith.addi %mul3A_207, %add3A_383 : i32
      %get3A_385 = arith.index_cast %add3A_384 : i32 to index
      %get3A_386 = arith.constant 16 : index
      %get3A_387 = tpu.vector_load %arg10[%get3A_385, %get3A_386] {strides = array<i32>} : memref<128x64xf32, #tpu.memory_space<vmem>>, vector<1x16xf32>,
      %get3A_388 = vector.shape_cast %get3A_387 : vector<1x16xf32> to vector<16xf32>
      %add3A_389 = arith.addf %add3A_361, %get3A_388 : vector<16xf32>
      %add3A_390 = arith.constant 6 : i32
      %add3A_391 = arith.addi %mul3A_207, %add3A_390 : i32
      %get3A_392 = arith.index_cast %add3A_391 : i32 to index
      %get3A_393 = arith.constant 32 : index
      %get3A_394 = tpu.vector_load %arg10[%get3A_392, %get3A_393] {strides = array<i32>} : memref<128x64xf32, #tpu.memory_space<vmem>>, vector<1x16xf32>,
      %get3A_395 = vector.shape_cast %get3A_394 : vector<1x16xf32> to vector<16xf32>
      %add3A_396 = arith.addf %add3A_368, %get3A_395 : vector<16xf32>
      %add3A_397 = arith.constant 6 : i32
      %add3A_398 = arith.addi %mul3A_207, %add3A_397 : i32
      %get3A_399 = arith.index_cast %add3A_398 : i32 to index
      %get3A_400 = arith.constant 48 : index
      %get3A_401 = tpu.vector_load %arg10[%get3A_399, %get3A_400] {strides = array<i32>} : memref<128x64xf32, #tpu.memory_space<vmem>>, vector<1x16xf32>,
      %get3A_402 = vector.shape_cast %get3A_401 : vector<1x16xf32> to vector<16xf32>
      %add3A_403 = arith.addf %add3A_375, %get3A_402 : vector<16xf32>
      %add3A_404 = arith.constant 7 : i32
      %add3A_405 = arith.addi %mul3A_207, %add3A_404 : i32
      %get3A_406 = arith.index_cast %add3A_405 : i32 to index
      %get3A_407 = arith.constant 0 : index
      %get3A_408 = tpu.vector_load %arg10[%get3A_406, %get3A_407] {strides = array<i32>} : memref<128x64xf32, #tpu.memory_space<vmem>>, vector<1x16xf32>,
      %get3A_409 = vector.shape_cast %get3A_408 : vector<1x16xf32> to vector<16xf32>
      %add3A_410 = arith.addf %add3A_382, %get3A_409 : vector<16xf32>
      %add3A_411 = arith.constant 7 : i32
      %add3A_412 = arith.addi %mul3A_207, %add3A_411 : i32
      %get3A_413 = arith.index_cast %add3A_412 : i32 to index
      %get3A_414 = arith.constant 16 : index
      %get3A_415 = tpu.vector_load %arg10[%get3A_413, %get3A_414] {strides = array<i32>} : memref<128x64xf32, #tpu.memory_space<vmem>>, vector<1x16xf32>,
      %get3A_416 = vector.shape_cast %get3A_415 : vector<1x16xf32> to vector<16xf32>
      %add3A_417 = arith.addf %add3A_389, %get3A_416 : vector<16xf32>
      %add3A_418 = arith.constant 7 : i32
      %add3A_419 = arith.addi %mul3A_207, %add3A_418 : i32
      %get3A_420 = arith.index_cast %add3A_419 : i32 to index
      %get3A_421 = arith.constant 32 : index
      %get3A_422 = tpu.vector_load %arg10[%get3A_420, %get3A_421] {strides = array<i32>} : memref<128x64xf32, #tpu.memory_space<vmem>>, vector<1x16xf32>,
      %get3A_423 = vector.shape_cast %get3A_422 : vector<1x16xf32> to vector<16xf32>
      %add3A_424 = arith.addf %add3A_396, %get3A_423 : vector<16xf32>
      %add3A_425 = arith.constant 7 : i32
      %add3A_426 = arith.addi %mul3A_207, %add3A_425 : i32
      %get3A_427 = arith.index_cast %add3A_426 : i32 to index
      %get3A_428 = arith.constant 48 : index
      %get3A_429 = tpu.vector_load %arg10[%get3A_427, %get3A_428] {strides = array<i32>} : memref<128x64xf32, #tpu.memory_space<vmem>>, vector<1x16xf32>,
      %get3A_430 = vector.shape_cast %get3A_429 : vector<1x16xf32> to vector<16xf32>
      %add3A_431 = arith.addf %add3A_403, %get3A_430 : vector<16xf32>
      scf.yield %add3A_410, %add3A_417, %add3A_424, %add3A_431 : vector<16xf32>, vector<16xf32>, vector<16xf32>, vector<16xf32>
    }
    %scan3A_129 = arith.constant 16 : i32
    %multiple_of3A_130 = arith.constant 24960 : i32
    %multiple_of3A_131 = tpu.assume_multiple %multiple_of3A_130, 8 : i32
    %dma_wait3A_132 = tpu.memref_slice %arg6[%multiple_of3A_131] : memref<25472xi32, #tpu.memory_space<vmem>> -> memref<128xi32, #tpu.memory_space<vmem>>
    %dma_wait3A_133 = arith.constant 0 : i32
    %dma_wait3A_134 = arith.constant 0 : i32
    %dma_wait3A_135 = tpu.memref_slice %arg3[%dma_wait3A_133, %dma_wait3A_134] : memref<1000000x64xf32, #tpu.memory_space<hbm>> -> memref<1000000x64xf32, #tpu.memory_space<hbm>>
    tpu.wait_indirect_dma semaphore(%arg20 : memref<!tpu.dma_semaphore, #tpu.memory_space<semaphore_mem>>) src(%dma_wait3A_135 : memref<1000000x64xf32, #tpu.memory_space<hbm>>) dst(%arg11 : memref<128x64xf32, #tpu.memory_space<vmem>>)
    %scan3A_136 = arith.constant 0 : i32
    %scan3A_137 = arith.constant 16 : i32
    %scan3A_138 = arith.addi %scan3A_136, %scan3A_137 : i32
    %scan3A_139 = arith.constant 1 : i32
    %scan3A_140:4 = scf.for %scan3A_201 = %scan3A_136 to %scan3A_138 step %scan3A_139 iter_args(%scan3A_202 = %scan3A_128#0, %scan3A_203 = %scan3A_128#1, %scan3A_204 = %scan3A_128#2, %scan3A_205 = %scan3A_128#3) -> (vector<16xf32>, vector<16xf32>, vector<16xf32>, vector<16xf32>)  : i32 {
      %mul3A_206 = arith.constant 8 : i32
      %mul3A_207 = arith.muli %scan3A_201, %mul3A_206 : i32
      %add3A_208 = arith.constant 0 : i32
      %add3A_209 = arith.addi %mul3A_207, %add3A_208 : i32
      %get3A_210 = arith.index_cast %add3A_209 : i32 to index
      %get3A_211 = arith.constant 0 : index
      %get3A_212 = tpu.vector_load %arg11[%get3A_210, %get3A_211] {strides = array<i32>} : memref<128x64xf32, #tpu.memory_space<vmem>>, vector<1x16xf32>,
      %get3A_213 = vector.shape_cast %get3A_212 : vector<1x16xf32> to vector<16xf32>
      %add3A_214 = arith.addf %scan3A_202, %get3A_213 : vector<16xf32>
      %add3A_215 = arith.constant 0 : i32
      %add3A_216 = arith.addi %mul3A_207, %add3A_215 : i32
      %get3A_217 = arith.index_cast %add3A_216 : i32 to index
      %get3A_218 = arith.constant 16 : index
      %get3A_219 = tpu.vector_load %arg11[%get3A_217, %get3A_218] {strides = array<i32>} : memref<128x64xf32, #tpu.memory_space<vmem>>, vector<1x16xf32>,
      %get3A_220 = vector.shape_cast %get3A_219 : vector<1x16xf32> to vector<16xf32>
      %add3A_221 = arith.addf %scan3A_203, %get3A_220 : vector<16xf32>
      %add3A_222 = arith.constant 0 : i32
      %add3A_223 = arith.addi %mul3A_207, %add3A_222 : i32
      %get3A_224 = arith.index_cast %add3A_223 : i32 to index
      %get3A_225 = arith.constant 32 : index
      %get3A_226 = tpu.vector_load %arg11[%get3A_224, %get3A_225] {strides = array<i32>} : memref<128x64xf32, #tpu.memory_space<vmem>>, vector<1x16xf32>,
      %get3A_227 = vector.shape_cast %get3A_226 : vector<1x16xf32> to vector<16xf32>
      %add3A_228 = arith.addf %scan3A_204, %get3A_227 : vector<16xf32>
      %add3A_229 = arith.constant 0 : i32
      %add3A_230 = arith.addi %mul3A_207, %add3A_229 : i32
      %get3A_231 = arith.index_cast %add3A_230 : i32 to index
      %get3A_232 = arith.constant 48 : index
      %get3A_233 = tpu.vector_load %arg11[%get3A_231, %get3A_232] {strides = array<i32>} : memref<128x64xf32, #tpu.memory_space<vmem>>, vector<1x16xf32>,
      %get3A_234 = vector.shape_cast %get3A_233 : vector<1x16xf32> to vector<16xf32>
      %add3A_235 = arith.addf %scan3A_205, %get3A_234 : vector<16xf32>
      %add3A_236 = arith.constant 1 : i32
      %add3A_237 = arith.addi %mul3A_207, %add3A_236 : i32
      %get3A_238 = arith.index_cast %add3A_237 : i32 to index
      %get3A_239 = arith.constant 0 : index
      %get3A_240 = tpu.vector_load %arg11[%get3A_238, %get3A_239] {strides = array<i32>} : memref<128x64xf32, #tpu.memory_space<vmem>>, vector<1x16xf32>,
      %get3A_241 = vector.shape_cast %get3A_240 : vector<1x16xf32> to vector<16xf32>
      %add3A_242 = arith.addf %add3A_214, %get3A_241 : vector<16xf32>
      %add3A_243 = arith.constant 1 : i32
      %add3A_244 = arith.addi %mul3A_207, %add3A_243 : i32
      %get3A_245 = arith.index_cast %add3A_244 : i32 to index
      %get3A_246 = arith.constant 16 : index
      %get3A_247 = tpu.vector_load %arg11[%get3A_245, %get3A_246] {strides = array<i32>} : memref<128x64xf32, #tpu.memory_space<vmem>>, vector<1x16xf32>,
      %get3A_248 = vector.shape_cast %get3A_247 : vector<1x16xf32> to vector<16xf32>
      %add3A_249 = arith.addf %add3A_221, %get3A_248 : vector<16xf32>
      %add3A_250 = arith.constant 1 : i32
      %add3A_251 = arith.addi %mul3A_207, %add3A_250 : i32
      %get3A_252 = arith.index_cast %add3A_251 : i32 to index
      %get3A_253 = arith.constant 32 : index
      %get3A_254 = tpu.vector_load %arg11[%get3A_252, %get3A_253] {strides = array<i32>} : memref<128x64xf32, #tpu.memory_space<vmem>>, vector<1x16xf32>,
      %get3A_255 = vector.shape_cast %get3A_254 : vector<1x16xf32> to vector<16xf32>
      %add3A_256 = arith.addf %add3A_228, %get3A_255 : vector<16xf32>
      %add3A_257 = arith.constant 1 : i32
      %add3A_258 = arith.addi %mul3A_207, %add3A_257 : i32
      %get3A_259 = arith.index_cast %add3A_258 : i32 to index
      %get3A_260 = arith.constant 48 : index
      %get3A_261 = tpu.vector_load %arg11[%get3A_259, %get3A_260] {strides = array<i32>} : memref<128x64xf32, #tpu.memory_space<vmem>>, vector<1x16xf32>,
      %get3A_262 = vector.shape_cast %get3A_261 : vector<1x16xf32> to vector<16xf32>
      %add3A_263 = arith.addf %add3A_235, %get3A_262 : vector<16xf32>
      %add3A_264 = arith.constant 2 : i32
      %add3A_265 = arith.addi %mul3A_207, %add3A_264 : i32
      %get3A_266 = arith.index_cast %add3A_265 : i32 to index
      %get3A_267 = arith.constant 0 : index
      %get3A_268 = tpu.vector_load %arg11[%get3A_266, %get3A_267] {strides = array<i32>} : memref<128x64xf32, #tpu.memory_space<vmem>>, vector<1x16xf32>,
      %get3A_269 = vector.shape_cast %get3A_268 : vector<1x16xf32> to vector<16xf32>
      %add3A_270 = arith.addf %add3A_242, %get3A_269 : vector<16xf32>
      %add3A_271 = arith.constant 2 : i32
      %add3A_272 = arith.addi %mul3A_207, %add3A_271 : i32
      %get3A_273 = arith.index_cast %add3A_272 : i32 to index
      %get3A_274 = arith.constant 16 : index
      %get3A_275 = tpu.vector_load %arg11[%get3A_273, %get3A_274] {strides = array<i32>} : memref<128x64xf32, #tpu.memory_space<vmem>>, vector<1x16xf32>,
      %get3A_276 = vector.shape_cast %get3A_275 : vector<1x16xf32> to vector<16xf32>
      %add3A_277 = arith.addf %add3A_249, %get3A_276 : vector<16xf32>
      %add3A_278 = arith.constant 2 : i32
      %add3A_279 = arith.addi %mul3A_207, %add3A_278 : i32
      %get3A_280 = arith.index_cast %add3A_279 : i32 to index
      %get3A_281 = arith.constant 32 : index
      %get3A_282 = tpu.vector_load %arg11[%get3A_280, %get3A_281] {strides = array<i32>} : memref<128x64xf32, #tpu.memory_space<vmem>>, vector<1x16xf32>,
      %get3A_283 = vector.shape_cast %get3A_282 : vector<1x16xf32> to vector<16xf32>
      %add3A_284 = arith.addf %add3A_256, %get3A_283 : vector<16xf32>
      %add3A_285 = arith.constant 2 : i32
      %add3A_286 = arith.addi %mul3A_207, %add3A_285 : i32
      %get3A_287 = arith.index_cast %add3A_286 : i32 to index
      %get3A_288 = arith.constant 48 : index
      %get3A_289 = tpu.vector_load %arg11[%get3A_287, %get3A_288] {strides = array<i32>} : memref<128x64xf32, #tpu.memory_space<vmem>>, vector<1x16xf32>,
      %get3A_290 = vector.shape_cast %get3A_289 : vector<1x16xf32> to vector<16xf32>
      %add3A_291 = arith.addf %add3A_263, %get3A_290 : vector<16xf32>
      %add3A_292 = arith.constant 3 : i32
      %add3A_293 = arith.addi %mul3A_207, %add3A_292 : i32
      %get3A_294 = arith.index_cast %add3A_293 : i32 to index
      %get3A_295 = arith.constant 0 : index
      %get3A_296 = tpu.vector_load %arg11[%get3A_294, %get3A_295] {strides = array<i32>} : memref<128x64xf32, #tpu.memory_space<vmem>>, vector<1x16xf32>,
      %get3A_297 = vector.shape_cast %get3A_296 : vector<1x16xf32> to vector<16xf32>
      %add3A_298 = arith.addf %add3A_270, %get3A_297 : vector<16xf32>
      %add3A_299 = arith.constant 3 : i32
      %add3A_300 = arith.addi %mul3A_207, %add3A_299 : i32
      %get3A_301 = arith.index_cast %add3A_300 : i32 to index
      %get3A_302 = arith.constant 16 : index
      %get3A_303 = tpu.vector_load %arg11[%get3A_301, %get3A_302] {strides = array<i32>} : memref<128x64xf32, #tpu.memory_space<vmem>>, vector<1x16xf32>,
      %get3A_304 = vector.shape_cast %get3A_303 : vector<1x16xf32> to vector<16xf32>
      %add3A_305 = arith.addf %add3A_277, %get3A_304 : vector<16xf32>
      %add3A_306 = arith.constant 3 : i32
      %add3A_307 = arith.addi %mul3A_207, %add3A_306 : i32
      %get3A_308 = arith.index_cast %add3A_307 : i32 to index
      %get3A_309 = arith.constant 32 : index
      %get3A_310 = tpu.vector_load %arg11[%get3A_308, %get3A_309] {strides = array<i32>} : memref<128x64xf32, #tpu.memory_space<vmem>>, vector<1x16xf32>,
      %get3A_311 = vector.shape_cast %get3A_310 : vector<1x16xf32> to vector<16xf32>
      %add3A_312 = arith.addf %add3A_284, %get3A_311 : vector<16xf32>
      %add3A_313 = arith.constant 3 : i32
      %add3A_314 = arith.addi %mul3A_207, %add3A_313 : i32
      %get3A_315 = arith.index_cast %add3A_314 : i32 to index
      %get3A_316 = arith.constant 48 : index
      %get3A_317 = tpu.vector_load %arg11[%get3A_315, %get3A_316] {strides = array<i32>} : memref<128x64xf32, #tpu.memory_space<vmem>>, vector<1x16xf32>,
      %get3A_318 = vector.shape_cast %get3A_317 : vector<1x16xf32> to vector<16xf32>
      %add3A_319 = arith.addf %add3A_291, %get3A_318 : vector<16xf32>
      %add3A_320 = arith.constant 4 : i32
      %add3A_321 = arith.addi %mul3A_207, %add3A_320 : i32
      %get3A_322 = arith.index_cast %add3A_321 : i32 to index
      %get3A_323 = arith.constant 0 : index
      %get3A_324 = tpu.vector_load %arg11[%get3A_322, %get3A_323] {strides = array<i32>} : memref<128x64xf32, #tpu.memory_space<vmem>>, vector<1x16xf32>,
      %get3A_325 = vector.shape_cast %get3A_324 : vector<1x16xf32> to vector<16xf32>
      %add3A_326 = arith.addf %add3A_298, %get3A_325 : vector<16xf32>
      %add3A_327 = arith.constant 4 : i32
      %add3A_328 = arith.addi %mul3A_207, %add3A_327 : i32
      %get3A_329 = arith.index_cast %add3A_328 : i32 to index
      %get3A_330 = arith.constant 16 : index
      %get3A_331 = tpu.vector_load %arg11[%get3A_329, %get3A_330] {strides = array<i32>} : memref<128x64xf32, #tpu.memory_space<vmem>>, vector<1x16xf32>,
      %get3A_332 = vector.shape_cast %get3A_331 : vector<1x16xf32> to vector<16xf32>
      %add3A_333 = arith.addf %add3A_305, %get3A_332 : vector<16xf32>
      %add3A_334 = arith.constant 4 : i32
      %add3A_335 = arith.addi %mul3A_207, %add3A_334 : i32
      %get3A_336 = arith.index_cast %add3A_335 : i32 to index
      %get3A_337 = arith.constant 32 : index
      %get3A_338 = tpu.vector_load %arg11[%get3A_336, %get3A_337] {strides = array<i32>} : memref<128x64xf32, #tpu.memory_space<vmem>>, vector<1x16xf32>,
      %get3A_339 = vector.shape_cast %get3A_338 : vector<1x16xf32> to vector<16xf32>
      %add3A_340 = arith.addf %add3A_312, %get3A_339 : vector<16xf32>
      %add3A_341 = arith.constant 4 : i32
      %add3A_342 = arith.addi %mul3A_207, %add3A_341 : i32
      %get3A_343 = arith.index_cast %add3A_342 : i32 to index
      %get3A_344 = arith.constant 48 : index
      %get3A_345 = tpu.vector_load %arg11[%get3A_343, %get3A_344] {strides = array<i32>} : memref<128x64xf32, #tpu.memory_space<vmem>>, vector<1x16xf32>,
      %get3A_346 = vector.shape_cast %get3A_345 : vector<1x16xf32> to vector<16xf32>
      %add3A_347 = arith.addf %add3A_319, %get3A_346 : vector<16xf32>
      %add3A_348 = arith.constant 5 : i32
      %add3A_349 = arith.addi %mul3A_207, %add3A_348 : i32
      %get3A_350 = arith.index_cast %add3A_349 : i32 to index
      %get3A_351 = arith.constant 0 : index
      %get3A_352 = tpu.vector_load %arg11[%get3A_350, %get3A_351] {strides = array<i32>} : memref<128x64xf32, #tpu.memory_space<vmem>>, vector<1x16xf32>,
      %get3A_353 = vector.shape_cast %get3A_352 : vector<1x16xf32> to vector<16xf32>
      %add3A_354 = arith.addf %add3A_326, %get3A_353 : vector<16xf32>
      %add3A_355 = arith.constant 5 : i32
      %add3A_356 = arith.addi %mul3A_207, %add3A_355 : i32
      %get3A_357 = arith.index_cast %add3A_356 : i32 to index
      %get3A_358 = arith.constant 16 : index
      %get3A_359 = tpu.vector_load %arg11[%get3A_357, %get3A_358] {strides = array<i32>} : memref<128x64xf32, #tpu.memory_space<vmem>>, vector<1x16xf32>,
      %get3A_360 = vector.shape_cast %get3A_359 : vector<1x16xf32> to vector<16xf32>
      %add3A_361 = arith.addf %add3A_333, %get3A_360 : vector<16xf32>
      %add3A_362 = arith.constant 5 : i32
      %add3A_363 = arith.addi %mul3A_207, %add3A_362 : i32
      %get3A_364 = arith.index_cast %add3A_363 : i32 to index
      %get3A_365 = arith.constant 32 : index
      %get3A_366 = tpu.vector_load %arg11[%get3A_364, %get3A_365] {strides = array<i32>} : memref<128x64xf32, #tpu.memory_space<vmem>>, vector<1x16xf32>,
      %get3A_367 = vector.shape_cast %get3A_366 : vector<1x16xf32> to vector<16xf32>
      %add3A_368 = arith.addf %add3A_340, %get3A_367 : vector<16xf32>
      %add3A_369 = arith.constant 5 : i32
      %add3A_370 = arith.addi %mul3A_207, %add3A_369 : i32
      %get3A_371 = arith.index_cast %add3A_370 : i32 to index
      %get3A_372 = arith.constant 48 : index
      %get3A_373 = tpu.vector_load %arg11[%get3A_371, %get3A_372] {strides = array<i32>} : memref<128x64xf32, #tpu.memory_space<vmem>>, vector<1x16xf32>,
      %get3A_374 = vector.shape_cast %get3A_373 : vector<1x16xf32> to vector<16xf32>
      %add3A_375 = arith.addf %add3A_347, %get3A_374 : vector<16xf32>
      %add3A_376 = arith.constant 6 : i32
      %add3A_377 = arith.addi %mul3A_207, %add3A_376 : i32
      %get3A_378 = arith.index_cast %add3A_377 : i32 to index
      %get3A_379 = arith.constant 0 : index
      %get3A_380 = tpu.vector_load %arg11[%get3A_378, %get3A_379] {strides = array<i32>} : memref<128x64xf32, #tpu.memory_space<vmem>>, vector<1x16xf32>,
      %get3A_381 = vector.shape_cast %get3A_380 : vector<1x16xf32> to vector<16xf32>
      %add3A_382 = arith.addf %add3A_354, %get3A_381 : vector<16xf32>
      %add3A_383 = arith.constant 6 : i32
      %add3A_384 = arith.addi %mul3A_207, %add3A_383 : i32
      %get3A_385 = arith.index_cast %add3A_384 : i32 to index
      %get3A_386 = arith.constant 16 : index
      %get3A_387 = tpu.vector_load %arg11[%get3A_385, %get3A_386] {strides = array<i32>} : memref<128x64xf32, #tpu.memory_space<vmem>>, vector<1x16xf32>,
      %get3A_388 = vector.shape_cast %get3A_387 : vector<1x16xf32> to vector<16xf32>
      %add3A_389 = arith.addf %add3A_361, %get3A_388 : vector<16xf32>
      %add3A_390 = arith.constant 6 : i32
      %add3A_391 = arith.addi %mul3A_207, %add3A_390 : i32
      %get3A_392 = arith.index_cast %add3A_391 : i32 to index
      %get3A_393 = arith.constant 32 : index
      %get3A_394 = tpu.vector_load %arg11[%get3A_392, %get3A_393] {strides = array<i32>} : memref<128x64xf32, #tpu.memory_space<vmem>>, vector<1x16xf32>,
      %get3A_395 = vector.shape_cast %get3A_394 : vector<1x16xf32> to vector<16xf32>
      %add3A_396 = arith.addf %add3A_368, %get3A_395 : vector<16xf32>
      %add3A_397 = arith.constant 6 : i32
      %add3A_398 = arith.addi %mul3A_207, %add3A_397 : i32
      %get3A_399 = arith.index_cast %add3A_398 : i32 to index
      %get3A_400 = arith.constant 48 : index
      %get3A_401 = tpu.vector_load %arg11[%get3A_399, %get3A_400] {strides = array<i32>} : memref<128x64xf32, #tpu.memory_space<vmem>>, vector<1x16xf32>,
      %get3A_402 = vector.shape_cast %get3A_401 : vector<1x16xf32> to vector<16xf32>
      %add3A_403 = arith.addf %add3A_375, %get3A_402 : vector<16xf32>
      %add3A_404 = arith.constant 7 : i32
      %add3A_405 = arith.addi %mul3A_207, %add3A_404 : i32
      %get3A_406 = arith.index_cast %add3A_405 : i32 to index
      %get3A_407 = arith.constant 0 : index
      %get3A_408 = tpu.vector_load %arg11[%get3A_406, %get3A_407] {strides = array<i32>} : memref<128x64xf32, #tpu.memory_space<vmem>>, vector<1x16xf32>,
      %get3A_409 = vector.shape_cast %get3A_408 : vector<1x16xf32> to vector<16xf32>
      %add3A_410 = arith.addf %add3A_382, %get3A_409 : vector<16xf32>
      %add3A_411 = arith.constant 7 : i32
      %add3A_412 = arith.addi %mul3A_207, %add3A_411 : i32
      %get3A_413 = arith.index_cast %add3A_412 : i32 to index
      %get3A_414 = arith.constant 16 : index
      %get3A_415 = tpu.vector_load %arg11[%get3A_413, %get3A_414] {strides = array<i32>} : memref<128x64xf32, #tpu.memory_space<vmem>>, vector<1x16xf32>,
      %get3A_416 = vector.shape_cast %get3A_415 : vector<1x16xf32> to vector<16xf32>
      %add3A_417 = arith.addf %add3A_389, %get3A_416 : vector<16xf32>
      %add3A_418 = arith.constant 7 : i32
      %add3A_419 = arith.addi %mul3A_207, %add3A_418 : i32
      %get3A_420 = arith.index_cast %add3A_419 : i32 to index
      %get3A_421 = arith.constant 32 : index
      %get3A_422 = tpu.vector_load %arg11[%get3A_420, %get3A_421] {strides = array<i32>} : memref<128x64xf32, #tpu.memory_space<vmem>>, vector<1x16xf32>,
      %get3A_423 = vector.shape_cast %get3A_422 : vector<1x16xf32> to vector<16xf32>
      %add3A_424 = arith.addf %add3A_396, %get3A_423 : vector<16xf32>
      %add3A_425 = arith.constant 7 : i32
      %add3A_426 = arith.addi %mul3A_207, %add3A_425 : i32
      %get3A_427 = arith.index_cast %add3A_426 : i32 to index
      %get3A_428 = arith.constant 48 : index
      %get3A_429 = tpu.vector_load %arg11[%get3A_427, %get3A_428] {strides = array<i32>} : memref<128x64xf32, #tpu.memory_space<vmem>>, vector<1x16xf32>,
      %get3A_430 = vector.shape_cast %get3A_429 : vector<1x16xf32> to vector<16xf32>
      %add3A_431 = arith.addf %add3A_403, %get3A_430 : vector<16xf32>
      scf.yield %add3A_410, %add3A_417, %add3A_424, %add3A_431 : vector<16xf32>, vector<16xf32>, vector<16xf32>, vector<16xf32>
    }
    %scan3A_141 = arith.constant 16 : i32
    %multiple_of3A_142 = arith.constant 25088 : i32
    %multiple_of3A_143 = tpu.assume_multiple %multiple_of3A_142, 8 : i32
    %dma_wait3A_144 = tpu.memref_slice %arg6[%multiple_of3A_143] : memref<25472xi32, #tpu.memory_space<vmem>> -> memref<128xi32, #tpu.memory_space<vmem>>
    %dma_wait3A_145 = arith.constant 0 : i32
    %dma_wait3A_146 = arith.constant 0 : i32
    %dma_wait3A_147 = tpu.memref_slice %arg3[%dma_wait3A_145, %dma_wait3A_146] : memref<1000000x64xf32, #tpu.memory_space<hbm>> -> memref<1000000x64xf32, #tpu.memory_space<hbm>>
    tpu.wait_indirect_dma semaphore(%arg21 : memref<!tpu.dma_semaphore, #tpu.memory_space<semaphore_mem>>) src(%dma_wait3A_147 : memref<1000000x64xf32, #tpu.memory_space<hbm>>) dst(%arg12 : memref<128x64xf32, #tpu.memory_space<vmem>>)
    %scan3A_148 = arith.constant 0 : i32
    %scan3A_149 = arith.constant 16 : i32
    %scan3A_150 = arith.addi %scan3A_148, %scan3A_149 : i32
    %scan3A_151 = arith.constant 1 : i32
    %scan3A_152:4 = scf.for %scan3A_201 = %scan3A_148 to %scan3A_150 step %scan3A_151 iter_args(%scan3A_202 = %scan3A_140#0, %scan3A_203 = %scan3A_140#1, %scan3A_204 = %scan3A_140#2, %scan3A_205 = %scan3A_140#3) -> (vector<16xf32>, vector<16xf32>, vector<16xf32>, vector<16xf32>)  : i32 {
      %mul3A_206 = arith.constant 8 : i32
      %mul3A_207 = arith.muli %scan3A_201, %mul3A_206 : i32
      %add3A_208 = arith.constant 0 : i32
      %add3A_209 = arith.addi %mul3A_207, %add3A_208 : i32
      %get3A_210 = arith.index_cast %add3A_209 : i32 to index
      %get3A_211 = arith.constant 0 : index
      %get3A_212 = tpu.vector_load %arg12[%get3A_210, %get3A_211] {strides = array<i32>} : memref<128x64xf32, #tpu.memory_space<vmem>>, vector<1x16xf32>,
      %get3A_213 = vector.shape_cast %get3A_212 : vector<1x16xf32> to vector<16xf32>
      %add3A_214 = arith.addf %scan3A_202, %get3A_213 : vector<16xf32>
      %add3A_215 = arith.constant 0 : i32
      %add3A_216 = arith.addi %mul3A_207, %add3A_215 : i32
      %get3A_217 = arith.index_cast %add3A_216 : i32 to index
      %get3A_218 = arith.constant 16 : index
      %get3A_219 = tpu.vector_load %arg12[%get3A_217, %get3A_218] {strides = array<i32>} : memref<128x64xf32, #tpu.memory_space<vmem>>, vector<1x16xf32>,
      %get3A_220 = vector.shape_cast %get3A_219 : vector<1x16xf32> to vector<16xf32>
      %add3A_221 = arith.addf %scan3A_203, %get3A_220 : vector<16xf32>
      %add3A_222 = arith.constant 0 : i32
      %add3A_223 = arith.addi %mul3A_207, %add3A_222 : i32
      %get3A_224 = arith.index_cast %add3A_223 : i32 to index
      %get3A_225 = arith.constant 32 : index
      %get3A_226 = tpu.vector_load %arg12[%get3A_224, %get3A_225] {strides = array<i32>} : memref<128x64xf32, #tpu.memory_space<vmem>>, vector<1x16xf32>,
      %get3A_227 = vector.shape_cast %get3A_226 : vector<1x16xf32> to vector<16xf32>
      %add3A_228 = arith.addf %scan3A_204, %get3A_227 : vector<16xf32>
      %add3A_229 = arith.constant 0 : i32
      %add3A_230 = arith.addi %mul3A_207, %add3A_229 : i32
      %get3A_231 = arith.index_cast %add3A_230 : i32 to index
      %get3A_232 = arith.constant 48 : index
      %get3A_233 = tpu.vector_load %arg12[%get3A_231, %get3A_232] {strides = array<i32>} : memref<128x64xf32, #tpu.memory_space<vmem>>, vector<1x16xf32>,
      %get3A_234 = vector.shape_cast %get3A_233 : vector<1x16xf32> to vector<16xf32>
      %add3A_235 = arith.addf %scan3A_205, %get3A_234 : vector<16xf32>
      %add3A_236 = arith.constant 1 : i32
      %add3A_237 = arith.addi %mul3A_207, %add3A_236 : i32
      %get3A_238 = arith.index_cast %add3A_237 : i32 to index
      %get3A_239 = arith.constant 0 : index
      %get3A_240 = tpu.vector_load %arg12[%get3A_238, %get3A_239] {strides = array<i32>} : memref<128x64xf32, #tpu.memory_space<vmem>>, vector<1x16xf32>,
      %get3A_241 = vector.shape_cast %get3A_240 : vector<1x16xf32> to vector<16xf32>
      %add3A_242 = arith.addf %add3A_214, %get3A_241 : vector<16xf32>
      %add3A_243 = arith.constant 1 : i32
      %add3A_244 = arith.addi %mul3A_207, %add3A_243 : i32
      %get3A_245 = arith.index_cast %add3A_244 : i32 to index
      %get3A_246 = arith.constant 16 : index
      %get3A_247 = tpu.vector_load %arg12[%get3A_245, %get3A_246] {strides = array<i32>} : memref<128x64xf32, #tpu.memory_space<vmem>>, vector<1x16xf32>,
      %get3A_248 = vector.shape_cast %get3A_247 : vector<1x16xf32> to vector<16xf32>
      %add3A_249 = arith.addf %add3A_221, %get3A_248 : vector<16xf32>
      %add3A_250 = arith.constant 1 : i32
      %add3A_251 = arith.addi %mul3A_207, %add3A_250 : i32
      %get3A_252 = arith.index_cast %add3A_251 : i32 to index
      %get3A_253 = arith.constant 32 : index
      %get3A_254 = tpu.vector_load %arg12[%get3A_252, %get3A_253] {strides = array<i32>} : memref<128x64xf32, #tpu.memory_space<vmem>>, vector<1x16xf32>,
      %get3A_255 = vector.shape_cast %get3A_254 : vector<1x16xf32> to vector<16xf32>
      %add3A_256 = arith.addf %add3A_228, %get3A_255 : vector<16xf32>
      %add3A_257 = arith.constant 1 : i32
      %add3A_258 = arith.addi %mul3A_207, %add3A_257 : i32
      %get3A_259 = arith.index_cast %add3A_258 : i32 to index
      %get3A_260 = arith.constant 48 : index
      %get3A_261 = tpu.vector_load %arg12[%get3A_259, %get3A_260] {strides = array<i32>} : memref<128x64xf32, #tpu.memory_space<vmem>>, vector<1x16xf32>,
      %get3A_262 = vector.shape_cast %get3A_261 : vector<1x16xf32> to vector<16xf32>
      %add3A_263 = arith.addf %add3A_235, %get3A_262 : vector<16xf32>
      %add3A_264 = arith.constant 2 : i32
      %add3A_265 = arith.addi %mul3A_207, %add3A_264 : i32
      %get3A_266 = arith.index_cast %add3A_265 : i32 to index
      %get3A_267 = arith.constant 0 : index
      %get3A_268 = tpu.vector_load %arg12[%get3A_266, %get3A_267] {strides = array<i32>} : memref<128x64xf32, #tpu.memory_space<vmem>>, vector<1x16xf32>,
      %get3A_269 = vector.shape_cast %get3A_268 : vector<1x16xf32> to vector<16xf32>
      %add3A_270 = arith.addf %add3A_242, %get3A_269 : vector<16xf32>
      %add3A_271 = arith.constant 2 : i32
      %add3A_272 = arith.addi %mul3A_207, %add3A_271 : i32
      %get3A_273 = arith.index_cast %add3A_272 : i32 to index
      %get3A_274 = arith.constant 16 : index
      %get3A_275 = tpu.vector_load %arg12[%get3A_273, %get3A_274] {strides = array<i32>} : memref<128x64xf32, #tpu.memory_space<vmem>>, vector<1x16xf32>,
      %get3A_276 = vector.shape_cast %get3A_275 : vector<1x16xf32> to vector<16xf32>
      %add3A_277 = arith.addf %add3A_249, %get3A_276 : vector<16xf32>
      %add3A_278 = arith.constant 2 : i32
      %add3A_279 = arith.addi %mul3A_207, %add3A_278 : i32
      %get3A_280 = arith.index_cast %add3A_279 : i32 to index
      %get3A_281 = arith.constant 32 : index
      %get3A_282 = tpu.vector_load %arg12[%get3A_280, %get3A_281] {strides = array<i32>} : memref<128x64xf32, #tpu.memory_space<vmem>>, vector<1x16xf32>,
      %get3A_283 = vector.shape_cast %get3A_282 : vector<1x16xf32> to vector<16xf32>
      %add3A_284 = arith.addf %add3A_256, %get3A_283 : vector<16xf32>
      %add3A_285 = arith.constant 2 : i32
      %add3A_286 = arith.addi %mul3A_207, %add3A_285 : i32
      %get3A_287 = arith.index_cast %add3A_286 : i32 to index
      %get3A_288 = arith.constant 48 : index
      %get3A_289 = tpu.vector_load %arg12[%get3A_287, %get3A_288] {strides = array<i32>} : memref<128x64xf32, #tpu.memory_space<vmem>>, vector<1x16xf32>,
      %get3A_290 = vector.shape_cast %get3A_289 : vector<1x16xf32> to vector<16xf32>
      %add3A_291 = arith.addf %add3A_263, %get3A_290 : vector<16xf32>
      %add3A_292 = arith.constant 3 : i32
      %add3A_293 = arith.addi %mul3A_207, %add3A_292 : i32
      %get3A_294 = arith.index_cast %add3A_293 : i32 to index
      %get3A_295 = arith.constant 0 : index
      %get3A_296 = tpu.vector_load %arg12[%get3A_294, %get3A_295] {strides = array<i32>} : memref<128x64xf32, #tpu.memory_space<vmem>>, vector<1x16xf32>,
      %get3A_297 = vector.shape_cast %get3A_296 : vector<1x16xf32> to vector<16xf32>
      %add3A_298 = arith.addf %add3A_270, %get3A_297 : vector<16xf32>
      %add3A_299 = arith.constant 3 : i32
      %add3A_300 = arith.addi %mul3A_207, %add3A_299 : i32
      %get3A_301 = arith.index_cast %add3A_300 : i32 to index
      %get3A_302 = arith.constant 16 : index
      %get3A_303 = tpu.vector_load %arg12[%get3A_301, %get3A_302] {strides = array<i32>} : memref<128x64xf32, #tpu.memory_space<vmem>>, vector<1x16xf32>,
      %get3A_304 = vector.shape_cast %get3A_303 : vector<1x16xf32> to vector<16xf32>
      %add3A_305 = arith.addf %add3A_277, %get3A_304 : vector<16xf32>
      %add3A_306 = arith.constant 3 : i32
      %add3A_307 = arith.addi %mul3A_207, %add3A_306 : i32
      %get3A_308 = arith.index_cast %add3A_307 : i32 to index
      %get3A_309 = arith.constant 32 : index
      %get3A_310 = tpu.vector_load %arg12[%get3A_308, %get3A_309] {strides = array<i32>} : memref<128x64xf32, #tpu.memory_space<vmem>>, vector<1x16xf32>,
      %get3A_311 = vector.shape_cast %get3A_310 : vector<1x16xf32> to vector<16xf32>
      %add3A_312 = arith.addf %add3A_284, %get3A_311 : vector<16xf32>
      %add3A_313 = arith.constant 3 : i32
      %add3A_314 = arith.addi %mul3A_207, %add3A_313 : i32
      %get3A_315 = arith.index_cast %add3A_314 : i32 to index
      %get3A_316 = arith.constant 48 : index
      %get3A_317 = tpu.vector_load %arg12[%get3A_315, %get3A_316] {strides = array<i32>} : memref<128x64xf32, #tpu.memory_space<vmem>>, vector<1x16xf32>,
      %get3A_318 = vector.shape_cast %get3A_317 : vector<1x16xf32> to vector<16xf32>
      %add3A_319 = arith.addf %add3A_291, %get3A_318 : vector<16xf32>
      %add3A_320 = arith.constant 4 : i32
      %add3A_321 = arith.addi %mul3A_207, %add3A_320 : i32
      %get3A_322 = arith.index_cast %add3A_321 : i32 to index
      %get3A_323 = arith.constant 0 : index
      %get3A_324 = tpu.vector_load %arg12[%get3A_322, %get3A_323] {strides = array<i32>} : memref<128x64xf32, #tpu.memory_space<vmem>>, vector<1x16xf32>,
      %get3A_325 = vector.shape_cast %get3A_324 : vector<1x16xf32> to vector<16xf32>
      %add3A_326 = arith.addf %add3A_298, %get3A_325 : vector<16xf32>
      %add3A_327 = arith.constant 4 : i32
      %add3A_328 = arith.addi %mul3A_207, %add3A_327 : i32
      %get3A_329 = arith.index_cast %add3A_328 : i32 to index
      %get3A_330 = arith.constant 16 : index
      %get3A_331 = tpu.vector_load %arg12[%get3A_329, %get3A_330] {strides = array<i32>} : memref<128x64xf32, #tpu.memory_space<vmem>>, vector<1x16xf32>,
      %get3A_332 = vector.shape_cast %get3A_331 : vector<1x16xf32> to vector<16xf32>
      %add3A_333 = arith.addf %add3A_305, %get3A_332 : vector<16xf32>
      %add3A_334 = arith.constant 4 : i32
      %add3A_335 = arith.addi %mul3A_207, %add3A_334 : i32
      %get3A_336 = arith.index_cast %add3A_335 : i32 to index
      %get3A_337 = arith.constant 32 : index
      %get3A_338 = tpu.vector_load %arg12[%get3A_336, %get3A_337] {strides = array<i32>} : memref<128x64xf32, #tpu.memory_space<vmem>>, vector<1x16xf32>,
      %get3A_339 = vector.shape_cast %get3A_338 : vector<1x16xf32> to vector<16xf32>
      %add3A_340 = arith.addf %add3A_312, %get3A_339 : vector<16xf32>
      %add3A_341 = arith.constant 4 : i32
      %add3A_342 = arith.addi %mul3A_207, %add3A_341 : i32
      %get3A_343 = arith.index_cast %add3A_342 : i32 to index
      %get3A_344 = arith.constant 48 : index
      %get3A_345 = tpu.vector_load %arg12[%get3A_343, %get3A_344] {strides = array<i32>} : memref<128x64xf32, #tpu.memory_space<vmem>>, vector<1x16xf32>,
      %get3A_346 = vector.shape_cast %get3A_345 : vector<1x16xf32> to vector<16xf32>
      %add3A_347 = arith.addf %add3A_319, %get3A_346 : vector<16xf32>
      %add3A_348 = arith.constant 5 : i32
      %add3A_349 = arith.addi %mul3A_207, %add3A_348 : i32
      %get3A_350 = arith.index_cast %add3A_349 : i32 to index
      %get3A_351 = arith.constant 0 : index
      %get3A_352 = tpu.vector_load %arg12[%get3A_350, %get3A_351] {strides = array<i32>} : memref<128x64xf32, #tpu.memory_space<vmem>>, vector<1x16xf32>,
      %get3A_353 = vector.shape_cast %get3A_352 : vector<1x16xf32> to vector<16xf32>
      %add3A_354 = arith.addf %add3A_326, %get3A_353 : vector<16xf32>
      %add3A_355 = arith.constant 5 : i32
      %add3A_356 = arith.addi %mul3A_207, %add3A_355 : i32
      %get3A_357 = arith.index_cast %add3A_356 : i32 to index
      %get3A_358 = arith.constant 16 : index
      %get3A_359 = tpu.vector_load %arg12[%get3A_357, %get3A_358] {strides = array<i32>} : memref<128x64xf32, #tpu.memory_space<vmem>>, vector<1x16xf32>,
      %get3A_360 = vector.shape_cast %get3A_359 : vector<1x16xf32> to vector<16xf32>
      %add3A_361 = arith.addf %add3A_333, %get3A_360 : vector<16xf32>
      %add3A_362 = arith.constant 5 : i32
      %add3A_363 = arith.addi %mul3A_207, %add3A_362 : i32
      %get3A_364 = arith.index_cast %add3A_363 : i32 to index
      %get3A_365 = arith.constant 32 : index
      %get3A_366 = tpu.vector_load %arg12[%get3A_364, %get3A_365] {strides = array<i32>} : memref<128x64xf32, #tpu.memory_space<vmem>>, vector<1x16xf32>,
      %get3A_367 = vector.shape_cast %get3A_366 : vector<1x16xf32> to vector<16xf32>
      %add3A_368 = arith.addf %add3A_340, %get3A_367 : vector<16xf32>
      %add3A_369 = arith.constant 5 : i32
      %add3A_370 = arith.addi %mul3A_207, %add3A_369 : i32
      %get3A_371 = arith.index_cast %add3A_370 : i32 to index
      %get3A_372 = arith.constant 48 : index
      %get3A_373 = tpu.vector_load %arg12[%get3A_371, %get3A_372] {strides = array<i32>} : memref<128x64xf32, #tpu.memory_space<vmem>>, vector<1x16xf32>,
      %get3A_374 = vector.shape_cast %get3A_373 : vector<1x16xf32> to vector<16xf32>
      %add3A_375 = arith.addf %add3A_347, %get3A_374 : vector<16xf32>
      %add3A_376 = arith.constant 6 : i32
      %add3A_377 = arith.addi %mul3A_207, %add3A_376 : i32
      %get3A_378 = arith.index_cast %add3A_377 : i32 to index
      %get3A_379 = arith.constant 0 : index
      %get3A_380 = tpu.vector_load %arg12[%get3A_378, %get3A_379] {strides = array<i32>} : memref<128x64xf32, #tpu.memory_space<vmem>>, vector<1x16xf32>,
      %get3A_381 = vector.shape_cast %get3A_380 : vector<1x16xf32> to vector<16xf32>
      %add3A_382 = arith.addf %add3A_354, %get3A_381 : vector<16xf32>
      %add3A_383 = arith.constant 6 : i32
      %add3A_384 = arith.addi %mul3A_207, %add3A_383 : i32
      %get3A_385 = arith.index_cast %add3A_384 : i32 to index
      %get3A_386 = arith.constant 16 : index
      %get3A_387 = tpu.vector_load %arg12[%get3A_385, %get3A_386] {strides = array<i32>} : memref<128x64xf32, #tpu.memory_space<vmem>>, vector<1x16xf32>,
      %get3A_388 = vector.shape_cast %get3A_387 : vector<1x16xf32> to vector<16xf32>
      %add3A_389 = arith.addf %add3A_361, %get3A_388 : vector<16xf32>
      %add3A_390 = arith.constant 6 : i32
      %add3A_391 = arith.addi %mul3A_207, %add3A_390 : i32
      %get3A_392 = arith.index_cast %add3A_391 : i32 to index
      %get3A_393 = arith.constant 32 : index
      %get3A_394 = tpu.vector_load %arg12[%get3A_392, %get3A_393] {strides = array<i32>} : memref<128x64xf32, #tpu.memory_space<vmem>>, vector<1x16xf32>,
      %get3A_395 = vector.shape_cast %get3A_394 : vector<1x16xf32> to vector<16xf32>
      %add3A_396 = arith.addf %add3A_368, %get3A_395 : vector<16xf32>
      %add3A_397 = arith.constant 6 : i32
      %add3A_398 = arith.addi %mul3A_207, %add3A_397 : i32
      %get3A_399 = arith.index_cast %add3A_398 : i32 to index
      %get3A_400 = arith.constant 48 : index
      %get3A_401 = tpu.vector_load %arg12[%get3A_399, %get3A_400] {strides = array<i32>} : memref<128x64xf32, #tpu.memory_space<vmem>>, vector<1x16xf32>,
      %get3A_402 = vector.shape_cast %get3A_401 : vector<1x16xf32> to vector<16xf32>
      %add3A_403 = arith.addf %add3A_375, %get3A_402 : vector<16xf32>
      %add3A_404 = arith.constant 7 : i32
      %add3A_405 = arith.addi %mul3A_207, %add3A_404 : i32
      %get3A_406 = arith.index_cast %add3A_405 : i32 to index
      %get3A_407 = arith.constant 0 : index
      %get3A_408 = tpu.vector_load %arg12[%get3A_406, %get3A_407] {strides = array<i32>} : memref<128x64xf32, #tpu.memory_space<vmem>>, vector<1x16xf32>,
      %get3A_409 = vector.shape_cast %get3A_408 : vector<1x16xf32> to vector<16xf32>
      %add3A_410 = arith.addf %add3A_382, %get3A_409 : vector<16xf32>
      %add3A_411 = arith.constant 7 : i32
      %add3A_412 = arith.addi %mul3A_207, %add3A_411 : i32
      %get3A_413 = arith.index_cast %add3A_412 : i32 to index
      %get3A_414 = arith.constant 16 : index
      %get3A_415 = tpu.vector_load %arg12[%get3A_413, %get3A_414] {strides = array<i32>} : memref<128x64xf32, #tpu.memory_space<vmem>>, vector<1x16xf32>,
      %get3A_416 = vector.shape_cast %get3A_415 : vector<1x16xf32> to vector<16xf32>
      %add3A_417 = arith.addf %add3A_389, %get3A_416 : vector<16xf32>
      %add3A_418 = arith.constant 7 : i32
      %add3A_419 = arith.addi %mul3A_207, %add3A_418 : i32
      %get3A_420 = arith.index_cast %add3A_419 : i32 to index
      %get3A_421 = arith.constant 32 : index
      %get3A_422 = tpu.vector_load %arg12[%get3A_420, %get3A_421] {strides = array<i32>} : memref<128x64xf32, #tpu.memory_space<vmem>>, vector<1x16xf32>,
      %get3A_423 = vector.shape_cast %get3A_422 : vector<1x16xf32> to vector<16xf32>
      %add3A_424 = arith.addf %add3A_396, %get3A_423 : vector<16xf32>
      %add3A_425 = arith.constant 7 : i32
      %add3A_426 = arith.addi %mul3A_207, %add3A_425 : i32
      %get3A_427 = arith.index_cast %add3A_426 : i32 to index
      %get3A_428 = arith.constant 48 : index
      %get3A_429 = tpu.vector_load %arg12[%get3A_427, %get3A_428] {strides = array<i32>} : memref<128x64xf32, #tpu.memory_space<vmem>>, vector<1x16xf32>,
      %get3A_430 = vector.shape_cast %get3A_429 : vector<1x16xf32> to vector<16xf32>
      %add3A_431 = arith.addf %add3A_403, %get3A_430 : vector<16xf32>
      scf.yield %add3A_410, %add3A_417, %add3A_424, %add3A_431 : vector<16xf32>, vector<16xf32>, vector<16xf32>, vector<16xf32>
    }
    %scan3A_153 = arith.constant 16 : i32
    %multiple_of3A_154 = arith.constant 25216 : i32
    %multiple_of3A_155 = tpu.assume_multiple %multiple_of3A_154, 8 : i32
    %dma_wait3A_156 = tpu.memref_slice %arg6[%multiple_of3A_155] : memref<25472xi32, #tpu.memory_space<vmem>> -> memref<128xi32, #tpu.memory_space<vmem>>
    %dma_wait3A_157 = arith.constant 0 : i32
    %dma_wait3A_158 = arith.constant 0 : i32
    %dma_wait3A_159 = tpu.memref_slice %arg3[%dma_wait3A_157, %dma_wait3A_158] : memref<1000000x64xf32, #tpu.memory_space<hbm>> -> memref<1000000x64xf32, #tpu.memory_space<hbm>>
    tpu.wait_indirect_dma semaphore(%arg22 : memref<!tpu.dma_semaphore, #tpu.memory_space<semaphore_mem>>) src(%dma_wait3A_159 : memref<1000000x64xf32, #tpu.memory_space<hbm>>) dst(%arg13 : memref<128x64xf32, #tpu.memory_space<vmem>>)
    %scan3A_160 = arith.constant 0 : i32
    %scan3A_161 = arith.constant 16 : i32
    %scan3A_162 = arith.addi %scan3A_160, %scan3A_161 : i32
    %scan3A_163 = arith.constant 1 : i32
    %scan3A_164:4 = scf.for %scan3A_201 = %scan3A_160 to %scan3A_162 step %scan3A_163 iter_args(%scan3A_202 = %scan3A_152#0, %scan3A_203 = %scan3A_152#1, %scan3A_204 = %scan3A_152#2, %scan3A_205 = %scan3A_152#3) -> (vector<16xf32>, vector<16xf32>, vector<16xf32>, vector<16xf32>)  : i32 {
      %mul3A_206 = arith.constant 8 : i32
      %mul3A_207 = arith.muli %scan3A_201, %mul3A_206 : i32
      %add3A_208 = arith.constant 0 : i32
      %add3A_209 = arith.addi %mul3A_207, %add3A_208 : i32
      %get3A_210 = arith.index_cast %add3A_209 : i32 to index
      %get3A_211 = arith.constant 0 : index
      %get3A_212 = tpu.vector_load %arg13[%get3A_210, %get3A_211] {strides = array<i32>} : memref<128x64xf32, #tpu.memory_space<vmem>>, vector<1x16xf32>,
      %get3A_213 = vector.shape_cast %get3A_212 : vector<1x16xf32> to vector<16xf32>
      %add3A_214 = arith.addf %scan3A_202, %get3A_213 : vector<16xf32>
      %add3A_215 = arith.constant 0 : i32
      %add3A_216 = arith.addi %mul3A_207, %add3A_215 : i32
      %get3A_217 = arith.index_cast %add3A_216 : i32 to index
      %get3A_218 = arith.constant 16 : index
      %get3A_219 = tpu.vector_load %arg13[%get3A_217, %get3A_218] {strides = array<i32>} : memref<128x64xf32, #tpu.memory_space<vmem>>, vector<1x16xf32>,
      %get3A_220 = vector.shape_cast %get3A_219 : vector<1x16xf32> to vector<16xf32>
      %add3A_221 = arith.addf %scan3A_203, %get3A_220 : vector<16xf32>
      %add3A_222 = arith.constant 0 : i32
      %add3A_223 = arith.addi %mul3A_207, %add3A_222 : i32
      %get3A_224 = arith.index_cast %add3A_223 : i32 to index
      %get3A_225 = arith.constant 32 : index
      %get3A_226 = tpu.vector_load %arg13[%get3A_224, %get3A_225] {strides = array<i32>} : memref<128x64xf32, #tpu.memory_space<vmem>>, vector<1x16xf32>,
      %get3A_227 = vector.shape_cast %get3A_226 : vector<1x16xf32> to vector<16xf32>
      %add3A_228 = arith.addf %scan3A_204, %get3A_227 : vector<16xf32>
      %add3A_229 = arith.constant 0 : i32
      %add3A_230 = arith.addi %mul3A_207, %add3A_229 : i32
      %get3A_231 = arith.index_cast %add3A_230 : i32 to index
      %get3A_232 = arith.constant 48 : index
      %get3A_233 = tpu.vector_load %arg13[%get3A_231, %get3A_232] {strides = array<i32>} : memref<128x64xf32, #tpu.memory_space<vmem>>, vector<1x16xf32>,
      %get3A_234 = vector.shape_cast %get3A_233 : vector<1x16xf32> to vector<16xf32>
      %add3A_235 = arith.addf %scan3A_205, %get3A_234 : vector<16xf32>
      %add3A_236 = arith.constant 1 : i32
      %add3A_237 = arith.addi %mul3A_207, %add3A_236 : i32
      %get3A_238 = arith.index_cast %add3A_237 : i32 to index
      %get3A_239 = arith.constant 0 : index
      %get3A_240 = tpu.vector_load %arg13[%get3A_238, %get3A_239] {strides = array<i32>} : memref<128x64xf32, #tpu.memory_space<vmem>>, vector<1x16xf32>,
      %get3A_241 = vector.shape_cast %get3A_240 : vector<1x16xf32> to vector<16xf32>
      %add3A_242 = arith.addf %add3A_214, %get3A_241 : vector<16xf32>
      %add3A_243 = arith.constant 1 : i32
      %add3A_244 = arith.addi %mul3A_207, %add3A_243 : i32
      %get3A_245 = arith.index_cast %add3A_244 : i32 to index
      %get3A_246 = arith.constant 16 : index
      %get3A_247 = tpu.vector_load %arg13[%get3A_245, %get3A_246] {strides = array<i32>} : memref<128x64xf32, #tpu.memory_space<vmem>>, vector<1x16xf32>,
      %get3A_248 = vector.shape_cast %get3A_247 : vector<1x16xf32> to vector<16xf32>
      %add3A_249 = arith.addf %add3A_221, %get3A_248 : vector<16xf32>
      %add3A_250 = arith.constant 1 : i32
      %add3A_251 = arith.addi %mul3A_207, %add3A_250 : i32
      %get3A_252 = arith.index_cast %add3A_251 : i32 to index
      %get3A_253 = arith.constant 32 : index
      %get3A_254 = tpu.vector_load %arg13[%get3A_252, %get3A_253] {strides = array<i32>} : memref<128x64xf32, #tpu.memory_space<vmem>>, vector<1x16xf32>,
      %get3A_255 = vector.shape_cast %get3A_254 : vector<1x16xf32> to vector<16xf32>
      %add3A_256 = arith.addf %add3A_228, %get3A_255 : vector<16xf32>
      %add3A_257 = arith.constant 1 : i32
      %add3A_258 = arith.addi %mul3A_207, %add3A_257 : i32
      %get3A_259 = arith.index_cast %add3A_258 : i32 to index
      %get3A_260 = arith.constant 48 : index
      %get3A_261 = tpu.vector_load %arg13[%get3A_259, %get3A_260] {strides = array<i32>} : memref<128x64xf32, #tpu.memory_space<vmem>>, vector<1x16xf32>,
      %get3A_262 = vector.shape_cast %get3A_261 : vector<1x16xf32> to vector<16xf32>
      %add3A_263 = arith.addf %add3A_235, %get3A_262 : vector<16xf32>
      %add3A_264 = arith.constant 2 : i32
      %add3A_265 = arith.addi %mul3A_207, %add3A_264 : i32
      %get3A_266 = arith.index_cast %add3A_265 : i32 to index
      %get3A_267 = arith.constant 0 : index
      %get3A_268 = tpu.vector_load %arg13[%get3A_266, %get3A_267] {strides = array<i32>} : memref<128x64xf32, #tpu.memory_space<vmem>>, vector<1x16xf32>,
      %get3A_269 = vector.shape_cast %get3A_268 : vector<1x16xf32> to vector<16xf32>
      %add3A_270 = arith.addf %add3A_242, %get3A_269 : vector<16xf32>
      %add3A_271 = arith.constant 2 : i32
      %add3A_272 = arith.addi %mul3A_207, %add3A_271 : i32
      %get3A_273 = arith.index_cast %add3A_272 : i32 to index
      %get3A_274 = arith.constant 16 : index
      %get3A_275 = tpu.vector_load %arg13[%get3A_273, %get3A_274] {strides = array<i32>} : memref<128x64xf32, #tpu.memory_space<vmem>>, vector<1x16xf32>,
      %get3A_276 = vector.shape_cast %get3A_275 : vector<1x16xf32> to vector<16xf32>
      %add3A_277 = arith.addf %add3A_249, %get3A_276 : vector<16xf32>
      %add3A_278 = arith.constant 2 : i32
      %add3A_279 = arith.addi %mul3A_207, %add3A_278 : i32
      %get3A_280 = arith.index_cast %add3A_279 : i32 to index
      %get3A_281 = arith.constant 32 : index
      %get3A_282 = tpu.vector_load %arg13[%get3A_280, %get3A_281] {strides = array<i32>} : memref<128x64xf32, #tpu.memory_space<vmem>>, vector<1x16xf32>,
      %get3A_283 = vector.shape_cast %get3A_282 : vector<1x16xf32> to vector<16xf32>
      %add3A_284 = arith.addf %add3A_256, %get3A_283 : vector<16xf32>
      %add3A_285 = arith.constant 2 : i32
      %add3A_286 = arith.addi %mul3A_207, %add3A_285 : i32
      %get3A_287 = arith.index_cast %add3A_286 : i32 to index
      %get3A_288 = arith.constant 48 : index
      %get3A_289 = tpu.vector_load %arg13[%get3A_287, %get3A_288] {strides = array<i32>} : memref<128x64xf32, #tpu.memory_space<vmem>>, vector<1x16xf32>,
      %get3A_290 = vector.shape_cast %get3A_289 : vector<1x16xf32> to vector<16xf32>
      %add3A_291 = arith.addf %add3A_263, %get3A_290 : vector<16xf32>
      %add3A_292 = arith.constant 3 : i32
      %add3A_293 = arith.addi %mul3A_207, %add3A_292 : i32
      %get3A_294 = arith.index_cast %add3A_293 : i32 to index
      %get3A_295 = arith.constant 0 : index
      %get3A_296 = tpu.vector_load %arg13[%get3A_294, %get3A_295] {strides = array<i32>} : memref<128x64xf32, #tpu.memory_space<vmem>>, vector<1x16xf32>,
      %get3A_297 = vector.shape_cast %get3A_296 : vector<1x16xf32> to vector<16xf32>
      %add3A_298 = arith.addf %add3A_270, %get3A_297 : vector<16xf32>
      %add3A_299 = arith.constant 3 : i32
      %add3A_300 = arith.addi %mul3A_207, %add3A_299 : i32
      %get3A_301 = arith.index_cast %add3A_300 : i32 to index
      %get3A_302 = arith.constant 16 : index
      %get3A_303 = tpu.vector_load %arg13[%get3A_301, %get3A_302] {strides = array<i32>} : memref<128x64xf32, #tpu.memory_space<vmem>>, vector<1x16xf32>,
      %get3A_304 = vector.shape_cast %get3A_303 : vector<1x16xf32> to vector<16xf32>
      %add3A_305 = arith.addf %add3A_277, %get3A_304 : vector<16xf32>
      %add3A_306 = arith.constant 3 : i32
      %add3A_307 = arith.addi %mul3A_207, %add3A_306 : i32
      %get3A_308 = arith.index_cast %add3A_307 : i32 to index
      %get3A_309 = arith.constant 32 : index
      %get3A_310 = tpu.vector_load %arg13[%get3A_308, %get3A_309] {strides = array<i32>} : memref<128x64xf32, #tpu.memory_space<vmem>>, vector<1x16xf32>,
      %get3A_311 = vector.shape_cast %get3A_310 : vector<1x16xf32> to vector<16xf32>
      %add3A_312 = arith.addf %add3A_284, %get3A_311 : vector<16xf32>
      %add3A_313 = arith.constant 3 : i32
      %add3A_314 = arith.addi %mul3A_207, %add3A_313 : i32
      %get3A_315 = arith.index_cast %add3A_314 : i32 to index
      %get3A_316 = arith.constant 48 : index
      %get3A_317 = tpu.vector_load %arg13[%get3A_315, %get3A_316] {strides = array<i32>} : memref<128x64xf32, #tpu.memory_space<vmem>>, vector<1x16xf32>,
      %get3A_318 = vector.shape_cast %get3A_317 : vector<1x16xf32> to vector<16xf32>
      %add3A_319 = arith.addf %add3A_291, %get3A_318 : vector<16xf32>
      %add3A_320 = arith.constant 4 : i32
      %add3A_321 = arith.addi %mul3A_207, %add3A_320 : i32
      %get3A_322 = arith.index_cast %add3A_321 : i32 to index
      %get3A_323 = arith.constant 0 : index
      %get3A_324 = tpu.vector_load %arg13[%get3A_322, %get3A_323] {strides = array<i32>} : memref<128x64xf32, #tpu.memory_space<vmem>>, vector<1x16xf32>,
      %get3A_325 = vector.shape_cast %get3A_324 : vector<1x16xf32> to vector<16xf32>
      %add3A_326 = arith.addf %add3A_298, %get3A_325 : vector<16xf32>
      %add3A_327 = arith.constant 4 : i32
      %add3A_328 = arith.addi %mul3A_207, %add3A_327 : i32
      %get3A_329 = arith.index_cast %add3A_328 : i32 to index
      %get3A_330 = arith.constant 16 : index
      %get3A_331 = tpu.vector_load %arg13[%get3A_329, %get3A_330] {strides = array<i32>} : memref<128x64xf32, #tpu.memory_space<vmem>>, vector<1x16xf32>,
      %get3A_332 = vector.shape_cast %get3A_331 : vector<1x16xf32> to vector<16xf32>
      %add3A_333 = arith.addf %add3A_305, %get3A_332 : vector<16xf32>
      %add3A_334 = arith.constant 4 : i32
      %add3A_335 = arith.addi %mul3A_207, %add3A_334 : i32
      %get3A_336 = arith.index_cast %add3A_335 : i32 to index
      %get3A_337 = arith.constant 32 : index
      %get3A_338 = tpu.vector_load %arg13[%get3A_336, %get3A_337] {strides = array<i32>} : memref<128x64xf32, #tpu.memory_space<vmem>>, vector<1x16xf32>,
      %get3A_339 = vector.shape_cast %get3A_338 : vector<1x16xf32> to vector<16xf32>
      %add3A_340 = arith.addf %add3A_312, %get3A_339 : vector<16xf32>
      %add3A_341 = arith.constant 4 : i32
      %add3A_342 = arith.addi %mul3A_207, %add3A_341 : i32
      %get3A_343 = arith.index_cast %add3A_342 : i32 to index
      %get3A_344 = arith.constant 48 : index
      %get3A_345 = tpu.vector_load %arg13[%get3A_343, %get3A_344] {strides = array<i32>} : memref<128x64xf32, #tpu.memory_space<vmem>>, vector<1x16xf32>,
      %get3A_346 = vector.shape_cast %get3A_345 : vector<1x16xf32> to vector<16xf32>
      %add3A_347 = arith.addf %add3A_319, %get3A_346 : vector<16xf32>
      %add3A_348 = arith.constant 5 : i32
      %add3A_349 = arith.addi %mul3A_207, %add3A_348 : i32
      %get3A_350 = arith.index_cast %add3A_349 : i32 to index
      %get3A_351 = arith.constant 0 : index
      %get3A_352 = tpu.vector_load %arg13[%get3A_350, %get3A_351] {strides = array<i32>} : memref<128x64xf32, #tpu.memory_space<vmem>>, vector<1x16xf32>,
      %get3A_353 = vector.shape_cast %get3A_352 : vector<1x16xf32> to vector<16xf32>
      %add3A_354 = arith.addf %add3A_326, %get3A_353 : vector<16xf32>
      %add3A_355 = arith.constant 5 : i32
      %add3A_356 = arith.addi %mul3A_207, %add3A_355 : i32
      %get3A_357 = arith.index_cast %add3A_356 : i32 to index
      %get3A_358 = arith.constant 16 : index
      %get3A_359 = tpu.vector_load %arg13[%get3A_357, %get3A_358] {strides = array<i32>} : memref<128x64xf32, #tpu.memory_space<vmem>>, vector<1x16xf32>,
      %get3A_360 = vector.shape_cast %get3A_359 : vector<1x16xf32> to vector<16xf32>
      %add3A_361 = arith.addf %add3A_333, %get3A_360 : vector<16xf32>
      %add3A_362 = arith.constant 5 : i32
      %add3A_363 = arith.addi %mul3A_207, %add3A_362 : i32
      %get3A_364 = arith.index_cast %add3A_363 : i32 to index
      %get3A_365 = arith.constant 32 : index
      %get3A_366 = tpu.vector_load %arg13[%get3A_364, %get3A_365] {strides = array<i32>} : memref<128x64xf32, #tpu.memory_space<vmem>>, vector<1x16xf32>,
      %get3A_367 = vector.shape_cast %get3A_366 : vector<1x16xf32> to vector<16xf32>
      %add3A_368 = arith.addf %add3A_340, %get3A_367 : vector<16xf32>
      %add3A_369 = arith.constant 5 : i32
      %add3A_370 = arith.addi %mul3A_207, %add3A_369 : i32
      %get3A_371 = arith.index_cast %add3A_370 : i32 to index
      %get3A_372 = arith.constant 48 : index
      %get3A_373 = tpu.vector_load %arg13[%get3A_371, %get3A_372] {strides = array<i32>} : memref<128x64xf32, #tpu.memory_space<vmem>>, vector<1x16xf32>,
      %get3A_374 = vector.shape_cast %get3A_373 : vector<1x16xf32> to vector<16xf32>
      %add3A_375 = arith.addf %add3A_347, %get3A_374 : vector<16xf32>
      %add3A_376 = arith.constant 6 : i32
      %add3A_377 = arith.addi %mul3A_207, %add3A_376 : i32
      %get3A_378 = arith.index_cast %add3A_377 : i32 to index
      %get3A_379 = arith.constant 0 : index
      %get3A_380 = tpu.vector_load %arg13[%get3A_378, %get3A_379] {strides = array<i32>} : memref<128x64xf32, #tpu.memory_space<vmem>>, vector<1x16xf32>,
      %get3A_381 = vector.shape_cast %get3A_380 : vector<1x16xf32> to vector<16xf32>
      %add3A_382 = arith.addf %add3A_354, %get3A_381 : vector<16xf32>
      %add3A_383 = arith.constant 6 : i32
      %add3A_384 = arith.addi %mul3A_207, %add3A_383 : i32
      %get3A_385 = arith.index_cast %add3A_384 : i32 to index
      %get3A_386 = arith.constant 16 : index
      %get3A_387 = tpu.vector_load %arg13[%get3A_385, %get3A_386] {strides = array<i32>} : memref<128x64xf32, #tpu.memory_space<vmem>>, vector<1x16xf32>,
      %get3A_388 = vector.shape_cast %get3A_387 : vector<1x16xf32> to vector<16xf32>
      %add3A_389 = arith.addf %add3A_361, %get3A_388 : vector<16xf32>
      %add3A_390 = arith.constant 6 : i32
      %add3A_391 = arith.addi %mul3A_207, %add3A_390 : i32
      %get3A_392 = arith.index_cast %add3A_391 : i32 to index
      %get3A_393 = arith.constant 32 : index
      %get3A_394 = tpu.vector_load %arg13[%get3A_392, %get3A_393] {strides = array<i32>} : memref<128x64xf32, #tpu.memory_space<vmem>>, vector<1x16xf32>,
      %get3A_395 = vector.shape_cast %get3A_394 : vector<1x16xf32> to vector<16xf32>
      %add3A_396 = arith.addf %add3A_368, %get3A_395 : vector<16xf32>
      %add3A_397 = arith.constant 6 : i32
      %add3A_398 = arith.addi %mul3A_207, %add3A_397 : i32
      %get3A_399 = arith.index_cast %add3A_398 : i32 to index
      %get3A_400 = arith.constant 48 : index
      %get3A_401 = tpu.vector_load %arg13[%get3A_399, %get3A_400] {strides = array<i32>} : memref<128x64xf32, #tpu.memory_space<vmem>>, vector<1x16xf32>,
      %get3A_402 = vector.shape_cast %get3A_401 : vector<1x16xf32> to vector<16xf32>
      %add3A_403 = arith.addf %add3A_375, %get3A_402 : vector<16xf32>
      %add3A_404 = arith.constant 7 : i32
      %add3A_405 = arith.addi %mul3A_207, %add3A_404 : i32
      %get3A_406 = arith.index_cast %add3A_405 : i32 to index
      %get3A_407 = arith.constant 0 : index
      %get3A_408 = tpu.vector_load %arg13[%get3A_406, %get3A_407] {strides = array<i32>} : memref<128x64xf32, #tpu.memory_space<vmem>>, vector<1x16xf32>,
      %get3A_409 = vector.shape_cast %get3A_408 : vector<1x16xf32> to vector<16xf32>
      %add3A_410 = arith.addf %add3A_382, %get3A_409 : vector<16xf32>
      %add3A_411 = arith.constant 7 : i32
      %add3A_412 = arith.addi %mul3A_207, %add3A_411 : i32
      %get3A_413 = arith.index_cast %add3A_412 : i32 to index
      %get3A_414 = arith.constant 16 : index
      %get3A_415 = tpu.vector_load %arg13[%get3A_413, %get3A_414] {strides = array<i32>} : memref<128x64xf32, #tpu.memory_space<vmem>>, vector<1x16xf32>,
      %get3A_416 = vector.shape_cast %get3A_415 : vector<1x16xf32> to vector<16xf32>
      %add3A_417 = arith.addf %add3A_389, %get3A_416 : vector<16xf32>
      %add3A_418 = arith.constant 7 : i32
      %add3A_419 = arith.addi %mul3A_207, %add3A_418 : i32
      %get3A_420 = arith.index_cast %add3A_419 : i32 to index
      %get3A_421 = arith.constant 32 : index
      %get3A_422 = tpu.vector_load %arg13[%get3A_420, %get3A_421] {strides = array<i32>} : memref<128x64xf32, #tpu.memory_space<vmem>>, vector<1x16xf32>,
      %get3A_423 = vector.shape_cast %get3A_422 : vector<1x16xf32> to vector<16xf32>
      %add3A_424 = arith.addf %add3A_396, %get3A_423 : vector<16xf32>
      %add3A_425 = arith.constant 7 : i32
      %add3A_426 = arith.addi %mul3A_207, %add3A_425 : i32
      %get3A_427 = arith.index_cast %add3A_426 : i32 to index
      %get3A_428 = arith.constant 48 : index
      %get3A_429 = tpu.vector_load %arg13[%get3A_427, %get3A_428] {strides = array<i32>} : memref<128x64xf32, #tpu.memory_space<vmem>>, vector<1x16xf32>,
      %get3A_430 = vector.shape_cast %get3A_429 : vector<1x16xf32> to vector<16xf32>
      %add3A_431 = arith.addf %add3A_403, %get3A_430 : vector<16xf32>
      scf.yield %add3A_410, %add3A_417, %add3A_424, %add3A_431 : vector<16xf32>, vector<16xf32>, vector<16xf32>, vector<16xf32>
    }
    %scan3A_165 = arith.constant 16 : i32
    %multiple_of3A_166 = arith.constant 25344 : i32
    %multiple_of3A_167 = tpu.assume_multiple %multiple_of3A_166, 8 : i32
    %dma_wait3A_168 = tpu.memref_slice %arg6[%multiple_of3A_167] : memref<25472xi32, #tpu.memory_space<vmem>> -> memref<128xi32, #tpu.memory_space<vmem>>
    %dma_wait3A_169 = arith.constant 0 : i32
    %dma_wait3A_170 = arith.constant 0 : i32
    %dma_wait3A_171 = tpu.memref_slice %arg3[%dma_wait3A_169, %dma_wait3A_170] : memref<1000000x64xf32, #tpu.memory_space<hbm>> -> memref<1000000x64xf32, #tpu.memory_space<hbm>>
    tpu.wait_indirect_dma semaphore(%arg23 : memref<!tpu.dma_semaphore, #tpu.memory_space<semaphore_mem>>) src(%dma_wait3A_171 : memref<1000000x64xf32, #tpu.memory_space<hbm>>) dst(%arg14 : memref<128x64xf32, #tpu.memory_space<vmem>>)
    %scan3A_172 = arith.constant 0 : i32
    %scan3A_173 = arith.constant 16 : i32
    %scan3A_174 = arith.addi %scan3A_172, %scan3A_173 : i32
    %scan3A_175 = arith.constant 1 : i32
    %scan3A_176:4 = scf.for %scan3A_201 = %scan3A_172 to %scan3A_174 step %scan3A_175 iter_args(%scan3A_202 = %scan3A_164#0, %scan3A_203 = %scan3A_164#1, %scan3A_204 = %scan3A_164#2, %scan3A_205 = %scan3A_164#3) -> (vector<16xf32>, vector<16xf32>, vector<16xf32>, vector<16xf32>)  : i32 {
      %mul3A_206 = arith.constant 8 : i32
      %mul3A_207 = arith.muli %scan3A_201, %mul3A_206 : i32
      %add3A_208 = arith.constant 0 : i32
      %add3A_209 = arith.addi %mul3A_207, %add3A_208 : i32
      %get3A_210 = arith.index_cast %add3A_209 : i32 to index
      %get3A_211 = arith.constant 0 : index
      %get3A_212 = tpu.vector_load %arg14[%get3A_210, %get3A_211] {strides = array<i32>} : memref<128x64xf32, #tpu.memory_space<vmem>>, vector<1x16xf32>,
      %get3A_213 = vector.shape_cast %get3A_212 : vector<1x16xf32> to vector<16xf32>
      %add3A_214 = arith.addf %scan3A_202, %get3A_213 : vector<16xf32>
      %add3A_215 = arith.constant 0 : i32
      %add3A_216 = arith.addi %mul3A_207, %add3A_215 : i32
      %get3A_217 = arith.index_cast %add3A_216 : i32 to index
      %get3A_218 = arith.constant 16 : index
      %get3A_219 = tpu.vector_load %arg14[%get3A_217, %get3A_218] {strides = array<i32>} : memref<128x64xf32, #tpu.memory_space<vmem>>, vector<1x16xf32>,
      %get3A_220 = vector.shape_cast %get3A_219 : vector<1x16xf32> to vector<16xf32>
      %add3A_221 = arith.addf %scan3A_203, %get3A_220 : vector<16xf32>
      %add3A_222 = arith.constant 0 : i32
      %add3A_223 = arith.addi %mul3A_207, %add3A_222 : i32
      %get3A_224 = arith.index_cast %add3A_223 : i32 to index
      %get3A_225 = arith.constant 32 : index
      %get3A_226 = tpu.vector_load %arg14[%get3A_224, %get3A_225] {strides = array<i32>} : memref<128x64xf32, #tpu.memory_space<vmem>>, vector<1x16xf32>,
      %get3A_227 = vector.shape_cast %get3A_226 : vector<1x16xf32> to vector<16xf32>
      %add3A_228 = arith.addf %scan3A_204, %get3A_227 : vector<16xf32>
      %add3A_229 = arith.constant 0 : i32
      %add3A_230 = arith.addi %mul3A_207, %add3A_229 : i32
      %get3A_231 = arith.index_cast %add3A_230 : i32 to index
      %get3A_232 = arith.constant 48 : index
      %get3A_233 = tpu.vector_load %arg14[%get3A_231, %get3A_232] {strides = array<i32>} : memref<128x64xf32, #tpu.memory_space<vmem>>, vector<1x16xf32>,
      %get3A_234 = vector.shape_cast %get3A_233 : vector<1x16xf32> to vector<16xf32>
      %add3A_235 = arith.addf %scan3A_205, %get3A_234 : vector<16xf32>
      %add3A_236 = arith.constant 1 : i32
      %add3A_237 = arith.addi %mul3A_207, %add3A_236 : i32
      %get3A_238 = arith.index_cast %add3A_237 : i32 to index
      %get3A_239 = arith.constant 0 : index
      %get3A_240 = tpu.vector_load %arg14[%get3A_238, %get3A_239] {strides = array<i32>} : memref<128x64xf32, #tpu.memory_space<vmem>>, vector<1x16xf32>,
      %get3A_241 = vector.shape_cast %get3A_240 : vector<1x16xf32> to vector<16xf32>
      %add3A_242 = arith.addf %add3A_214, %get3A_241 : vector<16xf32>
      %add3A_243 = arith.constant 1 : i32
      %add3A_244 = arith.addi %mul3A_207, %add3A_243 : i32
      %get3A_245 = arith.index_cast %add3A_244 : i32 to index
      %get3A_246 = arith.constant 16 : index
      %get3A_247 = tpu.vector_load %arg14[%get3A_245, %get3A_246] {strides = array<i32>} : memref<128x64xf32, #tpu.memory_space<vmem>>, vector<1x16xf32>,
      %get3A_248 = vector.shape_cast %get3A_247 : vector<1x16xf32> to vector<16xf32>
      %add3A_249 = arith.addf %add3A_221, %get3A_248 : vector<16xf32>
      %add3A_250 = arith.constant 1 : i32
      %add3A_251 = arith.addi %mul3A_207, %add3A_250 : i32
      %get3A_252 = arith.index_cast %add3A_251 : i32 to index
      %get3A_253 = arith.constant 32 : index
      %get3A_254 = tpu.vector_load %arg14[%get3A_252, %get3A_253] {strides = array<i32>} : memref<128x64xf32, #tpu.memory_space<vmem>>, vector<1x16xf32>,
      %get3A_255 = vector.shape_cast %get3A_254 : vector<1x16xf32> to vector<16xf32>
      %add3A_256 = arith.addf %add3A_228, %get3A_255 : vector<16xf32>
      %add3A_257 = arith.constant 1 : i32
      %add3A_258 = arith.addi %mul3A_207, %add3A_257 : i32
      %get3A_259 = arith.index_cast %add3A_258 : i32 to index
      %get3A_260 = arith.constant 48 : index
      %get3A_261 = tpu.vector_load %arg14[%get3A_259, %get3A_260] {strides = array<i32>} : memref<128x64xf32, #tpu.memory_space<vmem>>, vector<1x16xf32>,
      %get3A_262 = vector.shape_cast %get3A_261 : vector<1x16xf32> to vector<16xf32>
      %add3A_263 = arith.addf %add3A_235, %get3A_262 : vector<16xf32>
      %add3A_264 = arith.constant 2 : i32
      %add3A_265 = arith.addi %mul3A_207, %add3A_264 : i32
      %get3A_266 = arith.index_cast %add3A_265 : i32 to index
      %get3A_267 = arith.constant 0 : index
      %get3A_268 = tpu.vector_load %arg14[%get3A_266, %get3A_267] {strides = array<i32>} : memref<128x64xf32, #tpu.memory_space<vmem>>, vector<1x16xf32>,
      %get3A_269 = vector.shape_cast %get3A_268 : vector<1x16xf32> to vector<16xf32>
      %add3A_270 = arith.addf %add3A_242, %get3A_269 : vector<16xf32>
      %add3A_271 = arith.constant 2 : i32
      %add3A_272 = arith.addi %mul3A_207, %add3A_271 : i32
      %get3A_273 = arith.index_cast %add3A_272 : i32 to index
      %get3A_274 = arith.constant 16 : index
      %get3A_275 = tpu.vector_load %arg14[%get3A_273, %get3A_274] {strides = array<i32>} : memref<128x64xf32, #tpu.memory_space<vmem>>, vector<1x16xf32>,
      %get3A_276 = vector.shape_cast %get3A_275 : vector<1x16xf32> to vector<16xf32>
      %add3A_277 = arith.addf %add3A_249, %get3A_276 : vector<16xf32>
      %add3A_278 = arith.constant 2 : i32
      %add3A_279 = arith.addi %mul3A_207, %add3A_278 : i32
      %get3A_280 = arith.index_cast %add3A_279 : i32 to index
      %get3A_281 = arith.constant 32 : index
      %get3A_282 = tpu.vector_load %arg14[%get3A_280, %get3A_281] {strides = array<i32>} : memref<128x64xf32, #tpu.memory_space<vmem>>, vector<1x16xf32>,
      %get3A_283 = vector.shape_cast %get3A_282 : vector<1x16xf32> to vector<16xf32>
      %add3A_284 = arith.addf %add3A_256, %get3A_283 : vector<16xf32>
      %add3A_285 = arith.constant 2 : i32
      %add3A_286 = arith.addi %mul3A_207, %add3A_285 : i32
      %get3A_287 = arith.index_cast %add3A_286 : i32 to index
      %get3A_288 = arith.constant 48 : index
      %get3A_289 = tpu.vector_load %arg14[%get3A_287, %get3A_288] {strides = array<i32>} : memref<128x64xf32, #tpu.memory_space<vmem>>, vector<1x16xf32>,
      %get3A_290 = vector.shape_cast %get3A_289 : vector<1x16xf32> to vector<16xf32>
      %add3A_291 = arith.addf %add3A_263, %get3A_290 : vector<16xf32>
      %add3A_292 = arith.constant 3 : i32
      %add3A_293 = arith.addi %mul3A_207, %add3A_292 : i32
      %get3A_294 = arith.index_cast %add3A_293 : i32 to index
      %get3A_295 = arith.constant 0 : index
      %get3A_296 = tpu.vector_load %arg14[%get3A_294, %get3A_295] {strides = array<i32>} : memref<128x64xf32, #tpu.memory_space<vmem>>, vector<1x16xf32>,
      %get3A_297 = vector.shape_cast %get3A_296 : vector<1x16xf32> to vector<16xf32>
      %add3A_298 = arith.addf %add3A_270, %get3A_297 : vector<16xf32>
      %add3A_299 = arith.constant 3 : i32
      %add3A_300 = arith.addi %mul3A_207, %add3A_299 : i32
      %get3A_301 = arith.index_cast %add3A_300 : i32 to index
      %get3A_302 = arith.constant 16 : index
      %get3A_303 = tpu.vector_load %arg14[%get3A_301, %get3A_302] {strides = array<i32>} : memref<128x64xf32, #tpu.memory_space<vmem>>, vector<1x16xf32>,
      %get3A_304 = vector.shape_cast %get3A_303 : vector<1x16xf32> to vector<16xf32>
      %add3A_305 = arith.addf %add3A_277, %get3A_304 : vector<16xf32>
      %add3A_306 = arith.constant 3 : i32
      %add3A_307 = arith.addi %mul3A_207, %add3A_306 : i32
      %get3A_308 = arith.index_cast %add3A_307 : i32 to index
      %get3A_309 = arith.constant 32 : index
      %get3A_310 = tpu.vector_load %arg14[%get3A_308, %get3A_309] {strides = array<i32>} : memref<128x64xf32, #tpu.memory_space<vmem>>, vector<1x16xf32>,
      %get3A_311 = vector.shape_cast %get3A_310 : vector<1x16xf32> to vector<16xf32>
      %add3A_312 = arith.addf %add3A_284, %get3A_311 : vector<16xf32>
      %add3A_313 = arith.constant 3 : i32
      %add3A_314 = arith.addi %mul3A_207, %add3A_313 : i32
      %get3A_315 = arith.index_cast %add3A_314 : i32 to index
      %get3A_316 = arith.constant 48 : index
      %get3A_317 = tpu.vector_load %arg14[%get3A_315, %get3A_316] {strides = array<i32>} : memref<128x64xf32, #tpu.memory_space<vmem>>, vector<1x16xf32>,
      %get3A_318 = vector.shape_cast %get3A_317 : vector<1x16xf32> to vector<16xf32>
      %add3A_319 = arith.addf %add3A_291, %get3A_318 : vector<16xf32>
      %add3A_320 = arith.constant 4 : i32
      %add3A_321 = arith.addi %mul3A_207, %add3A_320 : i32
      %get3A_322 = arith.index_cast %add3A_321 : i32 to index
      %get3A_323 = arith.constant 0 : index
      %get3A_324 = tpu.vector_load %arg14[%get3A_322, %get3A_323] {strides = array<i32>} : memref<128x64xf32, #tpu.memory_space<vmem>>, vector<1x16xf32>,
      %get3A_325 = vector.shape_cast %get3A_324 : vector<1x16xf32> to vector<16xf32>
      %add3A_326 = arith.addf %add3A_298, %get3A_325 : vector<16xf32>
      %add3A_327 = arith.constant 4 : i32
      %add3A_328 = arith.addi %mul3A_207, %add3A_327 : i32
      %get3A_329 = arith.index_cast %add3A_328 : i32 to index
      %get3A_330 = arith.constant 16 : index
      %get3A_331 = tpu.vector_load %arg14[%get3A_329, %get3A_330] {strides = array<i32>} : memref<128x64xf32, #tpu.memory_space<vmem>>, vector<1x16xf32>,
      %get3A_332 = vector.shape_cast %get3A_331 : vector<1x16xf32> to vector<16xf32>
      %add3A_333 = arith.addf %add3A_305, %get3A_332 : vector<16xf32>
      %add3A_334 = arith.constant 4 : i32
      %add3A_335 = arith.addi %mul3A_207, %add3A_334 : i32
      %get3A_336 = arith.index_cast %add3A_335 : i32 to index
      %get3A_337 = arith.constant 32 : index
      %get3A_338 = tpu.vector_load %arg14[%get3A_336, %get3A_337] {strides = array<i32>} : memref<128x64xf32, #tpu.memory_space<vmem>>, vector<1x16xf32>,
      %get3A_339 = vector.shape_cast %get3A_338 : vector<1x16xf32> to vector<16xf32>
      %add3A_340 = arith.addf %add3A_312, %get3A_339 : vector<16xf32>
      %add3A_341 = arith.constant 4 : i32
      %add3A_342 = arith.addi %mul3A_207, %add3A_341 : i32
      %get3A_343 = arith.index_cast %add3A_342 : i32 to index
      %get3A_344 = arith.constant 48 : index
      %get3A_345 = tpu.vector_load %arg14[%get3A_343, %get3A_344] {strides = array<i32>} : memref<128x64xf32, #tpu.memory_space<vmem>>, vector<1x16xf32>,
      %get3A_346 = vector.shape_cast %get3A_345 : vector<1x16xf32> to vector<16xf32>
      %add3A_347 = arith.addf %add3A_319, %get3A_346 : vector<16xf32>
      %add3A_348 = arith.constant 5 : i32
      %add3A_349 = arith.addi %mul3A_207, %add3A_348 : i32
      %get3A_350 = arith.index_cast %add3A_349 : i32 to index
      %get3A_351 = arith.constant 0 : index
      %get3A_352 = tpu.vector_load %arg14[%get3A_350, %get3A_351] {strides = array<i32>} : memref<128x64xf32, #tpu.memory_space<vmem>>, vector<1x16xf32>,
      %get3A_353 = vector.shape_cast %get3A_352 : vector<1x16xf32> to vector<16xf32>
      %add3A_354 = arith.addf %add3A_326, %get3A_353 : vector<16xf32>
      %add3A_355 = arith.constant 5 : i32
      %add3A_356 = arith.addi %mul3A_207, %add3A_355 : i32
      %get3A_357 = arith.index_cast %add3A_356 : i32 to index
      %get3A_358 = arith.constant 16 : index
      %get3A_359 = tpu.vector_load %arg14[%get3A_357, %get3A_358] {strides = array<i32>} : memref<128x64xf32, #tpu.memory_space<vmem>>, vector<1x16xf32>,
      %get3A_360 = vector.shape_cast %get3A_359 : vector<1x16xf32> to vector<16xf32>
      %add3A_361 = arith.addf %add3A_333, %get3A_360 : vector<16xf32>
      %add3A_362 = arith.constant 5 : i32
      %add3A_363 = arith.addi %mul3A_207, %add3A_362 : i32
      %get3A_364 = arith.index_cast %add3A_363 : i32 to index
      %get3A_365 = arith.constant 32 : index
      %get3A_366 = tpu.vector_load %arg14[%get3A_364, %get3A_365] {strides = array<i32>} : memref<128x64xf32, #tpu.memory_space<vmem>>, vector<1x16xf32>,
      %get3A_367 = vector.shape_cast %get3A_366 : vector<1x16xf32> to vector<16xf32>
      %add3A_368 = arith.addf %add3A_340, %get3A_367 : vector<16xf32>
      %add3A_369 = arith.constant 5 : i32
      %add3A_370 = arith.addi %mul3A_207, %add3A_369 : i32
      %get3A_371 = arith.index_cast %add3A_370 : i32 to index
      %get3A_372 = arith.constant 48 : index
      %get3A_373 = tpu.vector_load %arg14[%get3A_371, %get3A_372] {strides = array<i32>} : memref<128x64xf32, #tpu.memory_space<vmem>>, vector<1x16xf32>,
      %get3A_374 = vector.shape_cast %get3A_373 : vector<1x16xf32> to vector<16xf32>
      %add3A_375 = arith.addf %add3A_347, %get3A_374 : vector<16xf32>
      %add3A_376 = arith.constant 6 : i32
      %add3A_377 = arith.addi %mul3A_207, %add3A_376 : i32
      %get3A_378 = arith.index_cast %add3A_377 : i32 to index
      %get3A_379 = arith.constant 0 : index
      %get3A_380 = tpu.vector_load %arg14[%get3A_378, %get3A_379] {strides = array<i32>} : memref<128x64xf32, #tpu.memory_space<vmem>>, vector<1x16xf32>,
      %get3A_381 = vector.shape_cast %get3A_380 : vector<1x16xf32> to vector<16xf32>
      %add3A_382 = arith.addf %add3A_354, %get3A_381 : vector<16xf32>
      %add3A_383 = arith.constant 6 : i32
      %add3A_384 = arith.addi %mul3A_207, %add3A_383 : i32
      %get3A_385 = arith.index_cast %add3A_384 : i32 to index
      %get3A_386 = arith.constant 16 : index
      %get3A_387 = tpu.vector_load %arg14[%get3A_385, %get3A_386] {strides = array<i32>} : memref<128x64xf32, #tpu.memory_space<vmem>>, vector<1x16xf32>,
      %get3A_388 = vector.shape_cast %get3A_387 : vector<1x16xf32> to vector<16xf32>
      %add3A_389 = arith.addf %add3A_361, %get3A_388 : vector<16xf32>
      %add3A_390 = arith.constant 6 : i32
      %add3A_391 = arith.addi %mul3A_207, %add3A_390 : i32
      %get3A_392 = arith.index_cast %add3A_391 : i32 to index
      %get3A_393 = arith.constant 32 : index
      %get3A_394 = tpu.vector_load %arg14[%get3A_392, %get3A_393] {strides = array<i32>} : memref<128x64xf32, #tpu.memory_space<vmem>>, vector<1x16xf32>,
      %get3A_395 = vector.shape_cast %get3A_394 : vector<1x16xf32> to vector<16xf32>
      %add3A_396 = arith.addf %add3A_368, %get3A_395 : vector<16xf32>
      %add3A_397 = arith.constant 6 : i32
      %add3A_398 = arith.addi %mul3A_207, %add3A_397 : i32
      %get3A_399 = arith.index_cast %add3A_398 : i32 to index
      %get3A_400 = arith.constant 48 : index
      %get3A_401 = tpu.vector_load %arg14[%get3A_399, %get3A_400] {strides = array<i32>} : memref<128x64xf32, #tpu.memory_space<vmem>>, vector<1x16xf32>,
      %get3A_402 = vector.shape_cast %get3A_401 : vector<1x16xf32> to vector<16xf32>
      %add3A_403 = arith.addf %add3A_375, %get3A_402 : vector<16xf32>
      %add3A_404 = arith.constant 7 : i32
      %add3A_405 = arith.addi %mul3A_207, %add3A_404 : i32
      %get3A_406 = arith.index_cast %add3A_405 : i32 to index
      %get3A_407 = arith.constant 0 : index
      %get3A_408 = tpu.vector_load %arg14[%get3A_406, %get3A_407] {strides = array<i32>} : memref<128x64xf32, #tpu.memory_space<vmem>>, vector<1x16xf32>,
      %get3A_409 = vector.shape_cast %get3A_408 : vector<1x16xf32> to vector<16xf32>
      %add3A_410 = arith.addf %add3A_382, %get3A_409 : vector<16xf32>
      %add3A_411 = arith.constant 7 : i32
      %add3A_412 = arith.addi %mul3A_207, %add3A_411 : i32
      %get3A_413 = arith.index_cast %add3A_412 : i32 to index
      %get3A_414 = arith.constant 16 : index
      %get3A_415 = tpu.vector_load %arg14[%get3A_413, %get3A_414] {strides = array<i32>} : memref<128x64xf32, #tpu.memory_space<vmem>>, vector<1x16xf32>,
      %get3A_416 = vector.shape_cast %get3A_415 : vector<1x16xf32> to vector<16xf32>
      %add3A_417 = arith.addf %add3A_389, %get3A_416 : vector<16xf32>
      %add3A_418 = arith.constant 7 : i32
      %add3A_419 = arith.addi %mul3A_207, %add3A_418 : i32
      %get3A_420 = arith.index_cast %add3A_419 : i32 to index
      %get3A_421 = arith.constant 32 : index
      %get3A_422 = tpu.vector_load %arg14[%get3A_420, %get3A_421] {strides = array<i32>} : memref<128x64xf32, #tpu.memory_space<vmem>>, vector<1x16xf32>,
      %get3A_423 = vector.shape_cast %get3A_422 : vector<1x16xf32> to vector<16xf32>
      %add3A_424 = arith.addf %add3A_396, %get3A_423 : vector<16xf32>
      %add3A_425 = arith.constant 7 : i32
      %add3A_426 = arith.addi %mul3A_207, %add3A_425 : i32
      %get3A_427 = arith.index_cast %add3A_426 : i32 to index
      %get3A_428 = arith.constant 48 : index
      %get3A_429 = tpu.vector_load %arg14[%get3A_427, %get3A_428] {strides = array<i32>} : memref<128x64xf32, #tpu.memory_space<vmem>>, vector<1x16xf32>,
      %get3A_430 = vector.shape_cast %get3A_429 : vector<1x16xf32> to vector<16xf32>
      %add3A_431 = arith.addf %add3A_403, %get3A_430 : vector<16xf32>
      scf.yield %add3A_410, %add3A_417, %add3A_424, %add3A_431 : vector<16xf32>, vector<16xf32>, vector<16xf32>, vector<16xf32>
    }
    %scan3A_177 = arith.constant 16 : i32
    %swap3A = arith.constant 0 : i32
    %swap3A_178 = arith.index_cast %swap3A : i32 to index
    %swap3A_179 = arith.constant 0 : index
    %swap3A_180 = tpu.vector_load %arg16[%swap3A_178, %swap3A_179] {strides = array<i32>} : memref<1x64xf32, #tpu.memory_space<vmem>>, vector<1x16xf32>,
    %swap3A_181 = vector.shape_cast %swap3A_180 : vector<1x16xf32> to vector<16xf32>
    %swap3A_182 = vector.shape_cast %scan3A_176#0 : vector<16xf32> to vector<1x16xf32>
    tpu.vector_store %arg16[%swap3A_178, %swap3A_179], %swap3A_182 {strides = array<i32>} : memref<1x64xf32, #tpu.memory_space<vmem>>, vector<1x16xf32>,
    %swap3A_183 = arith.constant 0 : i32
    %swap3A_184 = arith.index_cast %swap3A_183 : i32 to index
    %swap3A_185 = arith.constant 16 : index
    %swap3A_186 = tpu.vector_load %arg16[%swap3A_184, %swap3A_185] {strides = array<i32>} : memref<1x64xf32, #tpu.memory_space<vmem>>, vector<1x16xf32>,
    %swap3A_187 = vector.shape_cast %swap3A_186 : vector<1x16xf32> to vector<16xf32>
    %swap3A_188 = vector.shape_cast %scan3A_176#1 : vector<16xf32> to vector<1x16xf32>
    tpu.vector_store %arg16[%swap3A_184, %swap3A_185], %swap3A_188 {strides = array<i32>} : memref<1x64xf32, #tpu.memory_space<vmem>>, vector<1x16xf32>,
    %swap3A_189 = arith.constant 0 : i32
    %swap3A_190 = arith.index_cast %swap3A_189 : i32 to index
    %swap3A_191 = arith.constant 32 : index
    %swap3A_192 = tpu.vector_load %arg16[%swap3A_190, %swap3A_191] {strides = array<i32>} : memref<1x64xf32, #tpu.memory_space<vmem>>, vector<1x16xf32>,
    %swap3A_193 = vector.shape_cast %swap3A_192 : vector<1x16xf32> to vector<16xf32>
    %swap3A_194 = vector.shape_cast %scan3A_176#2 : vector<16xf32> to vector<1x16xf32>
    tpu.vector_store %arg16[%swap3A_190, %swap3A_191], %swap3A_194 {strides = array<i32>} : memref<1x64xf32, #tpu.memory_space<vmem>>, vector<1x16xf32>,
    %swap3A_195 = arith.constant 0 : i32
    %swap3A_196 = arith.index_cast %swap3A_195 : i32 to index
    %swap3A_197 = arith.constant 48 : index
    %swap3A_198 = tpu.vector_load %arg16[%swap3A_196, %swap3A_197] {strides = array<i32>} : memref<1x64xf32, #tpu.memory_space<vmem>>, vector<1x16xf32>,
    %swap3A_199 = vector.shape_cast %swap3A_198 : vector<1x16xf32> to vector<16xf32>
    %swap3A_200 = vector.shape_cast %scan3A_176#3 : vector<16xf32> to vector<1x16xf32>
    tpu.vector_store %arg16[%swap3A_196, %swap3A_197], %swap3A_200 {strides = array<i32>} : memref<1x64xf32, #tpu.memory_space<vmem>>, vector<1x16xf32>,
    "tpu.region"() ({
      %run_scoped3A = tpu.sem_alloc : memref<!tpu.dma_semaphore, #tpu.memory_space<semaphore_mem>>
      %dma_start3A_201 = arith.constant 0 : i32
      %dma_start3A_202 = tpu.memref_slice %arg5[%add3A, %dma_start3A_201] : memref<32x64xf32, #tpu.memory_space<hbm>> -> memref<1x64xf32, #tpu.memory_space<hbm>>
      %dma_start3A_203 = arith.constant 0 : i32
      %dma_start3A_204 = tpu.memref_slice %arg5[%add3A, %dma_start3A_203] : memref<32x64xf32, #tpu.memory_space<hbm>> -> memref<1x64xf32, #tpu.memory_space<hbm>>
      tpu.enqueue_dma source(%arg16 : memref<1x64xf32, #tpu.memory_space<vmem>>) target(%dma_start3A_204 : memref<1x64xf32, #tpu.memory_space<hbm>>) target_semaphore(%run_scoped3A : memref<!tpu.dma_semaphore, #tpu.memory_space<semaphore_mem>>)
      %dma_wait3A_205 = arith.constant 0 : i32
      %dma_wait3A_206 = tpu.memref_slice %arg5[%add3A, %dma_wait3A_205] : memref<32x64xf32, #tpu.memory_space<hbm>> -> memref<1x64xf32, #tpu.memory_space<hbm>>
      %dma_wait3A_207 = arith.constant 0 : i32
      %dma_wait3A_208 = tpu.memref_slice %arg5[%add3A, %dma_wait3A_207] : memref<32x64xf32, #tpu.memory_space<hbm>> -> memref<1x64xf32, #tpu.memory_space<hbm>>
      tpu.wait_dma2 semaphore(%run_scoped3A : memref<!tpu.dma_semaphore, #tpu.memory_space<semaphore_mem>>) src(%arg16 : memref<1x64xf32, #tpu.memory_space<vmem>>) dst(%dma_wait3A_208 : memref<1x64xf32, #tpu.memory_space<hbm>>)
      tpu.yield
    }) : () -> ()
    return
  }
}

module attributes {stable_mosaic.version = 14 : i64} {
  func.func @_mlp_body(%arg0: memref<4096x64xf32, #tpu.memory_space<vmem>>, %arg1: memref<32x64xf32, #tpu.memory_space<vmem>>, %arg2: memref<64x128xf32, #tpu.memory_space<vmem>>, %arg3: memref<1x128xf32, #tpu.memory_space<vmem>>, %arg4: memref<128x128xf32, #tpu.memory_space<vmem>>, %arg5: memref<1x128xf32, #tpu.memory_space<vmem>>, %arg6: memref<128x100xf32, #tpu.memory_space<vmem>>, %arg7: memref<1x100xf32, #tpu.memory_space<vmem>>, %arg8: memref<4096x100xf32, #tpu.memory_space<vmem>>) attributes {dimension_semantics = [], scalar_prefetch = 0 : i64, scratch_operands = 0 : i64, tpu.core_type = #tpu.core_type<tc>} {
    %get3A = arith.constant 0 : index
    %get3A_0 = arith.constant 0 : index
    %get3A_1 = vector.load %arg1[%get3A, %get3A_0] : memref<32x64xf32, #tpu.memory_space<vmem>>, vector<32x64xf32>
    %reduce_sum3A = arith.constant dense<0.000000e+00> : vector<64xf32>
    %reduce_sum3A_2 = vector.multi_reduction <add>, %get3A_1, %reduce_sum3A [0] : vector<32x64xf32> to vector<64xf32>
    %broadcast_in_dim3A = vector.shape_cast %reduce_sum3A_2 : vector<64xf32> to vector<1x64xf32>
    %mul3A = arith.constant 1.22683582E-6 : f32
    %mul3A_3 = vector.broadcast %mul3A : f32 to vector<1x64xf32>
    %mul3A_4 = arith.mulf %broadcast_in_dim3A, %mul3A_3 : vector<1x64xf32>
    %get3A_5 = arith.constant 0 : index
    %get3A_6 = arith.constant 0 : index
    %get3A_7 = vector.load %arg0[%get3A_5, %get3A_6] : memref<4096x64xf32, #tpu.memory_space<vmem>>, vector<4096x64xf32>
    %iota3A = tpu.iota {dimensions = array<i32: 0>} : vector<4096x64xi32>
    %eq3A = arith.constant 4095 : i32
    %eq3A_8 = vector.broadcast %eq3A : i32 to vector<4096x64xi32>
    %eq3A_9 = arith.cmpi eq, %iota3A, %eq3A_8 : vector<4096x64xi32>
    %broadcast_in_dim3A_10 = vector.shape_cast %mul3A_4 : vector<1x64xf32> to vector<1x64xf32>
    %broadcast_in_dim3A_11 = vector.broadcast %broadcast_in_dim3A_10 : vector<1x64xf32> to vector<4096x64xf32>
    %select_n3A = arith.select %eq3A_9, %broadcast_in_dim3A_11, %get3A_7 : vector<4096x64xi1>, vector<4096x64xf32>
    %get3A_12 = arith.constant 0 : index
    %get3A_13 = arith.constant 0 : index
    %get3A_14 = vector.load %arg2[%get3A_12, %get3A_13] : memref<64x128xf32, #tpu.memory_space<vmem>>, vector<64x128xf32>
    %dot_general3A = arith.constant dense<0.000000e+00> : vector<4096x128xf32>
    %dot_general3A_15 = tpu.matmul %select_n3A, %get3A_14, %dot_general3A {dimension_numbers = #tpu.dot_dimension_numbers<[1], [0], [0], [1], [0, 0, 1, 1], [], []>, transpose_lhs_hint = false} : vector<4096x64xf32>, vector<64x128xf32>, vector<4096x128xf32> -> vector<4096x128xf32>
    %get3A_16 = arith.constant 0 : index
    %get3A_17 = arith.constant 0 : index
    %get3A_18 = vector.load %arg3[%get3A_16, %get3A_17] : memref<1x128xf32, #tpu.memory_space<vmem>>, vector<1x128xf32>
    %add3A = vector.broadcast %get3A_18 : vector<1x128xf32> to vector<4096x128xf32>
    %add3A_19 = arith.addf %dot_general3A_15, %add3A : vector<4096x128xf32>
    %max3A = arith.constant 0.000000e+00 : f32
    %max3A_20 = vector.broadcast %max3A : f32 to vector<4096x128xf32>
    %max3A_21 = arith.maximumf %add3A_19, %max3A_20 : vector<4096x128xf32>
    %get3A_22 = arith.constant 0 : index
    %get3A_23 = arith.constant 0 : index
    %get3A_24 = vector.load %arg4[%get3A_22, %get3A_23] : memref<128x128xf32, #tpu.memory_space<vmem>>, vector<128x128xf32>
    %dot_general3A_25 = arith.constant dense<0.000000e+00> : vector<4096x128xf32>
    %dot_general3A_26 = tpu.matmul %max3A_21, %get3A_24, %dot_general3A_25 {dimension_numbers = #tpu.dot_dimension_numbers<[1], [0], [0], [1], [0, 0, 1, 1], [], []>, transpose_lhs_hint = false} : vector<4096x128xf32>, vector<128x128xf32>, vector<4096x128xf32> -> vector<4096x128xf32>
    %get3A_27 = arith.constant 0 : index
    %get3A_28 = arith.constant 0 : index
    %get3A_29 = vector.load %arg5[%get3A_27, %get3A_28] : memref<1x128xf32, #tpu.memory_space<vmem>>, vector<1x128xf32>
    %add3A_30 = vector.broadcast %get3A_29 : vector<1x128xf32> to vector<4096x128xf32>
    %add3A_31 = arith.addf %dot_general3A_26, %add3A_30 : vector<4096x128xf32>
    %max3A_32 = arith.constant 0.000000e+00 : f32
    %max3A_33 = vector.broadcast %max3A_32 : f32 to vector<4096x128xf32>
    %max3A_34 = arith.maximumf %add3A_31, %max3A_33 : vector<4096x128xf32>
    %get3A_35 = arith.constant 0 : index
    %get3A_36 = arith.constant 0 : index
    %get3A_37 = vector.load %arg6[%get3A_35, %get3A_36] : memref<128x100xf32, #tpu.memory_space<vmem>>, vector<128x100xf32>
    %dot_general3A_38 = arith.constant dense<0.000000e+00> : vector<4096x100xf32>
    %dot_general3A_39 = tpu.matmul %max3A_34, %get3A_37, %dot_general3A_38 {dimension_numbers = #tpu.dot_dimension_numbers<[1], [0], [0], [1], [0, 0, 1, 1], [], []>, transpose_lhs_hint = false} : vector<4096x128xf32>, vector<128x100xf32>, vector<4096x100xf32> -> vector<4096x100xf32>
    %get3A_40 = arith.constant 0 : index
    %get3A_41 = arith.constant 0 : index
    %get3A_42 = vector.load %arg7[%get3A_40, %get3A_41] : memref<1x100xf32, #tpu.memory_space<vmem>>, vector<1x100xf32>
    %add3A_43 = vector.broadcast %get3A_42 : vector<1x100xf32> to vector<4096x100xf32>
    %add3A_44 = arith.addf %dot_general3A_39, %add3A_43 : vector<4096x100xf32>
    %swap3A = arith.constant 0 : index
    %swap3A_45 = arith.constant 0 : index
    %swap3A_46 = vector.load %arg8[%swap3A, %swap3A_45] : memref<4096x100xf32, #tpu.memory_space<vmem>>, vector<4096x100xf32>
    tpu.vector_store %arg8[%swap3A, %swap3A_45], %add3A_44 {strides = array<i32>} : memref<4096x100xf32, #tpu.memory_space<vmem>>, vector<4096x100xf32>,
    return
  }
}

</mosaic_0001>

<sc_bundles>
// kernel: kernel.4.cloned.1.call-start
scs
__scs_entry_jumppad:
0x0: {  	(pc) =	sbr.rel $0x88, $3  }
0x1: {  	(tag) =	ssettag $0x0;
	lr =	simm.s32 $0x1  }
0x2: {  	[smem:$0x3F99] =	sst lr;
	_ =	strace $0xD0000000  }
0x3: {  	_ = 	snop  }
0x4: {  	_ = 	snop  }
0x5: {  	_ = 	snop  }
0x6: {  	_ = 	snop  }
0x7: {  	_ = 	snop  }
__scs_overlays_trampoline_lowered:
0x8: {  	[smem:$0x3FA8] =	sst s0  }
0x9: {  	[smem:$0x3FA9] =	sst s1  }
0xa: {  	[smem:$0x3FAA] =	sst s2  }
0xb: {  	[smem:$0x3FAB] =	sst s3  }
0xc: {  	[smem:$0x3FAC] =	sst s4  }
0xd: {  	[smem:$0x3FAD] =	sst s5  }
0xe: {  	[smem:$0x3FAE] =	sst s6  }
0xf: {  	[smem:$0x3FAF] =	sst s7  }
0x10: {  	[smem:$0x3FB0] =	sst s8  }
0x11: {  	[smem:$0x3FB1] =	sst s9;
	s0 =	simm.s32 @!p0 $0x0  }
0x12: {  	s1 =	sld [smem:$0x3F97];
	s0 =	simm.s32 @p0 $0x1  }
0x13: {  	[smem:$0x3FB2] =	sst s0;
	s0 =	simm.s32 @!p1 $0x0  }
0x14: {  	s2 =	sld [smem:$0x3F96];
	s0 =	simm.s32 @p1 $0x1  }
0x15: {  	[smem:$0x3FB3] =	sst s0;
	s0 =	simm.s32 @!p2 $0x0  }
0x16: {  	s3 =	sld [smem:$0x3FDB];
	s0 =	simm.s32 @p2 $0x1  }
0x17: {  	s4 =	simm.s32 $0x1BF5;
	[smem:$0x3FB5] =	sst s0  }
0x18: {  	s0 =	sld [smem:$0x3F98];
	_ =	swait.ge [sflag:s4], $0x0  }
0x19: {  	s7 =	sld [smem:$0x3F99]  }
0x1a: {  	s8 =	sadd.s32 $0xFFFFE003, lr  }
0x1b: {  	s9 =	sadd.s32 $0xFFFFFEF7, lr;
	s5 =	simm.s32 $0xFFFFFFFF;
	p2 =	slt.u32 s8, $0xFFFFF086  }
0x1c: {  	p1 =	slt.u32 s9, $0xF7A;
	s5 =	simm.s32 @!p2 $0x0  }
0x1d: {  	s5 =	simm.s32 @p1 $0x1;
	p0 =	seq.s32 s7, s2  }
0x1e: {  	s7 =	smul.u32 @!p0 $0xF7A, s2;
	p2 =	seq.s32 @!p0 s5, $0x0  }
0x1f: {  	s9 =	smul.u32 $0xF7A, s1;
	s8 =	simm.s32 @!p0 $0x1BF5;
	p2 =	por !p2, p0  }
0x20: {  	[sflag:s8] =	ssyncset.s32 @!p0 $0xFFFFF086;
	s6 =	sadd.s32 @!p0 s3, s7;
	s7 =	simm.s32 @!p0 $0x108  }
0x21: {  	s3 =	sadd.s32 s3, s9;
	s6 =	sadd.s32 @!p0 $0x88, s6;
	s7 =	simm.s32 @p2 $0x1082  }
0x22: {  	[simem:s7], [sflag:s8] =	dma.local @!p0 [hbm:s6], $0xF7A  }
0x23: {  	s9 =	sor.u32 $0xD0000000, s2;
	s6 =	simm.s32 $0x108;
	_ =	swait.ge @!p0 [sflag:s8], $0x0  }
0x24: {  	s3 =	sadd.s32 $0x88, s3;
	s6 =	simm.s32 @!p1 $0x1082;
	[sflag:s4] =	ssyncset.s32 $0xFFFFF086  }
0x25: {  	[simem:s6], [sflag:s4] =	dma.local [hbm:s3], $0xF7A  }
0x26: {  	[smem:$0x3F99] =	sst s1;
	(tag) =	ssettag s2;
	_ =	strace s9  }
0x27: {  	s1 =	sld [smem:$0x3FA9]  }
0x28: {  	s2 =	sld [smem:$0x3FAA]  }
0x29: {  	s4 =	sld [smem:$0x3FAC]  }
0x2a: {  	p0 =	seq.s32 s5, $0x0;
	s5 =	sld [smem:$0x3FAD]  }
0x2b: {  	s6 =	sld [smem:$0x3FAE]  }
0x2c: {  	s7 =	sld [smem:$0x3FAF]  }
0x2d: {  	s3 =	simm.s32 $0x108;
	s8 =	sld [smem:$0x3FB0]  }
0x2e: {  	s3 =	simm.s32 @!p0 $0x1082;
	s9 =	sld [smem:$0x3FB1]  }
0x2f: {  	lr =	sadd.s32 s0, s3;
	s0 =	sld [smem:$0x3FA8]  }
0x30: {  	s3 =	sld [smem:$0x3FAB]  }
0x31: {  	[smem:$0x3FB4] =	sst s10  }
0x32: {  	s10 =	sld [smem:$0x3FB2];
	_ =	sdelay $0x3  }
0x33: {  	p0 =	seq.s32 s10, $0x1;
	s10 =	sld [smem:$0x3FB4];
	_ =	sdelay $0x3  }
0x34: {  	[smem:$0x3FB4] =	sst s10  }
0x35: {  	s10 =	sld [smem:$0x3FB3];
	_ =	sdelay $0x3  }
0x36: {  	p1 =	seq.s32 s10, $0x1;
	s10 =	sld [smem:$0x3FB4];
	_ =	sdelay $0x3  }
0x37: {  	[smem:$0x3FB4] =	sst s10  }
0x38: {  	s10 =	sld [smem:$0x3FB5]  }
0x39: {  	_ = 	snop;
	(pc) =	sbr.ind lr, $3  }
0x3a: {  	_ = 	snop  }
0x3b: {  	_ = 	snop  }
0x3c: {  	p2 =	seq.s32 s10, $0x1;
	s10 =	sld [smem:$0x3FB4]  }
0x3d: {  	_ =	shalt  }
0x3e: {  	_ =	shalt  }
0x3f: {  	_ =	shalt  }
0x40: {  	_ =	shalt  }
0x41: {  	_ =	shalt  }
0x42: {  	_ =	shalt  }
0x43: {  	_ =	shalt  }
0x44: {  	_ =	shalt  }
0x45: {  	_ =	shalt  }
0x46: {  	_ =	shalt  }
0x47: {  	_ =	shalt  }
0x48: {  	_ =	shalt  }
0x49: {  	_ =	shalt  }
0x4a: {  	_ =	shalt  }
0x4b: {  	_ =	shalt  }
0x4c: {  	_ =	shalt  }
0x4d: {  	_ =	shalt  }
0x4e: {  	_ =	shalt  }
0x4f: {  	_ =	shalt  }
0x50: {  	_ =	shalt  }
0x51: {  	_ =	shalt  }
0x52: {  	_ =	shalt  }
0x53: {  	_ =	shalt  }
0x54: {  	_ =	shalt  }
0x55: {  	_ =	shalt  }
0x56: {  	_ =	shalt  }
0x57: {  	_ =	shalt  }
0x58: {  	_ =	shalt  }
0x59: {  	_ =	shalt  }
0x5a: {  	_ =	shalt  }
0x5b: {  	_ =	shalt  }
0x5c: {  	_ =	shalt  }
0x5d: {  	_ =	shalt  }
0x5e: {  	_ =	shalt  }
0x5f: {  	_ =	shalt  }
0x60: {  	_ =	shalt  }
0x61: {  	_ =	shalt  }
0x62: {  	_ =	shalt  }
0x63: {  	_ =	shalt  }
0x64: {  	_ =	shalt  }
0x65: {  	_ =	shalt  }
0x66: {  	_ =	shalt  }
0x67: {  	_ =	shalt  }
0x68: {  	_ =	shalt  }
0x69: {  	_ =	shalt  }
0x6a: {  	_ =	shalt  }
0x6b: {  	_ =	shalt  }
0x6c: {  	_ =	shalt  }
0x6d: {  	_ =	shalt  }
0x6e: {  	_ =	shalt  }
0x6f: {  	_ =	shalt  }
0x70: {  	_ =	shalt  }
0x71: {  	_ =	shalt  }
0x72: {  	_ =	shalt  }
0x73: {  	_ =	shalt  }
0x74: {  	_ =	shalt  }
0x75: {  	_ =	shalt  }
0x76: {  	_ =	shalt  }
0x77: {  	_ =	shalt  }
0x78: {  	_ =	shalt  }
0x79: {  	_ =	shalt  }
0x7a: {  	_ =	shalt  }
0x7b: {  	_ =	shalt  }
0x7c: {  	_ =	shalt  }
0x7d: {  	_ =	shalt  }
0x7e: {  	_ =	shalt  }
0x7f: {  	_ =	shalt  }
0x80: {  	_ =	shalt  }
0x81: {  	_ =	shalt  }
0x82: {  	_ =	shalt  }
0x83: {  	_ =	shalt  }
0x84: {  	_ =	shalt  }
0x85: {  	_ =	shalt  }
0x86: {  	_ =	shalt  }
0x87: {  	_ =	shalt  }
.Lfunc_end0:
.L_simem_size_0:
called_computation_lowered:
.L_overlay_start_0:
0x88: {  	s2 =	sld [smem:$0x3FD9]  }
0x89: {  	s3 =	sld [smem:$0x3FFE];
	_ =	sdelay $0x1  }
0x8a: {  	s1 =	srdreg.scid  }
0x8b: {  	s0 =	sand.u32 $0x1, s1  }
0x8c: {  	s17 =	sshll.u32 s0, $0xA;
	s2 =	sadd.s32 s3, s2  }
0x8d: {  	s2 =	sadd.s32 s2, s17  }
0x8e: {  	[smem:$0x3FC0] =	sst s2  }
0x8f: {  	_ = 	snop  }
0x90: {  	s2 =	sld [smem:$0x3FC9]  }
0x91: {  	s18 =	sld [smem:$0x3FD0];
	(tm) =	ssettm $0x1  }
0x92: {  	s4 =	sld [smem:$0x3FFB];
	_ =	sdelay $0x3  }
0x93: {  	_ =	strace s4  }
0x94: {  	s4 =	sld [smem:$0x3FFC];
	_ =	sdelay $0x3  }
0x95: {  	_ =	strace s4  }
0x96: {  	s4 =	sld [smem:$0x3FFD];
	_ =	sdelay $0x3  }
0x97: {  	_ =	strace s4  }
0x98: {  	_ =	strace $0x8FFFFFFF  }
0x99: {  	s19 =	sld [smem:$0x3FDB];
	_ =	sdelay $0x1  }
0x9a: {  	s5 =	simm.s32 $_scs_section_size  }
0x9b: {  	s6 =	simm.s32 $_size__tile_overlayer_lowered;
	s7 =	simm.s32 $_tile_overlayer_lowered  }
0x9c: {  	s22 =	simm.s32 $0x1BFF;
	s21 =	sshll.u32 s7, $0x1;
	s4 =	sadd.s32 s5, s19  }
0x9d: {  	s8 =	simm.s32 $0x0;
	s20 =	sshll.u32 s6, $0x1;
	s6 =	sadd.s32 s21, s4  }
0x9e: {  	[timem:s8], [sflag:s22] =	dma.local [hbm:s6], s20  }
0x9f: {  	_ =	swait.ge [sflag:s22], s20  }
0xa0: {  	s5 =	ssub.s32 $0x0, s20;
	[sflag:s22] =	ssyncset.done $0x0  }
0xa1: {  	[sflag:s22] =	ssyncadd.s32 s5;
	_ =	sdelay $0x1  }
0xa2: {  	s23 =	simm.s32 $0x1B8B  }
0xa3: {  	_ =	swait.ge [sflag:s23], $0x1  }
0xa4: {  	[sflag:s23] =	ssyncset.done $0x0  }
0xa5: {  	s25 =	simm.s32 $0x1B8E;
	s24 =	sld [smem:$0x3FFE];
	[sflag:s23] =	ssyncadd.s32 $0xFFFFFFFF  }
0xa6: {  	s26 =	simm.s32 $execute0_lowered;
	[smem:$0x3FD2] =	sst s25  }
0xa7: {  	s6 =	sshll.u32 s26, $0x1;
	_ =	strace $0x80000046;
	[dreg:$0x1] =	wrdreg $0xFFFFFFFF  }
0xa8: {  	s28 =	simm.s32 $_size_execute0_lowered;
	s4 =	sadd.s32 s4, s6;
	[dreg:$0x0] =	wrdreg $0x0  }
0xa9: {  	s6 =	sshll.u32 s28, $0x1;
	[dreg:$0x2] =	wrdreg s4  }
0xaa: {  	[dreg:$0x3] =	wrdreg s6  }
0xab: {  	[dreg:$0x4] =	wrdreg $0xC0  }
0xac: {  	_ =	task [dreg:s8], $0x5FFFF  }
0xad: {  	[dreg:$0x1] =	wrdreg $0xFFFFFFFF  }
0xae: {  	[dreg:$0x0] =	wrdreg $0x60  }
0xaf: {  	[dreg:$0x2] =	wrdreg s2  }
0xb0: {  	[dreg:$0x3] =	wrdreg s24  }
0xb1: {  	[dreg:$0x4] =	wrdreg s18  }
0xb2: {  	[dreg:$0x5] =	wrdreg $0x9  }
0xb3: {  	_ =	task.clear_ibuf [dreg:s8], $0x6FFFF;
	_ =	strace $0x90000046  }
0xb4: {  	s29 =	simm.s32 $0x9;
	_ =	strace $0x80000048  }
0xb5: {  	_ =	swait.ge [sflag:s29], $0x1  }
0xb6: {  	[sflag:s29] =	ssyncadd.s32 $0xFFFFFFFF  }
0xb7: {  	_ =	strace $0x90000048  }
0xb8: {  	_ =	sfence  }
0xb9: {  	s30 =	sld [smem:$0x0];
	_ =	sdelay $0x2  }
0xba: {  	s31 =	sshll.u32 s1, $0xD;
	s1 =	sshrl.u32 s1, $0x2  }
0xbb: {  	s3 =	sand.u32 $0x4000, s31;
	s1 =	sadd.s32 s1, s30  }
0xbc: {  	s0 =	sor.u32 s3, s0;
	s1 =	sshll.u32 s1, $0x11  }
0xbd: {  	s0 =	sor.u32 s1, s0  }
0xbe: {  	s0 =	sadd.s32 $0x8F2B, s0  }
0xbf: {  	[sflag:s0] =	ssyncadd.remote.s32 $0x1  }
0xc0: {  	_ =	sfence.sel $0xFFFF  }
0xc1: {  	[dreg:$0x0] =	wrdreg $0xFFFFFFFF;
	(pc) =	sbr.abs _section_cstart, $3  }
0xc2: {  	[dreg:$0x1] =	wrdreg $0xFFFFFFFF  }
0xc3: {  	_ =	task.clear_ibuf [dreg:s8], $0x2FFFF;
	_ =	strace $0x9FFFFFFF  }
0xc4: {  	(tm) =	ssettm $0x7FFFFFFF  }
0xc5: {  	_ =	shalt  }
tec
execute0_lowered:
.L_overlay_start_1:
0x0: {  	(tag) =	ssettag $0x1  }
0x1: {  	s0 =	rddreg [dreg:$0x0]  }
0x2: {  	s1 =	rddreg [dreg:$0x1];
	s2 =	srdreg.scid  }
0x3: {  	s3 =	stileid.u32;
	s6 =	rddreg [dreg:$0x2]  }
0x4: {  	s15 =	simm.f32 $1.000000000e+00;
	s10 =	simm.s32 $0x6380;
	s11 =	simm.s32 $0x80  }
0x5: {  	s12 =	simm.s32 $0x6400;
	s13 =	simm.s32 $0x1;
	s14 =	simm.s32 $0x8400  }
0x6: {  	s16 =	simm.s32 $0xA400;
	s18 =	simm.s32 $0xC400;
	s20 =	simm.s32 $0xE400  }
0x7: {  	s22 =	simm.s32 $0x10400;
	s28 =	simm.s32 $0x2;
	s29 =	simm.s32 $0x3  }
0x8: {  	s30 =	simm.s32 $0x4;
	s31 =	simm.s32 $0x5;
	s19 =	simm.s32 $0x0  }
0x9: {  	s4 =	sand.u32 $0x1, s2;
	s3 =	sshll.u32 s3, $0x1;
	s2 =	simm.s32 $0x0  }
0xa: {  	s7 =	sor.u32 s4, s3;
	[smem:$0x7FF] =	sst s2;
	s3 =	sadd.s32 $0xF43800, s1  }
0xb: {  	s4 =	ssub.s32 $0x2, s4;
	s5 =	smul.u32 $0x6380, s7;
	_ =	strace $0x80000047  }
0xc: {  	s8 =	sshll.u32 s7, $0x3;
	s9 =	sshrl.u32 s4, $0x1;
	s25 =	sshll.u32 s7, $0x4  }
0xd: {  	p0 =	seq.s32 s7, $0x1F;
	s26 =	sshll.u32 s7, $0xA;
	s1 =	sadd.s32 s8, s1  }
0xe: {  	s24 =	ssub.s32 s4, s9;
	s15 =	simm.s32 @!p0 $0x0;
	s6 =	sadd.s32 s6, s26  }
0xf: {  	s9 =	simm.s32 $0x9;
	s26 =	simm.s32 $0x14400;
	s5 =	sshrl.u32 s5, $0x3  }
0x10: {  	s7 =	sadd.s32 $0x1400, s1;
	s8 =	smax.u32 s24, $0x1;
	s24 =	simm.s32 $0x12400  }
0x11: {  	s1 =	simm.s32 $0x6;
	v0 =	vmov s15;
	s15 =	simm.s32 $0x8;
	s5 =	sadd.s32 s0, s5  }
0x12: {  	s4 =	sadd.s32 $0x200, s5;
	s5 =	sadd.s32 s0, s25;
	s0 =	simm.s32 $0x7  }
.LBB2_1:
0x13: {  	[tilespmem:s2], [sflag:$0x9] =	stream.linear.gather [hbm4b:s4+s2], $0x6380, $0x38;
	[tilespmem:$0x16440] =	vst v63  }
0x14: {  	_ =	swait.ge [sflag:s9], $0x6380  }
0x15: {  	[sflag:s9] =	ssyncset.done $0x0  }
0x16: {  	[sflag:s9] =	ssyncadd.s32 $0xFFFF9C80  }
0x17: {  	[tilespmem:s10], [sflag:$0x9] =	stream.linear.gather [hbm4b:s5+s2], $0x80, $0x38;
	[tilespmem:$0x16440] =	vst v63  }
0x18: {  	_ =	swait.ge [sflag:s9], $0x80  }
0x19: {  	[sflag:s9] =	ssyncset.done $0x0  }
0x1a: {  	[sflag:s9] =	ssyncadd.s32 $0xFFFFFF80  }
0x1b: {  	[tilespmem:s12], [sflag:$0x1] =	stream.indirect.gather [hbm4b:s3+s11], $0x40, s10, s11, $0xb8;
	[tilespmem:$0x16440] =	vst v63  }
0x1c: {  	_ =	swait.ge [sflag:s13], $0x2000  }
0x1d: {  	[sflag:s13] =	ssyncset.done $0x0  }
0x1e: {  	[sflag:s13] =	ssyncadd.s32 $0xFFFFE000  }
0x1f: {  	v1 =	vld [tilespmem:$0x83F0]  }
0x20: {  	v3 =	vld [tilespmem:$0x83E0]  }
0x21: {  	v5 =	vld [tilespmem:$0x83D0]  }
0x22: {  	v6 =	vld [tilespmem:$0x83C0];
	[hbm4b:s6+s2] =	stream.linear.scatter [tilespmem:s12], [sflag:$0x9], $0x2000, $0x38  }
0x23: {  	_ =	swait.ge [sflag:s9], $0x2000  }
0x24: {  	[sflag:s9] =	ssyncset.done $0x0  }
0x25: {  	[sflag:s9] =	ssyncadd.s32 $0xFFFFE000  }
0x26: {  	[tilespmem:s12], [sflag:$0x1] =	stream.indirect.gather [hbm4b:s3+s11], $0x40, s2, s11, $0xb8;
	[tilespmem:$0x16440] =	vst v63  }
0x27: {  	_ = 	snop  }
0x28: {  	[tilespmem:s14], [sflag:$0x2] =	stream.indirect.gather [hbm4b:s3+s11], $0x40, s11, s11, $0xb8;
	[tilespmem:$0x16440] =	vst v63  }
0x29: {  	s17 =	simm.s32 $0x100  }
0x2a: {  	[tilespmem:s16], [sflag:$0x3] =	stream.indirect.gather [hbm4b:s3+s11], $0x40, s17, s11, $0xb8;
	[tilespmem:$0x16440] =	vst v63  }
0x2b: {  	s23 =	simm.s32 $0x180  }
0x2c: {  	[tilespmem:s18], [sflag:$0x4] =	stream.indirect.gather [hbm4b:s3+s11], $0x40, s23, s11, $0xb8;
	[tilespmem:$0x16440] =	vst v63  }
0x2d: {  	s25 =	simm.s32 $0x200  }
0x2e: {  	[tilespmem:s20], [sflag:$0x5] =	stream.indirect.gather [hbm4b:s3+s11], $0x40, s25, s11, $0xb8;
	[tilespmem:$0x16440] =	vst v63  }
0x2f: {  	s21 =	simm.s32 $0x280  }
0x30: {  	[tilespmem:s22], [sflag:$0x6] =	stream.indirect.gather [hbm4b:s3+s11], $0x40, s21, s11, $0xb8;
	[tilespmem:$0x16440] =	vst v63  }
0x31: {  	s23 =	simm.s32 $0x300  }
0x32: {  	[tilespmem:s24], [sflag:$0x7] =	stream.indirect.gather [hbm4b:s3+s11], $0x40, s23, s11, $0xb8;
	[tilespmem:$0x16440] =	vst v63  }
0x33: {  	v2 =	vmul.f32 v1, v0;
	v4 =	vmul.f32 v3, v0;
	s25 =	simm.s32 $0x380;
	s21 =	simm.s32 $0x0  }
0x34: {  	v3 =	vmul.f32 v5, v0;
	v5 =	vmul.f32 v6, v0;
	[tilespmem:s26], [sflag:$0x8] =	stream.indirect.gather [hbm4b:s3+s11], $0x40, s25, s11, $0xb8;
	[tilespmem:$0x16440] =	vst v63  }
.LBB2_2:
0x35: {  	_ =	swait.ge [sflag:s13], $0x2000  }
0x36: {  	[sflag:s13] =	ssyncset.done $0x0  }
0x37: {  	s25 =	simm.s32 $0x0;
	[sflag:s13] =	ssyncadd.s32 $0xFFFFE000  }
0x38: {  	v6 =	vld [tilespmem:s25+$0x65C0]  }
0x39: {  	v8 =	vld [tilespmem:s25+$0x65D0]  }
0x3a: {  	v9 =	vld [tilespmem:s25+$0x6580]  }
0x3b: {  	v10 =	vld [tilespmem:s25+$0x6590]  }
0x3c: {  	v13 =	vld [tilespmem:s25+$0x6540]  }
0x3d: {  	v14 =	vld [tilespmem:s25+$0x6550]  }
0x3e: {  	v17 =	vld [tilespmem:s25+$0x6500]  }
0x3f: {  	v18 =	vld [tilespmem:s25+$0x6510]  }
0x40: {  	v16 =	vld [tilespmem:s25+$0x64C0]  }
0x41: {  	v19 =	vld [tilespmem:s25+$0x64D0]  }
0x42: {  	v12 =	vld [tilespmem:s25+$0x6480]  }
0x43: {  	v15 =	vld [tilespmem:s25+$0x6490]  }
0x44: {  	v7 =	vld [tilespmem:s25+$0x6440]  }
0x45: {  	v11 =	vld [tilespmem:s25+$0x6450]  }
0x46: {  	v21 =	vld [tilespmem:s25+$0x6400]  }
0x47: {  	v22 =	vld [tilespmem:s25+$0x6410]  }
0x48: {  	s23 =	simm.s32 $0x800;
	v20 =	vld [tilespmem:s25+$0x6420]  }
.LBB2_3:
0x49: {  	p0 =	sne.s32 s23, $0x7800;
	v1 =	vld [tilespmem:s25+$0x6430]  }
0x4a: {  	v23 =	vld [tilespmem:s25+$0x6460]  }
0x4b: {  	v24 =	vld [tilespmem:s25+$0x6470]  }
0x4c: {  	v25 =	vld [tilespmem:s25+$0x64A0]  }
0x4d: {  	v5 =	vadd.f32 v21, v5;
	v3 =	vadd.f32 v22, v3;
	v21 =	vld [tilespmem:s25+$0x64B0]  }
0x4e: {  	v4 =	vadd.f32 v20, v4;
	v1 =	vadd.f32 v1, v2;
	v2 =	vld [tilespmem:s25+$0x64E0]  }
0x4f: {  	v5 =	vadd.f32 v7, v5;
	v3 =	vadd.f32 v11, v3;
	v7 =	vld [tilespmem:s25+$0x64F0]  }
0x50: {  	v4 =	vadd.f32 v23, v4;
	v1 =	vadd.f32 v24, v1;
	v11 =	vld [tilespmem:s25+$0x6520]  }
0x51: {  	v5 =	vadd.f32 v12, v5;
	v3 =	vadd.f32 v15, v3;
	v12 =	vld [tilespmem:s25+$0x6530]  }
0x52: {  	v4 =	vadd.f32 v25, v4;
	v1 =	vadd.f32 v21, v1;
	v15 =	vld [tilespmem:s25+$0x6560]  }
0x53: {  	v5 =	vadd.f32 v16, v5;
	v3 =	vadd.f32 v19, v3;
	v16 =	vld [tilespmem:s25+$0x6570]  }
0x54: {  	v2 =	vadd.f32 v2, v4;
	v1 =	vadd.f32 v7, v1;
	v4 =	vld [tilespmem:s25+$0x65A0]  }
0x55: {  	v5 =	vadd.f32 v17, v5;
	v3 =	vadd.f32 v18, v3;
	v7 =	vld [tilespmem:s25+$0x65B0]  }
0x56: {  	v2 =	vadd.f32 v11, v2;
	v1 =	vadd.f32 v12, v1;
	v11 =	vld [tilespmem:s25+$0x65E0]  }
0x57: {  	v5 =	vadd.f32 v13, v5;
	v3 =	vadd.f32 v14, v3;
	v12 =	vld [tilespmem:s25+$0x65F0];
	s25 =	sshra.s32 s23, $0x2  }
0x58: {  	v2 =	vadd.f32 v15, v2;
	v17 =	vld [tilespmem:s25+$0x65C0];
	v1 =	vadd.f32 v16, v1  }
0x59: {  	v5 =	vadd.f32 v9, v5;
	v3 =	vadd.f32 v10, v3;
	v15 =	vld [tilespmem:s25+$0x65D0]  }
0x5a: {  	v2 =	vadd.f32 v4, v2;
	v9 =	vld [tilespmem:s25+$0x6580];
	v1 =	vadd.f32 v7, v1  }
0x5b: {  	v5 =	vadd.f32 v6, v5;
	v3 =	vadd.f32 v8, v3;
	v10 =	vld [tilespmem:s25+$0x6590]  }
0x5c: {  	v4 =	vadd.f32 v11, v2;
	v13 =	vld [tilespmem:s25+$0x6540];
	v2 =	vadd.f32 v12, v1  }
0x5d: {  	v14 =	vld [tilespmem:s25+$0x6550];
	v6 =	vmov v17  }
0x5e: {  	v17 =	vld [tilespmem:s25+$0x6500];
	v8 =	vmov v15  }
0x5f: {  	v18 =	vld [tilespmem:s25+$0x6510]  }
0x60: {  	v16 =	vld [tilespmem:s25+$0x64C0]  }
0x61: {  	v19 =	vld [tilespmem:s25+$0x64D0]  }
0x62: {  	v12 =	vld [tilespmem:s25+$0x6480]  }
0x63: {  	v15 =	vld [tilespmem:s25+$0x6490]  }
.Ltmp0:
0x64: {  	v7 =	vld [tilespmem:s25+$0x6440];
	(pc) =	sbr.rel @p0 .LBB2_3-.Ltmp0, $4  }
0x65: {  	v11 =	vld [tilespmem:s25+$0x6450]  }
0x66: {  	v21 =	vld [tilespmem:s25+$0x6400]  }
0x67: {  	v22 =	vld [tilespmem:s25+$0x6410]  }
0x68: {  	s23 =	sadd.s32 $0x800, s23;
	v20 =	vld [tilespmem:s25+$0x6420]  }
0x69: {  	v23 =	vld [tilespmem:s25+$0x6430]  }
0x6a: {  	v24 =	vld [tilespmem:s25+$0x6460]  }
0x6b: {  	v25 =	vld [tilespmem:s25+$0x6470]  }
0x6c: {  	v26 =	vld [tilespmem:s25+$0x64A0]  }
0x6d: {  	v27 =	vld [tilespmem:s25+$0x64B0]  }
0x6e: {  	v28 =	vld [tilespmem:s25+$0x64E0]  }
0x6f: {  	v29 =	vld [tilespmem:s25+$0x64F0]  }
0x70: {  	v30 =	vld [tilespmem:s25+$0x6520]  }
0x71: {  	v31 =	vld [tilespmem:s25+$0x6530]  }
0x72: {  	v32 =	vld [tilespmem:s25+$0x6560]  }
0x73: {  	v33 =	vld [tilespmem:s25+$0x6570]  }
0x74: {  	v34 =	vld [tilespmem:s25+$0x65A0];
	s17 =	sshll.u32 s21, $0xA  }
0x75: {  	v35 =	vld [tilespmem:s25+$0x65B0];
	s23 =	sand.u32 $0x3FFFFC00, s17  }
0x76: {  	v36 =	vld [tilespmem:s25+$0x65E0];
	s17 =	sadd.s32 $0x400, s23  }
0x77: {  	v37 =	vld [tilespmem:s25+$0x65F0];
	[tilespmem:s12], [sflag:$0x1] =	stream.indirect.gather [hbm4b:s3+s11], $0x40, s17, s11, $0xb8  }
0x78: {  	_ =	swait.ge [sflag:s28], $0x2000  }
0x79: {  	[sflag:s28] =	ssyncset.done $0x0  }
0x7a: {  	s25 =	simm.s32 $0x0;
	[sflag:s28] =	ssyncadd.s32 $0xFFFFE000  }
0x7b: {  	v1 =	vld [tilespmem:s25+$0x85C0]  }
0x7c: {  	v21 =	vadd.f32 v21, v5;
	v22 =	vadd.f32 v22, v3;
	v3 =	vld [tilespmem:s25+$0x85D0]  }
0x7d: {  	v4 =	vadd.f32 v20, v4;
	v2 =	vadd.f32 v23, v2;
	v5 =	vld [tilespmem:s25+$0x8580]  }
0x7e: {  	v20 =	vadd.f32 v7, v21;
	v21 =	vadd.f32 v11, v22;
	v7 =	vld [tilespmem:s25+$0x8590]  }
0x7f: {  	v4 =	vadd.f32 v24, v4;
	v2 =	vadd.f32 v25, v2;
	v11 =	vld [tilespmem:s25+$0x8540]  }
0x80: {  	v20 =	vadd.f32 v12, v20;
	v21 =	vadd.f32 v15, v21;
	v12 =	vld [tilespmem:s25+$0x8550]  }
0x81: {  	v15 =	vld [tilespmem:s25+$0x8500];
	v4 =	vadd.f32 v26, v4;
	v2 =	vadd.f32 v27, v2  }
0x82: {  	v20 =	vadd.f32 v16, v20;
	v16 =	vld [tilespmem:s25+$0x8510];
	v21 =	vadd.f32 v19, v21  }
0x83: {  	v19 =	vld [tilespmem:s25+$0x84C0];
	v4 =	vadd.f32 v28, v4;
	v2 =	vadd.f32 v29, v2  }
0x84: {  	v20 =	vadd.f32 v17, v20;
	v17 =	vld [tilespmem:s25+$0x84D0];
	v21 =	vadd.f32 v18, v21  }
0x85: {  	v18 =	vld [tilespmem:s25+$0x8480];
	v4 =	vadd.f32 v30, v4;
	v2 =	vadd.f32 v31, v2  }
0x86: {  	v20 =	vadd.f32 v13, v20;
	v13 =	vld [tilespmem:s25+$0x8490];
	v21 =	vadd.f32 v14, v21  }
0x87: {  	v14 =	vld [tilespmem:s25+$0x8440];
	v4 =	vadd.f32 v32, v4;
	v2 =	vadd.f32 v33, v2  }
0x88: {  	v9 =	vadd.f32 v9, v20;
	v20 =	vld [tilespmem:s25+$0x8400];
	v21 =	vadd.f32 v10, v21  }
0x89: {  	v10 =	vld [tilespmem:s25+$0x8450];
	v22 =	vadd.f32 v34, v4;
	v2 =	vadd.f32 v35, v2  }
0x8a: {  	v4 =	vadd.f32 v6, v9;
	v6 =	vadd.f32 v8, v21;
	v21 =	vld [tilespmem:s25+$0x8410]  }
0x8b: {  	s17 =	simm.s32 $0x800;
	v8 =	vadd.f32 v36, v22;
	v22 =	vld [tilespmem:s25+$0x8420];
	v9 =	vadd.f32 v37, v2  }
.LBB2_5:
0x8c: {  	p0 =	sne.s32 s17, $0x7800;
	v2 =	vld [tilespmem:s25+$0x8430]  }
0x8d: {  	v23 =	vld [tilespmem:s25+$0x8460]  }
0x8e: {  	v24 =	vld [tilespmem:s25+$0x8470]  }
0x8f: {  	v25 =	vld [tilespmem:s25+$0x84A0]  }
0x90: {  	v4 =	vadd.f32 v20, v4;
	v6 =	vadd.f32 v21, v6;
	v20 =	vld [tilespmem:s25+$0x84B0]  }
0x91: {  	v8 =	vadd.f32 v22, v8;
	v2 =	vadd.f32 v2, v9;
	v9 =	vld [tilespmem:s25+$0x84E0]  }
0x92: {  	v4 =	vadd.f32 v14, v4;
	v6 =	vadd.f32 v10, v6;
	v10 =	vld [tilespmem:s25+$0x84F0]  }
0x93: {  	v8 =	vadd.f32 v23, v8;
	v2 =	vadd.f32 v24, v2;
	v14 =	vld [tilespmem:s25+$0x8520]  }
0x94: {  	v4 =	vadd.f32 v18, v4;
	v6 =	vadd.f32 v13, v6;
	v13 =	vld [tilespmem:s25+$0x8530]  }
0x95: {  	v8 =	vadd.f32 v25, v8;
	v2 =	vadd.f32 v20, v2;
	v18 =	vld [tilespmem:s25+$0x8560]  }
0x96: {  	v4 =	vadd.f32 v19, v4;
	v6 =	vadd.f32 v17, v6;
	v17 =	vld [tilespmem:s25+$0x8570]  }
0x97: {  	v8 =	vadd.f32 v9, v8;
	v2 =	vadd.f32 v10, v2;
	v9 =	vld [tilespmem:s25+$0x85A0]  }
0x98: {  	v4 =	vadd.f32 v15, v4;
	v6 =	vadd.f32 v16, v6;
	v10 =	vld [tilespmem:s25+$0x85B0]  }
0x99: {  	v8 =	vadd.f32 v14, v8;
	v2 =	vadd.f32 v13, v2;
	v13 =	vld [tilespmem:s25+$0x85E0]  }
0x9a: {  	v4 =	vadd.f32 v11, v4;
	v6 =	vadd.f32 v12, v6;
	v12 =	vld [tilespmem:s25+$0x85F0];
	s25 =	sshra.s32 s17, $0x2  }
0x9b: {  	v8 =	vadd.f32 v18, v8;
	v14 =	vld [tilespmem:s25+$0x85C0];
	v2 =	vadd.f32 v17, v2  }
0x9c: {  	v4 =	vadd.f32 v5, v4;
	v6 =	vadd.f32 v7, v6;
	v16 =	vld [tilespmem:s25+$0x85D0]  }
0x9d: {  	v8 =	vadd.f32 v9, v8;
	v5 =	vld [tilespmem:s25+$0x8580];
	v2 =	vadd.f32 v10, v2  }
0x9e: {  	v4 =	vadd.f32 v1, v4;
	v6 =	vadd.f32 v3, v6;
	v7 =	vld [tilespmem:s25+$0x8590]  }
0x9f: {  	v8 =	vadd.f32 v13, v8;
	v11 =	vld [tilespmem:s25+$0x8540];
	v9 =	vadd.f32 v12, v2  }
0xa0: {  	v12 =	vld [tilespmem:s25+$0x8550];
	v1 =	vmov v14  }
0xa1: {  	v15 =	vld [tilespmem:s25+$0x8500];
	v3 =	vmov v16  }
0xa2: {  	v16 =	vld [tilespmem:s25+$0x8510]  }
0xa3: {  	v19 =	vld [tilespmem:s25+$0x84C0]  }
0xa4: {  	v17 =	vld [tilespmem:s25+$0x84D0]  }
0xa5: {  	v18 =	vld [tilespmem:s25+$0x8480]  }
0xa6: {  	v13 =	vld [tilespmem:s25+$0x8490]  }
.Ltmp1:
0xa7: {  	v14 =	vld [tilespmem:s25+$0x8440];
	(pc) =	sbr.rel @p0 .LBB2_5-.Ltmp1, $4  }
0xa8: {  	v10 =	vld [tilespmem:s25+$0x8450]  }
0xa9: {  	v20 =	vld [tilespmem:s25+$0x8400]  }
0xaa: {  	v21 =	vld [tilespmem:s25+$0x8410]  }
0xab: {  	s17 =	sadd.s32 $0x800, s17;
	v22 =	vld [tilespmem:s25+$0x8420]  }
0xac: {  	v23 =	vld [tilespmem:s25+$0x8430]  }
0xad: {  	v24 =	vld [tilespmem:s25+$0x8460]  }
0xae: {  	v25 =	vld [tilespmem:s25+$0x8470]  }
0xaf: {  	v26 =	vld [tilespmem:s25+$0x84A0]  }
0xb0: {  	v27 =	vld [tilespmem:s25+$0x84B0]  }
0xb1: {  	v28 =	vld [tilespmem:s25+$0x84E0]  }
0xb2: {  	v29 =	vld [tilespmem:s25+$0x84F0]  }
0xb3: {  	v30 =	vld [tilespmem:s25+$0x8520]  }
0xb4: {  	v31 =	vld [tilespmem:s25+$0x8530]  }
0xb5: {  	v32 =	vld [tilespmem:s25+$0x8560]  }
0xb6: {  	v33 =	vld [tilespmem:s25+$0x8570]  }
0xb7: {  	v34 =	vld [tilespmem:s25+$0x85A0]  }
0xb8: {  	v35 =	vld [tilespmem:s25+$0x85B0]  }
0xb9: {  	v36 =	vld [tilespmem:s25+$0x85E0];
	s17 =	sadd.s32 $0x480, s23  }
0xba: {  	v37 =	vld [tilespmem:s25+$0x85F0];
	[tilespmem:s14], [sflag:$0x2] =	stream.indirect.gather [hbm4b:s3+s11], $0x40, s17, s11, $0xb8  }
0xbb: {  	_ =	swait.ge [sflag:s29], $0x2000  }
0xbc: {  	[sflag:s29] =	ssyncset.done $0x0  }
0xbd: {  	s25 =	simm.s32 $0x0;
	[sflag:s29] =	ssyncadd.s32 $0xFFFFE000  }
0xbe: {  	v20 =	vadd.f32 v20, v4;
	v2 =	vld [tilespmem:s25+$0xA5C0]  }
0xbf: {  	v21 =	vadd.f32 v21, v6;
	v22 =	vadd.f32 v22, v8;
	v4 =	vld [tilespmem:s25+$0xA5D0]  }
0xc0: {  	v14 =	vadd.f32 v14, v20;
	v9 =	vadd.f32 v23, v9;
	v6 =	vld [tilespmem:s25+$0xA580]  }
0xc1: {  	v10 =	vadd.f32 v10, v21;
	v8 =	vld [tilespmem:s25+$0xA590];
	v20 =	vadd.f32 v24, v22  }
0xc2: {  	v18 =	vadd.f32 v18, v14;
	v14 =	vld [tilespmem:s25+$0xA500];
	v21 =	vadd.f32 v25, v9  }
0xc3: {  	v9 =	vld [tilespmem:s25+$0xA540];
	v10 =	vadd.f32 v13, v10  }
0xc4: {  	v13 =	vld [tilespmem:s25+$0xA550];
	v20 =	vadd.f32 v26, v20;
	v21 =	vadd.f32 v27, v21  }
0xc5: {  	v19 =	vadd.f32 v19, v18;
	v18 =	vld [tilespmem:s25+$0xA4C0];
	v10 =	vadd.f32 v17, v10  }
0xc6: {  	v17 =	vld [tilespmem:s25+$0xA510];
	v20 =	vadd.f32 v28, v20;
	v21 =	vadd.f32 v29, v21  }
0xc7: {  	v19 =	vadd.f32 v15, v19;
	v15 =	vld [tilespmem:s25+$0xA480];
	v10 =	vadd.f32 v16, v10  }
0xc8: {  	v16 =	vld [tilespmem:s25+$0xA4D0];
	v20 =	vadd.f32 v30, v20;
	v21 =	vadd.f32 v31, v21  }
0xc9: {  	v19 =	vadd.f32 v11, v19;
	v11 =	vld [tilespmem:s25+$0xA490];
	v10 =	vadd.f32 v12, v10  }
0xca: {  	v12 =	vld [tilespmem:s25+$0xA440];
	v20 =	vadd.f32 v32, v20;
	v21 =	vadd.f32 v33, v21  }
0xcb: {  	v5 =	vadd.f32 v5, v19;
	v19 =	vld [tilespmem:s25+$0xA450];
	v7 =	vadd.f32 v7, v10  }
0xcc: {  	v10 =	vadd.f32 v34, v20;
	v20 =	vld [tilespmem:s25+$0xA400];
	v22 =	vadd.f32 v35, v21  }
0xcd: {  	v5 =	vadd.f32 v1, v5;
	v3 =	vadd.f32 v3, v7;
	v21 =	vld [tilespmem:s25+$0xA410]  }
0xce: {  	s17 =	simm.s32 $0x800;
	v7 =	vadd.f32 v36, v10;
	v10 =	vadd.f32 v37, v22;
	v22 =	vld [tilespmem:s25+$0xA420]  }
.LBB2_7:
0xcf: {  	p0 =	sne.s32 s17, $0x7800;
	v1 =	vld [tilespmem:s25+$0xA430]  }
0xd0: {  	v23 =	vld [tilespmem:s25+$0xA460]  }
0xd1: {  	v24 =	vld [tilespmem:s25+$0xA470]  }
0xd2: {  	v25 =	vld [tilespmem:s25+$0xA4A0]  }
0xd3: {  	v5 =	vadd.f32 v20, v5;
	v3 =	vadd.f32 v21, v3;
	v20 =	vld [tilespmem:s25+$0xA4B0]  }
0xd4: {  	v7 =	vadd.f32 v22, v7;
	v1 =	vadd.f32 v1, v10;
	v10 =	vld [tilespmem:s25+$0xA4E0]  }
0xd5: {  	v5 =	vadd.f32 v12, v5;
	v3 =	vadd.f32 v19, v3;
	v12 =	vld [tilespmem:s25+$0xA4F0]  }
0xd6: {  	v7 =	vadd.f32 v23, v7;
	v1 =	vadd.f32 v24, v1;
	v19 =	vld [tilespmem:s25+$0xA520]  }
0xd7: {  	v5 =	vadd.f32 v15, v5;
	v3 =	vadd.f32 v11, v3;
	v11 =	vld [tilespmem:s25+$0xA530]  }
0xd8: {  	v7 =	vadd.f32 v25, v7;
	v1 =	vadd.f32 v20, v1;
	v15 =	vld [tilespmem:s25+$0xA560]  }
0xd9: {  	v5 =	vadd.f32 v18, v5;
	v3 =	vadd.f32 v16, v3;
	v16 =	vld [tilespmem:s25+$0xA570]  }
0xda: {  	v7 =	vadd.f32 v10, v7;
	v1 =	vadd.f32 v12, v1;
	v10 =	vld [tilespmem:s25+$0xA5A0]  }
0xdb: {  	v5 =	vadd.f32 v14, v5;
	v3 =	vadd.f32 v17, v3;
	v12 =	vld [tilespmem:s25+$0xA5B0]  }
0xdc: {  	v7 =	vadd.f32 v19, v7;
	v1 =	vadd.f32 v11, v1;
	v11 =	vld [tilespmem:s25+$0xA5E0]  }
0xdd: {  	v5 =	vadd.f32 v9, v5;
	v3 =	vadd.f32 v13, v3;
	v13 =	vld [tilespmem:s25+$0xA5F0];
	s25 =	sshra.s32 s17, $0x2  }
0xde: {  	v7 =	vadd.f32 v15, v7;
	v14 =	vld [tilespmem:s25+$0xA5C0];
	v1 =	vadd.f32 v16, v1  }
0xdf: {  	v5 =	vadd.f32 v6, v5;
	v3 =	vadd.f32 v8, v3;
	v15 =	vld [tilespmem:s25+$0xA5D0]  }
0xe0: {  	v7 =	vadd.f32 v10, v7;
	v6 =	vld [tilespmem:s25+$0xA580];
	v1 =	vadd.f32 v12, v1  }
0xe1: {  	v5 =	vadd.f32 v2, v5;
	v3 =	vadd.f32 v4, v3;
	v8 =	vld [tilespmem:s25+$0xA590]  }
0xe2: {  	v7 =	vadd.f32 v11, v7;
	v9 =	vld [tilespmem:s25+$0xA540];
	v10 =	vadd.f32 v13, v1  }
0xe3: {  	v13 =	vld [tilespmem:s25+$0xA550];
	v2 =	vmov v14  }
0xe4: {  	v14 =	vld [tilespmem:s25+$0xA500];
	v4 =	vmov v15  }
0xe5: {  	v17 =	vld [tilespmem:s25+$0xA510]  }
0xe6: {  	v18 =	vld [tilespmem:s25+$0xA4C0]  }
0xe7: {  	v16 =	vld [tilespmem:s25+$0xA4D0]  }
0xe8: {  	v15 =	vld [tilespmem:s25+$0xA480]  }
0xe9: {  	v11 =	vld [tilespmem:s25+$0xA490]  }
.Ltmp2:
0xea: {  	v12 =	vld [tilespmem:s25+$0xA440];
	(pc) =	sbr.rel @p0 .LBB2_7-.Ltmp2, $4  }
0xeb: {  	v19 =	vld [tilespmem:s25+$0xA450]  }
0xec: {  	v20 =	vld [tilespmem:s25+$0xA400]  }
0xed: {  	v21 =	vld [tilespmem:s25+$0xA410]  }
0xee: {  	s17 =	sadd.s32 $0x800, s17;
	v22 =	vld [tilespmem:s25+$0xA420]  }
0xef: {  	v23 =	vld [tilespmem:s25+$0xA430]  }
0xf0: {  	v24 =	vld [tilespmem:s25+$0xA460]  }
0xf1: {  	v25 =	vld [tilespmem:s25+$0xA470]  }
0xf2: {  	v26 =	vld [tilespmem:s25+$0xA4A0]  }
0xf3: {  	v27 =	vld [tilespmem:s25+$0xA4B0]  }
0xf4: {  	v28 =	vld [tilespmem:s25+$0xA4E0]  }
0xf5: {  	v29 =	vld [tilespmem:s25+$0xA4F0]  }
0xf6: {  	v30 =	vld [tilespmem:s25+$0xA520]  }
0xf7: {  	v31 =	vld [tilespmem:s25+$0xA530]  }
0xf8: {  	v32 =	vld [tilespmem:s25+$0xA560]  }
0xf9: {  	v33 =	vld [tilespmem:s25+$0xA570]  }
0xfa: {  	v34 =	vld [tilespmem:s25+$0xA5A0]  }
0xfb: {  	v35 =	vld [tilespmem:s25+$0xA5B0]  }
0xfc: {  	v36 =	vld [tilespmem:s25+$0xA5E0];
	s17 =	sadd.s32 $0x500, s23  }
0xfd: {  	v37 =	vld [tilespmem:s25+$0xA5F0];
	[tilespmem:s16], [sflag:$0x3] =	stream.indirect.gather [hbm4b:s3+s11], $0x40, s17, s11, $0xb8  }
0xfe: {  	_ =	swait.ge [sflag:s30], $0x2000  }
0xff: {  	[sflag:s30] =	ssyncset.done $0x0  }
0x100: {  	s25 =	simm.s32 $0x0;
	[sflag:s30] =	ssyncadd.s32 $0xFFFFE000  }
0x101: {  	v20 =	vadd.f32 v20, v5;
	v1 =	vld [tilespmem:s25+$0xC5C0]  }
0x102: {  	v21 =	vadd.f32 v21, v3;
	v22 =	vadd.f32 v22, v7;
	v3 =	vld [tilespmem:s25+$0xC5D0]  }
0x103: {  	v12 =	vadd.f32 v12, v20;
	v10 =	vadd.f32 v23, v10;
	v5 =	vld [tilespmem:s25+$0xC580]  }
0x104: {  	v19 =	vadd.f32 v19, v21;
	v7 =	vld [tilespmem:s25+$0xC590];
	v20 =	vadd.f32 v24, v22  }
0x105: {  	v12 =	vadd.f32 v15, v12;
	v15 =	vld [tilespmem:s25+$0xC500];
	v21 =	vadd.f32 v25, v10  }
0x106: {  	v10 =	vld [tilespmem:s25+$0xC540];
	v19 =	vadd.f32 v11, v19  }
0x107: {  	v11 =	vld [tilespmem:s25+$0xC550];
	v20 =	vadd.f32 v26, v20;
	v21 =	vadd.f32 v27, v21  }
0x108: {  	v12 =	vadd.f32 v18, v12;
	v18 =	vld [tilespmem:s25+$0xC4C0];
	v19 =	vadd.f32 v16, v19  }
0x109: {  	v16 =	vld [tilespmem:s25+$0xC510];
	v20 =	vadd.f32 v28, v20;
	v21 =	vadd.f32 v29, v21  }
0x10a: {  	v22 =	vadd.f32 v14, v12;
	v14 =	vld [tilespmem:s25+$0xC4D0];
	v17 =	vadd.f32 v17, v19  }
0x10b: {  	v12 =	vld [tilespmem:s25+$0xC480];
	v19 =	vadd.f32 v30, v20;
	v20 =	vadd.f32 v31, v21  }
0x10c: {  	v9 =	vadd.f32 v9, v22;
	v21 =	vadd.f32 v13, v17;
	v13 =	vld [tilespmem:s25+$0xC490]  }
0x10d: {  	v17 =	vld [tilespmem:s25+$0xC440];
	v22 =	vadd.f32 v32, v19;
	v20 =	vadd.f32 v33, v20  }
0x10e: {  	v6 =	vadd.f32 v6, v9;
	v19 =	vld [tilespmem:s25+$0xC450];
	v8 =	vadd.f32 v8, v21  }
0x10f: {  	v21 =	vld [tilespmem:s25+$0xC410];
	v9 =	vadd.f32 v34, v22;
	v22 =	vadd.f32 v35, v20  }
0x110: {  	v6 =	vadd.f32 v2, v6;
	v20 =	vld [tilespmem:s25+$0xC400];
	v4 =	vadd.f32 v4, v8  }
0x111: {  	s17 =	simm.s32 $0x800;
	v8 =	vadd.f32 v36, v9;
	v9 =	vadd.f32 v37, v22;
	v22 =	vld [tilespmem:s25+$0xC420]  }
.LBB2_9:
0x112: {  	p0 =	sne.s32 s17, $0x7800;
	v2 =	vld [tilespmem:s25+$0xC430]  }
0x113: {  	v23 =	vld [tilespmem:s25+$0xC460]  }
0x114: {  	v24 =	vld [tilespmem:s25+$0xC470]  }
0x115: {  	v25 =	vld [tilespmem:s25+$0xC4A0]  }
0x116: {  	v6 =	vadd.f32 v20, v6;
	v4 =	vadd.f32 v21, v4;
	v20 =	vld [tilespmem:s25+$0xC4B0]  }
0x117: {  	v8 =	vadd.f32 v22, v8;
	v2 =	vadd.f32 v2, v9;
	v9 =	vld [tilespmem:s25+$0xC4E0]  }
0x118: {  	v6 =	vadd.f32 v17, v6;
	v4 =	vadd.f32 v19, v4;
	v17 =	vld [tilespmem:s25+$0xC4F0]  }
0x119: {  	v8 =	vadd.f32 v23, v8;
	v2 =	vadd.f32 v24, v2;
	v19 =	vld [tilespmem:s25+$0xC520]  }
0x11a: {  	v6 =	vadd.f32 v12, v6;
	v4 =	vadd.f32 v13, v4;
	v12 =	vld [tilespmem:s25+$0xC530]  }
0x11b: {  	v8 =	vadd.f32 v25, v8;
	v2 =	vadd.f32 v20, v2;
	v13 =	vld [tilespmem:s25+$0xC560]  }
0x11c: {  	v6 =	vadd.f32 v18, v6;
	v4 =	vadd.f32 v14, v4;
	v14 =	vld [tilespmem:s25+$0xC570]  }
0x11d: {  	v8 =	vadd.f32 v9, v8;
	v2 =	vadd.f32 v17, v2;
	v9 =	vld [tilespmem:s25+$0xC5A0]  }
0x11e: {  	v6 =	vadd.f32 v15, v6;
	v4 =	vadd.f32 v16, v4;
	v15 =	vld [tilespmem:s25+$0xC5B0]  }
0x11f: {  	v8 =	vadd.f32 v19, v8;
	v2 =	vadd.f32 v12, v2;
	v12 =	vld [tilespmem:s25+$0xC5E0]  }
0x120: {  	v6 =	vadd.f32 v10, v6;
	v4 =	vadd.f32 v11, v4;
	v11 =	vld [tilespmem:s25+$0xC5F0];
	s25 =	sshra.s32 s17, $0x2  }
0x121: {  	v8 =	vadd.f32 v13, v8;
	v16 =	vld [tilespmem:s25+$0xC5C0];
	v2 =	vadd.f32 v14, v2  }
0x122: {  	v6 =	vadd.f32 v5, v6;
	v4 =	vadd.f32 v7, v4;
	v13 =	vld [tilespmem:s25+$0xC5D0]  }
0x123: {  	v8 =	vadd.f32 v9, v8;
	v5 =	vld [tilespmem:s25+$0xC580];
	v2 =	vadd.f32 v15, v2  }
0x124: {  	v6 =	vadd.f32 v1, v6;
	v4 =	vadd.f32 v3, v4;
	v7 =	vld [tilespmem:s25+$0xC590]  }
0x125: {  	v8 =	vadd.f32 v12, v8;
	v10 =	vld [tilespmem:s25+$0xC540];
	v9 =	vadd.f32 v11, v2  }
0x126: {  	v11 =	vld [tilespmem:s25+$0xC550];
	v1 =	vmov v16  }
0x127: {  	v15 =	vld [tilespmem:s25+$0xC500];
	v3 =	vmov v13  }
0x128: {  	v16 =	vld [tilespmem:s25+$0xC510]  }
0x129: {  	v18 =	vld [tilespmem:s25+$0xC4C0]  }
0x12a: {  	v14 =	vld [tilespmem:s25+$0xC4D0]  }
0x12b: {  	v12 =	vld [tilespmem:s25+$0xC480]  }
0x12c: {  	v13 =	vld [tilespmem:s25+$0xC490]  }
.Ltmp3:
0x12d: {  	v17 =	vld [tilespmem:s25+$0xC440];
	(pc) =	sbr.rel @p0 .LBB2_9-.Ltmp3, $4  }
0x12e: {  	v19 =	vld [tilespmem:s25+$0xC450]  }
0x12f: {  	v20 =	vld [tilespmem:s25+$0xC400]  }
0x130: {  	v21 =	vld [tilespmem:s25+$0xC410]  }
0x131: {  	s17 =	sadd.s32 $0x800, s17;
	v22 =	vld [tilespmem:s25+$0xC420]  }
0x132: {  	v23 =	vld [tilespmem:s25+$0xC430]  }
0x133: {  	v24 =	vld [tilespmem:s25+$0xC460]  }
0x134: {  	v25 =	vld [tilespmem:s25+$0xC470]  }
0x135: {  	v26 =	vld [tilespmem:s25+$0xC4A0]  }
0x136: {  	v27 =	vld [tilespmem:s25+$0xC4B0]  }
0x137: {  	v28 =	vld [tilespmem:s25+$0xC4E0]  }
0x138: {  	v29 =	vld [tilespmem:s25+$0xC4F0]  }
0x139: {  	v30 =	vld [tilespmem:s25+$0xC520]  }
0x13a: {  	v31 =	vld [tilespmem:s25+$0xC530]  }
0x13b: {  	v32 =	vld [tilespmem:s25+$0xC560]  }
0x13c: {  	v33 =	vld [tilespmem:s25+$0xC570]  }
0x13d: {  	v34 =	vld [tilespmem:s25+$0xC5A0]  }
0x13e: {  	v35 =	vld [tilespmem:s25+$0xC5B0]  }
0x13f: {  	v36 =	vld [tilespmem:s25+$0xC5E0];
	s17 =	sadd.s32 $0x580, s23  }
0x140: {  	v37 =	vld [tilespmem:s25+$0xC5F0];
	[tilespmem:s18], [sflag:$0x4] =	stream.indirect.gather [hbm4b:s3+s11], $0x40, s17, s11, $0xb8  }
0x141: {  	_ =	swait.ge [sflag:s31], $0x2000  }
0x142: {  	[sflag:s31] =	ssyncset.done $0x0  }
0x143: {  	s25 =	simm.s32 $0x0;
	[sflag:s31] =	ssyncadd.s32 $0xFFFFE000  }
0x144: {  	v20 =	vadd.f32 v20, v6;
	v2 =	vld [tilespmem:s25+$0xE5C0]  }
0x145: {  	v21 =	vadd.f32 v21, v4;
	v22 =	vadd.f32 v22, v8;
	v4 =	vld [tilespmem:s25+$0xE5D0]  }
0x146: {  	v17 =	vadd.f32 v17, v20;
	v9 =	vadd.f32 v23, v9;
	v6 =	vld [tilespmem:s25+$0xE580]  }
0x147: {  	v19 =	vadd.f32 v19, v21;
	v8 =	vld [tilespmem:s25+$0xE590];
	v20 =	vadd.f32 v24, v22  }
0x148: {  	v17 =	vadd.f32 v12, v17;
	v12 =	vld [tilespmem:s25+$0xE550];
	v21 =	vadd.f32 v25, v9  }
0x149: {  	v9 =	vld [tilespmem:s25+$0xE540];
	v19 =	vadd.f32 v13, v19  }
0x14a: {  	v13 =	vld [tilespmem:s25+$0xE500];
	v20 =	vadd.f32 v26, v20;
	v21 =	vadd.f32 v27, v21  }
0x14b: {  	v22 =	vadd.f32 v18, v17;
	v17 =	vld [tilespmem:s25+$0xE510];
	v14 =	vadd.f32 v14, v19  }
0x14c: {  	v18 =	vld [tilespmem:s25+$0xE4C0];
	v19 =	vadd.f32 v28, v20;
	v20 =	vadd.f32 v29, v21  }
0x14d: {  	v21 =	vadd.f32 v15, v22;
	v16 =	vadd.f32 v16, v14;
	v15 =	vld [tilespmem:s25+$0xE4D0]  }
0x14e: {  	v14 =	vld [tilespmem:s25+$0xE480];
	v19 =	vadd.f32 v30, v19;
	v20 =	vadd.f32 v31, v20  }
0x14f: {  	v10 =	vadd.f32 v10, v21;
	v21 =	vadd.f32 v11, v16;
	v11 =	vld [tilespmem:s25+$0xE490]  }
0x150: {  	v16 =	vld [tilespmem:s25+$0xE440];
	v22 =	vadd.f32 v32, v19;
	v20 =	vadd.f32 v33, v20  }
0x151: {  	v19 =	vld [tilespmem:s25+$0xE450];
	v5 =	vadd.f32 v5, v10;
	v7 =	vadd.f32 v7, v21  }
0x152: {  	v21 =	vld [tilespmem:s25+$0xE410];
	v10 =	vadd.f32 v34, v22;
	v22 =	vadd.f32 v35, v20  }
0x153: {  	v20 =	vld [tilespmem:s25+$0xE400];
	v5 =	vadd.f32 v1, v5;
	v3 =	vadd.f32 v3, v7  }
0x154: {  	s17 =	simm.s32 $0x800;
	v7 =	vadd.f32 v36, v10;
	v10 =	vadd.f32 v37, v22;
	v22 =	vld [tilespmem:s25+$0xE420]  }
.LBB2_11:
0x155: {  	p0 =	sne.s32 s17, $0x7800;
	v1 =	vld [tilespmem:s25+$0xE430]  }
0x156: {  	v23 =	vld [tilespmem:s25+$0xE460]  }
0x157: {  	v24 =	vld [tilespmem:s25+$0xE470]  }
0x158: {  	v25 =	vld [tilespmem:s25+$0xE4A0]  }
0x159: {  	v5 =	vadd.f32 v20, v5;
	v3 =	vadd.f32 v21, v3;
	v20 =	vld [tilespmem:s25+$0xE4B0]  }
0x15a: {  	v7 =	vadd.f32 v22, v7;
	v1 =	vadd.f32 v1, v10;
	v10 =	vld [tilespmem:s25+$0xE4E0]  }
0x15b: {  	v5 =	vadd.f32 v16, v5;
	v3 =	vadd.f32 v19, v3;
	v16 =	vld [tilespmem:s25+$0xE4F0]  }
0x15c: {  	v7 =	vadd.f32 v23, v7;
	v1 =	vadd.f32 v24, v1;
	v19 =	vld [tilespmem:s25+$0xE520]  }
0x15d: {  	v5 =	vadd.f32 v14, v5;
	v3 =	vadd.f32 v11, v3;
	v11 =	vld [tilespmem:s25+$0xE530]  }
0x15e: {  	v7 =	vadd.f32 v25, v7;
	v1 =	vadd.f32 v20, v1;
	v14 =	vld [tilespmem:s25+$0xE560]  }
0x15f: {  	v5 =	vadd.f32 v18, v5;
	v3 =	vadd.f32 v15, v3;
	v15 =	vld [tilespmem:s25+$0xE570]  }
0x160: {  	v7 =	vadd.f32 v10, v7;
	v1 =	vadd.f32 v16, v1;
	v10 =	vld [tilespmem:s25+$0xE5A0]  }
0x161: {  	v5 =	vadd.f32 v13, v5;
	v3 =	vadd.f32 v17, v3;
	v13 =	vld [tilespmem:s25+$0xE5B0]  }
0x162: {  	v7 =	vadd.f32 v19, v7;
	v1 =	vadd.f32 v11, v1;
	v11 =	vld [tilespmem:s25+$0xE5E0]  }
0x163: {  	v5 =	vadd.f32 v9, v5;
	v3 =	vadd.f32 v12, v3;
	v12 =	vld [tilespmem:s25+$0xE5F0];
	s25 =	sshra.s32 s17, $0x2  }
0x164: {  	v7 =	vadd.f32 v14, v7;
	v16 =	vld [tilespmem:s25+$0xE5C0];
	v1 =	vadd.f32 v15, v1  }
0x165: {  	v5 =	vadd.f32 v6, v5;
	v3 =	vadd.f32 v8, v3;
	v14 =	vld [tilespmem:s25+$0xE5D0]  }
0x166: {  	v7 =	vadd.f32 v10, v7;
	v6 =	vld [tilespmem:s25+$0xE580];
	v1 =	vadd.f32 v13, v1  }
0x167: {  	v5 =	vadd.f32 v2, v5;
	v3 =	vadd.f32 v4, v3;
	v8 =	vld [tilespmem:s25+$0xE590]  }
0x168: {  	v7 =	vadd.f32 v11, v7;
	v9 =	vld [tilespmem:s25+$0xE540];
	v10 =	vadd.f32 v12, v1  }
0x169: {  	v12 =	vld [tilespmem:s25+$0xE550];
	v2 =	vmov v16  }
0x16a: {  	v13 =	vld [tilespmem:s25+$0xE500];
	v4 =	vmov v14  }
0x16b: {  	v17 =	vld [tilespmem:s25+$0xE510]  }
0x16c: {  	v18 =	vld [tilespmem:s25+$0xE4C0]  }
0x16d: {  	v15 =	vld [tilespmem:s25+$0xE4D0]  }
0x16e: {  	v14 =	vld [tilespmem:s25+$0xE480]  }
0x16f: {  	v11 =	vld [tilespmem:s25+$0xE490]  }
.Ltmp4:
0x170: {  	v16 =	vld [tilespmem:s25+$0xE440];
	(pc) =	sbr.rel @p0 .LBB2_11-.Ltmp4, $4  }
0x171: {  	v19 =	vld [tilespmem:s25+$0xE450]  }
0x172: {  	v20 =	vld [tilespmem:s25+$0xE400]  }
0x173: {  	v21 =	vld [tilespmem:s25+$0xE410]  }
0x174: {  	s17 =	sadd.s32 $0x800, s17;
	v22 =	vld [tilespmem:s25+$0xE420]  }
0x175: {  	v23 =	vld [tilespmem:s25+$0xE430]  }
0x176: {  	v24 =	vld [tilespmem:s25+$0xE460]  }
0x177: {  	v25 =	vld [tilespmem:s25+$0xE470]  }
0x178: {  	v26 =	vld [tilespmem:s25+$0xE4A0]  }
0x179: {  	v27 =	vld [tilespmem:s25+$0xE4B0]  }
0x17a: {  	v28 =	vld [tilespmem:s25+$0xE4E0]  }
0x17b: {  	v29 =	vld [tilespmem:s25+$0xE4F0]  }
0x17c: {  	v30 =	vld [tilespmem:s25+$0xE520]  }
0x17d: {  	v31 =	vld [tilespmem:s25+$0xE530]  }
0x17e: {  	v32 =	vld [tilespmem:s25+$0xE560]  }
0x17f: {  	v33 =	vld [tilespmem:s25+$0xE570]  }
0x180: {  	v34 =	vld [tilespmem:s25+$0xE5A0]  }
0x181: {  	v35 =	vld [tilespmem:s25+$0xE5B0]  }
0x182: {  	v36 =	vld [tilespmem:s25+$0xE5E0];
	s17 =	sadd.s32 $0x600, s23  }
0x183: {  	v37 =	vld [tilespmem:s25+$0xE5F0];
	[tilespmem:s20], [sflag:$0x5] =	stream.indirect.gather [hbm4b:s3+s11], $0x40, s17, s11, $0xb8  }
0x184: {  	_ =	swait.ge [sflag:s1], $0x2000  }
0x185: {  	[sflag:s1] =	ssyncset.done $0x0  }
0x186: {  	s25 =	simm.s32 $0x0;
	[sflag:s1] =	ssyncadd.s32 $0xFFFFE000  }
0x187: {  	v20 =	vadd.f32 v20, v5;
	v1 =	vld [tilespmem:s25+$0x105C0]  }
0x188: {  	v21 =	vadd.f32 v21, v3;
	v22 =	vadd.f32 v22, v7;
	v3 =	vld [tilespmem:s25+$0x105D0]  }
0x189: {  	v16 =	vadd.f32 v16, v20;
	v10 =	vadd.f32 v23, v10;
	v5 =	vld [tilespmem:s25+$0x10580]  }
0x18a: {  	v19 =	vadd.f32 v19, v21;
	v7 =	vld [tilespmem:s25+$0x10590];
	v20 =	vadd.f32 v24, v22  }
0x18b: {  	v16 =	vadd.f32 v14, v16;
	v14 =	vld [tilespmem:s25+$0x10500];
	v21 =	vadd.f32 v25, v10  }
0x18c: {  	v10 =	vld [tilespmem:s25+$0x10540];
	v19 =	vadd.f32 v11, v19  }
0x18d: {  	v11 =	vld [tilespmem:s25+$0x10550];
	v20 =	vadd.f32 v26, v20;
	v21 =	vadd.f32 v27, v21  }
0x18e: {  	v18 =	vadd.f32 v18, v16;
	v16 =	vld [tilespmem:s25+$0x104C0];
	v19 =	vadd.f32 v15, v19  }
0x18f: {  	v15 =	vld [tilespmem:s25+$0x10510];
	v20 =	vadd.f32 v28, v20;
	v21 =	vadd.f32 v29, v21  }
0x190: {  	v18 =	vadd.f32 v13, v18;
	v13 =	vld [tilespmem:s25+$0x10480];
	v19 =	vadd.f32 v17, v19  }
0x191: {  	v17 =	vld [tilespmem:s25+$0x104D0];
	v20 =	vadd.f32 v30, v20;
	v21 =	vadd.f32 v31, v21  }
0x192: {  	v9 =	vadd.f32 v9, v18;
	v18 =	vld [tilespmem:s25+$0x10440];
	v19 =	vadd.f32 v12, v19  }
0x193: {  	v12 =	vld [tilespmem:s25+$0x10490];
	v20 =	vadd.f32 v32, v20;
	v21 =	vadd.f32 v33, v21  }
0x194: {  	v6 =	vadd.f32 v6, v9;
	v8 =	vadd.f32 v8, v19;
	v19 =	vld [tilespmem:s25+$0x10450]  }
0x195: {  	v9 =	vadd.f32 v34, v20;
	v20 =	vld [tilespmem:s25+$0x10400];
	v22 =	vadd.f32 v35, v21  }
0x196: {  	v6 =	vadd.f32 v2, v6;
	v4 =	vadd.f32 v4, v8;
	v21 =	vld [tilespmem:s25+$0x10410]  }
0x197: {  	s17 =	simm.s32 $0x800;
	v8 =	vadd.f32 v36, v9;
	v9 =	vadd.f32 v37, v22;
	v22 =	vld [tilespmem:s25+$0x10420]  }
.LBB2_13:
0x198: {  	p0 =	sne.s32 s17, $0x7800;
	v2 =	vld [tilespmem:s25+$0x10430]  }
0x199: {  	v23 =	vld [tilespmem:s25+$0x10460]  }
0x19a: {  	v24 =	vld [tilespmem:s25+$0x10470]  }
0x19b: {  	v25 =	vld [tilespmem:s25+$0x104A0]  }
0x19c: {  	v6 =	vadd.f32 v20, v6;
	v4 =	vadd.f32 v21, v4;
	v20 =	vld [tilespmem:s25+$0x104B0]  }
0x19d: {  	v8 =	vadd.f32 v22, v8;
	v2 =	vadd.f32 v2, v9;
	v9 =	vld [tilespmem:s25+$0x104E0]  }
0x19e: {  	v6 =	vadd.f32 v18, v6;
	v4 =	vadd.f32 v19, v4;
	v18 =	vld [tilespmem:s25+$0x104F0]  }
0x19f: {  	v8 =	vadd.f32 v23, v8;
	v2 =	vadd.f32 v24, v2;
	v19 =	vld [tilespmem:s25+$0x10520]  }
0x1a0: {  	v6 =	vadd.f32 v13, v6;
	v4 =	vadd.f32 v12, v4;
	v12 =	vld [tilespmem:s25+$0x10530]  }
0x1a1: {  	v8 =	vadd.f32 v25, v8;
	v2 =	vadd.f32 v20, v2;
	v13 =	vld [tilespmem:s25+$0x10560]  }
0x1a2: {  	v6 =	vadd.f32 v16, v6;
	v4 =	vadd.f32 v17, v4;
	v16 =	vld [tilespmem:s25+$0x10570]  }
0x1a3: {  	v8 =	vadd.f32 v9, v8;
	v2 =	vadd.f32 v18, v2;
	v9 =	vld [tilespmem:s25+$0x105A0]  }
0x1a4: {  	v6 =	vadd.f32 v14, v6;
	v4 =	vadd.f32 v15, v4;
	v14 =	vld [tilespmem:s25+$0x105B0]  }
0x1a5: {  	v8 =	vadd.f32 v19, v8;
	v2 =	vadd.f32 v12, v2;
	v12 =	vld [tilespmem:s25+$0x105E0]  }
0x1a6: {  	v6 =	vadd.f32 v10, v6;
	v4 =	vadd.f32 v11, v4;
	v11 =	vld [tilespmem:s25+$0x105F0];
	s25 =	sshra.s32 s17, $0x2  }
0x1a7: {  	v8 =	vadd.f32 v13, v8;
	v15 =	vld [tilespmem:s25+$0x105C0];
	v2 =	vadd.f32 v16, v2  }
0x1a8: {  	v6 =	vadd.f32 v5, v6;
	v4 =	vadd.f32 v7, v4;
	v13 =	vld [tilespmem:s25+$0x105D0]  }
0x1a9: {  	v8 =	vadd.f32 v9, v8;
	v5 =	vld [tilespmem:s25+$0x10580];
	v2 =	vadd.f32 v14, v2  }
0x1aa: {  	v6 =	vadd.f32 v1, v6;
	v4 =	vadd.f32 v3, v4;
	v7 =	vld [tilespmem:s25+$0x10590]  }
0x1ab: {  	v8 =	vadd.f32 v12, v8;
	v10 =	vld [tilespmem:s25+$0x10540];
	v9 =	vadd.f32 v11, v2  }
0x1ac: {  	v11 =	vld [tilespmem:s25+$0x10550];
	v1 =	vmov v15  }
0x1ad: {  	v14 =	vld [tilespmem:s25+$0x10500];
	v3 =	vmov v13  }
0x1ae: {  	v15 =	vld [tilespmem:s25+$0x10510]  }
0x1af: {  	v16 =	vld [tilespmem:s25+$0x104C0]  }
0x1b0: {  	v17 =	vld [tilespmem:s25+$0x104D0]  }
0x1b1: {  	v13 =	vld [tilespmem:s25+$0x10480]  }
0x1b2: {  	v12 =	vld [tilespmem:s25+$0x10490]  }
.Ltmp5:
0x1b3: {  	v18 =	vld [tilespmem:s25+$0x10440];
	(pc) =	sbr.rel @p0 .LBB2_13-.Ltmp5, $4  }
0x1b4: {  	v19 =	vld [tilespmem:s25+$0x10450]  }
0x1b5: {  	v20 =	vld [tilespmem:s25+$0x10400]  }
0x1b6: {  	v21 =	vld [tilespmem:s25+$0x10410]  }
0x1b7: {  	s17 =	sadd.s32 $0x800, s17;
	v22 =	vld [tilespmem:s25+$0x10420]  }
0x1b8: {  	v23 =	vld [tilespmem:s25+$0x10430]  }
0x1b9: {  	v24 =	vld [tilespmem:s25+$0x10460]  }
0x1ba: {  	v25 =	vld [tilespmem:s25+$0x10470]  }
0x1bb: {  	v26 =	vld [tilespmem:s25+$0x104A0]  }
0x1bc: {  	v27 =	vld [tilespmem:s25+$0x104B0]  }
0x1bd: {  	v28 =	vld [tilespmem:s25+$0x104E0]  }
0x1be: {  	v29 =	vld [tilespmem:s25+$0x104F0]  }
0x1bf: {  	v30 =	vld [tilespmem:s25+$0x10520]  }
0x1c0: {  	v31 =	vld [tilespmem:s25+$0x10530]  }
0x1c1: {  	v32 =	vld [tilespmem:s25+$0x10560]  }
0x1c2: {  	v33 =	vld [tilespmem:s25+$0x10570]  }
0x1c3: {  	v34 =	vld [tilespmem:s25+$0x105A0]  }
0x1c4: {  	v35 =	vld [tilespmem:s25+$0x105B0]  }
0x1c5: {  	v36 =	vld [tilespmem:s25+$0x105E0];
	s17 =	sadd.s32 $0x680, s23  }
0x1c6: {  	v37 =	vld [tilespmem:s25+$0x105F0];
	[tilespmem:s22], [sflag:$0x6] =	stream.indirect.gather [hbm4b:s3+s11], $0x40, s17, s11, $0xb8  }
0x1c7: {  	_ =	swait.ge [sflag:s0], $0x2000  }
0x1c8: {  	[sflag:s0] =	ssyncset.done $0x0  }
0x1c9: {  	s25 =	simm.s32 $0x0;
	[sflag:s0] =	ssyncadd.s32 $0xFFFFE000  }
0x1ca: {  	v20 =	vadd.f32 v20, v6;
	v2 =	vld [tilespmem:s25+$0x125C0]  }
0x1cb: {  	v21 =	vadd.f32 v21, v4;
	v22 =	vadd.f32 v22, v8;
	v4 =	vld [tilespmem:s25+$0x125D0]  }
0x1cc: {  	v18 =	vadd.f32 v18, v20;
	v9 =	vadd.f32 v23, v9;
	v6 =	vld [tilespmem:s25+$0x12580]  }
0x1cd: {  	v19 =	vadd.f32 v19, v21;
	v8 =	vld [tilespmem:s25+$0x12590];
	v20 =	vadd.f32 v24, v22  }
0x1ce: {  	v18 =	vadd.f32 v13, v18;
	v13 =	vld [tilespmem:s25+$0x12500];
	v21 =	vadd.f32 v25, v9  }
0x1cf: {  	v9 =	vld [tilespmem:s25+$0x12540];
	v19 =	vadd.f32 v12, v19  }
0x1d0: {  	v12 =	vld [tilespmem:s25+$0x12550];
	v20 =	vadd.f32 v26, v20;
	v21 =	vadd.f32 v27, v21  }
0x1d1: {  	v18 =	vadd.f32 v16, v18;
	v16 =	vld [tilespmem:s25+$0x12510];
	v19 =	vadd.f32 v17, v19  }
0x1d2: {  	v17 =	vld [tilespmem:s25+$0x124C0];
	v20 =	vadd.f32 v28, v20;
	v21 =	vadd.f32 v29, v21  }
0x1d3: {  	v18 =	vadd.f32 v14, v18;
	v14 =	vld [tilespmem:s25+$0x12480];
	v19 =	vadd.f32 v15, v19  }
0x1d4: {  	v15 =	vld [tilespmem:s25+$0x124D0];
	v20 =	vadd.f32 v30, v20;
	v21 =	vadd.f32 v31, v21  }
0x1d5: {  	v10 =	vadd.f32 v10, v18;
	v18 =	vld [tilespmem:s25+$0x12440];
	v19 =	vadd.f32 v11, v19  }
0x1d6: {  	v11 =	vld [tilespmem:s25+$0x12490];
	v20 =	vadd.f32 v32, v20;
	v21 =	vadd.f32 v33, v21  }
0x1d7: {  	v5 =	vadd.f32 v5, v10;
	v7 =	vadd.f32 v7, v19;
	v19 =	vld [tilespmem:s25+$0x12450]  }
0x1d8: {  	v10 =	vadd.f32 v34, v20;
	v20 =	vld [tilespmem:s25+$0x12400];
	v22 =	vadd.f32 v35, v21  }
0x1d9: {  	v5 =	vadd.f32 v1, v5;
	v3 =	vadd.f32 v3, v7;
	v21 =	vld [tilespmem:s25+$0x12410]  }
0x1da: {  	s17 =	simm.s32 $0x800;
	v7 =	vadd.f32 v36, v10;
	v10 =	vadd.f32 v37, v22;
	v22 =	vld [tilespmem:s25+$0x12420]  }
.LBB2_15:
0x1db: {  	p0 =	sne.s32 s17, $0x7800;
	v1 =	vld [tilespmem:s25+$0x12430]  }
0x1dc: {  	v23 =	vld [tilespmem:s25+$0x12460]  }
0x1dd: {  	v24 =	vld [tilespmem:s25+$0x12470]  }
0x1de: {  	v25 =	vld [tilespmem:s25+$0x124A0]  }
0x1df: {  	v5 =	vadd.f32 v20, v5;
	v3 =	vadd.f32 v21, v3;
	v20 =	vld [tilespmem:s25+$0x124B0]  }
0x1e0: {  	v7 =	vadd.f32 v22, v7;
	v1 =	vadd.f32 v1, v10;
	v10 =	vld [tilespmem:s25+$0x124E0]  }
0x1e1: {  	v5 =	vadd.f32 v18, v5;
	v3 =	vadd.f32 v19, v3;
	v18 =	vld [tilespmem:s25+$0x124F0]  }
0x1e2: {  	v7 =	vadd.f32 v23, v7;
	v1 =	vadd.f32 v24, v1;
	v19 =	vld [tilespmem:s25+$0x12520]  }
0x1e3: {  	v5 =	vadd.f32 v14, v5;
	v3 =	vadd.f32 v11, v3;
	v11 =	vld [tilespmem:s25+$0x12530]  }
0x1e4: {  	v7 =	vadd.f32 v25, v7;
	v1 =	vadd.f32 v20, v1;
	v14 =	vld [tilespmem:s25+$0x12560]  }
0x1e5: {  	v5 =	vadd.f32 v17, v5;
	v3 =	vadd.f32 v15, v3;
	v15 =	vld [tilespmem:s25+$0x12570]  }
0x1e6: {  	v7 =	vadd.f32 v10, v7;
	v1 =	vadd.f32 v18, v1;
	v10 =	vld [tilespmem:s25+$0x125A0]  }
0x1e7: {  	v5 =	vadd.f32 v13, v5;
	v3 =	vadd.f32 v16, v3;
	v13 =	vld [tilespmem:s25+$0x125B0]  }
0x1e8: {  	v7 =	vadd.f32 v19, v7;
	v1 =	vadd.f32 v11, v1;
	v11 =	vld [tilespmem:s25+$0x125E0]  }
0x1e9: {  	v5 =	vadd.f32 v9, v5;
	v3 =	vadd.f32 v12, v3;
	v12 =	vld [tilespmem:s25+$0x125F0];
	s25 =	sshra.s32 s17, $0x2  }
0x1ea: {  	v7 =	vadd.f32 v14, v7;
	v16 =	vld [tilespmem:s25+$0x125C0];
	v1 =	vadd.f32 v15, v1  }
0x1eb: {  	v5 =	vadd.f32 v6, v5;
	v3 =	vadd.f32 v8, v3;
	v14 =	vld [tilespmem:s25+$0x125D0]  }
0x1ec: {  	v7 =	vadd.f32 v10, v7;
	v6 =	vld [tilespmem:s25+$0x12580];
	v1 =	vadd.f32 v13, v1  }
0x1ed: {  	v5 =	vadd.f32 v2, v5;
	v3 =	vadd.f32 v4, v3;
	v8 =	vld [tilespmem:s25+$0x12590]  }
0x1ee: {  	v7 =	vadd.f32 v11, v7;
	v9 =	vld [tilespmem:s25+$0x12540];
	v10 =	vadd.f32 v12, v1  }
0x1ef: {  	v12 =	vld [tilespmem:s25+$0x12550];
	v2 =	vmov v16  }
0x1f0: {  	v13 =	vld [tilespmem:s25+$0x12500];
	v4 =	vmov v14  }
0x1f1: {  	v16 =	vld [tilespmem:s25+$0x12510]  }
0x1f2: {  	v17 =	vld [tilespmem:s25+$0x124C0]  }
0x1f3: {  	v15 =	vld [tilespmem:s25+$0x124D0]  }
0x1f4: {  	v14 =	vld [tilespmem:s25+$0x12480]  }
0x1f5: {  	v11 =	vld [tilespmem:s25+$0x12490]  }
.Ltmp6:
0x1f6: {  	v18 =	vld [tilespmem:s25+$0x12440];
	(pc) =	sbr.rel @p0 .LBB2_15-.Ltmp6, $4  }
0x1f7: {  	v19 =	vld [tilespmem:s25+$0x12450]  }
0x1f8: {  	v20 =	vld [tilespmem:s25+$0x12400]  }
0x1f9: {  	v21 =	vld [tilespmem:s25+$0x12410]  }
0x1fa: {  	s17 =	sadd.s32 $0x800, s17;
	v22 =	vld [tilespmem:s25+$0x12420]  }
0x1fb: {  	v23 =	vld [tilespmem:s25+$0x12430]  }
0x1fc: {  	v24 =	vld [tilespmem:s25+$0x12460]  }
0x1fd: {  	v25 =	vld [tilespmem:s25+$0x12470]  }
0x1fe: {  	v26 =	vld [tilespmem:s25+$0x124A0]  }
0x1ff: {  	v27 =	vld [tilespmem:s25+$0x124B0]  }
0x200: {  	v28 =	vld [tilespmem:s25+$0x124E0]  }
0x201: {  	v29 =	vld [tilespmem:s25+$0x124F0]  }
0x202: {  	v30 =	vld [tilespmem:s25+$0x12520]  }
0x203: {  	v31 =	vld [tilespmem:s25+$0x12530]  }
0x204: {  	v32 =	vld [tilespmem:s25+$0x12560]  }
0x205: {  	v33 =	vld [tilespmem:s25+$0x12570]  }
0x206: {  	v34 =	vld [tilespmem:s25+$0x125A0]  }
0x207: {  	v35 =	vld [tilespmem:s25+$0x125B0]  }
0x208: {  	v36 =	vld [tilespmem:s25+$0x125E0];
	s17 =	sadd.s32 $0x700, s23  }
0x209: {  	v37 =	vld [tilespmem:s25+$0x125F0];
	[tilespmem:s24], [sflag:$0x7] =	stream.indirect.gather [hbm4b:s3+s11], $0x40, s17, s11, $0xb8  }
0x20a: {  	_ =	swait.ge [sflag:s15], $0x2000  }
0x20b: {  	[sflag:s15] =	ssyncset.done $0x0  }
0x20c: {  	s25 =	simm.s32 $0x0;
	[sflag:s15] =	ssyncadd.s32 $0xFFFFE000  }
0x20d: {  	v20 =	vadd.f32 v20, v5;
	v1 =	vld [tilespmem:s25+$0x145C0]  }
0x20e: {  	v21 =	vadd.f32 v21, v3;
	v22 =	vadd.f32 v22, v7;
	v3 =	vld [tilespmem:s25+$0x145D0]  }
0x20f: {  	v18 =	vadd.f32 v18, v20;
	v10 =	vadd.f32 v23, v10;
	v5 =	vld [tilespmem:s25+$0x14580]  }
0x210: {  	v19 =	vadd.f32 v19, v21;
	v7 =	vld [tilespmem:s25+$0x14590];
	v20 =	vadd.f32 v24, v22  }
0x211: {  	v18 =	vadd.f32 v14, v18;
	v14 =	vld [tilespmem:s25+$0x14500];
	v21 =	vadd.f32 v25, v10  }
0x212: {  	v10 =	vld [tilespmem:s25+$0x14540];
	v19 =	vadd.f32 v11, v19  }
0x213: {  	v11 =	vld [tilespmem:s25+$0x14550];
	v20 =	vadd.f32 v26, v20;
	v21 =	vadd.f32 v27, v21  }
0x214: {  	v18 =	vadd.f32 v17, v18;
	v17 =	vld [tilespmem:s25+$0x144C0];
	v19 =	vadd.f32 v15, v19  }
0x215: {  	v15 =	vld [tilespmem:s25+$0x14510];
	v20 =	vadd.f32 v28, v20;
	v21 =	vadd.f32 v29, v21  }
0x216: {  	v18 =	vadd.f32 v13, v18;
	v13 =	vld [tilespmem:s25+$0x144D0];
	v19 =	vadd.f32 v16, v19  }
0x217: {  	v16 =	vld [tilespmem:s25+$0x14480];
	v20 =	vadd.f32 v30, v20;
	v21 =	vadd.f32 v31, v21  }
0x218: {  	v18 =	vadd.f32 v9, v18;
	v9 =	vld [tilespmem:s25+$0x14490];
	v19 =	vadd.f32 v12, v19  }
0x219: {  	v12 =	vld [tilespmem:s25+$0x14440];
	v20 =	vadd.f32 v32, v20;
	v21 =	vadd.f32 v33, v21  }
0x21a: {  	v6 =	vadd.f32 v6, v18;
	v18 =	vld [tilespmem:s25+$0x14450];
	v8 =	vadd.f32 v8, v19  }
0x21b: {  	v19 =	vld [tilespmem:s25+$0x14400];
	v22 =	vadd.f32 v34, v20;
	v21 =	vadd.f32 v35, v21  }
0x21c: {  	v2 =	vadd.f32 v2, v6;
	v20 =	vld [tilespmem:s25+$0x14410];
	v4 =	vadd.f32 v4, v8  }
0x21d: {  	s17 =	simm.s32 $0x800;
	v6 =	vadd.f32 v36, v22;
	v8 =	vadd.f32 v37, v21;
	v21 =	vld [tilespmem:s25+$0x14420]  }
.LBB2_17:
0x21e: {  	p0 =	sne.s32 s17, $0x7800;
	v22 =	vld [tilespmem:s25+$0x14430]  }
0x21f: {  	v23 =	vld [tilespmem:s25+$0x14460]  }
0x220: {  	v24 =	vld [tilespmem:s25+$0x14470]  }
0x221: {  	v25 =	vld [tilespmem:s25+$0x144A0]  }
0x222: {  	v2 =	vadd.f32 v19, v2;
	v4 =	vadd.f32 v20, v4;
	v19 =	vld [tilespmem:s25+$0x144B0]  }
0x223: {  	v6 =	vadd.f32 v21, v6;
	v8 =	vadd.f32 v22, v8;
	v20 =	vld [tilespmem:s25+$0x144E0]  }
0x224: {  	v2 =	vadd.f32 v12, v2;
	v4 =	vadd.f32 v18, v4;
	v12 =	vld [tilespmem:s25+$0x144F0]  }
0x225: {  	v6 =	vadd.f32 v23, v6;
	v8 =	vadd.f32 v24, v8;
	v18 =	vld [tilespmem:s25+$0x14520]  }
0x226: {  	v2 =	vadd.f32 v16, v2;
	v4 =	vadd.f32 v9, v4;
	v9 =	vld [tilespmem:s25+$0x14530]  }
0x227: {  	v6 =	vadd.f32 v25, v6;
	v8 =	vadd.f32 v19, v8;
	v16 =	vld [tilespmem:s25+$0x14560]  }
0x228: {  	v2 =	vadd.f32 v17, v2;
	v4 =	vadd.f32 v13, v4;
	v13 =	vld [tilespmem:s25+$0x14570]  }
0x229: {  	v6 =	vadd.f32 v20, v6;
	v8 =	vadd.f32 v12, v8;
	v12 =	vld [tilespmem:s25+$0x145A0]  }
0x22a: {  	v2 =	vadd.f32 v14, v2;
	v4 =	vadd.f32 v15, v4;
	v14 =	vld [tilespmem:s25+$0x145B0]  }
0x22b: {  	v6 =	vadd.f32 v18, v6;
	v8 =	vadd.f32 v9, v8;
	v9 =	vld [tilespmem:s25+$0x145E0]  }
0x22c: {  	v2 =	vadd.f32 v10, v2;
	v4 =	vadd.f32 v11, v4;
	v11 =	vld [tilespmem:s25+$0x145F0];
	s25 =	sshra.s32 s17, $0x2  }
0x22d: {  	v6 =	vadd.f32 v16, v6;
	v15 =	vld [tilespmem:s25+$0x145C0];
	v8 =	vadd.f32 v13, v8  }
0x22e: {  	v2 =	vadd.f32 v5, v2;
	v4 =	vadd.f32 v7, v4;
	v13 =	vld [tilespmem:s25+$0x145D0]  }
0x22f: {  	v6 =	vadd.f32 v12, v6;
	v5 =	vld [tilespmem:s25+$0x14580];
	v8 =	vadd.f32 v14, v8  }
0x230: {  	v2 =	vadd.f32 v1, v2;
	v4 =	vadd.f32 v3, v4;
	v7 =	vld [tilespmem:s25+$0x14590]  }
0x231: {  	v6 =	vadd.f32 v9, v6;
	v10 =	vld [tilespmem:s25+$0x14540];
	v8 =	vadd.f32 v11, v8  }
0x232: {  	v11 =	vld [tilespmem:s25+$0x14550];
	v1 =	vmov v15  }
0x233: {  	v14 =	vld [tilespmem:s25+$0x14500];
	v3 =	vmov v13  }
0x234: {  	v15 =	vld [tilespmem:s25+$0x14510]  }
0x235: {  	v17 =	vld [tilespmem:s25+$0x144C0]  }
0x236: {  	v13 =	vld [tilespmem:s25+$0x144D0]  }
0x237: {  	v16 =	vld [tilespmem:s25+$0x14480]  }
0x238: {  	v9 =	vld [tilespmem:s25+$0x14490]  }
.Ltmp7:
0x239: {  	v12 =	vld [tilespmem:s25+$0x14440];
	(pc) =	sbr.rel @p0 .LBB2_17-.Ltmp7, $4  }
0x23a: {  	v18 =	vld [tilespmem:s25+$0x14450]  }
0x23b: {  	v19 =	vld [tilespmem:s25+$0x14400]  }
0x23c: {  	v20 =	vld [tilespmem:s25+$0x14410]  }
0x23d: {  	s17 =	sadd.s32 $0x800, s17;
	v21 =	vld [tilespmem:s25+$0x14420]  }
0x23e: {  	v22 =	vld [tilespmem:s25+$0x14430]  }
0x23f: {  	v23 =	vld [tilespmem:s25+$0x14460]  }
0x240: {  	v24 =	vld [tilespmem:s25+$0x14470]  }
0x241: {  	v25 =	vld [tilespmem:s25+$0x144A0]  }
0x242: {  	v53 =	vld [tilespmem:s25+$0x144B0];
	v2 =	vadd.f32 v19, v2;
	v4 =	vadd.f32 v20, v4  }
0x243: {  	v54 =	vld [tilespmem:s25+$0x144E0];
	v6 =	vadd.f32 v21, v6;
	v8 =	vadd.f32 v22, v8  }
0x244: {  	v55 =	vld [tilespmem:s25+$0x144F0];
	v2 =	vadd.f32 v12, v2;
	v4 =	vadd.f32 v18, v4  }
0x245: {  	v56 =	vld [tilespmem:s25+$0x14520];
	v6 =	vadd.f32 v23, v6;
	v8 =	vadd.f32 v24, v8  }
0x246: {  	v57 =	vld [tilespmem:s25+$0x14530];
	v2 =	vadd.f32 v16, v2;
	v4 =	vadd.f32 v9, v4  }
0x247: {  	v58 =	vld [tilespmem:s25+$0x14560];
	v6 =	vadd.f32 v25, v6;
	v8 =	vadd.f32 v53, v8  }
0x248: {  	v59 =	vld [tilespmem:s25+$0x14570];
	v2 =	vadd.f32 v17, v2;
	v4 =	vadd.f32 v13, v4  }
0x249: {  	v60 =	vld [tilespmem:s25+$0x145A0];
	v6 =	vadd.f32 v54, v6;
	v8 =	vadd.f32 v55, v8  }
0x24a: {  	v61 =	vld [tilespmem:s25+$0x145B0];
	v2 =	vadd.f32 v14, v2;
	v4 =	vadd.f32 v15, v4  }
0x24b: {  	v62 =	vld [tilespmem:s25+$0x145E0];
	v6 =	vadd.f32 v56, v6;
	v8 =	vadd.f32 v57, v8  }
0x24c: {  	v63 =	vld [tilespmem:s25+$0x145F0];
	p0 =	seq.s32 s21, $0x17;
	v2 =	vadd.f32 v10, v2;
	v4 =	vadd.f32 v11, v4  }
.Ltmp8:
0x24d: {  	v6 =	vadd.f32 v58, v6;
	v8 =	vadd.f32 v59, v8;
	(pc) =	sbr.rel @p0 .LBB2_20-.Ltmp8, $4  }
0x24e: {  	v2 =	vadd.f32 v5, v2;
	v4 =	vadd.f32 v7, v4  }
0x24f: {  	v6 =	vadd.f32 v60, v6;
	v7 =	vadd.f32 v61, v8  }
0x250: {  	v5 =	vadd.f32 v1, v2;
	v3 =	vadd.f32 v3, v4  }
0x251: {  	v4 =	vadd.f32 v62, v6;
	v2 =	vadd.f32 v63, v7  }
.Ltmp9:
0x252: {  	(pc) =	sbr.rel .LBB2_2-.Ltmp9, $3  }
0x253: {  	_ =	sdelay $0x1  }
0x254: {  	s17 =	sadd.s32 $0x780, s23;
	s21 =	sadd.s32 $0x1, s21  }
0x255: {  	[tilespmem:s26], [sflag:$0x8] =	stream.indirect.gather [hbm4b:s3+s11], $0x40, s17, s11, $0xb8;
	[tilespmem:$0x16440] =	vst v63  }
.LBB2_20:
0x256: {  	_ =	swait.ge [sflag:s13], $0x2000  }
0x257: {  	[sflag:s13] =	ssyncset.done $0x0  }
0x258: {  	s21 =	simm.s32 $0x0;
	[sflag:s13] =	ssyncadd.s32 $0xFFFFE000  }
0x259: {  	v6 =	vld [tilespmem:s21+$0x65C0]  }
0x25a: {  	v8 =	vld [tilespmem:s21+$0x65D0]  }
0x25b: {  	v9 =	vld [tilespmem:s21+$0x6580]  }
0x25c: {  	v11 =	vld [tilespmem:s21+$0x6590]  }
0x25d: {  	v13 =	vld [tilespmem:s21+$0x6540]  }
0x25e: {  	v14 =	vld [tilespmem:s21+$0x6550]  }
0x25f: {  	v17 =	vld [tilespmem:s21+$0x6500]  }
0x260: {  	v18 =	vld [tilespmem:s21+$0x6510]  }
0x261: {  	v16 =	vld [tilespmem:s21+$0x64C0]  }
0x262: {  	v19 =	vld [tilespmem:s21+$0x64D0]  }
0x263: {  	v12 =	vld [tilespmem:s21+$0x6480]  }
0x264: {  	v15 =	vld [tilespmem:s21+$0x6490]  }
0x265: {  	v7 =	vld [tilespmem:s21+$0x6440]  }
0x266: {  	v10 =	vld [tilespmem:s21+$0x6450]  }
0x267: {  	v21 =	vld [tilespmem:s21+$0x6400]  }
0x268: {  	v22 =	vld [tilespmem:s21+$0x6410]  }
0x269: {  	s17 =	simm.s32 $0x800;
	v20 =	vld [tilespmem:s21+$0x6420]  }
.LBB2_21:
0x26a: {  	p0 =	sne.s32 s17, $0x7800;
	v1 =	vld [tilespmem:s21+$0x6430]  }
0x26b: {  	v23 =	vld [tilespmem:s21+$0x6460]  }
0x26c: {  	v24 =	vld [tilespmem:s21+$0x6470]  }
0x26d: {  	v25 =	vld [tilespmem:s21+$0x64A0]  }
0x26e: {  	v5 =	vadd.f32 v21, v5;
	v3 =	vadd.f32 v22, v3;
	v21 =	vld [tilespmem:s21+$0x64B0]  }
0x26f: {  	v4 =	vadd.f32 v20, v4;
	v1 =	vadd.f32 v1, v2;
	v2 =	vld [tilespmem:s21+$0x64E0]  }
0x270: {  	v5 =	vadd.f32 v7, v5;
	v3 =	vadd.f32 v10, v3;
	v7 =	vld [tilespmem:s21+$0x64F0]  }
0x271: {  	v4 =	vadd.f32 v23, v4;
	v1 =	vadd.f32 v24, v1;
	v10 =	vld [tilespmem:s21+$0x6520]  }
0x272: {  	v5 =	vadd.f32 v12, v5;
	v3 =	vadd.f32 v15, v3;
	v12 =	vld [tilespmem:s21+$0x6530]  }
0x273: {  	v4 =	vadd.f32 v25, v4;
	v1 =	vadd.f32 v21, v1;
	v15 =	vld [tilespmem:s21+$0x6560]  }
0x274: {  	v5 =	vadd.f32 v16, v5;
	v3 =	vadd.f32 v19, v3;
	v16 =	vld [tilespmem:s21+$0x6570]  }
0x275: {  	v2 =	vadd.f32 v2, v4;
	v1 =	vadd.f32 v7, v1;
	v4 =	vld [tilespmem:s21+$0x65A0]  }
0x276: {  	v5 =	vadd.f32 v17, v5;
	v3 =	vadd.f32 v18, v3;
	v7 =	vld [tilespmem:s21+$0x65B0]  }
0x277: {  	v2 =	vadd.f32 v10, v2;
	v1 =	vadd.f32 v12, v1;
	v10 =	vld [tilespmem:s21+$0x65E0]  }
0x278: {  	v5 =	vadd.f32 v13, v5;
	v3 =	vadd.f32 v14, v3;
	v12 =	vld [tilespmem:s21+$0x65F0];
	s21 =	sshra.s32 s17, $0x2  }
0x279: {  	v2 =	vadd.f32 v15, v2;
	v17 =	vld [tilespmem:s21+$0x65C0];
	v1 =	vadd.f32 v16, v1  }
0x27a: {  	v5 =	vadd.f32 v9, v5;
	v3 =	vadd.f32 v11, v3;
	v15 =	vld [tilespmem:s21+$0x65D0]  }
0x27b: {  	v2 =	vadd.f32 v4, v2;
	v9 =	vld [tilespmem:s21+$0x6580];
	v1 =	vadd.f32 v7, v1  }
0x27c: {  	v5 =	vadd.f32 v6, v5;
	v3 =	vadd.f32 v8, v3;
	v11 =	vld [tilespmem:s21+$0x6590]  }
0x27d: {  	v4 =	vadd.f32 v10, v2;
	v13 =	vld [tilespmem:s21+$0x6540];
	v2 =	vadd.f32 v12, v1  }
0x27e: {  	v14 =	vld [tilespmem:s21+$0x6550];
	v6 =	vmov v17  }
0x27f: {  	v17 =	vld [tilespmem:s21+$0x6500];
	v8 =	vmov v15  }
0x280: {  	v18 =	vld [tilespmem:s21+$0x6510]  }
0x281: {  	v16 =	vld [tilespmem:s21+$0x64C0]  }
0x282: {  	v19 =	vld [tilespmem:s21+$0x64D0]  }
0x283: {  	v12 =	vld [tilespmem:s21+$0x6480]  }
0x284: {  	v15 =	vld [tilespmem:s21+$0x6490]  }
.Ltmp10:
0x285: {  	v7 =	vld [tilespmem:s21+$0x6440];
	(pc) =	sbr.rel @p0 .LBB2_21-.Ltmp10, $4  }
0x286: {  	v10 =	vld [tilespmem:s21+$0x6450]  }
0x287: {  	v21 =	vld [tilespmem:s21+$0x6400]  }
0x288: {  	v22 =	vld [tilespmem:s21+$0x6410]  }
0x289: {  	s17 =	sadd.s32 $0x800, s17;
	v20 =	vld [tilespmem:s21+$0x6420]  }
0x28a: {  	v23 =	vld [tilespmem:s21+$0x6430]  }
0x28b: {  	v24 =	vld [tilespmem:s21+$0x6460]  }
0x28c: {  	v25 =	vld [tilespmem:s21+$0x6470]  }
0x28d: {  	v26 =	vld [tilespmem:s21+$0x64A0]  }
0x28e: {  	v27 =	vld [tilespmem:s21+$0x64B0]  }
0x28f: {  	v28 =	vld [tilespmem:s21+$0x64E0]  }
0x290: {  	v29 =	vld [tilespmem:s21+$0x64F0]  }
0x291: {  	v30 =	vld [tilespmem:s21+$0x6520]  }
0x292: {  	v31 =	vld [tilespmem:s21+$0x6530]  }
0x293: {  	v32 =	vld [tilespmem:s21+$0x6560]  }
0x294: {  	v33 =	vld [tilespmem:s21+$0x6570]  }
0x295: {  	v34 =	vld [tilespmem:s21+$0x65A0]  }
0x296: {  	v35 =	vld [tilespmem:s21+$0x65B0]  }
0x297: {  	v36 =	vld [tilespmem:s21+$0x65E0]  }
0x298: {  	v37 =	vld [tilespmem:s21+$0x65F0];
	_ =	swait.ge [sflag:s28], $0x2000  }
0x299: {  	[sflag:s28] =	ssyncset.done $0x0  }
0x29a: {  	s21 =	simm.s32 $0x0;
	[sflag:s28] =	ssyncadd.s32 $0xFFFFE000  }
0x29b: {  	v1 =	vld [tilespmem:s21+$0x85C0]  }
0x29c: {  	v21 =	vadd.f32 v21, v5;
	v22 =	vadd.f32 v22, v3;
	v3 =	vld [tilespmem:s21+$0x85D0]  }
0x29d: {  	v5 =	vld [tilespmem:s21+$0x8580];
	v4 =	vadd.f32 v20, v4;
	v2 =	vadd.f32 v23, v2  }
0x29e: {  	v20 =	vadd.f32 v7, v21;
	v7 =	vld [tilespmem:s21+$0x8590];
	v21 =	vadd.f32 v10, v22  }
0x29f: {  	v10 =	vld [tilespmem:s21+$0x8540];
	v4 =	vadd.f32 v24, v4;
	v2 =	vadd.f32 v25, v2  }
0x2a0: {  	v20 =	vadd.f32 v12, v20;
	v12 =	vld [tilespmem:s21+$0x8550];
	v21 =	vadd.f32 v15, v21  }
0x2a1: {  	v15 =	vld [tilespmem:s21+$0x8500];
	v4 =	vadd.f32 v26, v4;
	v2 =	vadd.f32 v27, v2  }
0x2a2: {  	v20 =	vadd.f32 v16, v20;
	v16 =	vld [tilespmem:s21+$0x8510];
	v21 =	vadd.f32 v19, v21  }
0x2a3: {  	v19 =	vld [tilespmem:s21+$0x84C0];
	v4 =	vadd.f32 v28, v4;
	v2 =	vadd.f32 v29, v2  }
0x2a4: {  	v20 =	vadd.f32 v17, v20;
	v17 =	vld [tilespmem:s21+$0x84D0];
	v21 =	vadd.f32 v18, v21  }
0x2a5: {  	v18 =	vld [tilespmem:s21+$0x8480];
	v4 =	vadd.f32 v30, v4;
	v2 =	vadd.f32 v31, v2  }
0x2a6: {  	v20 =	vadd.f32 v13, v20;
	v13 =	vld [tilespmem:s21+$0x8490];
	v21 =	vadd.f32 v14, v21  }
0x2a7: {  	v14 =	vld [tilespmem:s21+$0x8440];
	v4 =	vadd.f32 v32, v4;
	v2 =	vadd.f32 v33, v2  }
0x2a8: {  	v9 =	vadd.f32 v9, v20;
	v20 =	vld [tilespmem:s21+$0x8400];
	v21 =	vadd.f32 v11, v21  }
0x2a9: {  	v11 =	vld [tilespmem:s21+$0x8450];
	v22 =	vadd.f32 v34, v4;
	v2 =	vadd.f32 v35, v2  }
0x2aa: {  	v4 =	vadd.f32 v6, v9;
	v6 =	vadd.f32 v8, v21;
	v21 =	vld [tilespmem:s21+$0x8410]  }
0x2ab: {  	s17 =	simm.s32 $0x800;
	v8 =	vadd.f32 v36, v22;
	v22 =	vld [tilespmem:s21+$0x8420];
	v9 =	vadd.f32 v37, v2  }
.LBB2_23:
0x2ac: {  	p0 =	sne.s32 s17, $0x7800;
	v2 =	vld [tilespmem:s21+$0x8430]  }
0x2ad: {  	v23 =	vld [tilespmem:s21+$0x8460]  }
0x2ae: {  	v24 =	vld [tilespmem:s21+$0x8470]  }
0x2af: {  	v25 =	vld [tilespmem:s21+$0x84A0]  }
0x2b0: {  	v4 =	vadd.f32 v20, v4;
	v6 =	vadd.f32 v21, v6;
	v20 =	vld [tilespmem:s21+$0x84B0]  }
0x2b1: {  	v8 =	vadd.f32 v22, v8;
	v2 =	vadd.f32 v2, v9;
	v9 =	vld [tilespmem:s21+$0x84E0]  }
0x2b2: {  	v4 =	vadd.f32 v14, v4;
	v6 =	vadd.f32 v11, v6;
	v11 =	vld [tilespmem:s21+$0x84F0]  }
0x2b3: {  	v8 =	vadd.f32 v23, v8;
	v2 =	vadd.f32 v24, v2;
	v14 =	vld [tilespmem:s21+$0x8520]  }
0x2b4: {  	v4 =	vadd.f32 v18, v4;
	v6 =	vadd.f32 v13, v6;
	v13 =	vld [tilespmem:s21+$0x8530]  }
0x2b5: {  	v8 =	vadd.f32 v25, v8;
	v2 =	vadd.f32 v20, v2;
	v18 =	vld [tilespmem:s21+$0x8560]  }
0x2b6: {  	v4 =	vadd.f32 v19, v4;
	v6 =	vadd.f32 v17, v6;
	v17 =	vld [tilespmem:s21+$0x8570]  }
0x2b7: {  	v8 =	vadd.f32 v9, v8;
	v2 =	vadd.f32 v11, v2;
	v9 =	vld [tilespmem:s21+$0x85A0]  }
0x2b8: {  	v4 =	vadd.f32 v15, v4;
	v6 =	vadd.f32 v16, v6;
	v11 =	vld [tilespmem:s21+$0x85B0]  }
0x2b9: {  	v8 =	vadd.f32 v14, v8;
	v2 =	vadd.f32 v13, v2;
	v13 =	vld [tilespmem:s21+$0x85E0]  }
0x2ba: {  	v4 =	vadd.f32 v10, v4;
	v6 =	vadd.f32 v12, v6;
	v12 =	vld [tilespmem:s21+$0x85F0];
	s21 =	sshra.s32 s17, $0x2  }
0x2bb: {  	v8 =	vadd.f32 v18, v8;
	v14 =	vld [tilespmem:s21+$0x85C0];
	v2 =	vadd.f32 v17, v2  }
0x2bc: {  	v4 =	vadd.f32 v5, v4;
	v6 =	vadd.f32 v7, v6;
	v16 =	vld [tilespmem:s21+$0x85D0]  }
0x2bd: {  	v8 =	vadd.f32 v9, v8;
	v5 =	vld [tilespmem:s21+$0x8580];
	v2 =	vadd.f32 v11, v2  }
0x2be: {  	v4 =	vadd.f32 v1, v4;
	v6 =	vadd.f32 v3, v6;
	v7 =	vld [tilespmem:s21+$0x8590]  }
0x2bf: {  	v8 =	vadd.f32 v13, v8;
	v10 =	vld [tilespmem:s21+$0x8540];
	v9 =	vadd.f32 v12, v2  }
0x2c0: {  	v12 =	vld [tilespmem:s21+$0x8550];
	v1 =	vmov v14  }
0x2c1: {  	v15 =	vld [tilespmem:s21+$0x8500];
	v3 =	vmov v16  }
0x2c2: {  	v16 =	vld [tilespmem:s21+$0x8510]  }
0x2c3: {  	v19 =	vld [tilespmem:s21+$0x84C0]  }
0x2c4: {  	v17 =	vld [tilespmem:s21+$0x84D0]  }
0x2c5: {  	v18 =	vld [tilespmem:s21+$0x8480]  }
0x2c6: {  	v13 =	vld [tilespmem:s21+$0x8490]  }
.Ltmp11:
0x2c7: {  	v14 =	vld [tilespmem:s21+$0x8440];
	(pc) =	sbr.rel @p0 .LBB2_23-.Ltmp11, $4  }
0x2c8: {  	v11 =	vld [tilespmem:s21+$0x8450]  }
0x2c9: {  	v20 =	vld [tilespmem:s21+$0x8400]  }
0x2ca: {  	v21 =	vld [tilespmem:s21+$0x8410]  }
0x2cb: {  	s17 =	sadd.s32 $0x800, s17;
	v22 =	vld [tilespmem:s21+$0x8420]  }
0x2cc: {  	v23 =	vld [tilespmem:s21+$0x8430]  }
0x2cd: {  	v24 =	vld [tilespmem:s21+$0x8460]  }
0x2ce: {  	v25 =	vld [tilespmem:s21+$0x8470]  }
0x2cf: {  	v26 =	vld [tilespmem:s21+$0x84A0]  }
0x2d0: {  	v27 =	vld [tilespmem:s21+$0x84B0]  }
0x2d1: {  	v28 =	vld [tilespmem:s21+$0x84E0]  }
0x2d2: {  	v29 =	vld [tilespmem:s21+$0x84F0]  }
0x2d3: {  	v30 =	vld [tilespmem:s21+$0x8520]  }
0x2d4: {  	v31 =	vld [tilespmem:s21+$0x8530]  }
0x2d5: {  	v32 =	vld [tilespmem:s21+$0x8560]  }
0x2d6: {  	v33 =	vld [tilespmem:s21+$0x8570]  }
0x2d7: {  	v34 =	vld [tilespmem:s21+$0x85A0]  }
0x2d8: {  	v35 =	vld [tilespmem:s21+$0x85B0]  }
0x2d9: {  	v36 =	vld [tilespmem:s21+$0x85E0]  }
0x2da: {  	v37 =	vld [tilespmem:s21+$0x85F0];
	_ =	swait.ge [sflag:s29], $0x2000  }
0x2db: {  	[sflag:s29] =	ssyncset.done $0x0  }
0x2dc: {  	s21 =	simm.s32 $0x0;
	[sflag:s29] =	ssyncadd.s32 $0xFFFFE000  }
0x2dd: {  	v2 =	vld [tilespmem:s21+$0xA5C0]  }
0x2de: {  	v20 =	vadd.f32 v20, v4;
	v21 =	vadd.f32 v21, v6;
	v4 =	vld [tilespmem:s21+$0xA5D0]  }
0x2df: {  	v6 =	vld [tilespmem:s21+$0xA580];
	v22 =	vadd.f32 v22, v8;
	v9 =	vadd.f32 v23, v9  }
0x2e0: {  	v14 =	vadd.f32 v14, v20;
	v8 =	vld [tilespmem:s21+$0xA590];
	v11 =	vadd.f32 v11, v21  }
0x2e1: {  	v20 =	vadd.f32 v24, v22;
	v21 =	vadd.f32 v25, v9;
	v9 =	vld [tilespmem:s21+$0xA540]  }
0x2e2: {  	v14 =	vadd.f32 v18, v14;
	v18 =	vadd.f32 v13, v11;
	v11 =	vld [tilespmem:s21+$0xA550]  }
0x2e3: {  	v13 =	vld [tilespmem:s21+$0xA500];
	v20 =	vadd.f32 v26, v20;
	v21 =	vadd.f32 v27, v21  }
0x2e4: {  	v14 =	vadd.f32 v19, v14;
	v19 =	vadd.f32 v17, v18;
	v17 =	vld [tilespmem:s21+$0xA510]  }
0x2e5: {  	v18 =	vld [tilespmem:s21+$0xA4C0];
	v20 =	vadd.f32 v28, v20;
	v21 =	vadd.f32 v29, v21  }
0x2e6: {  	v22 =	vadd.f32 v15, v14;
	v15 =	vld [tilespmem:s21+$0xA4D0];
	v16 =	vadd.f32 v16, v19  }
0x2e7: {  	v14 =	vld [tilespmem:s21+$0xA480];
	v19 =	vadd.f32 v30, v20;
	v20 =	vadd.f32 v31, v21  }
0x2e8: {  	v10 =	vadd.f32 v10, v22;
	v21 =	vadd.f32 v12, v16;
	v12 =	vld [tilespmem:s21+$0xA490]  }
0x2e9: {  	v16 =	vld [tilespmem:s21+$0xA440];
	v22 =	vadd.f32 v32, v19;
	v20 =	vadd.f32 v33, v20  }
0x2ea: {  	v5 =	vadd.f32 v5, v10;
	v19 =	vld [tilespmem:s21+$0xA450];
	v7 =	vadd.f32 v7, v21  }
0x2eb: {  	v21 =	vld [tilespmem:s21+$0xA410];
	v10 =	vadd.f32 v34, v22;
	v22 =	vadd.f32 v35, v20  }
0x2ec: {  	v5 =	vadd.f32 v1, v5;
	v20 =	vld [tilespmem:s21+$0xA400];
	v3 =	vadd.f32 v3, v7  }
0x2ed: {  	s17 =	simm.s32 $0x800;
	v7 =	vadd.f32 v36, v10;
	v10 =	vadd.f32 v37, v22;
	v22 =	vld [tilespmem:s21+$0xA420]  }
.LBB2_25:
0x2ee: {  	p0 =	sne.s32 s17, $0x7800;
	v1 =	vld [tilespmem:s21+$0xA430]  }
0x2ef: {  	v23 =	vld [tilespmem:s21+$0xA460]  }
0x2f0: {  	v24 =	vld [tilespmem:s21+$0xA470]  }
0x2f1: {  	v25 =	vld [tilespmem:s21+$0xA4A0]  }
0x2f2: {  	v5 =	vadd.f32 v20, v5;
	v3 =	vadd.f32 v21, v3;
	v20 =	vld [tilespmem:s21+$0xA4B0]  }
0x2f3: {  	v7 =	vadd.f32 v22, v7;
	v1 =	vadd.f32 v1, v10;
	v10 =	vld [tilespmem:s21+$0xA4E0]  }
0x2f4: {  	v5 =	vadd.f32 v16, v5;
	v3 =	vadd.f32 v19, v3;
	v16 =	vld [tilespmem:s21+$0xA4F0]  }
0x2f5: {  	v7 =	vadd.f32 v23, v7;
	v1 =	vadd.f32 v24, v1;
	v19 =	vld [tilespmem:s21+$0xA520]  }
0x2f6: {  	v5 =	vadd.f32 v14, v5;
	v3 =	vadd.f32 v12, v3;
	v12 =	vld [tilespmem:s21+$0xA530]  }
0x2f7: {  	v7 =	vadd.f32 v25, v7;
	v1 =	vadd.f32 v20, v1;
	v14 =	vld [tilespmem:s21+$0xA560]  }
0x2f8: {  	v5 =	vadd.f32 v18, v5;
	v3 =	vadd.f32 v15, v3;
	v15 =	vld [tilespmem:s21+$0xA570]  }
0x2f9: {  	v7 =	vadd.f32 v10, v7;
	v1 =	vadd.f32 v16, v1;
	v10 =	vld [tilespmem:s21+$0xA5A0]  }
0x2fa: {  	v5 =	vadd.f32 v13, v5;
	v3 =	vadd.f32 v17, v3;
	v13 =	vld [tilespmem:s21+$0xA5B0]  }
0x2fb: {  	v7 =	vadd.f32 v19, v7;
	v1 =	vadd.f32 v12, v1;
	v12 =	vld [tilespmem:s21+$0xA5E0]  }
0x2fc: {  	v5 =	vadd.f32 v9, v5;
	v3 =	vadd.f32 v11, v3;
	v11 =	vld [tilespmem:s21+$0xA5F0];
	s21 =	sshra.s32 s17, $0x2  }
0x2fd: {  	v7 =	vadd.f32 v14, v7;
	v16 =	vld [tilespmem:s21+$0xA5C0];
	v1 =	vadd.f32 v15, v1  }
0x2fe: {  	v5 =	vadd.f32 v6, v5;
	v3 =	vadd.f32 v8, v3;
	v14 =	vld [tilespmem:s21+$0xA5D0]  }
0x2ff: {  	v7 =	vadd.f32 v10, v7;
	v6 =	vld [tilespmem:s21+$0xA580];
	v1 =	vadd.f32 v13, v1  }
0x300: {  	v5 =	vadd.f32 v2, v5;
	v3 =	vadd.f32 v4, v3;
	v8 =	vld [tilespmem:s21+$0xA590]  }
0x301: {  	v7 =	vadd.f32 v12, v7;
	v9 =	vld [tilespmem:s21+$0xA540];
	v10 =	vadd.f32 v11, v1  }
0x302: {  	v11 =	vld [tilespmem:s21+$0xA550];
	v2 =	vmov v16  }
0x303: {  	v13 =	vld [tilespmem:s21+$0xA500];
	v4 =	vmov v14  }
0x304: {  	v17 =	vld [tilespmem:s21+$0xA510]  }
0x305: {  	v18 =	vld [tilespmem:s21+$0xA4C0]  }
0x306: {  	v15 =	vld [tilespmem:s21+$0xA4D0]  }
0x307: {  	v14 =	vld [tilespmem:s21+$0xA480]  }
0x308: {  	v12 =	vld [tilespmem:s21+$0xA490]  }
.Ltmp12:
0x309: {  	v16 =	vld [tilespmem:s21+$0xA440];
	(pc) =	sbr.rel @p0 .LBB2_25-.Ltmp12, $4  }
0x30a: {  	v19 =	vld [tilespmem:s21+$0xA450]  }
0x30b: {  	v20 =	vld [tilespmem:s21+$0xA400]  }
0x30c: {  	v21 =	vld [tilespmem:s21+$0xA410]  }
0x30d: {  	s17 =	sadd.s32 $0x800, s17;
	v22 =	vld [tilespmem:s21+$0xA420]  }
0x30e: {  	v23 =	vld [tilespmem:s21+$0xA430]  }
0x30f: {  	v24 =	vld [tilespmem:s21+$0xA460]  }
0x310: {  	v25 =	vld [tilespmem:s21+$0xA470]  }
0x311: {  	v26 =	vld [tilespmem:s21+$0xA4A0]  }
0x312: {  	v27 =	vld [tilespmem:s21+$0xA4B0]  }
0x313: {  	v28 =	vld [tilespmem:s21+$0xA4E0]  }
0x314: {  	v29 =	vld [tilespmem:s21+$0xA4F0]  }
0x315: {  	v30 =	vld [tilespmem:s21+$0xA520]  }
0x316: {  	v31 =	vld [tilespmem:s21+$0xA530]  }
0x317: {  	v32 =	vld [tilespmem:s21+$0xA560]  }
0x318: {  	v33 =	vld [tilespmem:s21+$0xA570]  }
0x319: {  	v34 =	vld [tilespmem:s21+$0xA5A0]  }
0x31a: {  	v35 =	vld [tilespmem:s21+$0xA5B0]  }
0x31b: {  	v36 =	vld [tilespmem:s21+$0xA5E0]  }
0x31c: {  	v37 =	vld [tilespmem:s21+$0xA5F0];
	_ =	swait.ge [sflag:s30], $0x2000  }
0x31d: {  	[sflag:s30] =	ssyncset.done $0x0  }
0x31e: {  	s21 =	simm.s32 $0x0;
	[sflag:s30] =	ssyncadd.s32 $0xFFFFE000  }
0x31f: {  	v20 =	vadd.f32 v20, v5;
	v1 =	vld [tilespmem:s21+$0xC5C0]  }
0x320: {  	v21 =	vadd.f32 v21, v3;
	v3 =	vld [tilespmem:s21+$0xC5D0];
	v22 =	vadd.f32 v22, v7  }
0x321: {  	v5 =	vld [tilespmem:s21+$0xC580];
	v16 =	vadd.f32 v16, v20;
	v10 =	vadd.f32 v23, v10  }
0x322: {  	v7 =	vld [tilespmem:s21+$0xC590];
	v19 =	vadd.f32 v19, v21;
	v20 =	vadd.f32 v24, v22  }
0x323: {  	v16 =	vadd.f32 v14, v16;
	v14 =	vld [tilespmem:s21+$0xC500];
	v21 =	vadd.f32 v25, v10  }
0x324: {  	v10 =	vld [tilespmem:s21+$0xC540];
	v19 =	vadd.f32 v12, v19  }
0x325: {  	v12 =	vld [tilespmem:s21+$0xC550];
	v20 =	vadd.f32 v26, v20;
	v21 =	vadd.f32 v27, v21  }
0x326: {  	v18 =	vadd.f32 v18, v16;
	v16 =	vld [tilespmem:s21+$0xC4C0];
	v19 =	vadd.f32 v15, v19  }
0x327: {  	v15 =	vld [tilespmem:s21+$0xC510];
	v20 =	vadd.f32 v28, v20;
	v21 =	vadd.f32 v29, v21  }
0x328: {  	v18 =	vadd.f32 v13, v18;
	v13 =	vld [tilespmem:s21+$0xC480];
	v19 =	vadd.f32 v17, v19  }
0x329: {  	v17 =	vld [tilespmem:s21+$0xC4D0];
	v20 =	vadd.f32 v30, v20;
	v21 =	vadd.f32 v31, v21  }
0x32a: {  	v9 =	vadd.f32 v9, v18;
	v18 =	vld [tilespmem:s21+$0xC440];
	v19 =	vadd.f32 v11, v19  }
0x32b: {  	v11 =	vld [tilespmem:s21+$0xC490];
	v20 =	vadd.f32 v32, v20;
	v21 =	vadd.f32 v33, v21  }
0x32c: {  	v6 =	vadd.f32 v6, v9;
	v8 =	vadd.f32 v8, v19;
	v19 =	vld [tilespmem:s21+$0xC450]  }
0x32d: {  	v9 =	vadd.f32 v34, v20;
	v20 =	vld [tilespmem:s21+$0xC400];
	v22 =	vadd.f32 v35, v21  }
0x32e: {  	v6 =	vadd.f32 v2, v6;
	v4 =	vadd.f32 v4, v8;
	v21 =	vld [tilespmem:s21+$0xC410]  }
0x32f: {  	s17 =	simm.s32 $0x800;
	v8 =	vadd.f32 v36, v9;
	v9 =	vadd.f32 v37, v22;
	v22 =	vld [tilespmem:s21+$0xC420]  }
.LBB2_27:
0x330: {  	p0 =	sne.s32 s17, $0x7800;
	v2 =	vld [tilespmem:s21+$0xC430]  }
0x331: {  	v23 =	vld [tilespmem:s21+$0xC460]  }
0x332: {  	v24 =	vld [tilespmem:s21+$0xC470]  }
0x333: {  	v25 =	vld [tilespmem:s21+$0xC4A0]  }
0x334: {  	v6 =	vadd.f32 v20, v6;
	v4 =	vadd.f32 v21, v4;
	v20 =	vld [tilespmem:s21+$0xC4B0]  }
0x335: {  	v8 =	vadd.f32 v22, v8;
	v2 =	vadd.f32 v2, v9;
	v9 =	vld [tilespmem:s21+$0xC4E0]  }
0x336: {  	v6 =	vadd.f32 v18, v6;
	v4 =	vadd.f32 v19, v4;
	v18 =	vld [tilespmem:s21+$0xC4F0]  }
0x337: {  	v8 =	vadd.f32 v23, v8;
	v2 =	vadd.f32 v24, v2;
	v19 =	vld [tilespmem:s21+$0xC520]  }
0x338: {  	v6 =	vadd.f32 v13, v6;
	v4 =	vadd.f32 v11, v4;
	v11 =	vld [tilespmem:s21+$0xC530]  }
0x339: {  	v8 =	vadd.f32 v25, v8;
	v2 =	vadd.f32 v20, v2;
	v13 =	vld [tilespmem:s21+$0xC560]  }
0x33a: {  	v6 =	vadd.f32 v16, v6;
	v4 =	vadd.f32 v17, v4;
	v16 =	vld [tilespmem:s21+$0xC570]  }
0x33b: {  	v8 =	vadd.f32 v9, v8;
	v2 =	vadd.f32 v18, v2;
	v9 =	vld [tilespmem:s21+$0xC5A0]  }
0x33c: {  	v6 =	vadd.f32 v14, v6;
	v4 =	vadd.f32 v15, v4;
	v14 =	vld [tilespmem:s21+$0xC5B0]  }
0x33d: {  	v8 =	vadd.f32 v19, v8;
	v2 =	vadd.f32 v11, v2;
	v11 =	vld [tilespmem:s21+$0xC5E0]  }
0x33e: {  	v6 =	vadd.f32 v10, v6;
	v4 =	vadd.f32 v12, v4;
	v12 =	vld [tilespmem:s21+$0xC5F0];
	s21 =	sshra.s32 s17, $0x2  }
0x33f: {  	v8 =	vadd.f32 v13, v8;
	v15 =	vld [tilespmem:s21+$0xC5C0];
	v2 =	vadd.f32 v16, v2  }
0x340: {  	v6 =	vadd.f32 v5, v6;
	v4 =	vadd.f32 v7, v4;
	v13 =	vld [tilespmem:s21+$0xC5D0]  }
0x341: {  	v8 =	vadd.f32 v9, v8;
	v5 =	vld [tilespmem:s21+$0xC580];
	v2 =	vadd.f32 v14, v2  }
0x342: {  	v6 =	vadd.f32 v1, v6;
	v4 =	vadd.f32 v3, v4;
	v7 =	vld [tilespmem:s21+$0xC590]  }
0x343: {  	v8 =	vadd.f32 v11, v8;
	v10 =	vld [tilespmem:s21+$0xC540];
	v9 =	vadd.f32 v12, v2  }
0x344: {  	v12 =	vld [tilespmem:s21+$0xC550];
	v1 =	vmov v15  }
0x345: {  	v14 =	vld [tilespmem:s21+$0xC500];
	v3 =	vmov v13  }
0x346: {  	v15 =	vld [tilespmem:s21+$0xC510]  }
0x347: {  	v16 =	vld [tilespmem:s21+$0xC4C0]  }
0x348: {  	v17 =	vld [tilespmem:s21+$0xC4D0]  }
0x349: {  	v13 =	vld [tilespmem:s21+$0xC480]  }
0x34a: {  	v11 =	vld [tilespmem:s21+$0xC490]  }
.Ltmp13:
0x34b: {  	v18 =	vld [tilespmem:s21+$0xC440];
	(pc) =	sbr.rel @p0 .LBB2_27-.Ltmp13, $4  }
0x34c: {  	v19 =	vld [tilespmem:s21+$0xC450]  }
0x34d: {  	v20 =	vld [tilespmem:s21+$0xC400]  }
0x34e: {  	v21 =	vld [tilespmem:s21+$0xC410]  }
0x34f: {  	s17 =	sadd.s32 $0x800, s17;
	v22 =	vld [tilespmem:s21+$0xC420]  }
0x350: {  	v23 =	vld [tilespmem:s21+$0xC430]  }
0x351: {  	v24 =	vld [tilespmem:s21+$0xC460]  }
0x352: {  	v25 =	vld [tilespmem:s21+$0xC470]  }
0x353: {  	v26 =	vld [tilespmem:s21+$0xC4A0]  }
0x354: {  	v27 =	vld [tilespmem:s21+$0xC4B0]  }
0x355: {  	v28 =	vld [tilespmem:s21+$0xC4E0]  }
0x356: {  	v29 =	vld [tilespmem:s21+$0xC4F0]  }
0x357: {  	v30 =	vld [tilespmem:s21+$0xC520]  }
0x358: {  	v31 =	vld [tilespmem:s21+$0xC530]  }
0x359: {  	v32 =	vld [tilespmem:s21+$0xC560]  }
0x35a: {  	v33 =	vld [tilespmem:s21+$0xC570]  }
0x35b: {  	v34 =	vld [tilespmem:s21+$0xC5A0]  }
0x35c: {  	v35 =	vld [tilespmem:s21+$0xC5B0]  }
0x35d: {  	v36 =	vld [tilespmem:s21+$0xC5E0]  }
0x35e: {  	v37 =	vld [tilespmem:s21+$0xC5F0];
	_ =	swait.ge [sflag:s31], $0x2000  }
0x35f: {  	[sflag:s31] =	ssyncset.done $0x0  }
0x360: {  	s21 =	simm.s32 $0x0;
	[sflag:s31] =	ssyncadd.s32 $0xFFFFE000  }
0x361: {  	v20 =	vadd.f32 v20, v6;
	v2 =	vld [tilespmem:s21+$0xE5C0]  }
0x362: {  	v21 =	vadd.f32 v21, v4;
	v4 =	vld [tilespmem:s21+$0xE5D0];
	v22 =	vadd.f32 v22, v8  }
0x363: {  	v6 =	vld [tilespmem:s21+$0xE580];
	v18 =	vadd.f32 v18, v20;
	v9 =	vadd.f32 v23, v9  }
0x364: {  	v8 =	vld [tilespmem:s21+$0xE590];
	v19 =	vadd.f32 v19, v21;
	v20 =	vadd.f32 v24, v22  }
0x365: {  	v18 =	vadd.f32 v13, v18;
	v13 =	vld [tilespmem:s21+$0xE500];
	v21 =	vadd.f32 v25, v9  }
0x366: {  	v9 =	vld [tilespmem:s21+$0xE540];
	v19 =	vadd.f32 v11, v19  }
0x367: {  	v11 =	vld [tilespmem:s21+$0xE550];
	v20 =	vadd.f32 v26, v20;
	v21 =	vadd.f32 v27, v21  }
0x368: {  	v18 =	vadd.f32 v16, v18;
	v16 =	vld [tilespmem:s21+$0xE510];
	v19 =	vadd.f32 v17, v19  }
0x369: {  	v17 =	vld [tilespmem:s21+$0xE4C0];
	v20 =	vadd.f32 v28, v20;
	v21 =	vadd.f32 v29, v21  }
0x36a: {  	v18 =	vadd.f32 v14, v18;
	v14 =	vld [tilespmem:s21+$0xE480];
	v19 =	vadd.f32 v15, v19  }
0x36b: {  	v15 =	vld [tilespmem:s21+$0xE4D0];
	v20 =	vadd.f32 v30, v20;
	v21 =	vadd.f32 v31, v21  }
0x36c: {  	v10 =	vadd.f32 v10, v18;
	v18 =	vld [tilespmem:s21+$0xE440];
	v19 =	vadd.f32 v12, v19  }
0x36d: {  	v12 =	vld [tilespmem:s21+$0xE490];
	v20 =	vadd.f32 v32, v20;
	v21 =	vadd.f32 v33, v21  }
0x36e: {  	v5 =	vadd.f32 v5, v10;
	v7 =	vadd.f32 v7, v19;
	v19 =	vld [tilespmem:s21+$0xE450]  }
0x36f: {  	v10 =	vadd.f32 v34, v20;
	v20 =	vld [tilespmem:s21+$0xE400];
	v22 =	vadd.f32 v35, v21  }
0x370: {  	v5 =	vadd.f32 v1, v5;
	v3 =	vadd.f32 v3, v7;
	v21 =	vld [tilespmem:s21+$0xE410]  }
0x371: {  	s17 =	simm.s32 $0x800;
	v7 =	vadd.f32 v36, v10;
	v10 =	vadd.f32 v37, v22;
	v22 =	vld [tilespmem:s21+$0xE420]  }
.LBB2_29:
0x372: {  	p0 =	sne.s32 s17, $0x7800;
	v1 =	vld [tilespmem:s21+$0xE430]  }
0x373: {  	v23 =	vld [tilespmem:s21+$0xE460]  }
0x374: {  	v24 =	vld [tilespmem:s21+$0xE470]  }
0x375: {  	v25 =	vld [tilespmem:s21+$0xE4A0]  }
0x376: {  	v5 =	vadd.f32 v20, v5;
	v3 =	vadd.f32 v21, v3;
	v20 =	vld [tilespmem:s21+$0xE4B0]  }
0x377: {  	v7 =	vadd.f32 v22, v7;
	v1 =	vadd.f32 v1, v10;
	v10 =	vld [tilespmem:s21+$0xE4E0]  }
0x378: {  	v5 =	vadd.f32 v18, v5;
	v3 =	vadd.f32 v19, v3;
	v18 =	vld [tilespmem:s21+$0xE4F0]  }
0x379: {  	v7 =	vadd.f32 v23, v7;
	v1 =	vadd.f32 v24, v1;
	v19 =	vld [tilespmem:s21+$0xE520]  }
0x37a: {  	v5 =	vadd.f32 v14, v5;
	v3 =	vadd.f32 v12, v3;
	v12 =	vld [tilespmem:s21+$0xE530]  }
0x37b: {  	v7 =	vadd.f32 v25, v7;
	v1 =	vadd.f32 v20, v1;
	v14 =	vld [tilespmem:s21+$0xE560]  }
0x37c: {  	v5 =	vadd.f32 v17, v5;
	v3 =	vadd.f32 v15, v3;
	v15 =	vld [tilespmem:s21+$0xE570]  }
0x37d: {  	v7 =	vadd.f32 v10, v7;
	v1 =	vadd.f32 v18, v1;
	v10 =	vld [tilespmem:s21+$0xE5A0]  }
0x37e: {  	v5 =	vadd.f32 v13, v5;
	v3 =	vadd.f32 v16, v3;
	v13 =	vld [tilespmem:s21+$0xE5B0]  }
0x37f: {  	v7 =	vadd.f32 v19, v7;
	v1 =	vadd.f32 v12, v1;
	v12 =	vld [tilespmem:s21+$0xE5E0]  }
0x380: {  	v5 =	vadd.f32 v9, v5;
	v3 =	vadd.f32 v11, v3;
	v11 =	vld [tilespmem:s21+$0xE5F0];
	s21 =	sshra.s32 s17, $0x2  }
0x381: {  	v7 =	vadd.f32 v14, v7;
	v16 =	vld [tilespmem:s21+$0xE5C0];
	v1 =	vadd.f32 v15, v1  }
0x382: {  	v5 =	vadd.f32 v6, v5;
	v3 =	vadd.f32 v8, v3;
	v14 =	vld [tilespmem:s21+$0xE5D0]  }
0x383: {  	v7 =	vadd.f32 v10, v7;
	v6 =	vld [tilespmem:s21+$0xE580];
	v1 =	vadd.f32 v13, v1  }
0x384: {  	v5 =	vadd.f32 v2, v5;
	v3 =	vadd.f32 v4, v3;
	v8 =	vld [tilespmem:s21+$0xE590]  }
0x385: {  	v7 =	vadd.f32 v12, v7;
	v9 =	vld [tilespmem:s21+$0xE540];
	v10 =	vadd.f32 v11, v1  }
0x386: {  	v11 =	vld [tilespmem:s21+$0xE550];
	v2 =	vmov v16  }
0x387: {  	v13 =	vld [tilespmem:s21+$0xE500];
	v4 =	vmov v14  }
0x388: {  	v16 =	vld [tilespmem:s21+$0xE510]  }
0x389: {  	v17 =	vld [tilespmem:s21+$0xE4C0]  }
0x38a: {  	v15 =	vld [tilespmem:s21+$0xE4D0]  }
0x38b: {  	v14 =	vld [tilespmem:s21+$0xE480]  }
0x38c: {  	v12 =	vld [tilespmem:s21+$0xE490]  }
.Ltmp14:
0x38d: {  	v18 =	vld [tilespmem:s21+$0xE440];
	(pc) =	sbr.rel @p0 .LBB2_29-.Ltmp14, $4  }
0x38e: {  	v19 =	vld [tilespmem:s21+$0xE450]  }
0x38f: {  	v20 =	vld [tilespmem:s21+$0xE400]  }
0x390: {  	v21 =	vld [tilespmem:s21+$0xE410]  }
0x391: {  	s17 =	sadd.s32 $0x800, s17;
	v22 =	vld [tilespmem:s21+$0xE420]  }
0x392: {  	v23 =	vld [tilespmem:s21+$0xE430]  }
0x393: {  	v24 =	vld [tilespmem:s21+$0xE460]  }
0x394: {  	v25 =	vld [tilespmem:s21+$0xE470]  }
0x395: {  	v26 =	vld [tilespmem:s21+$0xE4A0]  }
0x396: {  	v27 =	vld [tilespmem:s21+$0xE4B0]  }
0x397: {  	v28 =	vld [tilespmem:s21+$0xE4E0]  }
0x398: {  	v29 =	vld [tilespmem:s21+$0xE4F0]  }
0x399: {  	v30 =	vld [tilespmem:s21+$0xE520]  }
0x39a: {  	v31 =	vld [tilespmem:s21+$0xE530]  }
0x39b: {  	v32 =	vld [tilespmem:s21+$0xE560]  }
0x39c: {  	v33 =	vld [tilespmem:s21+$0xE570]  }
0x39d: {  	v34 =	vld [tilespmem:s21+$0xE5A0]  }
0x39e: {  	v35 =	vld [tilespmem:s21+$0xE5B0]  }
0x39f: {  	v36 =	vld [tilespmem:s21+$0xE5E0]  }
0x3a0: {  	v37 =	vld [tilespmem:s21+$0xE5F0];
	_ =	swait.ge [sflag:s1], $0x2000  }
0x3a1: {  	[sflag:s1] =	ssyncset.done $0x0  }
0x3a2: {  	s21 =	simm.s32 $0x0;
	[sflag:s1] =	ssyncadd.s32 $0xFFFFE000  }
0x3a3: {  	v20 =	vadd.f32 v20, v5;
	v1 =	vld [tilespmem:s21+$0x105C0]  }
0x3a4: {  	v21 =	vadd.f32 v21, v3;
	v3 =	vld [tilespmem:s21+$0x105D0];
	v22 =	vadd.f32 v22, v7  }
0x3a5: {  	v5 =	vld [tilespmem:s21+$0x10580];
	v18 =	vadd.f32 v18, v20;
	v10 =	vadd.f32 v23, v10  }
0x3a6: {  	v7 =	vld [tilespmem:s21+$0x10590];
	v19 =	vadd.f32 v19, v21;
	v20 =	vadd.f32 v24, v22  }
0x3a7: {  	v18 =	vadd.f32 v14, v18;
	v14 =	vld [tilespmem:s21+$0x10500];
	v21 =	vadd.f32 v25, v10  }
0x3a8: {  	v10 =	vld [tilespmem:s21+$0x10540];
	v19 =	vadd.f32 v12, v19  }
0x3a9: {  	v12 =	vld [tilespmem:s21+$0x10550];
	v20 =	vadd.f32 v26, v20;
	v21 =	vadd.f32 v27, v21  }
0x3aa: {  	v18 =	vadd.f32 v17, v18;
	v17 =	vld [tilespmem:s21+$0x104C0];
	v19 =	vadd.f32 v15, v19  }
0x3ab: {  	v15 =	vld [tilespmem:s21+$0x10510];
	v20 =	vadd.f32 v28, v20;
	v21 =	vadd.f32 v29, v21  }
0x3ac: {  	v18 =	vadd.f32 v13, v18;
	v13 =	vld [tilespmem:s21+$0x10480];
	v19 =	vadd.f32 v16, v19  }
0x3ad: {  	v16 =	vld [tilespmem:s21+$0x104D0];
	v20 =	vadd.f32 v30, v20;
	v21 =	vadd.f32 v31, v21  }
0x3ae: {  	v9 =	vadd.f32 v9, v18;
	v18 =	vld [tilespmem:s21+$0x10440];
	v19 =	vadd.f32 v11, v19  }
0x3af: {  	v11 =	vld [tilespmem:s21+$0x10490];
	v20 =	vadd.f32 v32, v20;
	v21 =	vadd.f32 v33, v21  }
0x3b0: {  	v6 =	vadd.f32 v6, v9;
	v8 =	vadd.f32 v8, v19;
	v19 =	vld [tilespmem:s21+$0x10450]  }
0x3b1: {  	v9 =	vadd.f32 v34, v20;
	v20 =	vld [tilespmem:s21+$0x10400];
	v22 =	vadd.f32 v35, v21  }
0x3b2: {  	v6 =	vadd.f32 v2, v6;
	v4 =	vadd.f32 v4, v8;
	v21 =	vld [tilespmem:s21+$0x10410]  }
0x3b3: {  	s17 =	simm.s32 $0x800;
	v8 =	vadd.f32 v36, v9;
	v9 =	vadd.f32 v37, v22;
	v22 =	vld [tilespmem:s21+$0x10420]  }
.LBB2_31:
0x3b4: {  	p0 =	sne.s32 s17, $0x7800;
	v2 =	vld [tilespmem:s21+$0x10430]  }
0x3b5: {  	v23 =	vld [tilespmem:s21+$0x10460]  }
0x3b6: {  	v24 =	vld [tilespmem:s21+$0x10470]  }
0x3b7: {  	v25 =	vld [tilespmem:s21+$0x104A0]  }
0x3b8: {  	v6 =	vadd.f32 v20, v6;
	v4 =	vadd.f32 v21, v4;
	v20 =	vld [tilespmem:s21+$0x104B0]  }
0x3b9: {  	v8 =	vadd.f32 v22, v8;
	v2 =	vadd.f32 v2, v9;
	v9 =	vld [tilespmem:s21+$0x104E0]  }
0x3ba: {  	v6 =	vadd.f32 v18, v6;
	v4 =	vadd.f32 v19, v4;
	v18 =	vld [tilespmem:s21+$0x104F0]  }
0x3bb: {  	v8 =	vadd.f32 v23, v8;
	v2 =	vadd.f32 v24, v2;
	v19 =	vld [tilespmem:s21+$0x10520]  }
0x3bc: {  	v6 =	vadd.f32 v13, v6;
	v4 =	vadd.f32 v11, v4;
	v11 =	vld [tilespmem:s21+$0x10530]  }
0x3bd: {  	v8 =	vadd.f32 v25, v8;
	v2 =	vadd.f32 v20, v2;
	v13 =	vld [tilespmem:s21+$0x10560]  }
0x3be: {  	v6 =	vadd.f32 v17, v6;
	v4 =	vadd.f32 v16, v4;
	v16 =	vld [tilespmem:s21+$0x10570]  }
0x3bf: {  	v8 =	vadd.f32 v9, v8;
	v2 =	vadd.f32 v18, v2;
	v9 =	vld [tilespmem:s21+$0x105A0]  }
0x3c0: {  	v6 =	vadd.f32 v14, v6;
	v4 =	vadd.f32 v15, v4;
	v14 =	vld [tilespmem:s21+$0x105B0]  }
0x3c1: {  	v8 =	vadd.f32 v19, v8;
	v2 =	vadd.f32 v11, v2;
	v11 =	vld [tilespmem:s21+$0x105E0]  }
0x3c2: {  	v6 =	vadd.f32 v10, v6;
	v4 =	vadd.f32 v12, v4;
	v12 =	vld [tilespmem:s21+$0x105F0];
	s21 =	sshra.s32 s17, $0x2  }
0x3c3: {  	v8 =	vadd.f32 v13, v8;
	v15 =	vld [tilespmem:s21+$0x105C0];
	v2 =	vadd.f32 v16, v2  }
0x3c4: {  	v6 =	vadd.f32 v5, v6;
	v4 =	vadd.f32 v7, v4;
	v13 =	vld [tilespmem:s21+$0x105D0]  }
0x3c5: {  	v8 =	vadd.f32 v9, v8;
	v5 =	vld [tilespmem:s21+$0x10580];
	v2 =	vadd.f32 v14, v2  }
0x3c6: {  	v6 =	vadd.f32 v1, v6;
	v4 =	vadd.f32 v3, v4;
	v7 =	vld [tilespmem:s21+$0x10590]  }
0x3c7: {  	v8 =	vadd.f32 v11, v8;
	v10 =	vld [tilespmem:s21+$0x10540];
	v9 =	vadd.f32 v12, v2  }
0x3c8: {  	v12 =	vld [tilespmem:s21+$0x10550];
	v1 =	vmov v15  }
0x3c9: {  	v14 =	vld [tilespmem:s21+$0x10500];
	v3 =	vmov v13  }
0x3ca: {  	v15 =	vld [tilespmem:s21+$0x10510]  }
0x3cb: {  	v17 =	vld [tilespmem:s21+$0x104C0]  }
0x3cc: {  	v16 =	vld [tilespmem:s21+$0x104D0]  }
0x3cd: {  	v13 =	vld [tilespmem:s21+$0x10480]  }
0x3ce: {  	v11 =	vld [tilespmem:s21+$0x10490]  }
.Ltmp15:
0x3cf: {  	v18 =	vld [tilespmem:s21+$0x10440];
	(pc) =	sbr.rel @p0 .LBB2_31-.Ltmp15, $4  }
0x3d0: {  	v19 =	vld [tilespmem:s21+$0x10450]  }
0x3d1: {  	v20 =	vld [tilespmem:s21+$0x10400]  }
0x3d2: {  	v21 =	vld [tilespmem:s21+$0x10410]  }
0x3d3: {  	s17 =	sadd.s32 $0x800, s17;
	v22 =	vld [tilespmem:s21+$0x10420]  }
0x3d4: {  	v23 =	vld [tilespmem:s21+$0x10430]  }
0x3d5: {  	v24 =	vld [tilespmem:s21+$0x10460]  }
0x3d6: {  	v25 =	vld [tilespmem:s21+$0x10470]  }
0x3d7: {  	v26 =	vld [tilespmem:s21+$0x104A0]  }
0x3d8: {  	v27 =	vld [tilespmem:s21+$0x104B0]  }
0x3d9: {  	v28 =	vld [tilespmem:s21+$0x104E0]  }
0x3da: {  	v29 =	vld [tilespmem:s21+$0x104F0]  }
0x3db: {  	v30 =	vld [tilespmem:s21+$0x10520]  }
0x3dc: {  	v31 =	vld [tilespmem:s21+$0x10530]  }
0x3dd: {  	v32 =	vld [tilespmem:s21+$0x10560]  }
0x3de: {  	v33 =	vld [tilespmem:s21+$0x10570]  }
0x3df: {  	v34 =	vld [tilespmem:s21+$0x105A0]  }
0x3e0: {  	v35 =	vld [tilespmem:s21+$0x105B0]  }
0x3e1: {  	v36 =	vld [tilespmem:s21+$0x105E0]  }
0x3e2: {  	v37 =	vld [tilespmem:s21+$0x105F0];
	_ =	swait.ge [sflag:s0], $0x2000  }
0x3e3: {  	[sflag:s0] =	ssyncset.done $0x0  }
0x3e4: {  	s21 =	simm.s32 $0x0;
	[sflag:s0] =	ssyncadd.s32 $0xFFFFE000  }
0x3e5: {  	v20 =	vadd.f32 v20, v6;
	v2 =	vld [tilespmem:s21+$0x125C0]  }
0x3e6: {  	v21 =	vadd.f32 v21, v4;
	v4 =	vld [tilespmem:s21+$0x125D0];
	v22 =	vadd.f32 v22, v8  }
0x3e7: {  	v6 =	vld [tilespmem:s21+$0x12580];
	v18 =	vadd.f32 v18, v20;
	v9 =	vadd.f32 v23, v9  }
0x3e8: {  	v8 =	vld [tilespmem:s21+$0x12590];
	v19 =	vadd.f32 v19, v21;
	v20 =	vadd.f32 v24, v22  }
0x3e9: {  	v18 =	vadd.f32 v13, v18;
	v13 =	vld [tilespmem:s21+$0x12500];
	v21 =	vadd.f32 v25, v9  }
0x3ea: {  	v9 =	vld [tilespmem:s21+$0x12540];
	v19 =	vadd.f32 v11, v19  }
0x3eb: {  	v11 =	vld [tilespmem:s21+$0x12550];
	v20 =	vadd.f32 v26, v20;
	v21 =	vadd.f32 v27, v21  }
0x3ec: {  	v18 =	vadd.f32 v17, v18;
	v17 =	vld [tilespmem:s21+$0x124C0];
	v19 =	vadd.f32 v16, v19  }
0x3ed: {  	v16 =	vld [tilespmem:s21+$0x12510];
	v20 =	vadd.f32 v28, v20;
	v21 =	vadd.f32 v29, v21  }
0x3ee: {  	v18 =	vadd.f32 v14, v18;
	v14 =	vld [tilespmem:s21+$0x124D0];
	v19 =	vadd.f32 v15, v19  }
0x3ef: {  	v15 =	vld [tilespmem:s21+$0x12480];
	v20 =	vadd.f32 v30, v20;
	v21 =	vadd.f32 v31, v21  }
0x3f0: {  	v18 =	vadd.f32 v10, v18;
	v10 =	vld [tilespmem:s21+$0x12490];
	v19 =	vadd.f32 v12, v19  }
0x3f1: {  	v12 =	vld [tilespmem:s21+$0x12440];
	v20 =	vadd.f32 v32, v20;
	v21 =	vadd.f32 v33, v21  }
0x3f2: {  	v5 =	vadd.f32 v5, v18;
	v18 =	vld [tilespmem:s21+$0x12450];
	v22 =	vadd.f32 v7, v19  }
0x3f3: {  	v19 =	vld [tilespmem:s21+$0x12400];
	v23 =	vadd.f32 v34, v20;
	v21 =	vadd.f32 v35, v21  }
0x3f4: {  	v7 =	vadd.f32 v1, v5;
	v20 =	vld [tilespmem:s21+$0x12410];
	v3 =	vadd.f32 v3, v22  }
0x3f5: {  	s17 =	simm.s32 $0x800;
	v5 =	vadd.f32 v36, v23;
	v1 =	vadd.f32 v37, v21;
	v21 =	vld [tilespmem:s21+$0x12420]  }
.LBB2_33:
0x3f6: {  	p0 =	sne.s32 s17, $0x7800;
	v22 =	vld [tilespmem:s21+$0x12430]  }
0x3f7: {  	v23 =	vld [tilespmem:s21+$0x12460]  }
0x3f8: {  	v24 =	vld [tilespmem:s21+$0x12470]  }
0x3f9: {  	v25 =	vld [tilespmem:s21+$0x124A0]  }
0x3fa: {  	v7 =	vadd.f32 v19, v7;
	v3 =	vadd.f32 v20, v3;
	v19 =	vld [tilespmem:s21+$0x124B0]  }
0x3fb: {  	v5 =	vadd.f32 v21, v5;
	v1 =	vadd.f32 v22, v1;
	v20 =	vld [tilespmem:s21+$0x124E0]  }
0x3fc: {  	v7 =	vadd.f32 v12, v7;
	v3 =	vadd.f32 v18, v3;
	v12 =	vld [tilespmem:s21+$0x124F0]  }
0x3fd: {  	v5 =	vadd.f32 v23, v5;
	v1 =	vadd.f32 v24, v1;
	v18 =	vld [tilespmem:s21+$0x12520]  }
0x3fe: {  	v7 =	vadd.f32 v15, v7;
	v3 =	vadd.f32 v10, v3;
	v10 =	vld [tilespmem:s21+$0x12530]  }
0x3ff: {  	v5 =	vadd.f32 v25, v5;
	v1 =	vadd.f32 v19, v1;
	v15 =	vld [tilespmem:s21+$0x12560]  }
0x400: {  	v7 =	vadd.f32 v17, v7;
	v3 =	vadd.f32 v14, v3;
	v14 =	vld [tilespmem:s21+$0x12570]  }
0x401: {  	v5 =	vadd.f32 v20, v5;
	v1 =	vadd.f32 v12, v1;
	v12 =	vld [tilespmem:s21+$0x125A0]  }
0x402: {  	v7 =	vadd.f32 v13, v7;
	v3 =	vadd.f32 v16, v3;
	v13 =	vld [tilespmem:s21+$0x125B0]  }
0x403: {  	v5 =	vadd.f32 v18, v5;
	v1 =	vadd.f32 v10, v1;
	v10 =	vld [tilespmem:s21+$0x125E0]  }
0x404: {  	v7 =	vadd.f32 v9, v7;
	v3 =	vadd.f32 v11, v3;
	v11 =	vld [tilespmem:s21+$0x125F0];
	s21 =	sshra.s32 s17, $0x2  }
0x405: {  	v5 =	vadd.f32 v15, v5;
	v16 =	vld [tilespmem:s21+$0x125C0];
	v1 =	vadd.f32 v14, v1  }
0x406: {  	v7 =	vadd.f32 v6, v7;
	v3 =	vadd.f32 v8, v3;
	v14 =	vld [tilespmem:s21+$0x125D0]  }
0x407: {  	v5 =	vadd.f32 v12, v5;
	v6 =	vld [tilespmem:s21+$0x12580];
	v1 =	vadd.f32 v13, v1  }
0x408: {  	v7 =	vadd.f32 v2, v7;
	v3 =	vadd.f32 v4, v3;
	v8 =	vld [tilespmem:s21+$0x12590]  }
0x409: {  	v5 =	vadd.f32 v10, v5;
	v9 =	vld [tilespmem:s21+$0x12540];
	v1 =	vadd.f32 v11, v1  }
0x40a: {  	v11 =	vld [tilespmem:s21+$0x12550];
	v2 =	vmov v16  }
0x40b: {  	v13 =	vld [tilespmem:s21+$0x12500];
	v4 =	vmov v14  }
0x40c: {  	v16 =	vld [tilespmem:s21+$0x12510]  }
0x40d: {  	v17 =	vld [tilespmem:s21+$0x124C0]  }
0x40e: {  	v14 =	vld [tilespmem:s21+$0x124D0]  }
0x40f: {  	v15 =	vld [tilespmem:s21+$0x12480]  }
0x410: {  	v10 =	vld [tilespmem:s21+$0x12490]  }
.Ltmp16:
0x411: {  	v12 =	vld [tilespmem:s21+$0x12440];
	(pc) =	sbr.rel @p0 .LBB2_33-.Ltmp16, $4  }
0x412: {  	v18 =	vld [tilespmem:s21+$0x12450]  }
0x413: {  	v19 =	vld [tilespmem:s21+$0x12400]  }
0x414: {  	v20 =	vld [tilespmem:s21+$0x12410]  }
0x415: {  	s17 =	sadd.s32 $0x800, s17;
	v21 =	vld [tilespmem:s21+$0x12420]  }
0x416: {  	v22 =	vld [tilespmem:s21+$0x12430]  }
0x417: {  	v23 =	vld [tilespmem:s21+$0x12460]  }
0x418: {  	v24 =	vld [tilespmem:s21+$0x12470];
	v7 =	vadd.f32 v19, v7  }
0x419: {  	v51 =	vld [tilespmem:s21+$0x124A0];
	v3 =	vadd.f32 v20, v3  }
0x41a: {  	v52 =	vld [tilespmem:s21+$0x124B0];
	v5 =	vadd.f32 v21, v5;
	v7 =	vadd.f32 v12, v7  }
0x41b: {  	v53 =	vld [tilespmem:s21+$0x124E0];
	v1 =	vadd.f32 v22, v1;
	v3 =	vadd.f32 v18, v3  }
0x41c: {  	v54 =	vld [tilespmem:s21+$0x124F0];
	v5 =	vadd.f32 v23, v5;
	v7 =	vadd.f32 v15, v7  }
0x41d: {  	v55 =	vld [tilespmem:s21+$0x12520];
	v1 =	vadd.f32 v24, v1;
	v3 =	vadd.f32 v10, v3  }
0x41e: {  	v56 =	vld [tilespmem:s21+$0x12530];
	v5 =	vadd.f32 v51, v5;
	v7 =	vadd.f32 v17, v7  }
0x41f: {  	v57 =	vld [tilespmem:s21+$0x12560];
	v1 =	vadd.f32 v52, v1;
	v3 =	vadd.f32 v14, v3  }
0x420: {  	v58 =	vld [tilespmem:s21+$0x12570];
	v5 =	vadd.f32 v53, v5;
	v7 =	vadd.f32 v13, v7  }
0x421: {  	v59 =	vld [tilespmem:s21+$0x125A0];
	v1 =	vadd.f32 v54, v1;
	v3 =	vadd.f32 v16, v3  }
0x422: {  	v60 =	vld [tilespmem:s21+$0x125B0];
	v5 =	vadd.f32 v55, v5;
	v7 =	vadd.f32 v9, v7  }
0x423: {  	v61 =	vld [tilespmem:s21+$0x125E0];
	v1 =	vadd.f32 v56, v1;
	v3 =	vadd.f32 v11, v3  }
0x424: {  	v62 =	vld [tilespmem:s21+$0x125F0];
	v5 =	vadd.f32 v57, v5;
	v6 =	vadd.f32 v6, v7  }
0x425: {  	v1 =	vadd.f32 v58, v1;
	v3 =	vadd.f32 v8, v3  }
0x426: {  	v5 =	vadd.f32 v59, v5;
	v2 =	vadd.f32 v2, v6  }
0x427: {  	v1 =	vadd.f32 v60, v1;
	v3 =	vadd.f32 v4, v3  }
0x428: {  	v63 =	vadd.f32 v61, v5;
	[tilespmem:$0x16400] =	vst v2  }
0x429: {  	s19 =	sadd.s32 $0x1, s19;
	v1 =	vadd.f32 v62, v1;
	[tilespmem:$0x16410] =	vst v3  }
0x42a: {  	p0 =	sne.s32 s19, s8;
	[tilespmem:$0x16420] =	vst v63  }
.Ltmp17:
0x42b: {  	s17 =	simm.s32 $0x16400;
	[tilespmem:$0x16430] =	vst v1;
	(pc) =	sbr.rel @p0 .LBB2_1-.Ltmp17, $4  }
0x42c: {  	[hbm4b:s7+s2] =	stream.linear.scatter [tilespmem:s17], [sflag:$0x9], $0x40, $0x38;
	[tilespmem:$0x16440] =	vst v63  }
0x42d: {  	_ =	swait.ge [sflag:s9], $0x40  }
0x42e: {  	[sflag:s9] =	ssyncset.done $0x0  }
0x42f: {  	[sflag:s9] =	ssyncadd.s32 $0xFFFFFFC0  }
0x430: {  	_ =	sfence.sel $0x180000  }
0x431: {  	[bflag:$0x0] =	sbarrier.arrive $0xFFFF  }
0x432: {  	_ =	strace $0x90000047  }
0x433: {  	s0 =	stileid.u32;
	[bflag:$0x2] =	sbarrier.arrive $0xFFFF  }
0x434: {  	p0 =	sne.s32 s0, $0x0;
	s0 =	rddreg [dreg:$0x3]  }
0x435: {  	s0 =	sadd.s32 @!p0 $0x100000, s0  }
0x436: {  	[sflag:s0] =	ssyncadd.tile.s32 @!p0 $0x1;
	_ =	shalt  }
.Lfunc_end2:
_tile_overlayer_lowered:
.L_overlay_start_2:
0x437: {  	(tag) =	ssettag $0x2  }
0x438: {  	s0 =	rddreg [dreg:$0x0];
	s2 =	stileid.u32  }
0x439: {  	s1 =	rddreg [dreg:$0x1];
	p0 =	sne.s32 s2, $0x0  }
0x43a: {  	s3 =	rddreg [dreg:$0x2];
	[bflag:$0x3] =	sbarrier.arrive $0xFFFF;
	s2 =	simm.s32 @!p0 $0x1C09  }
0x43b: {  	[timem:s3], [sflag:s2] =	dma.local @!p0 [hbm:s0], s1  }
0x43c: {  	s0 =	simm.s32 @!p0 $0x9  }
0x43d: {  	_ =	swait.ge @!p0 [sflag:s0], s1  }
0x43e: {  	s1 =	ssub.s32 @!p0 $0x0, s1;
	[sflag:s0] =	ssyncset.done @!p0 $0x0  }
0x43f: {  	[sflag:s0] =	ssyncadd.s32 @!p0 s1  }
0x440: {  	[bflag:$0x3] =	sbarrier.arrive $0xFFFF  }
0x441: {  	_ =	shalt  }

</sc_bundles>
